<compile_context>
chip_gen: v7x
topology: tpu7x:2x2x1
jax: 0.10.2.dev20260603
libtpu: 0.0.44.dev20260713+nightly
codegen_flags: <defaults>
</compile_context>

<pallas_src>
import functools

import jax
import jax.numpy as jnp
from jax import lax
from jax.experimental import pallas as pl
from jax.experimental.pallas import tpu as pltpu
from jax.experimental.pallas import tpu_sc as plsc

N_MESH = 10000
N_GRID = 10000
E = 160000
D = 256
H = 512

NC = 2
NS = 16
NW = NC * NS
CHUNK = 128
NCHUNKS = E // CHUNK
NPAIRS = NCHUNKS // 2

NPAD = 10240
NHALF = NPAD // NC
FCOL = D // NS



def _gather_body(mesh_hbm, grid_hbm, src_hbm, dst_hbm, gm_hbm, gg_hbm,
                 sidx0, didx0, sidx1, didx1, rows_m, rows_g,
                 sem_si0, sem_di0, sem_si1, sem_di1,
                 sem_gm, sem_gg, sem_sm, sem_sg):
    c = lax.axis_index("c")
    s = lax.axis_index("s")
    wid = s * NC + c
    niters = (NCHUNKS + NW - 1) // NW
    npairs = (niters + 1) // 2

    def idx_load(i, sidx, didx, sem_s, sem_d):
        chunk = wid + i * NW

        @pl.when(chunk < NCHUNKS)
        def _():
            base = chunk * CHUNK
            pltpu.async_copy(src_hbm.at[pl.ds(base, CHUNK)], sidx, sem_s)
            pltpu.async_copy(dst_hbm.at[pl.ds(base, CHUNK)], didx, sem_d)

    def process(i, sidx, didx, sem_s, sem_d):
        chunk = wid + i * NW

        @pl.when(chunk < NCHUNKS)
        def _():
            base = chunk * CHUNK
            pltpu.make_async_copy(src_hbm.at[pl.ds(base, CHUNK)], sidx,
                                  sem_s).wait()
            pltpu.make_async_copy(dst_hbm.at[pl.ds(base, CHUNK)], didx,
                                  sem_d).wait()
            cg_m = pltpu.async_copy(mesh_hbm.at[sidx], rows_m, sem_gm)
            cg_g = pltpu.async_copy(grid_hbm.at[didx], rows_g, sem_gg)
            cg_m.wait()
            cg_g.wait()
            cs_m = pltpu.async_copy(rows_m, gm_hbm.at[pl.ds(base, CHUNK)],
                                    sem_sm)
            cs_g = pltpu.async_copy(rows_g, gg_hbm.at[pl.ds(base, CHUNK)],
                                    sem_sg)
            cs_m.wait()
            cs_g.wait()

    idx_load(0, sidx0, didx0, sem_si0, sem_di0)

    def body(q, carry):
        i0 = 2 * q
        i1 = 2 * q + 1
        idx_load(i1, sidx1, didx1, sem_si1, sem_di1)
        process(i0, sidx0, didx0, sem_si0, sem_di0)
        idx_load(i1 + 1, sidx0, didx0, sem_si0, sem_di0)
        process(i1, sidx1, didx1, sem_si1, sem_di1)
        return carry

    lax.fori_loop(0, npairs, body, 0)


@functools.cache
def _make_gather():
    mesh = plsc.VectorSubcoreMesh(
        core_axis_name="c", subcore_axis_name="s",
        num_cores=NC, num_subcores=NS)
    return pl.kernel(
        _gather_body,
        out_type=[jax.ShapeDtypeStruct((E, D), jnp.float32),
                  jax.ShapeDtypeStruct((E, D), jnp.float32)],
        mesh=mesh,
        scratch_types=[pltpu.VMEM((CHUNK,), jnp.int32),
                       pltpu.VMEM((CHUNK,), jnp.int32),
                       pltpu.VMEM((CHUNK,), jnp.int32),
                       pltpu.VMEM((CHUNK,), jnp.int32),
                       pltpu.VMEM((CHUNK, D), jnp.float32),
                       pltpu.VMEM((CHUNK, D), jnp.float32),
                       pltpu.SemaphoreType.DMA,
                       pltpu.SemaphoreType.DMA,
                       pltpu.SemaphoreType.DMA,
                       pltpu.SemaphoreType.DMA,
                       pltpu.SemaphoreType.DMA,
                       pltpu.SemaphoreType.DMA,
                       pltpu.SemaphoreType.DMA,
                       pltpu.SemaphoreType.DMA],
    )



FROW = D // NW
SCHUNK = 256
SNCHUNKS = E // SCHUNK
SNPAIRS = SNCHUNKS // 2


def _scatter_chunk(didx_v, rows_v, acc):
    for v in range(SCHUNK // 16):
        d16 = didx_v[pl.ds(v * 16, 16)]
        for j in range(FROW):
            vals = rows_v[j, pl.ds(v * 16, 16)]
            plsc.addupdate_scatter(
                acc, [jnp.full((16,), j, jnp.int32), d16], vals)


def _scatter_body(rows_hbm, dst_hbm, zeros_hbm, agg_hbm,
                  rows_v0, rows_v1, didx_v0, didx_v1, acc,
                  sem_r0, sem_r1, sem_i0, sem_i1):
    c = lax.axis_index("c")
    s = lax.axis_index("s")
    fid = s * NC + c
    col0 = fid * FROW

    pltpu.sync_copy(zeros_hbm, acc)

    def load(base, didx_v, rows_v, sem_i, sem_r):
        pltpu.async_copy(dst_hbm.at[pl.ds(base, SCHUNK)], didx_v, sem_i)
        pltpu.async_copy(
            rows_hbm.at[pl.ds(col0, FROW), pl.ds(base, SCHUNK)], rows_v,
            sem_r)

    def wait(base, didx_v, rows_v, sem_i, sem_r):
        pltpu.make_async_copy(dst_hbm.at[pl.ds(base, SCHUNK)], didx_v,
                              sem_i).wait()
        pltpu.make_async_copy(
            rows_hbm.at[pl.ds(col0, FROW), pl.ds(base, SCHUNK)], rows_v,
            sem_r).wait()

    load(0, didx_v0, rows_v0, sem_i0, sem_r0)

    def body(p, carry):
        base0 = (2 * p) * SCHUNK
        base1 = (2 * p + 1) * SCHUNK

        load(base1, didx_v1, rows_v1, sem_i1, sem_r1)
        wait(base0, didx_v0, rows_v0, sem_i0, sem_r0)
        _scatter_chunk(didx_v0, rows_v0, acc)

        load(base0 + 2 * SCHUNK, didx_v0, rows_v0, sem_i0, sem_r0)

        wait(base1, didx_v1, rows_v1, sem_i1, sem_r1)
        _scatter_chunk(didx_v1, rows_v1, acc)
        return carry

    lax.fori_loop(0, SNPAIRS, body, 0)

    base_l = (SNCHUNKS - 1) * SCHUNK
    wait(base_l, didx_v0, rows_v0, sem_i0, sem_r0)
    _scatter_chunk(didx_v0, rows_v0, acc)

    pltpu.sync_copy(acc, agg_hbm.at[pl.ds(col0, FROW)])


@functools.cache
def _make_scatter():
    mesh = plsc.VectorSubcoreMesh(
        core_axis_name="c", subcore_axis_name="s",
        num_cores=NC, num_subcores=NS)
    return pl.kernel(
        _scatter_body,
        out_type=[jax.ShapeDtypeStruct((D, NPAD), jnp.float32)],
        mesh=mesh,
        compiler_params=pltpu.CompilerParams(needs_layout_passes=False),
        scratch_types=[pltpu.VMEM((FROW, SCHUNK), jnp.float32),
                       pltpu.VMEM((FROW, SCHUNK), jnp.float32),
                       pltpu.VMEM((SCHUNK,), jnp.int32),
                       pltpu.VMEM((SCHUNK,), jnp.int32),
                       pltpu.VMEM((FROW, NPAD), jnp.float32),
                       pltpu.SemaphoreType.DMA,
                       pltpu.SemaphoreType.DMA,
                       pltpu.SemaphoreType.DMA,
                       pltpu.SemaphoreType.DMA],
    )



BE = 1280
BN = 1024

_F32 = jnp.float32


def _edge_body(ef_ref, gm_ref, gg_ref, w1_ref, b1_ref, w2_ref, b2_ref,
               g_ref, bt_ref, out_ref):
    dn = (((0,), (1,)), ((), ()))
    x = lax.dot_general(w1_ref[0:D, :], ef_ref[...], dn,
                        preferred_element_type=_F32)
    x += lax.dot_general(w1_ref[D:2 * D, :], gm_ref[...], dn,
                         preferred_element_type=_F32)
    x += lax.dot_general(w1_ref[2 * D:3 * D, :], gg_ref[...], dn,
                         preferred_element_type=_F32)
    x += b1_ref[...]
    h = jax.nn.silu(x)
    y = lax.dot_general(w2_ref[...], h, (((0,), (0,)), ((), ())),
                        preferred_element_type=_F32) + b2_ref[...]
    mu = jnp.mean(y, axis=0, keepdims=True)
    var = jnp.mean((y - mu) ** 2, axis=0, keepdims=True)
    out_ref[...] = (y - mu) * lax.rsqrt(var + 1e-5) * g_ref[...] + bt_ref[...]


def _node_body(aggt_ref, gn_ref, w1_ref, b1_ref, w2_ref, b2_ref,
               g_ref, bt_ref, out_ref):
    x = lax.dot_general(aggt_ref[...], w1_ref[0:D, :], (((0,), (0,)), ((), ())),
                        preferred_element_type=_F32)
    x += jnp.dot(gn_ref[...], w1_ref[D:2 * D, :], preferred_element_type=_F32)
    x += b1_ref[...]
    h = jax.nn.silu(x)
    y = jnp.dot(h, w2_ref[...], preferred_element_type=_F32) + b2_ref[...]
    mu = jnp.mean(y, axis=-1, keepdims=True)
    var = jnp.mean((y - mu) ** 2, axis=-1, keepdims=True)
    out_ref[...] = ((y - mu) * lax.rsqrt(var + 1e-5) * g_ref[...] + bt_ref[...]
                    + gn_ref[...])


def _row_spec(r, c_):
    return pl.BlockSpec((r, c_), lambda i: (i, 0))


def _col_spec(r, c_):
    return pl.BlockSpec((r, c_), lambda i: (0, i))


def _full_spec(r, c_):
    return pl.BlockSpec((r, c_), lambda i: (0, 0))


_edge_mlp = pl.pallas_call(
    _edge_body,
    grid=(E // BE,),
    in_specs=[_row_spec(BE, D), _row_spec(BE, D), _row_spec(BE, D),
              _full_spec(3 * D, H), _full_spec(H, 1),
              _full_spec(H, D), _full_spec(D, 1),
              _full_spec(D, 1), _full_spec(D, 1)],
    out_specs=_col_spec(D, BE),
    out_shape=jax.ShapeDtypeStruct((D, E), jnp.float32),
)

_node_mlp = pl.pallas_call(
    _node_body,
    grid=(NPAD // BN,),
    in_specs=[_col_spec(D, BN), _row_spec(BN, D),
              _full_spec(2 * D, H), _full_spec(1, H),
              _full_spec(H, D), _full_spec(1, D),
              _full_spec(1, D), _full_spec(1, D)],
    out_specs=_row_spec(BN, D),
    out_shape=jax.ShapeDtypeStruct((NPAD, D), jnp.float32),
)


def kernel(m2g_efeat, grid_nfeat, mesh_nfeat, edge_index,
           eW1, eb1, eW2, eb2, eg, ebt,
           nW1, nb1, nW2, nb2, ng, nbt):
    src = edge_index[0]
    dst = edge_index[1]

    gm, gg = _make_gather()(mesh_nfeat, grid_nfeat, src, dst)

    e_out_t = _edge_mlp(m2g_efeat, gm, gg, eW1,
                        eb1.reshape(H, 1), eW2, eb2.reshape(D, 1),
                        eg.reshape(D, 1), ebt.reshape(D, 1))

    zeros = jnp.zeros((FROW, NPAD), dtype=jnp.float32)
    (agg_t,) = _make_scatter()(e_out_t, dst, zeros)

    gn_pad = jnp.pad(grid_nfeat, ((0, NPAD - N_GRID), (0, 0)))
    out = _node_mlp(agg_t, gn_pad, nW1,
                    nb1.reshape(1, H), nW2, nb2.reshape(1, D),
                    ng.reshape(1, D), nbt.reshape(1, D))
    return out[:N_GRID]

# --- scband reference (transcript-rebuilt; emitter-appended) ---
"""Pipeline reference for scband-decoder-concat-44564580663325 (READ-ONLY COPY).

The authoritative reference and input builder live on the scoring server;
editing this copy changes nothing except your own understanding.
"""

import jax, jax.numpy as jnp
import numpy as np

N_MESH = 10000
N_GRID = 10000
E = 160000
D = 256
H = 512


def _layer_norm(x, gamma, beta, eps=1e-5):
    mu = jnp.mean(x, axis=-1, keepdims=True)
    var = jnp.var(x, axis=-1, keepdims=True)
    return (x - mu) * jax.lax.rsqrt(var + eps) * gamma + beta


def _mlp(x, W1, b1, W2, b2, gamma, beta):
    h = jax.nn.silu(x @ W1 + b1)
    h = h @ W2 + b2
    return _layer_norm(h, gamma, beta)


def setup_inputs(seed: int = 0) -> dict:
    key = jax.random.key(seed)
    ks = jax.random.split(key, 12)
    s = 0.02
    inp = {}
    inp["m2g_efeat"] = jax.random.normal(ks[0], (E, D), dtype=jnp.float32)
    inp["grid_nfeat"] = jax.random.normal(ks[1], (N_GRID, D), dtype=jnp.float32)
    inp["mesh_nfeat"] = jax.random.normal(ks[2], (N_MESH, D), dtype=jnp.float32)
    src = jax.random.randint(ks[3], (E,), 0, N_MESH, dtype=jnp.int32)
    dst = jax.random.randint(ks[4], (E,), 0, N_GRID, dtype=jnp.int32)
    inp["edge_index"] = jnp.stack([src, dst], axis=0)
    # edge MLP params: in = 3*D (efeat || mesh_src || grid_dst)
    inp["eW1"] = jax.random.normal(ks[5], (3 * D, H), dtype=jnp.float32) * s
    inp["eb1"] = jnp.zeros((H,), dtype=jnp.float32)
    inp["eW2"] = jax.random.normal(ks[6], (H, D), dtype=jnp.float32) * s
    inp["eb2"] = jnp.zeros((D,), dtype=jnp.float32)
    inp["eg"] = jnp.ones((D,), dtype=jnp.float32)
    inp["ebt"] = jnp.zeros((D,), dtype=jnp.float32)
    # node MLP params: in = 2*D (agg_efeat || grid_nfeat)
    inp["nW1"] = jax.random.normal(ks[7], (2 * D, H), dtype=jnp.float32) * s
    inp["nb1"] = jnp.zeros((H,), dtype=jnp.float32)
    inp["nW2"] = jax.random.normal(ks[8], (H, D), dtype=jnp.float32) * s
    inp["nb2"] = jnp.zeros((D,), dtype=jnp.float32)
    inp["ng"] = jnp.ones((D,), dtype=jnp.float32)
    inp["nbt"] = jnp.zeros((D,), dtype=jnp.float32)
    return inp


def reference(m2g_efeat, grid_nfeat, mesh_nfeat, edge_index,
              eW1, eb1, eW2, eb2, eg, ebt,
              nW1, nb1, nW2, nb2, ng, nbt):
    src = edge_index[0]
    dst = edge_index[1]
    # concat_efeat: efeat || src(mesh) feat || dst(grid) feat
    efeat = jnp.concatenate([m2g_efeat, mesh_nfeat[src], grid_nfeat[dst]], axis=-1)
    efeat = _mlp(efeat, eW1, eb1, eW2, eb2, eg, ebt)
    # aggregate edge features onto destination (grid) nodes, sum aggregation
    agg = jax.ops.segment_sum(efeat, dst, num_segments=N_GRID)
    cat_feat = jnp.concatenate([agg, grid_nfeat], axis=-1)
    dst_feat = _mlp(cat_feat, nW1, nb1, nW2, nb2, ng, nbt) + grid_nfeat
    return dst_feat

if __name__ == "__main__":
    import jax
    _d = setup_inputs()
    print(jax.jit(kernel)(*tuple(_d.values())))

</pallas_src>

<mosaic_0001>
#map = affine_map<(d0, d1) -> (0, 0)>
#map1 = affine_map<(d0, d1) -> (0)>
module attributes {stable_mosaic.version = 14 : i64} {
  func.func @_gather_body(%arg0: i32, %arg1: i32, %arg2: memref<10000x256xf32, #tpu.memory_space<hbm>>, %arg3: memref<10000x256xf32, #tpu.memory_space<hbm>>, %arg4: memref<160000xi32, #tpu.memory_space<hbm>>, %arg5: memref<160000xi32, #tpu.memory_space<hbm>>, %arg6: memref<160000x256xf32, #tpu.memory_space<hbm>>, %arg7: memref<160000x256xf32, #tpu.memory_space<hbm>>, %arg8: memref<128xi32, #tpu.memory_space<vmem>>, %arg9: memref<128xi32, #tpu.memory_space<vmem>>, %arg10: memref<128xi32, #tpu.memory_space<vmem>>, %arg11: memref<128xi32, #tpu.memory_space<vmem>>, %arg12: memref<128x256xf32, #tpu.memory_space<vmem>>, %arg13: memref<128x256xf32, #tpu.memory_space<vmem>>, %arg14: memref<!tpu.dma_semaphore, #tpu.memory_space<semaphore_mem>>, %arg15: memref<!tpu.dma_semaphore, #tpu.memory_space<semaphore_mem>>, %arg16: memref<!tpu.dma_semaphore, #tpu.memory_space<semaphore_mem>>, %arg17: memref<!tpu.dma_semaphore, #tpu.memory_space<semaphore_mem>>, %arg18: memref<!tpu.dma_semaphore, #tpu.memory_space<semaphore_mem>>, %arg19: memref<!tpu.dma_semaphore, #tpu.memory_space<semaphore_mem>>, %arg20: memref<!tpu.dma_semaphore, #tpu.memory_space<semaphore_mem>>, %arg21: memref<!tpu.dma_semaphore, #tpu.memory_space<semaphore_mem>>) attributes {dimension_semantics = [#tpu.dimension_semantics<core_parallel>, #tpu.dimension_semantics<subcore_parallel>], iteration_bounds = array<i64: 2, 16>, scalar_prefetch = 0 : i64, scratch_operands = 14 : i64, tpu.core_type = #tpu.core_type<sc_vector_subcore>, window_params = [{transform_indices = #map}, {transform_indices = #map}, {transform_indices = #map1}, {transform_indices = #map1}, {transform_indices = #map}, {transform_indices = #map}]} {
    %mul3A = arith.constant 2 : i32
    %mul3A_0 = arith.muli %arg1, %mul3A : i32
    %add3A = arith.addi %mul3A_0, %arg0 : i32
    %add3A_1 = arith.constant 0 : i32
    %add3A_2 = arith.addi %add3A, %add3A_1 : i32
    %lt3A = arith.constant 1250 : i32
    %lt3A_3 = arith.cmpi slt, %add3A_2, %lt3A : i32
    %convert_element_type3A = arith.extui %lt3A_3 : i1 to i32
    %cond3A = arith.constant 0 : i32
    %cond3A_4 = arith.cmpi ne, %convert_element_type3A, %cond3A : i32
    scf.if %cond3A_4 {
      %mul3A_10 = arith.constant 128 : i32
      %mul3A_11 = arith.muli %add3A_2, %mul3A_10 : i32
      %dma_start3A = tpu.memref_slice %arg4[%mul3A_11] : memref<160000xi32, #tpu.memory_space<hbm>> -> memref<128xi32, #tpu.memory_space<hbm>>
      %dma_start3A_12 = tpu.memref_slice %arg4[%mul3A_11] : memref<160000xi32, #tpu.memory_space<hbm>> -> memref<128xi32, #tpu.memory_space<hbm>>
      tpu.enqueue_dma source(%dma_start3A_12 : memref<128xi32, #tpu.memory_space<hbm>>) target(%arg8 : memref<128xi32, #tpu.memory_space<vmem>>) target_semaphore(%arg14 : memref<!tpu.dma_semaphore, #tpu.memory_space<semaphore_mem>>)
      %dma_start3A_13 = tpu.memref_slice %arg5[%mul3A_11] : memref<160000xi32, #tpu.memory_space<hbm>> -> memref<128xi32, #tpu.memory_space<hbm>>
      %dma_start3A_14 = tpu.memref_slice %arg5[%mul3A_11] : memref<160000xi32, #tpu.memory_space<hbm>> -> memref<128xi32, #tpu.memory_space<hbm>>
      tpu.enqueue_dma source(%dma_start3A_14 : memref<128xi32, #tpu.memory_space<hbm>>) target(%arg9 : memref<128xi32, #tpu.memory_space<vmem>>) target_semaphore(%arg15 : memref<!tpu.dma_semaphore, #tpu.memory_space<semaphore_mem>>)
    } else {
    }
    %scan3A = arith.constant 0 : i32
    %scan3A_5 = arith.constant 0 : i32
    %scan3A_6 = arith.constant 20 : i32
    %scan3A_7 = arith.addi %scan3A_5, %scan3A_6 : i32
    %scan3A_8 = arith.constant 1 : i32
    scf.for %scan3A_10 = %scan3A_5 to %scan3A_7 step %scan3A_8  : i32 {
      %mul3A_11 = arith.constant 2 : i32
      %mul3A_12 = arith.muli %mul3A_11, %scan3A_10 : i32
      %mul3A_13 = arith.constant 2 : i32
      %mul3A_14 = arith.muli %mul3A_13, %scan3A_10 : i32
      %add3A_15 = arith.constant 1 : i32
      %add3A_16 = arith.addi %mul3A_14, %add3A_15 : i32
      %mul3A_17 = arith.constant 32 : i32
      %mul3A_18 = arith.muli %add3A_16, %mul3A_17 : i32
      %add3A_19 = arith.addi %add3A, %mul3A_18 : i32
      %lt3A_20 = arith.constant 1250 : i32
      %lt3A_21 = arith.cmpi slt, %add3A_19, %lt3A_20 : i32
      %convert_element_type3A_22 = arith.extui %lt3A_21 : i1 to i32
      %cond3A_23 = arith.constant 0 : i32
      %cond3A_24 = arith.cmpi ne, %convert_element_type3A_22, %cond3A_23 : i32
      scf.if %cond3A_24 {
        %mul3A_51 = arith.constant 128 : i32
        %mul3A_52 = arith.muli %add3A_19, %mul3A_51 : i32
        %dma_start3A = tpu.memref_slice %arg4[%mul3A_52] : memref<160000xi32, #tpu.memory_space<hbm>> -> memref<128xi32, #tpu.memory_space<hbm>>
        %dma_start3A_53 = tpu.memref_slice %arg4[%mul3A_52] : memref<160000xi32, #tpu.memory_space<hbm>> -> memref<128xi32, #tpu.memory_space<hbm>>
        tpu.enqueue_dma source(%dma_start3A_53 : memref<128xi32, #tpu.memory_space<hbm>>) target(%arg10 : memref<128xi32, #tpu.memory_space<vmem>>) target_semaphore(%arg16 : memref<!tpu.dma_semaphore, #tpu.memory_space<semaphore_mem>>)
        %dma_start3A_54 = tpu.memref_slice %arg5[%mul3A_52] : memref<160000xi32, #tpu.memory_space<hbm>> -> memref<128xi32, #tpu.memory_space<hbm>>
        %dma_start3A_55 = tpu.memref_slice %arg5[%mul3A_52] : memref<160000xi32, #tpu.memory_space<hbm>> -> memref<128xi32, #tpu.memory_space<hbm>>
        tpu.enqueue_dma source(%dma_start3A_55 : memref<128xi32, #tpu.memory_space<hbm>>) target(%arg11 : memref<128xi32, #tpu.memory_space<vmem>>) target_semaphore(%arg17 : memref<!tpu.dma_semaphore, #tpu.memory_space<semaphore_mem>>)
      } else {
      }
      %mul3A_25 = arith.constant 32 : i32
      %mul3A_26 = arith.muli %mul3A_12, %mul3A_25 : i32
      %add3A_27 = arith.addi %add3A, %mul3A_26 : i32
      %lt3A_28 = arith.constant 1250 : i32
      %lt3A_29 = arith.cmpi slt, %add3A_27, %lt3A_28 : i32
      %convert_element_type3A_30 = arith.extui %lt3A_29 : i1 to i32
      %cond3A_31 = arith.constant 0 : i32
      %cond3A_32 = arith.cmpi ne, %convert_element_type3A_30, %cond3A_31 : i32
      scf.if %cond3A_32 {
        %mul3A_51 = arith.constant 128 : i32
        %mul3A_52 = arith.muli %add3A_27, %mul3A_51 : i32
        %dma_wait3A = tpu.memref_slice %arg4[%mul3A_52] : memref<160000xi32, #tpu.memory_space<hbm>> -> memref<128xi32, #tpu.memory_space<hbm>>
        %dma_wait3A_53 = tpu.memref_slice %arg4[%mul3A_52] : memref<160000xi32, #tpu.memory_space<hbm>> -> memref<128xi32, #tpu.memory_space<hbm>>
        tpu.wait_dma2 semaphore(%arg14 : memref<!tpu.dma_semaphore, #tpu.memory_space<semaphore_mem>>) src(%dma_wait3A_53 : memref<128xi32, #tpu.memory_space<hbm>>) dst(%arg8 : memref<128xi32, #tpu.memory_space<vmem>>)
        %dma_wait3A_54 = tpu.memref_slice %arg5[%mul3A_52] : memref<160000xi32, #tpu.memory_space<hbm>> -> memref<128xi32, #tpu.memory_space<hbm>>
        %dma_wait3A_55 = tpu.memref_slice %arg5[%mul3A_52] : memref<160000xi32, #tpu.memory_space<hbm>> -> memref<128xi32, #tpu.memory_space<hbm>>
        tpu.wait_dma2 semaphore(%arg15 : memref<!tpu.dma_semaphore, #tpu.memory_space<semaphore_mem>>) src(%dma_wait3A_55 : memref<128xi32, #tpu.memory_space<hbm>>) dst(%arg9 : memref<128xi32, #tpu.memory_space<vmem>>)
        %dma_start3A = arith.constant 0 : i32
        %dma_start3A_56 = arith.constant 0 : i32
        %dma_start3A_57 = tpu.memref_slice %arg2[%dma_start3A, %dma_start3A_56] : memref<10000x256xf32, #tpu.memory_space<hbm>> -> memref<10000x256xf32, #tpu.memory_space<hbm>>
        tpu.enqueue_indirect_dma source(%dma_start3A_57 : memref<10000x256xf32, #tpu.memory_space<hbm>>) target(%arg12 : memref<128x256xf32, #tpu.memory_space<vmem>>) offsets(%arg8 : memref<128xi32, #tpu.memory_space<vmem>>) semaphore(%arg18 : memref<!tpu.dma_semaphore, #tpu.memory_space<semaphore_mem>>)
        %dma_start3A_58 = arith.constant 0 : i32
        %dma_start3A_59 = arith.constant 0 : i32
        %dma_start3A_60 = tpu.memref_slice %arg3[%dma_start3A_58, %dma_start3A_59] : memref<10000x256xf32, #tpu.memory_space<hbm>> -> memref<10000x256xf32, #tpu.memory_space<hbm>>
        tpu.enqueue_indirect_dma source(%dma_start3A_60 : memref<10000x256xf32, #tpu.memory_space<hbm>>) target(%arg13 : memref<128x256xf32, #tpu.memory_space<vmem>>) offsets(%arg9 : memref<128xi32, #tpu.memory_space<vmem>>) semaphore(%arg19 : memref<!tpu.dma_semaphore, #tpu.memory_space<semaphore_mem>>)
        %dma_wait3A_61 = arith.constant 0 : i32
        %dma_wait3A_62 = arith.constant 0 : i32
        %dma_wait3A_63 = tpu.memref_slice %arg2[%dma_wait3A_61, %dma_wait3A_62] : memref<10000x256xf32, #tpu.memory_space<hbm>> -> memref<10000x256xf32, #tpu.memory_space<hbm>>
        tpu.wait_indirect_dma semaphore(%arg18 : memref<!tpu.dma_semaphore, #tpu.memory_space<semaphore_mem>>) src(%dma_wait3A_63 : memref<10000x256xf32, #tpu.memory_space<hbm>>) dst(%arg12 : memref<128x256xf32, #tpu.memory_space<vmem>>)
        %dma_wait3A_64 = arith.constant 0 : i32
        %dma_wait3A_65 = arith.constant 0 : i32
        %dma_wait3A_66 = tpu.memref_slice %arg3[%dma_wait3A_64, %dma_wait3A_65] : memref<10000x256xf32, #tpu.memory_space<hbm>> -> memref<10000x256xf32, #tpu.memory_space<hbm>>
        tpu.wait_indirect_dma semaphore(%arg19 : memref<!tpu.dma_semaphore, #tpu.memory_space<semaphore_mem>>) src(%dma_wait3A_66 : memref<10000x256xf32, #tpu.memory_space<hbm>>) dst(%arg13 : memref<128x256xf32, #tpu.memory_space<vmem>>)
        %dma_start3A_67 = arith.constant 0 : i32
        %dma_start3A_68 = tpu.memref_slice %arg6[%mul3A_52, %dma_start3A_67] : memref<160000x256xf32, #tpu.memory_space<hbm>> -> memref<128x256xf32, #tpu.memory_space<hbm>>
        %dma_start3A_69 = arith.constant 0 : i32
        %dma_start3A_70 = tpu.memref_slice %arg6[%mul3A_52, %dma_start3A_69] : memref<160000x256xf32, #tpu.memory_space<hbm>> -> memref<128x256xf32, #tpu.memory_space<hbm>>
        tpu.enqueue_dma source(%arg12 : memref<128x256xf32, #tpu.memory_space<vmem>>) target(%dma_start3A_70 : memref<128x256xf32, #tpu.memory_space<hbm>>) target_semaphore(%arg20 : memref<!tpu.dma_semaphore, #tpu.memory_space<semaphore_mem>>)
        %dma_start3A_71 = arith.constant 0 : i32
        %dma_start3A_72 = tpu.memref_slice %arg7[%mul3A_52, %dma_start3A_71] : memref<160000x256xf32, #tpu.memory_space<hbm>> -> memref<128x256xf32, #tpu.memory_space<hbm>>
        %dma_start3A_73 = arith.constant 0 : i32
        %dma_start3A_74 = tpu.memref_slice %arg7[%mul3A_52, %dma_start3A_73] : memref<160000x256xf32, #tpu.memory_space<hbm>> -> memref<128x256xf32, #tpu.memory_space<hbm>>
        tpu.enqueue_dma source(%arg13 : memref<128x256xf32, #tpu.memory_space<vmem>>) target(%dma_start3A_74 : memref<128x256xf32, #tpu.memory_space<hbm>>) target_semaphore(%arg21 : memref<!tpu.dma_semaphore, #tpu.memory_space<semaphore_mem>>)
        %dma_wait3A_75 = arith.constant 0 : i32
        %dma_wait3A_76 = tpu.memref_slice %arg6[%mul3A_52, %dma_wait3A_75] : memref<160000x256xf32, #tpu.memory_space<hbm>> -> memref<128x256xf32, #tpu.memory_space<hbm>>
        %dma_wait3A_77 = arith.constant 0 : i32
        %dma_wait3A_78 = tpu.memref_slice %arg6[%mul3A_52, %dma_wait3A_77] : memref<160000x256xf32, #tpu.memory_space<hbm>> -> memref<128x256xf32, #tpu.memory_space<hbm>>
        tpu.wait_dma2 semaphore(%arg20 : memref<!tpu.dma_semaphore, #tpu.memory_space<semaphore_mem>>) src(%arg12 : memref<128x256xf32, #tpu.memory_space<vmem>>) dst(%dma_wait3A_78 : memref<128x256xf32, #tpu.memory_space<hbm>>)
        %dma_wait3A_79 = arith.constant 0 : i32
        %dma_wait3A_80 = tpu.memref_slice %arg7[%mul3A_52, %dma_wait3A_79] : memref<160000x256xf32, #tpu.memory_space<hbm>> -> memref<128x256xf32, #tpu.memory_space<hbm>>
        %dma_wait3A_81 = arith.constant 0 : i32
        %dma_wait3A_82 = tpu.memref_slice %arg7[%mul3A_52, %dma_wait3A_81] : memref<160000x256xf32, #tpu.memory_space<hbm>> -> memref<128x256xf32, #tpu.memory_space<hbm>>
        tpu.wait_dma2 semaphore(%arg21 : memref<!tpu.dma_semaphore, #tpu.memory_space<semaphore_mem>>) src(%arg13 : memref<128x256xf32, #tpu.memory_space<vmem>>) dst(%dma_wait3A_82 : memref<128x256xf32, #tpu.memory_space<hbm>>)
      } else {
      }
      %add3A_33 = arith.constant 1 : i32
      %add3A_34 = arith.addi %add3A_16, %add3A_33 : i32
      %mul3A_35 = arith.constant 32 : i32
      %mul3A_36 = arith.muli %add3A_34, %mul3A_35 : i32
      %add3A_37 = arith.addi %add3A, %mul3A_36 : i32
      %lt3A_38 = arith.constant 1250 : i32
      %lt3A_39 = arith.cmpi slt, %add3A_37, %lt3A_38 : i32
      %convert_element_type3A_40 = arith.extui %lt3A_39 : i1 to i32
      %cond3A_41 = arith.constant 0 : i32
      %cond3A_42 = arith.cmpi ne, %convert_element_type3A_40, %cond3A_41 : i32
      scf.if %cond3A_42 {
        %mul3A_51 = arith.constant 128 : i32
        %mul3A_52 = arith.muli %add3A_37, %mul3A_51 : i32
        %dma_start3A = tpu.memref_slice %arg4[%mul3A_52] : memref<160000xi32, #tpu.memory_space<hbm>> -> memref<128xi32, #tpu.memory_space<hbm>>
        %dma_start3A_53 = tpu.memref_slice %arg4[%mul3A_52] : memref<160000xi32, #tpu.memory_space<hbm>> -> memref<128xi32, #tpu.memory_space<hbm>>
        tpu.enqueue_dma source(%dma_start3A_53 : memref<128xi32, #tpu.memory_space<hbm>>) target(%arg8 : memref<128xi32, #tpu.memory_space<vmem>>) target_semaphore(%arg14 : memref<!tpu.dma_semaphore, #tpu.memory_space<semaphore_mem>>)
        %dma_start3A_54 = tpu.memref_slice %arg5[%mul3A_52] : memref<160000xi32, #tpu.memory_space<hbm>> -> memref<128xi32, #tpu.memory_space<hbm>>
        %dma_start3A_55 = tpu.memref_slice %arg5[%mul3A_52] : memref<160000xi32, #tpu.memory_space<hbm>> -> memref<128xi32, #tpu.memory_space<hbm>>
        tpu.enqueue_dma source(%dma_start3A_55 : memref<128xi32, #tpu.memory_space<hbm>>) target(%arg9 : memref<128xi32, #tpu.memory_space<vmem>>) target_semaphore(%arg15 : memref<!tpu.dma_semaphore, #tpu.memory_space<semaphore_mem>>)
      } else {
      }
      %mul3A_43 = arith.constant 32 : i32
      %mul3A_44 = arith.muli %add3A_16, %mul3A_43 : i32
      %add3A_45 = arith.addi %add3A, %mul3A_44 : i32
      %lt3A_46 = arith.constant 1250 : i32
      %lt3A_47 = arith.cmpi slt, %add3A_45, %lt3A_46 : i32
      %convert_element_type3A_48 = arith.extui %lt3A_47 : i1 to i32
      %cond3A_49 = arith.constant 0 : i32
      %cond3A_50 = arith.cmpi ne, %convert_element_type3A_48, %cond3A_49 : i32
      scf.if %cond3A_50 {
        %mul3A_51 = arith.constant 128 : i32
        %mul3A_52 = arith.muli %add3A_45, %mul3A_51 : i32
        %dma_wait3A = tpu.memref_slice %arg4[%mul3A_52] : memref<160000xi32, #tpu.memory_space<hbm>> -> memref<128xi32, #tpu.memory_space<hbm>>
        %dma_wait3A_53 = tpu.memref_slice %arg4[%mul3A_52] : memref<160000xi32, #tpu.memory_space<hbm>> -> memref<128xi32, #tpu.memory_space<hbm>>
        tpu.wait_dma2 semaphore(%arg16 : memref<!tpu.dma_semaphore, #tpu.memory_space<semaphore_mem>>) src(%dma_wait3A_53 : memref<128xi32, #tpu.memory_space<hbm>>) dst(%arg10 : memref<128xi32, #tpu.memory_space<vmem>>)
        %dma_wait3A_54 = tpu.memref_slice %arg5[%mul3A_52] : memref<160000xi32, #tpu.memory_space<hbm>> -> memref<128xi32, #tpu.memory_space<hbm>>
        %dma_wait3A_55 = tpu.memref_slice %arg5[%mul3A_52] : memref<160000xi32, #tpu.memory_space<hbm>> -> memref<128xi32, #tpu.memory_space<hbm>>
        tpu.wait_dma2 semaphore(%arg17 : memref<!tpu.dma_semaphore, #tpu.memory_space<semaphore_mem>>) src(%dma_wait3A_55 : memref<128xi32, #tpu.memory_space<hbm>>) dst(%arg11 : memref<128xi32, #tpu.memory_space<vmem>>)
        %dma_start3A = arith.constant 0 : i32
        %dma_start3A_56 = arith.constant 0 : i32
        %dma_start3A_57 = tpu.memref_slice %arg2[%dma_start3A, %dma_start3A_56] : memref<10000x256xf32, #tpu.memory_space<hbm>> -> memref<10000x256xf32, #tpu.memory_space<hbm>>
        tpu.enqueue_indirect_dma source(%dma_start3A_57 : memref<10000x256xf32, #tpu.memory_space<hbm>>) target(%arg12 : memref<128x256xf32, #tpu.memory_space<vmem>>) offsets(%arg10 : memref<128xi32, #tpu.memory_space<vmem>>) semaphore(%arg18 : memref<!tpu.dma_semaphore, #tpu.memory_space<semaphore_mem>>)
        %dma_start3A_58 = arith.constant 0 : i32
        %dma_start3A_59 = arith.constant 0 : i32
        %dma_start3A_60 = tpu.memref_slice %arg3[%dma_start3A_58, %dma_start3A_59] : memref<10000x256xf32, #tpu.memory_space<hbm>> -> memref<10000x256xf32, #tpu.memory_space<hbm>>
        tpu.enqueue_indirect_dma source(%dma_start3A_60 : memref<10000x256xf32, #tpu.memory_space<hbm>>) target(%arg13 : memref<128x256xf32, #tpu.memory_space<vmem>>) offsets(%arg11 : memref<128xi32, #tpu.memory_space<vmem>>) semaphore(%arg19 : memref<!tpu.dma_semaphore, #tpu.memory_space<semaphore_mem>>)
        %dma_wait3A_61 = arith.constant 0 : i32
        %dma_wait3A_62 = arith.constant 0 : i32
        %dma_wait3A_63 = tpu.memref_slice %arg2[%dma_wait3A_61, %dma_wait3A_62] : memref<10000x256xf32, #tpu.memory_space<hbm>> -> memref<10000x256xf32, #tpu.memory_space<hbm>>
        tpu.wait_indirect_dma semaphore(%arg18 : memref<!tpu.dma_semaphore, #tpu.memory_space<semaphore_mem>>) src(%dma_wait3A_63 : memref<10000x256xf32, #tpu.memory_space<hbm>>) dst(%arg12 : memref<128x256xf32, #tpu.memory_space<vmem>>)
        %dma_wait3A_64 = arith.constant 0 : i32
        %dma_wait3A_65 = arith.constant 0 : i32
        %dma_wait3A_66 = tpu.memref_slice %arg3[%dma_wait3A_64, %dma_wait3A_65] : memref<10000x256xf32, #tpu.memory_space<hbm>> -> memref<10000x256xf32, #tpu.memory_space<hbm>>
        tpu.wait_indirect_dma semaphore(%arg19 : memref<!tpu.dma_semaphore, #tpu.memory_space<semaphore_mem>>) src(%dma_wait3A_66 : memref<10000x256xf32, #tpu.memory_space<hbm>>) dst(%arg13 : memref<128x256xf32, #tpu.memory_space<vmem>>)
        %dma_start3A_67 = arith.constant 0 : i32
        %dma_start3A_68 = tpu.memref_slice %arg6[%mul3A_52, %dma_start3A_67] : memref<160000x256xf32, #tpu.memory_space<hbm>> -> memref<128x256xf32, #tpu.memory_space<hbm>>
        %dma_start3A_69 = arith.constant 0 : i32
        %dma_start3A_70 = tpu.memref_slice %arg6[%mul3A_52, %dma_start3A_69] : memref<160000x256xf32, #tpu.memory_space<hbm>> -> memref<128x256xf32, #tpu.memory_space<hbm>>
        tpu.enqueue_dma source(%arg12 : memref<128x256xf32, #tpu.memory_space<vmem>>) target(%dma_start3A_70 : memref<128x256xf32, #tpu.memory_space<hbm>>) target_semaphore(%arg20 : memref<!tpu.dma_semaphore, #tpu.memory_space<semaphore_mem>>)
        %dma_start3A_71 = arith.constant 0 : i32
        %dma_start3A_72 = tpu.memref_slice %arg7[%mul3A_52, %dma_start3A_71] : memref<160000x256xf32, #tpu.memory_space<hbm>> -> memref<128x256xf32, #tpu.memory_space<hbm>>
        %dma_start3A_73 = arith.constant 0 : i32
        %dma_start3A_74 = tpu.memref_slice %arg7[%mul3A_52, %dma_start3A_73] : memref<160000x256xf32, #tpu.memory_space<hbm>> -> memref<128x256xf32, #tpu.memory_space<hbm>>
        tpu.enqueue_dma source(%arg13 : memref<128x256xf32, #tpu.memory_space<vmem>>) target(%dma_start3A_74 : memref<128x256xf32, #tpu.memory_space<hbm>>) target_semaphore(%arg21 : memref<!tpu.dma_semaphore, #tpu.memory_space<semaphore_mem>>)
        %dma_wait3A_75 = arith.constant 0 : i32
        %dma_wait3A_76 = tpu.memref_slice %arg6[%mul3A_52, %dma_wait3A_75] : memref<160000x256xf32, #tpu.memory_space<hbm>> -> memref<128x256xf32, #tpu.memory_space<hbm>>
        %dma_wait3A_77 = arith.constant 0 : i32
        %dma_wait3A_78 = tpu.memref_slice %arg6[%mul3A_52, %dma_wait3A_77] : memref<160000x256xf32, #tpu.memory_space<hbm>> -> memref<128x256xf32, #tpu.memory_space<hbm>>
        tpu.wait_dma2 semaphore(%arg20 : memref<!tpu.dma_semaphore, #tpu.memory_space<semaphore_mem>>) src(%arg12 : memref<128x256xf32, #tpu.memory_space<vmem>>) dst(%dma_wait3A_78 : memref<128x256xf32, #tpu.memory_space<hbm>>)
        %dma_wait3A_79 = arith.constant 0 : i32
        %dma_wait3A_80 = tpu.memref_slice %arg7[%mul3A_52, %dma_wait3A_79] : memref<160000x256xf32, #tpu.memory_space<hbm>> -> memref<128x256xf32, #tpu.memory_space<hbm>>
        %dma_wait3A_81 = arith.constant 0 : i32
        %dma_wait3A_82 = tpu.memref_slice %arg7[%mul3A_52, %dma_wait3A_81] : memref<160000x256xf32, #tpu.memory_space<hbm>> -> memref<128x256xf32, #tpu.memory_space<hbm>>
        tpu.wait_dma2 semaphore(%arg21 : memref<!tpu.dma_semaphore, #tpu.memory_space<semaphore_mem>>) src(%arg13 : memref<128x256xf32, #tpu.memory_space<vmem>>) dst(%dma_wait3A_82 : memref<128x256xf32, #tpu.memory_space<hbm>>)
      } else {
      }
    }
    %scan3A_9 = arith.constant 20 : i32
    return
  }
}

#map = affine_map<(d0, d1) -> (0, 0)>
#map1 = affine_map<(d0, d1) -> (0)>
module attributes {stable_mosaic.version = 14 : i64} {
  func.func @_scatter_body(%arg0: i32, %arg1: i32, %arg2: memref<256x160000xf32, #tpu.memory_space<hbm>>, %arg3: memref<160000xi32, #tpu.memory_space<hbm>>, %arg4: memref<8x10240xf32, #tpu.memory_space<hbm>>, %arg5: memref<256x10240xf32, #tpu.memory_space<hbm>>, %arg6: memref<8x256xf32, #tpu.memory_space<vmem>>, %arg7: memref<8x256xf32, #tpu.memory_space<vmem>>, %arg8: memref<256xi32, #tpu.memory_space<vmem>>, %arg9: memref<256xi32, #tpu.memory_space<vmem>>, %arg10: memref<8x10240xf32, #tpu.memory_space<vmem>>, %arg11: memref<!tpu.dma_semaphore, #tpu.memory_space<semaphore_mem>>, %arg12: memref<!tpu.dma_semaphore, #tpu.memory_space<semaphore_mem>>, %arg13: memref<!tpu.dma_semaphore, #tpu.memory_space<semaphore_mem>>, %arg14: memref<!tpu.dma_semaphore, #tpu.memory_space<semaphore_mem>>) attributes {dimension_semantics = [#tpu.dimension_semantics<core_parallel>, #tpu.dimension_semantics<subcore_parallel>], iteration_bounds = array<i64: 2, 16>, scalar_prefetch = 0 : i64, scratch_operands = 9 : i64, tpu.core_type = #tpu.core_type<sc_vector_subcore>, window_params = [{transform_indices = #map}, {transform_indices = #map1}, {transform_indices = #map}, {transform_indices = #map}]} {
    %mul3A = arith.constant 2 : i32
    %mul3A_0 = arith.muli %arg1, %mul3A : i32
    %add3A = arith.addi %mul3A_0, %arg0 : i32
    %mul3A_1 = arith.constant 8 : i32
    %mul3A_2 = arith.muli %add3A, %mul3A_1 : i32
    "tpu.region"() ({
      %run_scoped3A = tpu.sem_alloc : memref<!tpu.dma_semaphore, #tpu.memory_space<semaphore_mem>>
      tpu.enqueue_dma source(%arg4 : memref<8x10240xf32, #tpu.memory_space<hbm>>) target(%arg10 : memref<8x10240xf32, #tpu.memory_space<vmem>>) target_semaphore(%run_scoped3A : memref<!tpu.dma_semaphore, #tpu.memory_space<semaphore_mem>>)
      tpu.wait_dma2 semaphore(%run_scoped3A : memref<!tpu.dma_semaphore, #tpu.memory_space<semaphore_mem>>) src(%arg4 : memref<8x10240xf32, #tpu.memory_space<hbm>>) dst(%arg10 : memref<8x10240xf32, #tpu.memory_space<vmem>>)
      tpu.yield
    }) : () -> ()
    %dma_start3A = arith.constant 0 : i32
    %dma_start3A_3 = tpu.memref_slice %arg3[%dma_start3A] : memref<160000xi32, #tpu.memory_space<hbm>> -> memref<256xi32, #tpu.memory_space<hbm>>
    %dma_start3A_4 = arith.constant 0 : i32
    %dma_start3A_5 = tpu.memref_slice %arg3[%dma_start3A_4] : memref<160000xi32, #tpu.memory_space<hbm>> -> memref<256xi32, #tpu.memory_space<hbm>>
    tpu.enqueue_dma source(%dma_start3A_5 : memref<256xi32, #tpu.memory_space<hbm>>) target(%arg8 : memref<256xi32, #tpu.memory_space<vmem>>) target_semaphore(%arg13 : memref<!tpu.dma_semaphore, #tpu.memory_space<semaphore_mem>>)
    %dma_start3A_6 = arith.constant 0 : i32
    %dma_start3A_7 = tpu.memref_slice %arg2[%mul3A_2, %dma_start3A_6] : memref<256x160000xf32, #tpu.memory_space<hbm>> -> memref<8x256xf32, #tpu.memory_space<hbm>>
    %dma_start3A_8 = arith.constant 0 : i32
    %dma_start3A_9 = tpu.memref_slice %arg2[%mul3A_2, %dma_start3A_8] : memref<256x160000xf32, #tpu.memory_space<hbm>> -> memref<8x256xf32, #tpu.memory_space<hbm>>
    tpu.enqueue_dma source(%dma_start3A_9 : memref<8x256xf32, #tpu.memory_space<hbm>>) target(%arg6 : memref<8x256xf32, #tpu.memory_space<vmem>>) target_semaphore(%arg11 : memref<!tpu.dma_semaphore, #tpu.memory_space<semaphore_mem>>)
    %scan3A = arith.constant 0 : i32
    %scan3A_10 = arith.constant 0 : i32
    %scan3A_11 = arith.constant 312 : i32
    %scan3A_12 = arith.addi %scan3A_10, %scan3A_11 : i32
    %scan3A_13 = arith.constant 1 : i32
    scf.for %scan3A_820 = %scan3A_10 to %scan3A_12 step %scan3A_13  : i32 {
      %mul3A_821 = arith.constant 2 : i32
      %mul3A_822 = arith.muli %mul3A_821, %scan3A_820 : i32
      %mul3A_823 = arith.constant 256 : i32
      %mul3A_824 = arith.muli %mul3A_822, %mul3A_823 : i32
      %mul3A_825 = arith.constant 2 : i32
      %mul3A_826 = arith.muli %mul3A_825, %scan3A_820 : i32
      %add3A_827 = arith.constant 1 : i32
      %add3A_828 = arith.addi %mul3A_826, %add3A_827 : i32
      %mul3A_829 = arith.constant 256 : i32
      %mul3A_830 = arith.muli %add3A_828, %mul3A_829 : i32
      %dma_start3A_831 = tpu.memref_slice %arg3[%mul3A_830] : memref<160000xi32, #tpu.memory_space<hbm>> -> memref<256xi32, #tpu.memory_space<hbm>>
      %dma_start3A_832 = tpu.memref_slice %arg3[%mul3A_830] : memref<160000xi32, #tpu.memory_space<hbm>> -> memref<256xi32, #tpu.memory_space<hbm>>
      tpu.enqueue_dma source(%dma_start3A_832 : memref<256xi32, #tpu.memory_space<hbm>>) target(%arg9 : memref<256xi32, #tpu.memory_space<vmem>>) target_semaphore(%arg14 : memref<!tpu.dma_semaphore, #tpu.memory_space<semaphore_mem>>)
      %dma_start3A_833 = tpu.memref_slice %arg2[%mul3A_2, %mul3A_830] : memref<256x160000xf32, #tpu.memory_space<hbm>> -> memref<8x256xf32, #tpu.memory_space<hbm>>
      %dma_start3A_834 = tpu.memref_slice %arg2[%mul3A_2, %mul3A_830] : memref<256x160000xf32, #tpu.memory_space<hbm>> -> memref<8x256xf32, #tpu.memory_space<hbm>>
      tpu.enqueue_dma source(%dma_start3A_834 : memref<8x256xf32, #tpu.memory_space<hbm>>) target(%arg7 : memref<8x256xf32, #tpu.memory_space<vmem>>) target_semaphore(%arg12 : memref<!tpu.dma_semaphore, #tpu.memory_space<semaphore_mem>>)
      %dma_wait3A_835 = tpu.memref_slice %arg3[%mul3A_824] : memref<160000xi32, #tpu.memory_space<hbm>> -> memref<256xi32, #tpu.memory_space<hbm>>
      %dma_wait3A_836 = tpu.memref_slice %arg3[%mul3A_824] : memref<160000xi32, #tpu.memory_space<hbm>> -> memref<256xi32, #tpu.memory_space<hbm>>
      tpu.wait_dma2 semaphore(%arg13 : memref<!tpu.dma_semaphore, #tpu.memory_space<semaphore_mem>>) src(%dma_wait3A_836 : memref<256xi32, #tpu.memory_space<hbm>>) dst(%arg8 : memref<256xi32, #tpu.memory_space<vmem>>)
      %dma_wait3A_837 = tpu.memref_slice %arg2[%mul3A_2, %mul3A_824] : memref<256x160000xf32, #tpu.memory_space<hbm>> -> memref<8x256xf32, #tpu.memory_space<hbm>>
      %dma_wait3A_838 = tpu.memref_slice %arg2[%mul3A_2, %mul3A_824] : memref<256x160000xf32, #tpu.memory_space<hbm>> -> memref<8x256xf32, #tpu.memory_space<hbm>>
      tpu.wait_dma2 semaphore(%arg11 : memref<!tpu.dma_semaphore, #tpu.memory_space<semaphore_mem>>) src(%dma_wait3A_838 : memref<8x256xf32, #tpu.memory_space<hbm>>) dst(%arg6 : memref<8x256xf32, #tpu.memory_space<vmem>>)
      %get3A_839 = arith.constant 0 : index
      %get3A_840 = tpu.vector_load %arg8[%get3A_839] {strides = array<i32>} : memref<256xi32, #tpu.memory_space<vmem>>, vector<16xi32>,
      %get3A_841 = arith.constant 0 : i32
      %get3A_842 = arith.index_cast %get3A_841 : i32 to index
      %get3A_843 = arith.constant 0 : index
      %get3A_844 = tpu.vector_load %arg6[%get3A_842, %get3A_843] {strides = array<i32>} : memref<8x256xf32, #tpu.memory_space<vmem>>, vector<16xf32>,
      %broadcast_in_dim3A_845 = arith.constant 0 : i32
      %broadcast_in_dim3A_846 = vector.broadcast %broadcast_in_dim3A_845 : i32 to vector<16xi32>
      tpu.vector_store_idx %arg10[%broadcast_in_dim3A_846, %get3A_840], %get3A_844 {add = true} : memref<8x10240xf32, #tpu.memory_space<vmem>>[vector<16xi32>, vector<16xi32>], vector<16xf32>,
      %get3A_847 = arith.constant 1 : i32
      %get3A_848 = arith.index_cast %get3A_847 : i32 to index
      %get3A_849 = arith.constant 0 : index
      %get3A_850 = tpu.vector_load %arg6[%get3A_848, %get3A_849] {strides = array<i32>} : memref<8x256xf32, #tpu.memory_space<vmem>>, vector<16xf32>,
      %broadcast_in_dim3A_851 = arith.constant 1 : i32
      %broadcast_in_dim3A_852 = vector.broadcast %broadcast_in_dim3A_851 : i32 to vector<16xi32>
      tpu.vector_store_idx %arg10[%broadcast_in_dim3A_852, %get3A_840], %get3A_850 {add = true} : memref<8x10240xf32, #tpu.memory_space<vmem>>[vector<16xi32>, vector<16xi32>], vector<16xf32>,
      %get3A_853 = arith.constant 2 : i32
      %get3A_854 = arith.index_cast %get3A_853 : i32 to index
      %get3A_855 = arith.constant 0 : index
      %get3A_856 = tpu.vector_load %arg6[%get3A_854, %get3A_855] {strides = array<i32>} : memref<8x256xf32, #tpu.memory_space<vmem>>, vector<16xf32>,
      %broadcast_in_dim3A_857 = arith.constant 2 : i32
      %broadcast_in_dim3A_858 = vector.broadcast %broadcast_in_dim3A_857 : i32 to vector<16xi32>
      tpu.vector_store_idx %arg10[%broadcast_in_dim3A_858, %get3A_840], %get3A_856 {add = true} : memref<8x10240xf32, #tpu.memory_space<vmem>>[vector<16xi32>, vector<16xi32>], vector<16xf32>,
      %get3A_859 = arith.constant 3 : i32
      %get3A_860 = arith.index_cast %get3A_859 : i32 to index
      %get3A_861 = arith.constant 0 : index
      %get3A_862 = tpu.vector_load %arg6[%get3A_860, %get3A_861] {strides = array<i32>} : memref<8x256xf32, #tpu.memory_space<vmem>>, vector<16xf32>,
      %broadcast_in_dim3A_863 = arith.constant 3 : i32
      %broadcast_in_dim3A_864 = vector.broadcast %broadcast_in_dim3A_863 : i32 to vector<16xi32>
      tpu.vector_store_idx %arg10[%broadcast_in_dim3A_864, %get3A_840], %get3A_862 {add = true} : memref<8x10240xf32, #tpu.memory_space<vmem>>[vector<16xi32>, vector<16xi32>], vector<16xf32>,
      %get3A_865 = arith.constant 4 : i32
      %get3A_866 = arith.index_cast %get3A_865 : i32 to index
      %get3A_867 = arith.constant 0 : index
      %get3A_868 = tpu.vector_load %arg6[%get3A_866, %get3A_867] {strides = array<i32>} : memref<8x256xf32, #tpu.memory_space<vmem>>, vector<16xf32>,
      %broadcast_in_dim3A_869 = arith.constant 4 : i32
      %broadcast_in_dim3A_870 = vector.broadcast %broadcast_in_dim3A_869 : i32 to vector<16xi32>
      tpu.vector_store_idx %arg10[%broadcast_in_dim3A_870, %get3A_840], %get3A_868 {add = true} : memref<8x10240xf32, #tpu.memory_space<vmem>>[vector<16xi32>, vector<16xi32>], vector<16xf32>,
      %get3A_871 = arith.constant 5 : i32
      %get3A_872 = arith.index_cast %get3A_871 : i32 to index
      %get3A_873 = arith.constant 0 : index
      %get3A_874 = tpu.vector_load %arg6[%get3A_872, %get3A_873] {strides = array<i32>} : memref<8x256xf32, #tpu.memory_space<vmem>>, vector<16xf32>,
      %broadcast_in_dim3A_875 = arith.constant 5 : i32
      %broadcast_in_dim3A_876 = vector.broadcast %broadcast_in_dim3A_875 : i32 to vector<16xi32>
      tpu.vector_store_idx %arg10[%broadcast_in_dim3A_876, %get3A_840], %get3A_874 {add = true} : memref<8x10240xf32, #tpu.memory_space<vmem>>[vector<16xi32>, vector<16xi32>], vector<16xf32>,
      %get3A_877 = arith.constant 6 : i32
      %get3A_878 = arith.index_cast %get3A_877 : i32 to index
      %get3A_879 = arith.constant 0 : index
      %get3A_880 = tpu.vector_load %arg6[%get3A_878, %get3A_879] {strides = array<i32>} : memref<8x256xf32, #tpu.memory_space<vmem>>, vector<16xf32>,
      %broadcast_in_dim3A_881 = arith.constant 6 : i32
      %broadcast_in_dim3A_882 = vector.broadcast %broadcast_in_dim3A_881 : i32 to vector<16xi32>
      tpu.vector_store_idx %arg10[%broadcast_in_dim3A_882, %get3A_840], %get3A_880 {add = true} : memref<8x10240xf32, #tpu.memory_space<vmem>>[vector<16xi32>, vector<16xi32>], vector<16xf32>,
      %get3A_883 = arith.constant 7 : i32
      %get3A_884 = arith.index_cast %get3A_883 : i32 to index
      %get3A_885 = arith.constant 0 : index
      %get3A_886 = tpu.vector_load %arg6[%get3A_884, %get3A_885] {strides = array<i32>} : memref<8x256xf32, #tpu.memory_space<vmem>>, vector<16xf32>,
      %broadcast_in_dim3A_887 = arith.constant 7 : i32
      %broadcast_in_dim3A_888 = vector.broadcast %broadcast_in_dim3A_887 : i32 to vector<16xi32>
      tpu.vector_store_idx %arg10[%broadcast_in_dim3A_888, %get3A_840], %get3A_886 {add = true} : memref<8x10240xf32, #tpu.memory_space<vmem>>[vector<16xi32>, vector<16xi32>], vector<16xf32>,
      %get3A_889 = arith.constant 16 : index
      %get3A_890 = tpu.vector_load %arg8[%get3A_889] {strides = array<i32>} : memref<256xi32, #tpu.memory_space<vmem>>, vector<16xi32>,
      %get3A_891 = arith.constant 0 : i32
      %get3A_892 = arith.index_cast %get3A_891 : i32 to index
      %get3A_893 = arith.constant 16 : index
      %get3A_894 = tpu.vector_load %arg6[%get3A_892, %get3A_893] {strides = array<i32>} : memref<8x256xf32, #tpu.memory_space<vmem>>, vector<16xf32>,
      %broadcast_in_dim3A_895 = arith.constant 0 : i32
      %broadcast_in_dim3A_896 = vector.broadcast %broadcast_in_dim3A_895 : i32 to vector<16xi32>
      tpu.vector_store_idx %arg10[%broadcast_in_dim3A_896, %get3A_890], %get3A_894 {add = true} : memref<8x10240xf32, #tpu.memory_space<vmem>>[vector<16xi32>, vector<16xi32>], vector<16xf32>,
      %get3A_897 = arith.constant 1 : i32
      %get3A_898 = arith.index_cast %get3A_897 : i32 to index
      %get3A_899 = arith.constant 16 : index
      %get3A_900 = tpu.vector_load %arg6[%get3A_898, %get3A_899] {strides = array<i32>} : memref<8x256xf32, #tpu.memory_space<vmem>>, vector<16xf32>,
      %broadcast_in_dim3A_901 = arith.constant 1 : i32
      %broadcast_in_dim3A_902 = vector.broadcast %broadcast_in_dim3A_901 : i32 to vector<16xi32>
      tpu.vector_store_idx %arg10[%broadcast_in_dim3A_902, %get3A_890], %get3A_900 {add = true} : memref<8x10240xf32, #tpu.memory_space<vmem>>[vector<16xi32>, vector<16xi32>], vector<16xf32>,
      %get3A_903 = arith.constant 2 : i32
      %get3A_904 = arith.index_cast %get3A_903 : i32 to index
      %get3A_905 = arith.constant 16 : index
      %get3A_906 = tpu.vector_load %arg6[%get3A_904, %get3A_905] {strides = array<i32>} : memref<8x256xf32, #tpu.memory_space<vmem>>, vector<16xf32>,
      %broadcast_in_dim3A_907 = arith.constant 2 : i32
      %broadcast_in_dim3A_908 = vector.broadcast %broadcast_in_dim3A_907 : i32 to vector<16xi32>
      tpu.vector_store_idx %arg10[%broadcast_in_dim3A_908, %get3A_890], %get3A_906 {add = true} : memref<8x10240xf32, #tpu.memory_space<vmem>>[vector<16xi32>, vector<16xi32>], vector<16xf32>,
      %get3A_909 = arith.constant 3 : i32
      %get3A_910 = arith.index_cast %get3A_909 : i32 to index
      %get3A_911 = arith.constant 16 : index
      %get3A_912 = tpu.vector_load %arg6[%get3A_910, %get3A_911] {strides = array<i32>} : memref<8x256xf32, #tpu.memory_space<vmem>>, vector<16xf32>,
      %broadcast_in_dim3A_913 = arith.constant 3 : i32
      %broadcast_in_dim3A_914 = vector.broadcast %broadcast_in_dim3A_913 : i32 to vector<16xi32>
      tpu.vector_store_idx %arg10[%broadcast_in_dim3A_914, %get3A_890], %get3A_912 {add = true} : memref<8x10240xf32, #tpu.memory_space<vmem>>[vector<16xi32>, vector<16xi32>], vector<16xf32>,
      %get3A_915 = arith.constant 4 : i32
      %get3A_916 = arith.index_cast %get3A_915 : i32 to index
      %get3A_917 = arith.constant 16 : index
      %get3A_918 = tpu.vector_load %arg6[%get3A_916, %get3A_917] {strides = array<i32>} : memref<8x256xf32, #tpu.memory_space<vmem>>, vector<16xf32>,
      %broadcast_in_dim3A_919 = arith.constant 4 : i32
      %broadcast_in_dim3A_920 = vector.broadcast %broadcast_in_dim3A_919 : i32 to vector<16xi32>
      tpu.vector_store_idx %arg10[%broadcast_in_dim3A_920, %get3A_890], %get3A_918 {add = true} : memref<8x10240xf32, #tpu.memory_space<vmem>>[vector<16xi32>, vector<16xi32>], vector<16xf32>,
      %get3A_921 = arith.constant 5 : i32
      %get3A_922 = arith.index_cast %get3A_921 : i32 to index
      %get3A_923 = arith.constant 16 : index
      %get3A_924 = tpu.vector_load %arg6[%get3A_922, %get3A_923] {strides = array<i32>} : memref<8x256xf32, #tpu.memory_space<vmem>>, vector<16xf32>,
      %broadcast_in_dim3A_925 = arith.constant 5 : i32
      %broadcast_in_dim3A_926 = vector.broadcast %broadcast_in_dim3A_925 : i32 to vector<16xi32>
      tpu.vector_store_idx %arg10[%broadcast_in_dim3A_926, %get3A_890], %get3A_924 {add = true} : memref<8x10240xf32, #tpu.memory_space<vmem>>[vector<16xi32>, vector<16xi32>], vector<16xf32>,
      %get3A_927 = arith.constant 6 : i32
      %get3A_928 = arith.index_cast %get3A_927 : i32 to index
      %get3A_929 = arith.constant 16 : index
      %get3A_930 = tpu.vector_load %arg6[%get3A_928, %get3A_929] {strides = array<i32>} : memref<8x256xf32, #tpu.memory_space<vmem>>, vector<16xf32>,
      %broadcast_in_dim3A_931 = arith.constant 6 : i32
      %broadcast_in_dim3A_932 = vector.broadcast %broadcast_in_dim3A_931 : i32 to vector<16xi32>
      tpu.vector_store_idx %arg10[%broadcast_in_dim3A_932, %get3A_890], %get3A_930 {add = true} : memref<8x10240xf32, #tpu.memory_space<vmem>>[vector<16xi32>, vector<16xi32>], vector<16xf32>,
      %get3A_933 = arith.constant 7 : i32
      %get3A_934 = arith.index_cast %get3A_933 : i32 to index
      %get3A_935 = arith.constant 16 : index
      %get3A_936 = tpu.vector_load %arg6[%get3A_934, %get3A_935] {strides = array<i32>} : memref<8x256xf32, #tpu.memory_space<vmem>>, vector<16xf32>,
      %broadcast_in_dim3A_937 = arith.constant 7 : i32
      %broadcast_in_dim3A_938 = vector.broadcast %broadcast_in_dim3A_937 : i32 to vector<16xi32>
      tpu.vector_store_idx %arg10[%broadcast_in_dim3A_938, %get3A_890], %get3A_936 {add = true} : memref<8x10240xf32, #tpu.memory_space<vmem>>[vector<16xi32>, vector<16xi32>], vector<16xf32>,
      %get3A_939 = arith.constant 32 : index
      %get3A_940 = tpu.vector_load %arg8[%get3A_939] {strides = array<i32>} : memref<256xi32, #tpu.memory_space<vmem>>, vector<16xi32>,
      %get3A_941 = arith.constant 0 : i32
      %get3A_942 = arith.index_cast %get3A_941 : i32 to index
      %get3A_943 = arith.constant 32 : index
      %get3A_944 = tpu.vector_load %arg6[%get3A_942, %get3A_943] {strides = array<i32>} : memref<8x256xf32, #tpu.memory_space<vmem>>, vector<16xf32>,
      %broadcast_in_dim3A_945 = arith.constant 0 : i32
      %broadcast_in_dim3A_946 = vector.broadcast %broadcast_in_dim3A_945 : i32 to vector<16xi32>
      tpu.vector_store_idx %arg10[%broadcast_in_dim3A_946, %get3A_940], %get3A_944 {add = true} : memref<8x10240xf32, #tpu.memory_space<vmem>>[vector<16xi32>, vector<16xi32>], vector<16xf32>,
      %get3A_947 = arith.constant 1 : i32
      %get3A_948 = arith.index_cast %get3A_947 : i32 to index
      %get3A_949 = arith.constant 32 : index
      %get3A_950 = tpu.vector_load %arg6[%get3A_948, %get3A_949] {strides = array<i32>} : memref<8x256xf32, #tpu.memory_space<vmem>>, vector<16xf32>,
      %broadcast_in_dim3A_951 = arith.constant 1 : i32
      %broadcast_in_dim3A_952 = vector.broadcast %broadcast_in_dim3A_951 : i32 to vector<16xi32>
      tpu.vector_store_idx %arg10[%broadcast_in_dim3A_952, %get3A_940], %get3A_950 {add = true} : memref<8x10240xf32, #tpu.memory_space<vmem>>[vector<16xi32>, vector<16xi32>], vector<16xf32>,
      %get3A_953 = arith.constant 2 : i32
      %get3A_954 = arith.index_cast %get3A_953 : i32 to index
      %get3A_955 = arith.constant 32 : index
      %get3A_956 = tpu.vector_load %arg6[%get3A_954, %get3A_955] {strides = array<i32>} : memref<8x256xf32, #tpu.memory_space<vmem>>, vector<16xf32>,
      %broadcast_in_dim3A_957 = arith.constant 2 : i32
      %broadcast_in_dim3A_958 = vector.broadcast %broadcast_in_dim3A_957 : i32 to vector<16xi32>
      tpu.vector_store_idx %arg10[%broadcast_in_dim3A_958, %get3A_940], %get3A_956 {add = true} : memref<8x10240xf32, #tpu.memory_space<vmem>>[vector<16xi32>, vector<16xi32>], vector<16xf32>,
      %get3A_959 = arith.constant 3 : i32
      %get3A_960 = arith.index_cast %get3A_959 : i32 to index
      %get3A_961 = arith.constant 32 : index
      %get3A_962 = tpu.vector_load %arg6[%get3A_960, %get3A_961] {strides = array<i32>} : memref<8x256xf32, #tpu.memory_space<vmem>>, vector<16xf32>,
      %broadcast_in_dim3A_963 = arith.constant 3 : i32
      %broadcast_in_dim3A_964 = vector.broadcast %broadcast_in_dim3A_963 : i32 to vector<16xi32>
      tpu.vector_store_idx %arg10[%broadcast_in_dim3A_964, %get3A_940], %get3A_962 {add = true} : memref<8x10240xf32, #tpu.memory_space<vmem>>[vector<16xi32>, vector<16xi32>], vector<16xf32>,
      %get3A_965 = arith.constant 4 : i32
      %get3A_966 = arith.index_cast %get3A_965 : i32 to index
      %get3A_967 = arith.constant 32 : index
      %get3A_968 = tpu.vector_load %arg6[%get3A_966, %get3A_967] {strides = array<i32>} : memref<8x256xf32, #tpu.memory_space<vmem>>, vector<16xf32>,
      %broadcast_in_dim3A_969 = arith.constant 4 : i32
      %broadcast_in_dim3A_970 = vector.broadcast %broadcast_in_dim3A_969 : i32 to vector<16xi32>
      tpu.vector_store_idx %arg10[%broadcast_in_dim3A_970, %get3A_940], %get3A_968 {add = true} : memref<8x10240xf32, #tpu.memory_space<vmem>>[vector<16xi32>, vector<16xi32>], vector<16xf32>,
      %get3A_971 = arith.constant 5 : i32
      %get3A_972 = arith.index_cast %get3A_971 : i32 to index
      %get3A_973 = arith.constant 32 : index
      %get3A_974 = tpu.vector_load %arg6[%get3A_972, %get3A_973] {strides = array<i32>} : memref<8x256xf32, #tpu.memory_space<vmem>>, vector<16xf32>,
      %broadcast_in_dim3A_975 = arith.constant 5 : i32
      %broadcast_in_dim3A_976 = vector.broadcast %broadcast_in_dim3A_975 : i32 to vector<16xi32>
      tpu.vector_store_idx %arg10[%broadcast_in_dim3A_976, %get3A_940], %get3A_974 {add = true} : memref<8x10240xf32, #tpu.memory_space<vmem>>[vector<16xi32>, vector<16xi32>], vector<16xf32>,
      %get3A_977 = arith.constant 6 : i32
      %get3A_978 = arith.index_cast %get3A_977 : i32 to index
      %get3A_979 = arith.constant 32 : index
      %get3A_980 = tpu.vector_load %arg6[%get3A_978, %get3A_979] {strides = array<i32>} : memref<8x256xf32, #tpu.memory_space<vmem>>, vector<16xf32>,
      %broadcast_in_dim3A_981 = arith.constant 6 : i32
      %broadcast_in_dim3A_982 = vector.broadcast %broadcast_in_dim3A_981 : i32 to vector<16xi32>
      tpu.vector_store_idx %arg10[%broadcast_in_dim3A_982, %get3A_940], %get3A_980 {add = true} : memref<8x10240xf32, #tpu.memory_space<vmem>>[vector<16xi32>, vector<16xi32>], vector<16xf32>,
      %get3A_983 = arith.constant 7 : i32
      %get3A_984 = arith.index_cast %get3A_983 : i32 to index
      %get3A_985 = arith.constant 32 : index
      %get3A_986 = tpu.vector_load %arg6[%get3A_984, %get3A_985] {strides = array<i32>} : memref<8x256xf32, #tpu.memory_space<vmem>>, vector<16xf32>,
      %broadcast_in_dim3A_987 = arith.constant 7 : i32
      %broadcast_in_dim3A_988 = vector.broadcast %broadcast_in_dim3A_987 : i32 to vector<16xi32>
      tpu.vector_store_idx %arg10[%broadcast_in_dim3A_988, %get3A_940], %get3A_986 {add = true} : memref<8x10240xf32, #tpu.memory_space<vmem>>[vector<16xi32>, vector<16xi32>], vector<16xf32>,
      %get3A_989 = arith.constant 48 : index
      %get3A_990 = tpu.vector_load %arg8[%get3A_989] {strides = array<i32>} : memref<256xi32, #tpu.memory_space<vmem>>, vector<16xi32>,
      %get3A_991 = arith.constant 0 : i32
      %get3A_992 = arith.index_cast %get3A_991 : i32 to index
      %get3A_993 = arith.constant 48 : index
      %get3A_994 = tpu.vector_load %arg6[%get3A_992, %get3A_993] {strides = array<i32>} : memref<8x256xf32, #tpu.memory_space<vmem>>, vector<16xf32>,
      %broadcast_in_dim3A_995 = arith.constant 0 : i32
      %broadcast_in_dim3A_996 = vector.broadcast %broadcast_in_dim3A_995 : i32 to vector<16xi32>
      tpu.vector_store_idx %arg10[%broadcast_in_dim3A_996, %get3A_990], %get3A_994 {add = true} : memref<8x10240xf32, #tpu.memory_space<vmem>>[vector<16xi32>, vector<16xi32>], vector<16xf32>,
      %get3A_997 = arith.constant 1 : i32
      %get3A_998 = arith.index_cast %get3A_997 : i32 to index
      %get3A_999 = arith.constant 48 : index
      %get3A_1000 = tpu.vector_load %arg6[%get3A_998, %get3A_999] {strides = array<i32>} : memref<8x256xf32, #tpu.memory_space<vmem>>, vector<16xf32>,
      %broadcast_in_dim3A_1001 = arith.constant 1 : i32
      %broadcast_in_dim3A_1002 = vector.broadcast %broadcast_in_dim3A_1001 : i32 to vector<16xi32>
      tpu.vector_store_idx %arg10[%broadcast_in_dim3A_1002, %get3A_990], %get3A_1000 {add = true} : memref<8x10240xf32, #tpu.memory_space<vmem>>[vector<16xi32>, vector<16xi32>], vector<16xf32>,
      %get3A_1003 = arith.constant 2 : i32
      %get3A_1004 = arith.index_cast %get3A_1003 : i32 to index
      %get3A_1005 = arith.constant 48 : index
      %get3A_1006 = tpu.vector_load %arg6[%get3A_1004, %get3A_1005] {strides = array<i32>} : memref<8x256xf32, #tpu.memory_space<vmem>>, vector<16xf32>,
      %broadcast_in_dim3A_1007 = arith.constant 2 : i32
      %broadcast_in_dim3A_1008 = vector.broadcast %broadcast_in_dim3A_1007 : i32 to vector<16xi32>
      tpu.vector_store_idx %arg10[%broadcast_in_dim3A_1008, %get3A_990], %get3A_1006 {add = true} : memref<8x10240xf32, #tpu.memory_space<vmem>>[vector<16xi32>, vector<16xi32>], vector<16xf32>,
      %get3A_1009 = arith.constant 3 : i32
      %get3A_1010 = arith.index_cast %get3A_1009 : i32 to index
      %get3A_1011 = arith.constant 48 : index
      %get3A_1012 = tpu.vector_load %arg6[%get3A_1010, %get3A_1011] {strides = array<i32>} : memref<8x256xf32, #tpu.memory_space<vmem>>, vector<16xf32>,
      %broadcast_in_dim3A_1013 = arith.constant 3 : i32
      %broadcast_in_dim3A_1014 = vector.broadcast %broadcast_in_dim3A_1013 : i32 to vector<16xi32>
      tpu.vector_store_idx %arg10[%broadcast_in_dim3A_1014, %get3A_990], %get3A_1012 {add = true} : memref<8x10240xf32, #tpu.memory_space<vmem>>[vector<16xi32>, vector<16xi32>], vector<16xf32>,
      %get3A_1015 = arith.constant 4 : i32
      %get3A_1016 = arith.index_cast %get3A_1015 : i32 to index
      %get3A_1017 = arith.constant 48 : index
      %get3A_1018 = tpu.vector_load %arg6[%get3A_1016, %get3A_1017] {strides = array<i32>} : memref<8x256xf32, #tpu.memory_space<vmem>>, vector<16xf32>,
      %broadcast_in_dim3A_1019 = arith.constant 4 : i32
      %broadcast_in_dim3A_1020 = vector.broadcast %broadcast_in_dim3A_1019 : i32 to vector<16xi32>
      tpu.vector_store_idx %arg10[%broadcast_in_dim3A_1020, %get3A_990], %get3A_1018 {add = true} : memref<8x10240xf32, #tpu.memory_space<vmem>>[vector<16xi32>, vector<16xi32>], vector<16xf32>,
      %get3A_1021 = arith.constant 5 : i32
      %get3A_1022 = arith.index_cast %get3A_1021 : i32 to index
      %get3A_1023 = arith.constant 48 : index
      %get3A_1024 = tpu.vector_load %arg6[%get3A_1022, %get3A_1023] {strides = array<i32>} : memref<8x256xf32, #tpu.memory_space<vmem>>, vector<16xf32>,
      %broadcast_in_dim3A_1025 = arith.constant 5 : i32
      %broadcast_in_dim3A_1026 = vector.broadcast %broadcast_in_dim3A_1025 : i32 to vector<16xi32>
      tpu.vector_store_idx %arg10[%broadcast_in_dim3A_1026, %get3A_990], %get3A_1024 {add = true} : memref<8x10240xf32, #tpu.memory_space<vmem>>[vector<16xi32>, vector<16xi32>], vector<16xf32>,
      %get3A_1027 = arith.constant 6 : i32
      %get3A_1028 = arith.index_cast %get3A_1027 : i32 to index
      %get3A_1029 = arith.constant 48 : index
      %get3A_1030 = tpu.vector_load %arg6[%get3A_1028, %get3A_1029] {strides = array<i32>} : memref<8x256xf32, #tpu.memory_space<vmem>>, vector<16xf32>,
      %broadcast_in_dim3A_1031 = arith.constant 6 : i32
      %broadcast_in_dim3A_1032 = vector.broadcast %broadcast_in_dim3A_1031 : i32 to vector<16xi32>
      tpu.vector_store_idx %arg10[%broadcast_in_dim3A_1032, %get3A_990], %get3A_1030 {add = true} : memref<8x10240xf32, #tpu.memory_space<vmem>>[vector<16xi32>, vector<16xi32>], vector<16xf32>,
      %get3A_1033 = arith.constant 7 : i32
      %get3A_1034 = arith.index_cast %get3A_1033 : i32 to index
      %get3A_1035 = arith.constant 48 : index
      %get3A_1036 = tpu.vector_load %arg6[%get3A_1034, %get3A_1035] {strides = array<i32>} : memref<8x256xf32, #tpu.memory_space<vmem>>, vector<16xf32>,
      %broadcast_in_dim3A_1037 = arith.constant 7 : i32
      %broadcast_in_dim3A_1038 = vector.broadcast %broadcast_in_dim3A_1037 : i32 to vector<16xi32>
      tpu.vector_store_idx %arg10[%broadcast_in_dim3A_1038, %get3A_990], %get3A_1036 {add = true} : memref<8x10240xf32, #tpu.memory_space<vmem>>[vector<16xi32>, vector<16xi32>], vector<16xf32>,
      %get3A_1039 = arith.constant 64 : index
      %get3A_1040 = tpu.vector_load %arg8[%get3A_1039] {strides = array<i32>} : memref<256xi32, #tpu.memory_space<vmem>>, vector<16xi32>,
      %get3A_1041 = arith.constant 0 : i32
      %get3A_1042 = arith.index_cast %get3A_1041 : i32 to index
      %get3A_1043 = arith.constant 64 : index
      %get3A_1044 = tpu.vector_load %arg6[%get3A_1042, %get3A_1043] {strides = array<i32>} : memref<8x256xf32, #tpu.memory_space<vmem>>, vector<16xf32>,
      %broadcast_in_dim3A_1045 = arith.constant 0 : i32
      %broadcast_in_dim3A_1046 = vector.broadcast %broadcast_in_dim3A_1045 : i32 to vector<16xi32>
      tpu.vector_store_idx %arg10[%broadcast_in_dim3A_1046, %get3A_1040], %get3A_1044 {add = true} : memref<8x10240xf32, #tpu.memory_space<vmem>>[vector<16xi32>, vector<16xi32>], vector<16xf32>,
      %get3A_1047 = arith.constant 1 : i32
      %get3A_1048 = arith.index_cast %get3A_1047 : i32 to index
      %get3A_1049 = arith.constant 64 : index
      %get3A_1050 = tpu.vector_load %arg6[%get3A_1048, %get3A_1049] {strides = array<i32>} : memref<8x256xf32, #tpu.memory_space<vmem>>, vector<16xf32>,
      %broadcast_in_dim3A_1051 = arith.constant 1 : i32
      %broadcast_in_dim3A_1052 = vector.broadcast %broadcast_in_dim3A_1051 : i32 to vector<16xi32>
      tpu.vector_store_idx %arg10[%broadcast_in_dim3A_1052, %get3A_1040], %get3A_1050 {add = true} : memref<8x10240xf32, #tpu.memory_space<vmem>>[vector<16xi32>, vector<16xi32>], vector<16xf32>,
      %get3A_1053 = arith.constant 2 : i32
      %get3A_1054 = arith.index_cast %get3A_1053 : i32 to index
      %get3A_1055 = arith.constant 64 : index
      %get3A_1056 = tpu.vector_load %arg6[%get3A_1054, %get3A_1055] {strides = array<i32>} : memref<8x256xf32, #tpu.memory_space<vmem>>, vector<16xf32>,
      %broadcast_in_dim3A_1057 = arith.constant 2 : i32
      %broadcast_in_dim3A_1058 = vector.broadcast %broadcast_in_dim3A_1057 : i32 to vector<16xi32>
      tpu.vector_store_idx %arg10[%broadcast_in_dim3A_1058, %get3A_1040], %get3A_1056 {add = true} : memref<8x10240xf32, #tpu.memory_space<vmem>>[vector<16xi32>, vector<16xi32>], vector<16xf32>,
      %get3A_1059 = arith.constant 3 : i32
      %get3A_1060 = arith.index_cast %get3A_1059 : i32 to index
      %get3A_1061 = arith.constant 64 : index
      %get3A_1062 = tpu.vector_load %arg6[%get3A_1060, %get3A_1061] {strides = array<i32>} : memref<8x256xf32, #tpu.memory_space<vmem>>, vector<16xf32>,
      %broadcast_in_dim3A_1063 = arith.constant 3 : i32
      %broadcast_in_dim3A_1064 = vector.broadcast %broadcast_in_dim3A_1063 : i32 to vector<16xi32>
      tpu.vector_store_idx %arg10[%broadcast_in_dim3A_1064, %get3A_1040], %get3A_1062 {add = true} : memref<8x10240xf32, #tpu.memory_space<vmem>>[vector<16xi32>, vector<16xi32>], vector<16xf32>,
      %get3A_1065 = arith.constant 4 : i32
      %get3A_1066 = arith.index_cast %get3A_1065 : i32 to index
      %get3A_1067 = arith.constant 64 : index
      %get3A_1068 = tpu.vector_load %arg6[%get3A_1066, %get3A_1067] {strides = array<i32>} : memref<8x256xf32, #tpu.memory_space<vmem>>, vector<16xf32>,
      %broadcast_in_dim3A_1069 = arith.constant 4 : i32
      %broadcast_in_dim3A_1070 = vector.broadcast %broadcast_in_dim3A_1069 : i32 to vector<16xi32>
      tpu.vector_store_idx %arg10[%broadcast_in_dim3A_1070, %get3A_1040], %get3A_1068 {add = true} : memref<8x10240xf32, #tpu.memory_space<vmem>>[vector<16xi32>, vector<16xi32>], vector<16xf32>,
      %get3A_1071 = arith.constant 5 : i32
      %get3A_1072 = arith.index_cast %get3A_1071 : i32 to index
      %get3A_1073 = arith.constant 64 : index
      %get3A_1074 = tpu.vector_load %arg6[%get3A_1072, %get3A_1073] {strides = array<i32>} : memref<8x256xf32, #tpu.memory_space<vmem>>, vector<16xf32>,
      %broadcast_in_dim3A_1075 = arith.constant 5 : i32
      %broadcast_in_dim3A_1076 = vector.broadcast %broadcast_in_dim3A_1075 : i32 to vector<16xi32>
      tpu.vector_store_idx %arg10[%broadcast_in_dim3A_1076, %get3A_1040], %get3A_1074 {add = true} : memref<8x10240xf32, #tpu.memory_space<vmem>>[vector<16xi32>, vector<16xi32>], vector<16xf32>,
      %get3A_1077 = arith.constant 6 : i32
      %get3A_1078 = arith.index_cast %get3A_1077 : i32 to index
      %get3A_1079 = arith.constant 64 : index
      %get3A_1080 = tpu.vector_load %arg6[%get3A_1078, %get3A_1079] {strides = array<i32>} : memref<8x256xf32, #tpu.memory_space<vmem>>, vector<16xf32>,
      %broadcast_in_dim3A_1081 = arith.constant 6 : i32
      %broadcast_in_dim3A_1082 = vector.broadcast %broadcast_in_dim3A_1081 : i32 to vector<16xi32>
      tpu.vector_store_idx %arg10[%broadcast_in_dim3A_1082, %get3A_1040], %get3A_1080 {add = true} : memref<8x10240xf32, #tpu.memory_space<vmem>>[vector<16xi32>, vector<16xi32>], vector<16xf32>,
      %get3A_1083 = arith.constant 7 : i32
      %get3A_1084 = arith.index_cast %get3A_1083 : i32 to index
      %get3A_1085 = arith.constant 64 : index
      %get3A_1086 = tpu.vector_load %arg6[%get3A_1084, %get3A_1085] {strides = array<i32>} : memref<8x256xf32, #tpu.memory_space<vmem>>, vector<16xf32>,
      %broadcast_in_dim3A_1087 = arith.constant 7 : i32
      %broadcast_in_dim3A_1088 = vector.broadcast %broadcast_in_dim3A_1087 : i32 to vector<16xi32>
      tpu.vector_store_idx %arg10[%broadcast_in_dim3A_1088, %get3A_1040], %get3A_1086 {add = true} : memref<8x10240xf32, #tpu.memory_space<vmem>>[vector<16xi32>, vector<16xi32>], vector<16xf32>,
      %get3A_1089 = arith.constant 80 : index
      %get3A_1090 = tpu.vector_load %arg8[%get3A_1089] {strides = array<i32>} : memref<256xi32, #tpu.memory_space<vmem>>, vector<16xi32>,
      %get3A_1091 = arith.constant 0 : i32
      %get3A_1092 = arith.index_cast %get3A_1091 : i32 to index
      %get3A_1093 = arith.constant 80 : index
      %get3A_1094 = tpu.vector_load %arg6[%get3A_1092, %get3A_1093] {strides = array<i32>} : memref<8x256xf32, #tpu.memory_space<vmem>>, vector<16xf32>,
      %broadcast_in_dim3A_1095 = arith.constant 0 : i32
      %broadcast_in_dim3A_1096 = vector.broadcast %broadcast_in_dim3A_1095 : i32 to vector<16xi32>
      tpu.vector_store_idx %arg10[%broadcast_in_dim3A_1096, %get3A_1090], %get3A_1094 {add = true} : memref<8x10240xf32, #tpu.memory_space<vmem>>[vector<16xi32>, vector<16xi32>], vector<16xf32>,
      %get3A_1097 = arith.constant 1 : i32
      %get3A_1098 = arith.index_cast %get3A_1097 : i32 to index
      %get3A_1099 = arith.constant 80 : index
      %get3A_1100 = tpu.vector_load %arg6[%get3A_1098, %get3A_1099] {strides = array<i32>} : memref<8x256xf32, #tpu.memory_space<vmem>>, vector<16xf32>,
      %broadcast_in_dim3A_1101 = arith.constant 1 : i32
      %broadcast_in_dim3A_1102 = vector.broadcast %broadcast_in_dim3A_1101 : i32 to vector<16xi32>
      tpu.vector_store_idx %arg10[%broadcast_in_dim3A_1102, %get3A_1090], %get3A_1100 {add = true} : memref<8x10240xf32, #tpu.memory_space<vmem>>[vector<16xi32>, vector<16xi32>], vector<16xf32>,
      %get3A_1103 = arith.constant 2 : i32
      %get3A_1104 = arith.index_cast %get3A_1103 : i32 to index
      %get3A_1105 = arith.constant 80 : index
      %get3A_1106 = tpu.vector_load %arg6[%get3A_1104, %get3A_1105] {strides = array<i32>} : memref<8x256xf32, #tpu.memory_space<vmem>>, vector<16xf32>,
      %broadcast_in_dim3A_1107 = arith.constant 2 : i32
      %broadcast_in_dim3A_1108 = vector.broadcast %broadcast_in_dim3A_1107 : i32 to vector<16xi32>
      tpu.vector_store_idx %arg10[%broadcast_in_dim3A_1108, %get3A_1090], %get3A_1106 {add = true} : memref<8x10240xf32, #tpu.memory_space<vmem>>[vector<16xi32>, vector<16xi32>], vector<16xf32>,
      %get3A_1109 = arith.constant 3 : i32
      %get3A_1110 = arith.index_cast %get3A_1109 : i32 to index
      %get3A_1111 = arith.constant 80 : index
      %get3A_1112 = tpu.vector_load %arg6[%get3A_1110, %get3A_1111] {strides = array<i32>} : memref<8x256xf32, #tpu.memory_space<vmem>>, vector<16xf32>,
      %broadcast_in_dim3A_1113 = arith.constant 3 : i32
      %broadcast_in_dim3A_1114 = vector.broadcast %broadcast_in_dim3A_1113 : i32 to vector<16xi32>
      tpu.vector_store_idx %arg10[%broadcast_in_dim3A_1114, %get3A_1090], %get3A_1112 {add = true} : memref<8x10240xf32, #tpu.memory_space<vmem>>[vector<16xi32>, vector<16xi32>], vector<16xf32>,
      %get3A_1115 = arith.constant 4 : i32
      %get3A_1116 = arith.index_cast %get3A_1115 : i32 to index
      %get3A_1117 = arith.constant 80 : index
      %get3A_1118 = tpu.vector_load %arg6[%get3A_1116, %get3A_1117] {strides = array<i32>} : memref<8x256xf32, #tpu.memory_space<vmem>>, vector<16xf32>,
      %broadcast_in_dim3A_1119 = arith.constant 4 : i32
      %broadcast_in_dim3A_1120 = vector.broadcast %broadcast_in_dim3A_1119 : i32 to vector<16xi32>
      tpu.vector_store_idx %arg10[%broadcast_in_dim3A_1120, %get3A_1090], %get3A_1118 {add = true} : memref<8x10240xf32, #tpu.memory_space<vmem>>[vector<16xi32>, vector<16xi32>], vector<16xf32>,
      %get3A_1121 = arith.constant 5 : i32
      %get3A_1122 = arith.index_cast %get3A_1121 : i32 to index
      %get3A_1123 = arith.constant 80 : index
      %get3A_1124 = tpu.vector_load %arg6[%get3A_1122, %get3A_1123] {strides = array<i32>} : memref<8x256xf32, #tpu.memory_space<vmem>>, vector<16xf32>,
      %broadcast_in_dim3A_1125 = arith.constant 5 : i32
      %broadcast_in_dim3A_1126 = vector.broadcast %broadcast_in_dim3A_1125 : i32 to vector<16xi32>
      tpu.vector_store_idx %arg10[%broadcast_in_dim3A_1126, %get3A_1090], %get3A_1124 {add = true} : memref<8x10240xf32, #tpu.memory_space<vmem>>[vector<16xi32>, vector<16xi32>], vector<16xf32>,
      %get3A_1127 = arith.constant 6 : i32
      %get3A_1128 = arith.index_cast %get3A_1127 : i32 to index
      %get3A_1129 = arith.constant 80 : index
      %get3A_1130 = tpu.vector_load %arg6[%get3A_1128, %get3A_1129] {strides = array<i32>} : memref<8x256xf32, #tpu.memory_space<vmem>>, vector<16xf32>,
      %broadcast_in_dim3A_1131 = arith.constant 6 : i32
      %broadcast_in_dim3A_1132 = vector.broadcast %broadcast_in_dim3A_1131 : i32 to vector<16xi32>
      tpu.vector_store_idx %arg10[%broadcast_in_dim3A_1132, %get3A_1090], %get3A_1130 {add = true} : memref<8x10240xf32, #tpu.memory_space<vmem>>[vector<16xi32>, vector<16xi32>], vector<16xf32>,
      %get3A_1133 = arith.constant 7 : i32
      %get3A_1134 = arith.index_cast %get3A_1133 : i32 to index
      %get3A_1135 = arith.constant 80 : index
      %get3A_1136 = tpu.vector_load %arg6[%get3A_1134, %get3A_1135] {strides = array<i32>} : memref<8x256xf32, #tpu.memory_space<vmem>>, vector<16xf32>,
      %broadcast_in_dim3A_1137 = arith.constant 7 : i32
      %broadcast_in_dim3A_1138 = vector.broadcast %broadcast_in_dim3A_1137 : i32 to vector<16xi32>
      tpu.vector_store_idx %arg10[%broadcast_in_dim3A_1138, %get3A_1090], %get3A_1136 {add = true} : memref<8x10240xf32, #tpu.memory_space<vmem>>[vector<16xi32>, vector<16xi32>], vector<16xf32>,
      %get3A_1139 = arith.constant 96 : index
      %get3A_1140 = tpu.vector_load %arg8[%get3A_1139] {strides = array<i32>} : memref<256xi32, #tpu.memory_space<vmem>>, vector<16xi32>,
      %get3A_1141 = arith.constant 0 : i32
      %get3A_1142 = arith.index_cast %get3A_1141 : i32 to index
      %get3A_1143 = arith.constant 96 : index
      %get3A_1144 = tpu.vector_load %arg6[%get3A_1142, %get3A_1143] {strides = array<i32>} : memref<8x256xf32, #tpu.memory_space<vmem>>, vector<16xf32>,
      %broadcast_in_dim3A_1145 = arith.constant 0 : i32
      %broadcast_in_dim3A_1146 = vector.broadcast %broadcast_in_dim3A_1145 : i32 to vector<16xi32>
      tpu.vector_store_idx %arg10[%broadcast_in_dim3A_1146, %get3A_1140], %get3A_1144 {add = true} : memref<8x10240xf32, #tpu.memory_space<vmem>>[vector<16xi32>, vector<16xi32>], vector<16xf32>,
      %get3A_1147 = arith.constant 1 : i32
      %get3A_1148 = arith.index_cast %get3A_1147 : i32 to index
      %get3A_1149 = arith.constant 96 : index
      %get3A_1150 = tpu.vector_load %arg6[%get3A_1148, %get3A_1149] {strides = array<i32>} : memref<8x256xf32, #tpu.memory_space<vmem>>, vector<16xf32>,
      %broadcast_in_dim3A_1151 = arith.constant 1 : i32
      %broadcast_in_dim3A_1152 = vector.broadcast %broadcast_in_dim3A_1151 : i32 to vector<16xi32>
      tpu.vector_store_idx %arg10[%broadcast_in_dim3A_1152, %get3A_1140], %get3A_1150 {add = true} : memref<8x10240xf32, #tpu.memory_space<vmem>>[vector<16xi32>, vector<16xi32>], vector<16xf32>,
      %get3A_1153 = arith.constant 2 : i32
      %get3A_1154 = arith.index_cast %get3A_1153 : i32 to index
      %get3A_1155 = arith.constant 96 : index
      %get3A_1156 = tpu.vector_load %arg6[%get3A_1154, %get3A_1155] {strides = array<i32>} : memref<8x256xf32, #tpu.memory_space<vmem>>, vector<16xf32>,
      %broadcast_in_dim3A_1157 = arith.constant 2 : i32
      %broadcast_in_dim3A_1158 = vector.broadcast %broadcast_in_dim3A_1157 : i32 to vector<16xi32>
      tpu.vector_store_idx %arg10[%broadcast_in_dim3A_1158, %get3A_1140], %get3A_1156 {add = true} : memref<8x10240xf32, #tpu.memory_space<vmem>>[vector<16xi32>, vector<16xi32>], vector<16xf32>,
      %get3A_1159 = arith.constant 3 : i32
      %get3A_1160 = arith.index_cast %get3A_1159 : i32 to index
      %get3A_1161 = arith.constant 96 : index
      %get3A_1162 = tpu.vector_load %arg6[%get3A_1160, %get3A_1161] {strides = array<i32>} : memref<8x256xf32, #tpu.memory_space<vmem>>, vector<16xf32>,
      %broadcast_in_dim3A_1163 = arith.constant 3 : i32
      %broadcast_in_dim3A_1164 = vector.broadcast %broadcast_in_dim3A_1163 : i32 to vector<16xi32>
      tpu.vector_store_idx %arg10[%broadcast_in_dim3A_1164, %get3A_1140], %get3A_1162 {add = true} : memref<8x10240xf32, #tpu.memory_space<vmem>>[vector<16xi32>, vector<16xi32>], vector<16xf32>,
      %get3A_1165 = arith.constant 4 : i32
      %get3A_1166 = arith.index_cast %get3A_1165 : i32 to index
      %get3A_1167 = arith.constant 96 : index
      %get3A_1168 = tpu.vector_load %arg6[%get3A_1166, %get3A_1167] {strides = array<i32>} : memref<8x256xf32, #tpu.memory_space<vmem>>, vector<16xf32>,
      %broadcast_in_dim3A_1169 = arith.constant 4 : i32
      %broadcast_in_dim3A_1170 = vector.broadcast %broadcast_in_dim3A_1169 : i32 to vector<16xi32>
      tpu.vector_store_idx %arg10[%broadcast_in_dim3A_1170, %get3A_1140], %get3A_1168 {add = true} : memref<8x10240xf32, #tpu.memory_space<vmem>>[vector<16xi32>, vector<16xi32>], vector<16xf32>,
      %get3A_1171 = arith.constant 5 : i32
      %get3A_1172 = arith.index_cast %get3A_1171 : i32 to index
      %get3A_1173 = arith.constant 96 : index
      %get3A_1174 = tpu.vector_load %arg6[%get3A_1172, %get3A_1173] {strides = array<i32>} : memref<8x256xf32, #tpu.memory_space<vmem>>, vector<16xf32>,
      %broadcast_in_dim3A_1175 = arith.constant 5 : i32
      %broadcast_in_dim3A_1176 = vector.broadcast %broadcast_in_dim3A_1175 : i32 to vector<16xi32>
      tpu.vector_store_idx %arg10[%broadcast_in_dim3A_1176, %get3A_1140], %get3A_1174 {add = true} : memref<8x10240xf32, #tpu.memory_space<vmem>>[vector<16xi32>, vector<16xi32>], vector<16xf32>,
      %get3A_1177 = arith.constant 6 : i32
      %get3A_1178 = arith.index_cast %get3A_1177 : i32 to index
      %get3A_1179 = arith.constant 96 : index
      %get3A_1180 = tpu.vector_load %arg6[%get3A_1178, %get3A_1179] {strides = array<i32>} : memref<8x256xf32, #tpu.memory_space<vmem>>, vector<16xf32>,
      %broadcast_in_dim3A_1181 = arith.constant 6 : i32
      %broadcast_in_dim3A_1182 = vector.broadcast %broadcast_in_dim3A_1181 : i32 to vector<16xi32>
      tpu.vector_store_idx %arg10[%broadcast_in_dim3A_1182, %get3A_1140], %get3A_1180 {add = true} : memref<8x10240xf32, #tpu.memory_space<vmem>>[vector<16xi32>, vector<16xi32>], vector<16xf32>,
      %get3A_1183 = arith.constant 7 : i32
      %get3A_1184 = arith.index_cast %get3A_1183 : i32 to index
      %get3A_1185 = arith.constant 96 : index
      %get3A_1186 = tpu.vector_load %arg6[%get3A_1184, %get3A_1185] {strides = array<i32>} : memref<8x256xf32, #tpu.memory_space<vmem>>, vector<16xf32>,
      %broadcast_in_dim3A_1187 = arith.constant 7 : i32
      %broadcast_in_dim3A_1188 = vector.broadcast %broadcast_in_dim3A_1187 : i32 to vector<16xi32>
      tpu.vector_store_idx %arg10[%broadcast_in_dim3A_1188, %get3A_1140], %get3A_1186 {add = true} : memref<8x10240xf32, #tpu.memory_space<vmem>>[vector<16xi32>, vector<16xi32>], vector<16xf32>,
      %get3A_1189 = arith.constant 112 : index
      %get3A_1190 = tpu.vector_load %arg8[%get3A_1189] {strides = array<i32>} : memref<256xi32, #tpu.memory_space<vmem>>, vector<16xi32>,
      %get3A_1191 = arith.constant 0 : i32
      %get3A_1192 = arith.index_cast %get3A_1191 : i32 to index
      %get3A_1193 = arith.constant 112 : index
      %get3A_1194 = tpu.vector_load %arg6[%get3A_1192, %get3A_1193] {strides = array<i32>} : memref<8x256xf32, #tpu.memory_space<vmem>>, vector<16xf32>,
      %broadcast_in_dim3A_1195 = arith.constant 0 : i32
      %broadcast_in_dim3A_1196 = vector.broadcast %broadcast_in_dim3A_1195 : i32 to vector<16xi32>
      tpu.vector_store_idx %arg10[%broadcast_in_dim3A_1196, %get3A_1190], %get3A_1194 {add = true} : memref<8x10240xf32, #tpu.memory_space<vmem>>[vector<16xi32>, vector<16xi32>], vector<16xf32>,
      %get3A_1197 = arith.constant 1 : i32
      %get3A_1198 = arith.index_cast %get3A_1197 : i32 to index
      %get3A_1199 = arith.constant 112 : index
      %get3A_1200 = tpu.vector_load %arg6[%get3A_1198, %get3A_1199] {strides = array<i32>} : memref<8x256xf32, #tpu.memory_space<vmem>>, vector<16xf32>,
      %broadcast_in_dim3A_1201 = arith.constant 1 : i32
      %broadcast_in_dim3A_1202 = vector.broadcast %broadcast_in_dim3A_1201 : i32 to vector<16xi32>
      tpu.vector_store_idx %arg10[%broadcast_in_dim3A_1202, %get3A_1190], %get3A_1200 {add = true} : memref<8x10240xf32, #tpu.memory_space<vmem>>[vector<16xi32>, vector<16xi32>], vector<16xf32>,
      %get3A_1203 = arith.constant 2 : i32
      %get3A_1204 = arith.index_cast %get3A_1203 : i32 to index
      %get3A_1205 = arith.constant 112 : index
      %get3A_1206 = tpu.vector_load %arg6[%get3A_1204, %get3A_1205] {strides = array<i32>} : memref<8x256xf32, #tpu.memory_space<vmem>>, vector<16xf32>,
      %broadcast_in_dim3A_1207 = arith.constant 2 : i32
      %broadcast_in_dim3A_1208 = vector.broadcast %broadcast_in_dim3A_1207 : i32 to vector<16xi32>
      tpu.vector_store_idx %arg10[%broadcast_in_dim3A_1208, %get3A_1190], %get3A_1206 {add = true} : memref<8x10240xf32, #tpu.memory_space<vmem>>[vector<16xi32>, vector<16xi32>], vector<16xf32>,
      %get3A_1209 = arith.constant 3 : i32
      %get3A_1210 = arith.index_cast %get3A_1209 : i32 to index
      %get3A_1211 = arith.constant 112 : index
      %get3A_1212 = tpu.vector_load %arg6[%get3A_1210, %get3A_1211] {strides = array<i32>} : memref<8x256xf32, #tpu.memory_space<vmem>>, vector<16xf32>,
      %broadcast_in_dim3A_1213 = arith.constant 3 : i32
      %broadcast_in_dim3A_1214 = vector.broadcast %broadcast_in_dim3A_1213 : i32 to vector<16xi32>
      tpu.vector_store_idx %arg10[%broadcast_in_dim3A_1214, %get3A_1190], %get3A_1212 {add = true} : memref<8x10240xf32, #tpu.memory_space<vmem>>[vector<16xi32>, vector<16xi32>], vector<16xf32>,
      %get3A_1215 = arith.constant 4 : i32
      %get3A_1216 = arith.index_cast %get3A_1215 : i32 to index
      %get3A_1217 = arith.constant 112 : index
      %get3A_1218 = tpu.vector_load %arg6[%get3A_1216, %get3A_1217] {strides = array<i32>} : memref<8x256xf32, #tpu.memory_space<vmem>>, vector<16xf32>,
      %broadcast_in_dim3A_1219 = arith.constant 4 : i32
      %broadcast_in_dim3A_1220 = vector.broadcast %broadcast_in_dim3A_1219 : i32 to vector<16xi32>
      tpu.vector_store_idx %arg10[%broadcast_in_dim3A_1220, %get3A_1190], %get3A_1218 {add = true} : memref<8x10240xf32, #tpu.memory_space<vmem>>[vector<16xi32>, vector<16xi32>], vector<16xf32>,
      %get3A_1221 = arith.constant 5 : i32
      %get3A_1222 = arith.index_cast %get3A_1221 : i32 to index
      %get3A_1223 = arith.constant 112 : index
      %get3A_1224 = tpu.vector_load %arg6[%get3A_1222, %get3A_1223] {strides = array<i32>} : memref<8x256xf32, #tpu.memory_space<vmem>>, vector<16xf32>,
      %broadcast_in_dim3A_1225 = arith.constant 5 : i32
      %broadcast_in_dim3A_1226 = vector.broadcast %broadcast_in_dim3A_1225 : i32 to vector<16xi32>
      tpu.vector_store_idx %arg10[%broadcast_in_dim3A_1226, %get3A_1190], %get3A_1224 {add = true} : memref<8x10240xf32, #tpu.memory_space<vmem>>[vector<16xi32>, vector<16xi32>], vector<16xf32>,
      %get3A_1227 = arith.constant 6 : i32
      %get3A_1228 = arith.index_cast %get3A_1227 : i32 to index
      %get3A_1229 = arith.constant 112 : index
      %get3A_1230 = tpu.vector_load %arg6[%get3A_1228, %get3A_1229] {strides = array<i32>} : memref<8x256xf32, #tpu.memory_space<vmem>>, vector<16xf32>,
      %broadcast_in_dim3A_1231 = arith.constant 6 : i32
      %broadcast_in_dim3A_1232 = vector.broadcast %broadcast_in_dim3A_1231 : i32 to vector<16xi32>
      tpu.vector_store_idx %arg10[%broadcast_in_dim3A_1232, %get3A_1190], %get3A_1230 {add = true} : memref<8x10240xf32, #tpu.memory_space<vmem>>[vector<16xi32>, vector<16xi32>], vector<16xf32>,
      %get3A_1233 = arith.constant 7 : i32
      %get3A_1234 = arith.index_cast %get3A_1233 : i32 to index
      %get3A_1235 = arith.constant 112 : index
      %get3A_1236 = tpu.vector_load %arg6[%get3A_1234, %get3A_1235] {strides = array<i32>} : memref<8x256xf32, #tpu.memory_space<vmem>>, vector<16xf32>,
      %broadcast_in_dim3A_1237 = arith.constant 7 : i32
      %broadcast_in_dim3A_1238 = vector.broadcast %broadcast_in_dim3A_1237 : i32 to vector<16xi32>
      tpu.vector_store_idx %arg10[%broadcast_in_dim3A_1238, %get3A_1190], %get3A_1236 {add = true} : memref<8x10240xf32, #tpu.memory_space<vmem>>[vector<16xi32>, vector<16xi32>], vector<16xf32>,
      %get3A_1239 = arith.constant 128 : index
      %get3A_1240 = tpu.vector_load %arg8[%get3A_1239] {strides = array<i32>} : memref<256xi32, #tpu.memory_space<vmem>>, vector<16xi32>,
      %get3A_1241 = arith.constant 0 : i32
      %get3A_1242 = arith.index_cast %get3A_1241 : i32 to index
      %get3A_1243 = arith.constant 128 : index
      %get3A_1244 = tpu.vector_load %arg6[%get3A_1242, %get3A_1243] {strides = array<i32>} : memref<8x256xf32, #tpu.memory_space<vmem>>, vector<16xf32>,
      %broadcast_in_dim3A_1245 = arith.constant 0 : i32
      %broadcast_in_dim3A_1246 = vector.broadcast %broadcast_in_dim3A_1245 : i32 to vector<16xi32>
      tpu.vector_store_idx %arg10[%broadcast_in_dim3A_1246, %get3A_1240], %get3A_1244 {add = true} : memref<8x10240xf32, #tpu.memory_space<vmem>>[vector<16xi32>, vector<16xi32>], vector<16xf32>,
      %get3A_1247 = arith.constant 1 : i32
      %get3A_1248 = arith.index_cast %get3A_1247 : i32 to index
      %get3A_1249 = arith.constant 128 : index
      %get3A_1250 = tpu.vector_load %arg6[%get3A_1248, %get3A_1249] {strides = array<i32>} : memref<8x256xf32, #tpu.memory_space<vmem>>, vector<16xf32>,
      %broadcast_in_dim3A_1251 = arith.constant 1 : i32
      %broadcast_in_dim3A_1252 = vector.broadcast %broadcast_in_dim3A_1251 : i32 to vector<16xi32>
      tpu.vector_store_idx %arg10[%broadcast_in_dim3A_1252, %get3A_1240], %get3A_1250 {add = true} : memref<8x10240xf32, #tpu.memory_space<vmem>>[vector<16xi32>, vector<16xi32>], vector<16xf32>,
      %get3A_1253 = arith.constant 2 : i32
      %get3A_1254 = arith.index_cast %get3A_1253 : i32 to index
      %get3A_1255 = arith.constant 128 : index
      %get3A_1256 = tpu.vector_load %arg6[%get3A_1254, %get3A_1255] {strides = array<i32>} : memref<8x256xf32, #tpu.memory_space<vmem>>, vector<16xf32>,
      %broadcast_in_dim3A_1257 = arith.constant 2 : i32
      %broadcast_in_dim3A_1258 = vector.broadcast %broadcast_in_dim3A_1257 : i32 to vector<16xi32>
      tpu.vector_store_idx %arg10[%broadcast_in_dim3A_1258, %get3A_1240], %get3A_1256 {add = true} : memref<8x10240xf32, #tpu.memory_space<vmem>>[vector<16xi32>, vector<16xi32>], vector<16xf32>,
      %get3A_1259 = arith.constant 3 : i32
      %get3A_1260 = arith.index_cast %get3A_1259 : i32 to index
      %get3A_1261 = arith.constant 128 : index
      %get3A_1262 = tpu.vector_load %arg6[%get3A_1260, %get3A_1261] {strides = array<i32>} : memref<8x256xf32, #tpu.memory_space<vmem>>, vector<16xf32>,
      %broadcast_in_dim3A_1263 = arith.constant 3 : i32
      %broadcast_in_dim3A_1264 = vector.broadcast %broadcast_in_dim3A_1263 : i32 to vector<16xi32>
      tpu.vector_store_idx %arg10[%broadcast_in_dim3A_1264, %get3A_1240], %get3A_1262 {add = true} : memref<8x10240xf32, #tpu.memory_space<vmem>>[vector<16xi32>, vector<16xi32>], vector<16xf32>,
      %get3A_1265 = arith.constant 4 : i32
      %get3A_1266 = arith.index_cast %get3A_1265 : i32 to index
      %get3A_1267 = arith.constant 128 : index
      %get3A_1268 = tpu.vector_load %arg6[%get3A_1266, %get3A_1267] {strides = array<i32>} : memref<8x256xf32, #tpu.memory_space<vmem>>, vector<16xf32>,
      %broadcast_in_dim3A_1269 = arith.constant 4 : i32
      %broadcast_in_dim3A_1270 = vector.broadcast %broadcast_in_dim3A_1269 : i32 to vector<16xi32>
      tpu.vector_store_idx %arg10[%broadcast_in_dim3A_1270, %get3A_1240], %get3A_1268 {add = true} : memref<8x10240xf32, #tpu.memory_space<vmem>>[vector<16xi32>, vector<16xi32>], vector<16xf32>,
      %get3A_1271 = arith.constant 5 : i32
      %get3A_1272 = arith.index_cast %get3A_1271 : i32 to index
      %get3A_1273 = arith.constant 128 : index
      %get3A_1274 = tpu.vector_load %arg6[%get3A_1272, %get3A_1273] {strides = array<i32>} : memref<8x256xf32, #tpu.memory_space<vmem>>, vector<16xf32>,
      %broadcast_in_dim3A_1275 = arith.constant 5 : i32
      %broadcast_in_dim3A_1276 = vector.broadcast %broadcast_in_dim3A_1275 : i32 to vector<16xi32>
      tpu.vector_store_idx %arg10[%broadcast_in_dim3A_1276, %get3A_1240], %get3A_1274 {add = true} : memref<8x10240xf32, #tpu.memory_space<vmem>>[vector<16xi32>, vector<16xi32>], vector<16xf32>,
      %get3A_1277 = arith.constant 6 : i32
      %get3A_1278 = arith.index_cast %get3A_1277 : i32 to index
      %get3A_1279 = arith.constant 128 : index
      %get3A_1280 = tpu.vector_load %arg6[%get3A_1278, %get3A_1279] {strides = array<i32>} : memref<8x256xf32, #tpu.memory_space<vmem>>, vector<16xf32>,
      %broadcast_in_dim3A_1281 = arith.constant 6 : i32
      %broadcast_in_dim3A_1282 = vector.broadcast %broadcast_in_dim3A_1281 : i32 to vector<16xi32>
      tpu.vector_store_idx %arg10[%broadcast_in_dim3A_1282, %get3A_1240], %get3A_1280 {add = true} : memref<8x10240xf32, #tpu.memory_space<vmem>>[vector<16xi32>, vector<16xi32>], vector<16xf32>,
      %get3A_1283 = arith.constant 7 : i32
      %get3A_1284 = arith.index_cast %get3A_1283 : i32 to index
      %get3A_1285 = arith.constant 128 : index
      %get3A_1286 = tpu.vector_load %arg6[%get3A_1284, %get3A_1285] {strides = array<i32>} : memref<8x256xf32, #tpu.memory_space<vmem>>, vector<16xf32>,
      %broadcast_in_dim3A_1287 = arith.constant 7 : i32
      %broadcast_in_dim3A_1288 = vector.broadcast %broadcast_in_dim3A_1287 : i32 to vector<16xi32>
      tpu.vector_store_idx %arg10[%broadcast_in_dim3A_1288, %get3A_1240], %get3A_1286 {add = true} : memref<8x10240xf32, #tpu.memory_space<vmem>>[vector<16xi32>, vector<16xi32>], vector<16xf32>,
      %get3A_1289 = arith.constant 144 : index
      %get3A_1290 = tpu.vector_load %arg8[%get3A_1289] {strides = array<i32>} : memref<256xi32, #tpu.memory_space<vmem>>, vector<16xi32>,
      %get3A_1291 = arith.constant 0 : i32
      %get3A_1292 = arith.index_cast %get3A_1291 : i32 to index
      %get3A_1293 = arith.constant 144 : index
      %get3A_1294 = tpu.vector_load %arg6[%get3A_1292, %get3A_1293] {strides = array<i32>} : memref<8x256xf32, #tpu.memory_space<vmem>>, vector<16xf32>,
      %broadcast_in_dim3A_1295 = arith.constant 0 : i32
      %broadcast_in_dim3A_1296 = vector.broadcast %broadcast_in_dim3A_1295 : i32 to vector<16xi32>
      tpu.vector_store_idx %arg10[%broadcast_in_dim3A_1296, %get3A_1290], %get3A_1294 {add = true} : memref<8x10240xf32, #tpu.memory_space<vmem>>[vector<16xi32>, vector<16xi32>], vector<16xf32>,
      %get3A_1297 = arith.constant 1 : i32
      %get3A_1298 = arith.index_cast %get3A_1297 : i32 to index
      %get3A_1299 = arith.constant 144 : index
      %get3A_1300 = tpu.vector_load %arg6[%get3A_1298, %get3A_1299] {strides = array<i32>} : memref<8x256xf32, #tpu.memory_space<vmem>>, vector<16xf32>,
      %broadcast_in_dim3A_1301 = arith.constant 1 : i32
      %broadcast_in_dim3A_1302 = vector.broadcast %broadcast_in_dim3A_1301 : i32 to vector<16xi32>
      tpu.vector_store_idx %arg10[%broadcast_in_dim3A_1302, %get3A_1290], %get3A_1300 {add = true} : memref<8x10240xf32, #tpu.memory_space<vmem>>[vector<16xi32>, vector<16xi32>], vector<16xf32>,
      %get3A_1303 = arith.constant 2 : i32
      %get3A_1304 = arith.index_cast %get3A_1303 : i32 to index
      %get3A_1305 = arith.constant 144 : index
      %get3A_1306 = tpu.vector_load %arg6[%get3A_1304, %get3A_1305] {strides = array<i32>} : memref<8x256xf32, #tpu.memory_space<vmem>>, vector<16xf32>,
      %broadcast_in_dim3A_1307 = arith.constant 2 : i32
      %broadcast_in_dim3A_1308 = vector.broadcast %broadcast_in_dim3A_1307 : i32 to vector<16xi32>
      tpu.vector_store_idx %arg10[%broadcast_in_dim3A_1308, %get3A_1290], %get3A_1306 {add = true} : memref<8x10240xf32, #tpu.memory_space<vmem>>[vector<16xi32>, vector<16xi32>], vector<16xf32>,
      %get3A_1309 = arith.constant 3 : i32
      %get3A_1310 = arith.index_cast %get3A_1309 : i32 to index
      %get3A_1311 = arith.constant 144 : index
      %get3A_1312 = tpu.vector_load %arg6[%get3A_1310, %get3A_1311] {strides = array<i32>} : memref<8x256xf32, #tpu.memory_space<vmem>>, vector<16xf32>,
      %broadcast_in_dim3A_1313 = arith.constant 3 : i32
      %broadcast_in_dim3A_1314 = vector.broadcast %broadcast_in_dim3A_1313 : i32 to vector<16xi32>
      tpu.vector_store_idx %arg10[%broadcast_in_dim3A_1314, %get3A_1290], %get3A_1312 {add = true} : memref<8x10240xf32, #tpu.memory_space<vmem>>[vector<16xi32>, vector<16xi32>], vector<16xf32>,
      %get3A_1315 = arith.constant 4 : i32
      %get3A_1316 = arith.index_cast %get3A_1315 : i32 to index
      %get3A_1317 = arith.constant 144 : index
      %get3A_1318 = tpu.vector_load %arg6[%get3A_1316, %get3A_1317] {strides = array<i32>} : memref<8x256xf32, #tpu.memory_space<vmem>>, vector<16xf32>,
      %broadcast_in_dim3A_1319 = arith.constant 4 : i32
      %broadcast_in_dim3A_1320 = vector.broadcast %broadcast_in_dim3A_1319 : i32 to vector<16xi32>
      tpu.vector_store_idx %arg10[%broadcast_in_dim3A_1320, %get3A_1290], %get3A_1318 {add = true} : memref<8x10240xf32, #tpu.memory_space<vmem>>[vector<16xi32>, vector<16xi32>], vector<16xf32>,
      %get3A_1321 = arith.constant 5 : i32
      %get3A_1322 = arith.index_cast %get3A_1321 : i32 to index
      %get3A_1323 = arith.constant 144 : index
      %get3A_1324 = tpu.vector_load %arg6[%get3A_1322, %get3A_1323] {strides = array<i32>} : memref<8x256xf32, #tpu.memory_space<vmem>>, vector<16xf32>,
      %broadcast_in_dim3A_1325 = arith.constant 5 : i32
      %broadcast_in_dim3A_1326 = vector.broadcast %broadcast_in_dim3A_1325 : i32 to vector<16xi32>
      tpu.vector_store_idx %arg10[%broadcast_in_dim3A_1326, %get3A_1290], %get3A_1324 {add = true} : memref<8x10240xf32, #tpu.memory_space<vmem>>[vector<16xi32>, vector<16xi32>], vector<16xf32>,
      %get3A_1327 = arith.constant 6 : i32
      %get3A_1328 = arith.index_cast %get3A_1327 : i32 to index
      %get3A_1329 = arith.constant 144 : index
      %get3A_1330 = tpu.vector_load %arg6[%get3A_1328, %get3A_1329] {strides = array<i32>} : memref<8x256xf32, #tpu.memory_space<vmem>>, vector<16xf32>,
      %broadcast_in_dim3A_1331 = arith.constant 6 : i32
      %broadcast_in_dim3A_1332 = vector.broadcast %broadcast_in_dim3A_1331 : i32 to vector<16xi32>
      tpu.vector_store_idx %arg10[%broadcast_in_dim3A_1332, %get3A_1290], %get3A_1330 {add = true} : memref<8x10240xf32, #tpu.memory_space<vmem>>[vector<16xi32>, vector<16xi32>], vector<16xf32>,
      %get3A_1333 = arith.constant 7 : i32
      %get3A_1334 = arith.index_cast %get3A_1333 : i32 to index
      %get3A_1335 = arith.constant 144 : index
      %get3A_1336 = tpu.vector_load %arg6[%get3A_1334, %get3A_1335] {strides = array<i32>} : memref<8x256xf32, #tpu.memory_space<vmem>>, vector<16xf32>,
      %broadcast_in_dim3A_1337 = arith.constant 7 : i32
      %broadcast_in_dim3A_1338 = vector.broadcast %broadcast_in_dim3A_1337 : i32 to vector<16xi32>
      tpu.vector_store_idx %arg10[%broadcast_in_dim3A_1338, %get3A_1290], %get3A_1336 {add = true} : memref<8x10240xf32, #tpu.memory_space<vmem>>[vector<16xi32>, vector<16xi32>], vector<16xf32>,
      %get3A_1339 = arith.constant 160 : index
      %get3A_1340 = tpu.vector_load %arg8[%get3A_1339] {strides = array<i32>} : memref<256xi32, #tpu.memory_space<vmem>>, vector<16xi32>,
      %get3A_1341 = arith.constant 0 : i32
      %get3A_1342 = arith.index_cast %get3A_1341 : i32 to index
      %get3A_1343 = arith.constant 160 : index
      %get3A_1344 = tpu.vector_load %arg6[%get3A_1342, %get3A_1343] {strides = array<i32>} : memref<8x256xf32, #tpu.memory_space<vmem>>, vector<16xf32>,
      %broadcast_in_dim3A_1345 = arith.constant 0 : i32
      %broadcast_in_dim3A_1346 = vector.broadcast %broadcast_in_dim3A_1345 : i32 to vector<16xi32>
      tpu.vector_store_idx %arg10[%broadcast_in_dim3A_1346, %get3A_1340], %get3A_1344 {add = true} : memref<8x10240xf32, #tpu.memory_space<vmem>>[vector<16xi32>, vector<16xi32>], vector<16xf32>,
      %get3A_1347 = arith.constant 1 : i32
      %get3A_1348 = arith.index_cast %get3A_1347 : i32 to index
      %get3A_1349 = arith.constant 160 : index
      %get3A_1350 = tpu.vector_load %arg6[%get3A_1348, %get3A_1349] {strides = array<i32>} : memref<8x256xf32, #tpu.memory_space<vmem>>, vector<16xf32>,
      %broadcast_in_dim3A_1351 = arith.constant 1 : i32
      %broadcast_in_dim3A_1352 = vector.broadcast %broadcast_in_dim3A_1351 : i32 to vector<16xi32>
      tpu.vector_store_idx %arg10[%broadcast_in_dim3A_1352, %get3A_1340], %get3A_1350 {add = true} : memref<8x10240xf32, #tpu.memory_space<vmem>>[vector<16xi32>, vector<16xi32>], vector<16xf32>,
      %get3A_1353 = arith.constant 2 : i32
      %get3A_1354 = arith.index_cast %get3A_1353 : i32 to index
      %get3A_1355 = arith.constant 160 : index
      %get3A_1356 = tpu.vector_load %arg6[%get3A_1354, %get3A_1355] {strides = array<i32>} : memref<8x256xf32, #tpu.memory_space<vmem>>, vector<16xf32>,
      %broadcast_in_dim3A_1357 = arith.constant 2 : i32
      %broadcast_in_dim3A_1358 = vector.broadcast %broadcast_in_dim3A_1357 : i32 to vector<16xi32>
      tpu.vector_store_idx %arg10[%broadcast_in_dim3A_1358, %get3A_1340], %get3A_1356 {add = true} : memref<8x10240xf32, #tpu.memory_space<vmem>>[vector<16xi32>, vector<16xi32>], vector<16xf32>,
      %get3A_1359 = arith.constant 3 : i32
      %get3A_1360 = arith.index_cast %get3A_1359 : i32 to index
      %get3A_1361 = arith.constant 160 : index
      %get3A_1362 = tpu.vector_load %arg6[%get3A_1360, %get3A_1361] {strides = array<i32>} : memref<8x256xf32, #tpu.memory_space<vmem>>, vector<16xf32>,
      %broadcast_in_dim3A_1363 = arith.constant 3 : i32
      %broadcast_in_dim3A_1364 = vector.broadcast %broadcast_in_dim3A_1363 : i32 to vector<16xi32>
      tpu.vector_store_idx %arg10[%broadcast_in_dim3A_1364, %get3A_1340], %get3A_1362 {add = true} : memref<8x10240xf32, #tpu.memory_space<vmem>>[vector<16xi32>, vector<16xi32>], vector<16xf32>,
      %get3A_1365 = arith.constant 4 : i32
      %get3A_1366 = arith.index_cast %get3A_1365 : i32 to index
      %get3A_1367 = arith.constant 160 : index
      %get3A_1368 = tpu.vector_load %arg6[%get3A_1366, %get3A_1367] {strides = array<i32>} : memref<8x256xf32, #tpu.memory_space<vmem>>, vector<16xf32>,
      %broadcast_in_dim3A_1369 = arith.constant 4 : i32
      %broadcast_in_dim3A_1370 = vector.broadcast %broadcast_in_dim3A_1369 : i32 to vector<16xi32>
      tpu.vector_store_idx %arg10[%broadcast_in_dim3A_1370, %get3A_1340], %get3A_1368 {add = true} : memref<8x10240xf32, #tpu.memory_space<vmem>>[vector<16xi32>, vector<16xi32>], vector<16xf32>,
      %get3A_1371 = arith.constant 5 : i32
      %get3A_1372 = arith.index_cast %get3A_1371 : i32 to index
      %get3A_1373 = arith.constant 160 : index
      %get3A_1374 = tpu.vector_load %arg6[%get3A_1372, %get3A_1373] {strides = array<i32>} : memref<8x256xf32, #tpu.memory_space<vmem>>, vector<16xf32>,
      %broadcast_in_dim3A_1375 = arith.constant 5 : i32
      %broadcast_in_dim3A_1376 = vector.broadcast %broadcast_in_dim3A_1375 : i32 to vector<16xi32>
      tpu.vector_store_idx %arg10[%broadcast_in_dim3A_1376, %get3A_1340], %get3A_1374 {add = true} : memref<8x10240xf32, #tpu.memory_space<vmem>>[vector<16xi32>, vector<16xi32>], vector<16xf32>,
      %get3A_1377 = arith.constant 6 : i32
      %get3A_1378 = arith.index_cast %get3A_1377 : i32 to index
      %get3A_1379 = arith.constant 160 : index
      %get3A_1380 = tpu.vector_load %arg6[%get3A_1378, %get3A_1379] {strides = array<i32>} : memref<8x256xf32, #tpu.memory_space<vmem>>, vector<16xf32>,
      %broadcast_in_dim3A_1381 = arith.constant 6 : i32
      %broadcast_in_dim3A_1382 = vector.broadcast %broadcast_in_dim3A_1381 : i32 to vector<16xi32>
      tpu.vector_store_idx %arg10[%broadcast_in_dim3A_1382, %get3A_1340], %get3A_1380 {add = true} : memref<8x10240xf32, #tpu.memory_space<vmem>>[vector<16xi32>, vector<16xi32>], vector<16xf32>,
      %get3A_1383 = arith.constant 7 : i32
      %get3A_1384 = arith.index_cast %get3A_1383 : i32 to index
      %get3A_1385 = arith.constant 160 : index
      %get3A_1386 = tpu.vector_load %arg6[%get3A_1384, %get3A_1385] {strides = array<i32>} : memref<8x256xf32, #tpu.memory_space<vmem>>, vector<16xf32>,
      %broadcast_in_dim3A_1387 = arith.constant 7 : i32
      %broadcast_in_dim3A_1388 = vector.broadcast %broadcast_in_dim3A_1387 : i32 to vector<16xi32>
      tpu.vector_store_idx %arg10[%broadcast_in_dim3A_1388, %get3A_1340], %get3A_1386 {add = true} : memref<8x10240xf32, #tpu.memory_space<vmem>>[vector<16xi32>, vector<16xi32>], vector<16xf32>,
      %get3A_1389 = arith.constant 176 : index
      %get3A_1390 = tpu.vector_load %arg8[%get3A_1389] {strides = array<i32>} : memref<256xi32, #tpu.memory_space<vmem>>, vector<16xi32>,
      %get3A_1391 = arith.constant 0 : i32
      %get3A_1392 = arith.index_cast %get3A_1391 : i32 to index
      %get3A_1393 = arith.constant 176 : index
      %get3A_1394 = tpu.vector_load %arg6[%get3A_1392, %get3A_1393] {strides = array<i32>} : memref<8x256xf32, #tpu.memory_space<vmem>>, vector<16xf32>,
      %broadcast_in_dim3A_1395 = arith.constant 0 : i32
      %broadcast_in_dim3A_1396 = vector.broadcast %broadcast_in_dim3A_1395 : i32 to vector<16xi32>
      tpu.vector_store_idx %arg10[%broadcast_in_dim3A_1396, %get3A_1390], %get3A_1394 {add = true} : memref<8x10240xf32, #tpu.memory_space<vmem>>[vector<16xi32>, vector<16xi32>], vector<16xf32>,
      %get3A_1397 = arith.constant 1 : i32
      %get3A_1398 = arith.index_cast %get3A_1397 : i32 to index
      %get3A_1399 = arith.constant 176 : index
      %get3A_1400 = tpu.vector_load %arg6[%get3A_1398, %get3A_1399] {strides = array<i32>} : memref<8x256xf32, #tpu.memory_space<vmem>>, vector<16xf32>,
      %broadcast_in_dim3A_1401 = arith.constant 1 : i32
      %broadcast_in_dim3A_1402 = vector.broadcast %broadcast_in_dim3A_1401 : i32 to vector<16xi32>
      tpu.vector_store_idx %arg10[%broadcast_in_dim3A_1402, %get3A_1390], %get3A_1400 {add = true} : memref<8x10240xf32, #tpu.memory_space<vmem>>[vector<16xi32>, vector<16xi32>], vector<16xf32>,
      %get3A_1403 = arith.constant 2 : i32
      %get3A_1404 = arith.index_cast %get3A_1403 : i32 to index
      %get3A_1405 = arith.constant 176 : index
      %get3A_1406 = tpu.vector_load %arg6[%get3A_1404, %get3A_1405] {strides = array<i32>} : memref<8x256xf32, #tpu.memory_space<vmem>>, vector<16xf32>,
      %broadcast_in_dim3A_1407 = arith.constant 2 : i32
      %broadcast_in_dim3A_1408 = vector.broadcast %broadcast_in_dim3A_1407 : i32 to vector<16xi32>
      tpu.vector_store_idx %arg10[%broadcast_in_dim3A_1408, %get3A_1390], %get3A_1406 {add = true} : memref<8x10240xf32, #tpu.memory_space<vmem>>[vector<16xi32>, vector<16xi32>], vector<16xf32>,
      %get3A_1409 = arith.constant 3 : i32
      %get3A_1410 = arith.index_cast %get3A_1409 : i32 to index
      %get3A_1411 = arith.constant 176 : index
      %get3A_1412 = tpu.vector_load %arg6[%get3A_1410, %get3A_1411] {strides = array<i32>} : memref<8x256xf32, #tpu.memory_space<vmem>>, vector<16xf32>,
      %broadcast_in_dim3A_1413 = arith.constant 3 : i32
      %broadcast_in_dim3A_1414 = vector.broadcast %broadcast_in_dim3A_1413 : i32 to vector<16xi32>
      tpu.vector_store_idx %arg10[%broadcast_in_dim3A_1414, %get3A_1390], %get3A_1412 {add = true} : memref<8x10240xf32, #tpu.memory_space<vmem>>[vector<16xi32>, vector<16xi32>], vector<16xf32>,
      %get3A_1415 = arith.constant 4 : i32
      %get3A_1416 = arith.index_cast %get3A_1415 : i32 to index
      %get3A_1417 = arith.constant 176 : index
      %get3A_1418 = tpu.vector_load %arg6[%get3A_1416, %get3A_1417] {strides = array<i32>} : memref<8x256xf32, #tpu.memory_space<vmem>>, vector<16xf32>,
      %broadcast_in_dim3A_1419 = arith.constant 4 : i32
      %broadcast_in_dim3A_1420 = vector.broadcast %broadcast_in_dim3A_1419 : i32 to vector<16xi32>
      tpu.vector_store_idx %arg10[%broadcast_in_dim3A_1420, %get3A_1390], %get3A_1418 {add = true} : memref<8x10240xf32, #tpu.memory_space<vmem>>[vector<16xi32>, vector<16xi32>], vector<16xf32>,
      %get3A_1421 = arith.constant 5 : i32
      %get3A_1422 = arith.index_cast %get3A_1421 : i32 to index
      %get3A_1423 = arith.constant 176 : index
      %get3A_1424 = tpu.vector_load %arg6[%get3A_1422, %get3A_1423] {strides = array<i32>} : memref<8x256xf32, #tpu.memory_space<vmem>>, vector<16xf32>,
      %broadcast_in_dim3A_1425 = arith.constant 5 : i32
      %broadcast_in_dim3A_1426 = vector.broadcast %broadcast_in_dim3A_1425 : i32 to vector<16xi32>
      tpu.vector_store_idx %arg10[%broadcast_in_dim3A_1426, %get3A_1390], %get3A_1424 {add = true} : memref<8x10240xf32, #tpu.memory_space<vmem>>[vector<16xi32>, vector<16xi32>], vector<16xf32>,
      %get3A_1427 = arith.constant 6 : i32
      %get3A_1428 = arith.index_cast %get3A_1427 : i32 to index
      %get3A_1429 = arith.constant 176 : index
      %get3A_1430 = tpu.vector_load %arg6[%get3A_1428, %get3A_1429] {strides = array<i32>} : memref<8x256xf32, #tpu.memory_space<vmem>>, vector<16xf32>,
      %broadcast_in_dim3A_1431 = arith.constant 6 : i32
      %broadcast_in_dim3A_1432 = vector.broadcast %broadcast_in_dim3A_1431 : i32 to vector<16xi32>
      tpu.vector_store_idx %arg10[%broadcast_in_dim3A_1432, %get3A_1390], %get3A_1430 {add = true} : memref<8x10240xf32, #tpu.memory_space<vmem>>[vector<16xi32>, vector<16xi32>], vector<16xf32>,
      %get3A_1433 = arith.constant 7 : i32
      %get3A_1434 = arith.index_cast %get3A_1433 : i32 to index
      %get3A_1435 = arith.constant 176 : index
      %get3A_1436 = tpu.vector_load %arg6[%get3A_1434, %get3A_1435] {strides = array<i32>} : memref<8x256xf32, #tpu.memory_space<vmem>>, vector<16xf32>,
      %broadcast_in_dim3A_1437 = arith.constant 7 : i32
      %broadcast_in_dim3A_1438 = vector.broadcast %broadcast_in_dim3A_1437 : i32 to vector<16xi32>
      tpu.vector_store_idx %arg10[%broadcast_in_dim3A_1438, %get3A_1390], %get3A_1436 {add = true} : memref<8x10240xf32, #tpu.memory_space<vmem>>[vector<16xi32>, vector<16xi32>], vector<16xf32>,
      %get3A_1439 = arith.constant 192 : index
      %get3A_1440 = tpu.vector_load %arg8[%get3A_1439] {strides = array<i32>} : memref<256xi32, #tpu.memory_space<vmem>>, vector<16xi32>,
      %get3A_1441 = arith.constant 0 : i32
      %get3A_1442 = arith.index_cast %get3A_1441 : i32 to index
      %get3A_1443 = arith.constant 192 : index
      %get3A_1444 = tpu.vector_load %arg6[%get3A_1442, %get3A_1443] {strides = array<i32>} : memref<8x256xf32, #tpu.memory_space<vmem>>, vector<16xf32>,
      %broadcast_in_dim3A_1445 = arith.constant 0 : i32
      %broadcast_in_dim3A_1446 = vector.broadcast %broadcast_in_dim3A_1445 : i32 to vector<16xi32>
      tpu.vector_store_idx %arg10[%broadcast_in_dim3A_1446, %get3A_1440], %get3A_1444 {add = true} : memref<8x10240xf32, #tpu.memory_space<vmem>>[vector<16xi32>, vector<16xi32>], vector<16xf32>,
      %get3A_1447 = arith.constant 1 : i32
      %get3A_1448 = arith.index_cast %get3A_1447 : i32 to index
      %get3A_1449 = arith.constant 192 : index
      %get3A_1450 = tpu.vector_load %arg6[%get3A_1448, %get3A_1449] {strides = array<i32>} : memref<8x256xf32, #tpu.memory_space<vmem>>, vector<16xf32>,
      %broadcast_in_dim3A_1451 = arith.constant 1 : i32
      %broadcast_in_dim3A_1452 = vector.broadcast %broadcast_in_dim3A_1451 : i32 to vector<16xi32>
      tpu.vector_store_idx %arg10[%broadcast_in_dim3A_1452, %get3A_1440], %get3A_1450 {add = true} : memref<8x10240xf32, #tpu.memory_space<vmem>>[vector<16xi32>, vector<16xi32>], vector<16xf32>,
      %get3A_1453 = arith.constant 2 : i32
      %get3A_1454 = arith.index_cast %get3A_1453 : i32 to index
      %get3A_1455 = arith.constant 192 : index
      %get3A_1456 = tpu.vector_load %arg6[%get3A_1454, %get3A_1455] {strides = array<i32>} : memref<8x256xf32, #tpu.memory_space<vmem>>, vector<16xf32>,
      %broadcast_in_dim3A_1457 = arith.constant 2 : i32
      %broadcast_in_dim3A_1458 = vector.broadcast %broadcast_in_dim3A_1457 : i32 to vector<16xi32>
      tpu.vector_store_idx %arg10[%broadcast_in_dim3A_1458, %get3A_1440], %get3A_1456 {add = true} : memref<8x10240xf32, #tpu.memory_space<vmem>>[vector<16xi32>, vector<16xi32>], vector<16xf32>,
      %get3A_1459 = arith.constant 3 : i32
      %get3A_1460 = arith.index_cast %get3A_1459 : i32 to index
      %get3A_1461 = arith.constant 192 : index
      %get3A_1462 = tpu.vector_load %arg6[%get3A_1460, %get3A_1461] {strides = array<i32>} : memref<8x256xf32, #tpu.memory_space<vmem>>, vector<16xf32>,
      %broadcast_in_dim3A_1463 = arith.constant 3 : i32
      %broadcast_in_dim3A_1464 = vector.broadcast %broadcast_in_dim3A_1463 : i32 to vector<16xi32>
      tpu.vector_store_idx %arg10[%broadcast_in_dim3A_1464, %get3A_1440], %get3A_1462 {add = true} : memref<8x10240xf32, #tpu.memory_space<vmem>>[vector<16xi32>, vector<16xi32>], vector<16xf32>,
      %get3A_1465 = arith.constant 4 : i32
      %get3A_1466 = arith.index_cast %get3A_1465 : i32 to index
      %get3A_1467 = arith.constant 192 : index
      %get3A_1468 = tpu.vector_load %arg6[%get3A_1466, %get3A_1467] {strides = array<i32>} : memref<8x256xf32, #tpu.memory_space<vmem>>, vector<16xf32>,
      %broadcast_in_dim3A_1469 = arith.constant 4 : i32
      %broadcast_in_dim3A_1470 = vector.broadcast %broadcast_in_dim3A_1469 : i32 to vector<16xi32>
      tpu.vector_store_idx %arg10[%broadcast_in_dim3A_1470, %get3A_1440], %get3A_1468 {add = true} : memref<8x10240xf32, #tpu.memory_space<vmem>>[vector<16xi32>, vector<16xi32>], vector<16xf32>,
      %get3A_1471 = arith.constant 5 : i32
      %get3A_1472 = arith.index_cast %get3A_1471 : i32 to index
      %get3A_1473 = arith.constant 192 : index
      %get3A_1474 = tpu.vector_load %arg6[%get3A_1472, %get3A_1473] {strides = array<i32>} : memref<8x256xf32, #tpu.memory_space<vmem>>, vector<16xf32>,
      %broadcast_in_dim3A_1475 = arith.constant 5 : i32
      %broadcast_in_dim3A_1476 = vector.broadcast %broadcast_in_dim3A_1475 : i32 to vector<16xi32>
      tpu.vector_store_idx %arg10[%broadcast_in_dim3A_1476, %get3A_1440], %get3A_1474 {add = true} : memref<8x10240xf32, #tpu.memory_space<vmem>>[vector<16xi32>, vector<16xi32>], vector<16xf32>,
      %get3A_1477 = arith.constant 6 : i32
      %get3A_1478 = arith.index_cast %get3A_1477 : i32 to index
      %get3A_1479 = arith.constant 192 : index
      %get3A_1480 = tpu.vector_load %arg6[%get3A_1478, %get3A_1479] {strides = array<i32>} : memref<8x256xf32, #tpu.memory_space<vmem>>, vector<16xf32>,
      %broadcast_in_dim3A_1481 = arith.constant 6 : i32
      %broadcast_in_dim3A_1482 = vector.broadcast %broadcast_in_dim3A_1481 : i32 to vector<16xi32>
      tpu.vector_store_idx %arg10[%broadcast_in_dim3A_1482, %get3A_1440], %get3A_1480 {add = true} : memref<8x10240xf32, #tpu.memory_space<vmem>>[vector<16xi32>, vector<16xi32>], vector<16xf32>,
      %get3A_1483 = arith.constant 7 : i32
      %get3A_1484 = arith.index_cast %get3A_1483 : i32 to index
      %get3A_1485 = arith.constant 192 : index
      %get3A_1486 = tpu.vector_load %arg6[%get3A_1484, %get3A_1485] {strides = array<i32>} : memref<8x256xf32, #tpu.memory_space<vmem>>, vector<16xf32>,
      %broadcast_in_dim3A_1487 = arith.constant 7 : i32
      %broadcast_in_dim3A_1488 = vector.broadcast %broadcast_in_dim3A_1487 : i32 to vector<16xi32>
      tpu.vector_store_idx %arg10[%broadcast_in_dim3A_1488, %get3A_1440], %get3A_1486 {add = true} : memref<8x10240xf32, #tpu.memory_space<vmem>>[vector<16xi32>, vector<16xi32>], vector<16xf32>,
      %get3A_1489 = arith.constant 208 : index
      %get3A_1490 = tpu.vector_load %arg8[%get3A_1489] {strides = array<i32>} : memref<256xi32, #tpu.memory_space<vmem>>, vector<16xi32>,
      %get3A_1491 = arith.constant 0 : i32
      %get3A_1492 = arith.index_cast %get3A_1491 : i32 to index
      %get3A_1493 = arith.constant 208 : index
      %get3A_1494 = tpu.vector_load %arg6[%get3A_1492, %get3A_1493] {strides = array<i32>} : memref<8x256xf32, #tpu.memory_space<vmem>>, vector<16xf32>,
      %broadcast_in_dim3A_1495 = arith.constant 0 : i32
      %broadcast_in_dim3A_1496 = vector.broadcast %broadcast_in_dim3A_1495 : i32 to vector<16xi32>
      tpu.vector_store_idx %arg10[%broadcast_in_dim3A_1496, %get3A_1490], %get3A_1494 {add = true} : memref<8x10240xf32, #tpu.memory_space<vmem>>[vector<16xi32>, vector<16xi32>], vector<16xf32>,
      %get3A_1497 = arith.constant 1 : i32
      %get3A_1498 = arith.index_cast %get3A_1497 : i32 to index
      %get3A_1499 = arith.constant 208 : index
      %get3A_1500 = tpu.vector_load %arg6[%get3A_1498, %get3A_1499] {strides = array<i32>} : memref<8x256xf32, #tpu.memory_space<vmem>>, vector<16xf32>,
      %broadcast_in_dim3A_1501 = arith.constant 1 : i32
      %broadcast_in_dim3A_1502 = vector.broadcast %broadcast_in_dim3A_1501 : i32 to vector<16xi32>
      tpu.vector_store_idx %arg10[%broadcast_in_dim3A_1502, %get3A_1490], %get3A_1500 {add = true} : memref<8x10240xf32, #tpu.memory_space<vmem>>[vector<16xi32>, vector<16xi32>], vector<16xf32>,
      %get3A_1503 = arith.constant 2 : i32
      %get3A_1504 = arith.index_cast %get3A_1503 : i32 to index
      %get3A_1505 = arith.constant 208 : index
      %get3A_1506 = tpu.vector_load %arg6[%get3A_1504, %get3A_1505] {strides = array<i32>} : memref<8x256xf32, #tpu.memory_space<vmem>>, vector<16xf32>,
      %broadcast_in_dim3A_1507 = arith.constant 2 : i32
      %broadcast_in_dim3A_1508 = vector.broadcast %broadcast_in_dim3A_1507 : i32 to vector<16xi32>
      tpu.vector_store_idx %arg10[%broadcast_in_dim3A_1508, %get3A_1490], %get3A_1506 {add = true} : memref<8x10240xf32, #tpu.memory_space<vmem>>[vector<16xi32>, vector<16xi32>], vector<16xf32>,
      %get3A_1509 = arith.constant 3 : i32
      %get3A_1510 = arith.index_cast %get3A_1509 : i32 to index
      %get3A_1511 = arith.constant 208 : index
      %get3A_1512 = tpu.vector_load %arg6[%get3A_1510, %get3A_1511] {strides = array<i32>} : memref<8x256xf32, #tpu.memory_space<vmem>>, vector<16xf32>,
      %broadcast_in_dim3A_1513 = arith.constant 3 : i32
      %broadcast_in_dim3A_1514 = vector.broadcast %broadcast_in_dim3A_1513 : i32 to vector<16xi32>
      tpu.vector_store_idx %arg10[%broadcast_in_dim3A_1514, %get3A_1490], %get3A_1512 {add = true} : memref<8x10240xf32, #tpu.memory_space<vmem>>[vector<16xi32>, vector<16xi32>], vector<16xf32>,
      %get3A_1515 = arith.constant 4 : i32
      %get3A_1516 = arith.index_cast %get3A_1515 : i32 to index
      %get3A_1517 = arith.constant 208 : index
      %get3A_1518 = tpu.vector_load %arg6[%get3A_1516, %get3A_1517] {strides = array<i32>} : memref<8x256xf32, #tpu.memory_space<vmem>>, vector<16xf32>,
      %broadcast_in_dim3A_1519 = arith.constant 4 : i32
      %broadcast_in_dim3A_1520 = vector.broadcast %broadcast_in_dim3A_1519 : i32 to vector<16xi32>
      tpu.vector_store_idx %arg10[%broadcast_in_dim3A_1520, %get3A_1490], %get3A_1518 {add = true} : memref<8x10240xf32, #tpu.memory_space<vmem>>[vector<16xi32>, vector<16xi32>], vector<16xf32>,
      %get3A_1521 = arith.constant 5 : i32
      %get3A_1522 = arith.index_cast %get3A_1521 : i32 to index
      %get3A_1523 = arith.constant 208 : index
      %get3A_1524 = tpu.vector_load %arg6[%get3A_1522, %get3A_1523] {strides = array<i32>} : memref<8x256xf32, #tpu.memory_space<vmem>>, vector<16xf32>,
      %broadcast_in_dim3A_1525 = arith.constant 5 : i32
      %broadcast_in_dim3A_1526 = vector.broadcast %broadcast_in_dim3A_1525 : i32 to vector<16xi32>
      tpu.vector_store_idx %arg10[%broadcast_in_dim3A_1526, %get3A_1490], %get3A_1524 {add = true} : memref<8x10240xf32, #tpu.memory_space<vmem>>[vector<16xi32>, vector<16xi32>], vector<16xf32>,
      %get3A_1527 = arith.constant 6 : i32
      %get3A_1528 = arith.index_cast %get3A_1527 : i32 to index
      %get3A_1529 = arith.constant 208 : index
      %get3A_1530 = tpu.vector_load %arg6[%get3A_1528, %get3A_1529] {strides = array<i32>} : memref<8x256xf32, #tpu.memory_space<vmem>>, vector<16xf32>,
      %broadcast_in_dim3A_1531 = arith.constant 6 : i32
      %broadcast_in_dim3A_1532 = vector.broadcast %broadcast_in_dim3A_1531 : i32 to vector<16xi32>
      tpu.vector_store_idx %arg10[%broadcast_in_dim3A_1532, %get3A_1490], %get3A_1530 {add = true} : memref<8x10240xf32, #tpu.memory_space<vmem>>[vector<16xi32>, vector<16xi32>], vector<16xf32>,
      %get3A_1533 = arith.constant 7 : i32
      %get3A_1534 = arith.index_cast %get3A_1533 : i32 to index
      %get3A_1535 = arith.constant 208 : index
      %get3A_1536 = tpu.vector_load %arg6[%get3A_1534, %get3A_1535] {strides = array<i32>} : memref<8x256xf32, #tpu.memory_space<vmem>>, vector<16xf32>,
      %broadcast_in_dim3A_1537 = arith.constant 7 : i32
      %broadcast_in_dim3A_1538 = vector.broadcast %broadcast_in_dim3A_1537 : i32 to vector<16xi32>
      tpu.vector_store_idx %arg10[%broadcast_in_dim3A_1538, %get3A_1490], %get3A_1536 {add = true} : memref<8x10240xf32, #tpu.memory_space<vmem>>[vector<16xi32>, vector<16xi32>], vector<16xf32>,
      %get3A_1539 = arith.constant 224 : index
      %get3A_1540 = tpu.vector_load %arg8[%get3A_1539] {strides = array<i32>} : memref<256xi32, #tpu.memory_space<vmem>>, vector<16xi32>,
      %get3A_1541 = arith.constant 0 : i32
      %get3A_1542 = arith.index_cast %get3A_1541 : i32 to index
      %get3A_1543 = arith.constant 224 : index
      %get3A_1544 = tpu.vector_load %arg6[%get3A_1542, %get3A_1543] {strides = array<i32>} : memref<8x256xf32, #tpu.memory_space<vmem>>, vector<16xf32>,
      %broadcast_in_dim3A_1545 = arith.constant 0 : i32
      %broadcast_in_dim3A_1546 = vector.broadcast %broadcast_in_dim3A_1545 : i32 to vector<16xi32>
      tpu.vector_store_idx %arg10[%broadcast_in_dim3A_1546, %get3A_1540], %get3A_1544 {add = true} : memref<8x10240xf32, #tpu.memory_space<vmem>>[vector<16xi32>, vector<16xi32>], vector<16xf32>,
      %get3A_1547 = arith.constant 1 : i32
      %get3A_1548 = arith.index_cast %get3A_1547 : i32 to index
      %get3A_1549 = arith.constant 224 : index
      %get3A_1550 = tpu.vector_load %arg6[%get3A_1548, %get3A_1549] {strides = array<i32>} : memref<8x256xf32, #tpu.memory_space<vmem>>, vector<16xf32>,
      %broadcast_in_dim3A_1551 = arith.constant 1 : i32
      %broadcast_in_dim3A_1552 = vector.broadcast %broadcast_in_dim3A_1551 : i32 to vector<16xi32>
      tpu.vector_store_idx %arg10[%broadcast_in_dim3A_1552, %get3A_1540], %get3A_1550 {add = true} : memref<8x10240xf32, #tpu.memory_space<vmem>>[vector<16xi32>, vector<16xi32>], vector<16xf32>,
      %get3A_1553 = arith.constant 2 : i32
      %get3A_1554 = arith.index_cast %get3A_1553 : i32 to index
      %get3A_1555 = arith.constant 224 : index
      %get3A_1556 = tpu.vector_load %arg6[%get3A_1554, %get3A_1555] {strides = array<i32>} : memref<8x256xf32, #tpu.memory_space<vmem>>, vector<16xf32>,
      %broadcast_in_dim3A_1557 = arith.constant 2 : i32
      %broadcast_in_dim3A_1558 = vector.broadcast %broadcast_in_dim3A_1557 : i32 to vector<16xi32>
      tpu.vector_store_idx %arg10[%broadcast_in_dim3A_1558, %get3A_1540], %get3A_1556 {add = true} : memref<8x10240xf32, #tpu.memory_space<vmem>>[vector<16xi32>, vector<16xi32>], vector<16xf32>,
      %get3A_1559 = arith.constant 3 : i32
      %get3A_1560 = arith.index_cast %get3A_1559 : i32 to index
      %get3A_1561 = arith.constant 224 : index
      %get3A_1562 = tpu.vector_load %arg6[%get3A_1560, %get3A_1561] {strides = array<i32>} : memref<8x256xf32, #tpu.memory_space<vmem>>, vector<16xf32>,
      %broadcast_in_dim3A_1563 = arith.constant 3 : i32
      %broadcast_in_dim3A_1564 = vector.broadcast %broadcast_in_dim3A_1563 : i32 to vector<16xi32>
      tpu.vector_store_idx %arg10[%broadcast_in_dim3A_1564, %get3A_1540], %get3A_1562 {add = true} : memref<8x10240xf32, #tpu.memory_space<vmem>>[vector<16xi32>, vector<16xi32>], vector<16xf32>,
      %get3A_1565 = arith.constant 4 : i32
      %get3A_1566 = arith.index_cast %get3A_1565 : i32 to index
      %get3A_1567 = arith.constant 224 : index
      %get3A_1568 = tpu.vector_load %arg6[%get3A_1566, %get3A_1567] {strides = array<i32>} : memref<8x256xf32, #tpu.memory_space<vmem>>, vector<16xf32>,
      %broadcast_in_dim3A_1569 = arith.constant 4 : i32
      %broadcast_in_dim3A_1570 = vector.broadcast %broadcast_in_dim3A_1569 : i32 to vector<16xi32>
      tpu.vector_store_idx %arg10[%broadcast_in_dim3A_1570, %get3A_1540], %get3A_1568 {add = true} : memref<8x10240xf32, #tpu.memory_space<vmem>>[vector<16xi32>, vector<16xi32>], vector<16xf32>,
      %get3A_1571 = arith.constant 5 : i32
      %get3A_1572 = arith.index_cast %get3A_1571 : i32 to index
      %get3A_1573 = arith.constant 224 : index
      %get3A_1574 = tpu.vector_load %arg6[%get3A_1572, %get3A_1573] {strides = array<i32>} : memref<8x256xf32, #tpu.memory_space<vmem>>, vector<16xf32>,
      %broadcast_in_dim3A_1575 = arith.constant 5 : i32
      %broadcast_in_dim3A_1576 = vector.broadcast %broadcast_in_dim3A_1575 : i32 to vector<16xi32>
      tpu.vector_store_idx %arg10[%broadcast_in_dim3A_1576, %get3A_1540], %get3A_1574 {add = true} : memref<8x10240xf32, #tpu.memory_space<vmem>>[vector<16xi32>, vector<16xi32>], vector<16xf32>,
      %get3A_1577 = arith.constant 6 : i32
      %get3A_1578 = arith.index_cast %get3A_1577 : i32 to index
      %get3A_1579 = arith.constant 224 : index
      %get3A_1580 = tpu.vector_load %arg6[%get3A_1578, %get3A_1579] {strides = array<i32>} : memref<8x256xf32, #tpu.memory_space<vmem>>, vector<16xf32>,
      %broadcast_in_dim3A_1581 = arith.constant 6 : i32
      %broadcast_in_dim3A_1582 = vector.broadcast %broadcast_in_dim3A_1581 : i32 to vector<16xi32>
      tpu.vector_store_idx %arg10[%broadcast_in_dim3A_1582, %get3A_1540], %get3A_1580 {add = true} : memref<8x10240xf32, #tpu.memory_space<vmem>>[vector<16xi32>, vector<16xi32>], vector<16xf32>,
      %get3A_1583 = arith.constant 7 : i32
      %get3A_1584 = arith.index_cast %get3A_1583 : i32 to index
      %get3A_1585 = arith.constant 224 : index
      %get3A_1586 = tpu.vector_load %arg6[%get3A_1584, %get3A_1585] {strides = array<i32>} : memref<8x256xf32, #tpu.memory_space<vmem>>, vector<16xf32>,
      %broadcast_in_dim3A_1587 = arith.constant 7 : i32
      %broadcast_in_dim3A_1588 = vector.broadcast %broadcast_in_dim3A_1587 : i32 to vector<16xi32>
      tpu.vector_store_idx %arg10[%broadcast_in_dim3A_1588, %get3A_1540], %get3A_1586 {add = true} : memref<8x10240xf32, #tpu.memory_space<vmem>>[vector<16xi32>, vector<16xi32>], vector<16xf32>,
      %get3A_1589 = arith.constant 240 : index
      %get3A_1590 = tpu.vector_load %arg8[%get3A_1589] {strides = array<i32>} : memref<256xi32, #tpu.memory_space<vmem>>, vector<16xi32>,
      %get3A_1591 = arith.constant 0 : i32
      %get3A_1592 = arith.index_cast %get3A_1591 : i32 to index
      %get3A_1593 = arith.constant 240 : index
      %get3A_1594 = tpu.vector_load %arg6[%get3A_1592, %get3A_1593] {strides = array<i32>} : memref<8x256xf32, #tpu.memory_space<vmem>>, vector<16xf32>,
      %broadcast_in_dim3A_1595 = arith.constant 0 : i32
      %broadcast_in_dim3A_1596 = vector.broadcast %broadcast_in_dim3A_1595 : i32 to vector<16xi32>
      tpu.vector_store_idx %arg10[%broadcast_in_dim3A_1596, %get3A_1590], %get3A_1594 {add = true} : memref<8x10240xf32, #tpu.memory_space<vmem>>[vector<16xi32>, vector<16xi32>], vector<16xf32>,
      %get3A_1597 = arith.constant 1 : i32
      %get3A_1598 = arith.index_cast %get3A_1597 : i32 to index
      %get3A_1599 = arith.constant 240 : index
      %get3A_1600 = tpu.vector_load %arg6[%get3A_1598, %get3A_1599] {strides = array<i32>} : memref<8x256xf32, #tpu.memory_space<vmem>>, vector<16xf32>,
      %broadcast_in_dim3A_1601 = arith.constant 1 : i32
      %broadcast_in_dim3A_1602 = vector.broadcast %broadcast_in_dim3A_1601 : i32 to vector<16xi32>
      tpu.vector_store_idx %arg10[%broadcast_in_dim3A_1602, %get3A_1590], %get3A_1600 {add = true} : memref<8x10240xf32, #tpu.memory_space<vmem>>[vector<16xi32>, vector<16xi32>], vector<16xf32>,
      %get3A_1603 = arith.constant 2 : i32
      %get3A_1604 = arith.index_cast %get3A_1603 : i32 to index
      %get3A_1605 = arith.constant 240 : index
      %get3A_1606 = tpu.vector_load %arg6[%get3A_1604, %get3A_1605] {strides = array<i32>} : memref<8x256xf32, #tpu.memory_space<vmem>>, vector<16xf32>,
      %broadcast_in_dim3A_1607 = arith.constant 2 : i32
      %broadcast_in_dim3A_1608 = vector.broadcast %broadcast_in_dim3A_1607 : i32 to vector<16xi32>
      tpu.vector_store_idx %arg10[%broadcast_in_dim3A_1608, %get3A_1590], %get3A_1606 {add = true} : memref<8x10240xf32, #tpu.memory_space<vmem>>[vector<16xi32>, vector<16xi32>], vector<16xf32>,
      %get3A_1609 = arith.constant 3 : i32
      %get3A_1610 = arith.index_cast %get3A_1609 : i32 to index
      %get3A_1611 = arith.constant 240 : index
      %get3A_1612 = tpu.vector_load %arg6[%get3A_1610, %get3A_1611] {strides = array<i32>} : memref<8x256xf32, #tpu.memory_space<vmem>>, vector<16xf32>,
      %broadcast_in_dim3A_1613 = arith.constant 3 : i32
      %broadcast_in_dim3A_1614 = vector.broadcast %broadcast_in_dim3A_1613 : i32 to vector<16xi32>
      tpu.vector_store_idx %arg10[%broadcast_in_dim3A_1614, %get3A_1590], %get3A_1612 {add = true} : memref<8x10240xf32, #tpu.memory_space<vmem>>[vector<16xi32>, vector<16xi32>], vector<16xf32>,
      %get3A_1615 = arith.constant 4 : i32
      %get3A_1616 = arith.index_cast %get3A_1615 : i32 to index
      %get3A_1617 = arith.constant 240 : index
      %get3A_1618 = tpu.vector_load %arg6[%get3A_1616, %get3A_1617] {strides = array<i32>} : memref<8x256xf32, #tpu.memory_space<vmem>>, vector<16xf32>,
      %broadcast_in_dim3A_1619 = arith.constant 4 : i32
      %broadcast_in_dim3A_1620 = vector.broadcast %broadcast_in_dim3A_1619 : i32 to vector<16xi32>
      tpu.vector_store_idx %arg10[%broadcast_in_dim3A_1620, %get3A_1590], %get3A_1618 {add = true} : memref<8x10240xf32, #tpu.memory_space<vmem>>[vector<16xi32>, vector<16xi32>], vector<16xf32>,
      %get3A_1621 = arith.constant 5 : i32
      %get3A_1622 = arith.index_cast %get3A_1621 : i32 to index
      %get3A_1623 = arith.constant 240 : index
      %get3A_1624 = tpu.vector_load %arg6[%get3A_1622, %get3A_1623] {strides = array<i32>} : memref<8x256xf32, #tpu.memory_space<vmem>>, vector<16xf32>,
      %broadcast_in_dim3A_1625 = arith.constant 5 : i32
      %broadcast_in_dim3A_1626 = vector.broadcast %broadcast_in_dim3A_1625 : i32 to vector<16xi32>
      tpu.vector_store_idx %arg10[%broadcast_in_dim3A_1626, %get3A_1590], %get3A_1624 {add = true} : memref<8x10240xf32, #tpu.memory_space<vmem>>[vector<16xi32>, vector<16xi32>], vector<16xf32>,
      %get3A_1627 = arith.constant 6 : i32
      %get3A_1628 = arith.index_cast %get3A_1627 : i32 to index
      %get3A_1629 = arith.constant 240 : index
      %get3A_1630 = tpu.vector_load %arg6[%get3A_1628, %get3A_1629] {strides = array<i32>} : memref<8x256xf32, #tpu.memory_space<vmem>>, vector<16xf32>,
      %broadcast_in_dim3A_1631 = arith.constant 6 : i32
      %broadcast_in_dim3A_1632 = vector.broadcast %broadcast_in_dim3A_1631 : i32 to vector<16xi32>
      tpu.vector_store_idx %arg10[%broadcast_in_dim3A_1632, %get3A_1590], %get3A_1630 {add = true} : memref<8x10240xf32, #tpu.memory_space<vmem>>[vector<16xi32>, vector<16xi32>], vector<16xf32>,
      %get3A_1633 = arith.constant 7 : i32
      %get3A_1634 = arith.index_cast %get3A_1633 : i32 to index
      %get3A_1635 = arith.constant 240 : index
      %get3A_1636 = tpu.vector_load %arg6[%get3A_1634, %get3A_1635] {strides = array<i32>} : memref<8x256xf32, #tpu.memory_space<vmem>>, vector<16xf32>,
      %broadcast_in_dim3A_1637 = arith.constant 7 : i32
      %broadcast_in_dim3A_1638 = vector.broadcast %broadcast_in_dim3A_1637 : i32 to vector<16xi32>
      tpu.vector_store_idx %arg10[%broadcast_in_dim3A_1638, %get3A_1590], %get3A_1636 {add = true} : memref<8x10240xf32, #tpu.memory_space<vmem>>[vector<16xi32>, vector<16xi32>], vector<16xf32>,
      %add3A_1639 = arith.constant 512 : i32
      %add3A_1640 = arith.addi %mul3A_824, %add3A_1639 : i32
      %dma_start3A_1641 = tpu.memref_slice %arg3[%add3A_1640] : memref<160000xi32, #tpu.memory_space<hbm>> -> memref<256xi32, #tpu.memory_space<hbm>>
      %dma_start3A_1642 = tpu.memref_slice %arg3[%add3A_1640] : memref<160000xi32, #tpu.memory_space<hbm>> -> memref<256xi32, #tpu.memory_space<hbm>>
      tpu.enqueue_dma source(%dma_start3A_1642 : memref<256xi32, #tpu.memory_space<hbm>>) target(%arg8 : memref<256xi32, #tpu.memory_space<vmem>>) target_semaphore(%arg13 : memref<!tpu.dma_semaphore, #tpu.memory_space<semaphore_mem>>)
      %dma_start3A_1643 = tpu.memref_slice %arg2[%mul3A_2, %add3A_1640] : memref<256x160000xf32, #tpu.memory_space<hbm>> -> memref<8x256xf32, #tpu.memory_space<hbm>>
      %dma_start3A_1644 = tpu.memref_slice %arg2[%mul3A_2, %add3A_1640] : memref<256x160000xf32, #tpu.memory_space<hbm>> -> memref<8x256xf32, #tpu.memory_space<hbm>>
      tpu.enqueue_dma source(%dma_start3A_1644 : memref<8x256xf32, #tpu.memory_space<hbm>>) target(%arg6 : memref<8x256xf32, #tpu.memory_space<vmem>>) target_semaphore(%arg11 : memref<!tpu.dma_semaphore, #tpu.memory_space<semaphore_mem>>)
      %dma_wait3A_1645 = tpu.memref_slice %arg3[%mul3A_830] : memref<160000xi32, #tpu.memory_space<hbm>> -> memref<256xi32, #tpu.memory_space<hbm>>
      %dma_wait3A_1646 = tpu.memref_slice %arg3[%mul3A_830] : memref<160000xi32, #tpu.memory_space<hbm>> -> memref<256xi32, #tpu.memory_space<hbm>>
      tpu.wait_dma2 semaphore(%arg14 : memref<!tpu.dma_semaphore, #tpu.memory_space<semaphore_mem>>) src(%dma_wait3A_1646 : memref<256xi32, #tpu.memory_space<hbm>>) dst(%arg9 : memref<256xi32, #tpu.memory_space<vmem>>)
      %dma_wait3A_1647 = tpu.memref_slice %arg2[%mul3A_2, %mul3A_830] : memref<256x160000xf32, #tpu.memory_space<hbm>> -> memref<8x256xf32, #tpu.memory_space<hbm>>
      %dma_wait3A_1648 = tpu.memref_slice %arg2[%mul3A_2, %mul3A_830] : memref<256x160000xf32, #tpu.memory_space<hbm>> -> memref<8x256xf32, #tpu.memory_space<hbm>>
      tpu.wait_dma2 semaphore(%arg12 : memref<!tpu.dma_semaphore, #tpu.memory_space<semaphore_mem>>) src(%dma_wait3A_1648 : memref<8x256xf32, #tpu.memory_space<hbm>>) dst(%arg7 : memref<8x256xf32, #tpu.memory_space<vmem>>)
      %get3A_1649 = arith.constant 0 : index
      %get3A_1650 = tpu.vector_load %arg9[%get3A_1649] {strides = array<i32>} : memref<256xi32, #tpu.memory_space<vmem>>, vector<16xi32>,
      %get3A_1651 = arith.constant 0 : i32
      %get3A_1652 = arith.index_cast %get3A_1651 : i32 to index
      %get3A_1653 = arith.constant 0 : index
      %get3A_1654 = tpu.vector_load %arg7[%get3A_1652, %get3A_1653] {strides = array<i32>} : memref<8x256xf32, #tpu.memory_space<vmem>>, vector<16xf32>,
      %broadcast_in_dim3A_1655 = arith.constant 0 : i32
      %broadcast_in_dim3A_1656 = vector.broadcast %broadcast_in_dim3A_1655 : i32 to vector<16xi32>
      tpu.vector_store_idx %arg10[%broadcast_in_dim3A_1656, %get3A_1650], %get3A_1654 {add = true} : memref<8x10240xf32, #tpu.memory_space<vmem>>[vector<16xi32>, vector<16xi32>], vector<16xf32>,
      %get3A_1657 = arith.constant 1 : i32
      %get3A_1658 = arith.index_cast %get3A_1657 : i32 to index
      %get3A_1659 = arith.constant 0 : index
      %get3A_1660 = tpu.vector_load %arg7[%get3A_1658, %get3A_1659] {strides = array<i32>} : memref<8x256xf32, #tpu.memory_space<vmem>>, vector<16xf32>,
      %broadcast_in_dim3A_1661 = arith.constant 1 : i32
      %broadcast_in_dim3A_1662 = vector.broadcast %broadcast_in_dim3A_1661 : i32 to vector<16xi32>
      tpu.vector_store_idx %arg10[%broadcast_in_dim3A_1662, %get3A_1650], %get3A_1660 {add = true} : memref<8x10240xf32, #tpu.memory_space<vmem>>[vector<16xi32>, vector<16xi32>], vector<16xf32>,
      %get3A_1663 = arith.constant 2 : i32
      %get3A_1664 = arith.index_cast %get3A_1663 : i32 to index
      %get3A_1665 = arith.constant 0 : index
      %get3A_1666 = tpu.vector_load %arg7[%get3A_1664, %get3A_1665] {strides = array<i32>} : memref<8x256xf32, #tpu.memory_space<vmem>>, vector<16xf32>,
      %broadcast_in_dim3A_1667 = arith.constant 2 : i32
      %broadcast_in_dim3A_1668 = vector.broadcast %broadcast_in_dim3A_1667 : i32 to vector<16xi32>
      tpu.vector_store_idx %arg10[%broadcast_in_dim3A_1668, %get3A_1650], %get3A_1666 {add = true} : memref<8x10240xf32, #tpu.memory_space<vmem>>[vector<16xi32>, vector<16xi32>], vector<16xf32>,
      %get3A_1669 = arith.constant 3 : i32
      %get3A_1670 = arith.index_cast %get3A_1669 : i32 to index
      %get3A_1671 = arith.constant 0 : index
      %get3A_1672 = tpu.vector_load %arg7[%get3A_1670, %get3A_1671] {strides = array<i32>} : memref<8x256xf32, #tpu.memory_space<vmem>>, vector<16xf32>,
      %broadcast_in_dim3A_1673 = arith.constant 3 : i32
      %broadcast_in_dim3A_1674 = vector.broadcast %broadcast_in_dim3A_1673 : i32 to vector<16xi32>
      tpu.vector_store_idx %arg10[%broadcast_in_dim3A_1674, %get3A_1650], %get3A_1672 {add = true} : memref<8x10240xf32, #tpu.memory_space<vmem>>[vector<16xi32>, vector<16xi32>], vector<16xf32>,
      %get3A_1675 = arith.constant 4 : i32
      %get3A_1676 = arith.index_cast %get3A_1675 : i32 to index
      %get3A_1677 = arith.constant 0 : index
      %get3A_1678 = tpu.vector_load %arg7[%get3A_1676, %get3A_1677] {strides = array<i32>} : memref<8x256xf32, #tpu.memory_space<vmem>>, vector<16xf32>,
      %broadcast_in_dim3A_1679 = arith.constant 4 : i32
      %broadcast_in_dim3A_1680 = vector.broadcast %broadcast_in_dim3A_1679 : i32 to vector<16xi32>
      tpu.vector_store_idx %arg10[%broadcast_in_dim3A_1680, %get3A_1650], %get3A_1678 {add = true} : memref<8x10240xf32, #tpu.memory_space<vmem>>[vector<16xi32>, vector<16xi32>], vector<16xf32>,
      %get3A_1681 = arith.constant 5 : i32
      %get3A_1682 = arith.index_cast %get3A_1681 : i32 to index
      %get3A_1683 = arith.constant 0 : index
      %get3A_1684 = tpu.vector_load %arg7[%get3A_1682, %get3A_1683] {strides = array<i32>} : memref<8x256xf32, #tpu.memory_space<vmem>>, vector<16xf32>,
      %broadcast_in_dim3A_1685 = arith.constant 5 : i32
      %broadcast_in_dim3A_1686 = vector.broadcast %broadcast_in_dim3A_1685 : i32 to vector<16xi32>
      tpu.vector_store_idx %arg10[%broadcast_in_dim3A_1686, %get3A_1650], %get3A_1684 {add = true} : memref<8x10240xf32, #tpu.memory_space<vmem>>[vector<16xi32>, vector<16xi32>], vector<16xf32>,
      %get3A_1687 = arith.constant 6 : i32
      %get3A_1688 = arith.index_cast %get3A_1687 : i32 to index
      %get3A_1689 = arith.constant 0 : index
      %get3A_1690 = tpu.vector_load %arg7[%get3A_1688, %get3A_1689] {strides = array<i32>} : memref<8x256xf32, #tpu.memory_space<vmem>>, vector<16xf32>,
      %broadcast_in_dim3A_1691 = arith.constant 6 : i32
      %broadcast_in_dim3A_1692 = vector.broadcast %broadcast_in_dim3A_1691 : i32 to vector<16xi32>
      tpu.vector_store_idx %arg10[%broadcast_in_dim3A_1692, %get3A_1650], %get3A_1690 {add = true} : memref<8x10240xf32, #tpu.memory_space<vmem>>[vector<16xi32>, vector<16xi32>], vector<16xf32>,
      %get3A_1693 = arith.constant 7 : i32
      %get3A_1694 = arith.index_cast %get3A_1693 : i32 to index
      %get3A_1695 = arith.constant 0 : index
      %get3A_1696 = tpu.vector_load %arg7[%get3A_1694, %get3A_1695] {strides = array<i32>} : memref<8x256xf32, #tpu.memory_space<vmem>>, vector<16xf32>,
      %broadcast_in_dim3A_1697 = arith.constant 7 : i32
      %broadcast_in_dim3A_1698 = vector.broadcast %broadcast_in_dim3A_1697 : i32 to vector<16xi32>
      tpu.vector_store_idx %arg10[%broadcast_in_dim3A_1698, %get3A_1650], %get3A_1696 {add = true} : memref<8x10240xf32, #tpu.memory_space<vmem>>[vector<16xi32>, vector<16xi32>], vector<16xf32>,
      %get3A_1699 = arith.constant 16 : index
      %get3A_1700 = tpu.vector_load %arg9[%get3A_1699] {strides = array<i32>} : memref<256xi32, #tpu.memory_space<vmem>>, vector<16xi32>,
      %get3A_1701 = arith.constant 0 : i32
      %get3A_1702 = arith.index_cast %get3A_1701 : i32 to index
      %get3A_1703 = arith.constant 16 : index
      %get3A_1704 = tpu.vector_load %arg7[%get3A_1702, %get3A_1703] {strides = array<i32>} : memref<8x256xf32, #tpu.memory_space<vmem>>, vector<16xf32>,
      %broadcast_in_dim3A_1705 = arith.constant 0 : i32
      %broadcast_in_dim3A_1706 = vector.broadcast %broadcast_in_dim3A_1705 : i32 to vector<16xi32>
      tpu.vector_store_idx %arg10[%broadcast_in_dim3A_1706, %get3A_1700], %get3A_1704 {add = true} : memref<8x10240xf32, #tpu.memory_space<vmem>>[vector<16xi32>, vector<16xi32>], vector<16xf32>,
      %get3A_1707 = arith.constant 1 : i32
      %get3A_1708 = arith.index_cast %get3A_1707 : i32 to index
      %get3A_1709 = arith.constant 16 : index
      %get3A_1710 = tpu.vector_load %arg7[%get3A_1708, %get3A_1709] {strides = array<i32>} : memref<8x256xf32, #tpu.memory_space<vmem>>, vector<16xf32>,
      %broadcast_in_dim3A_1711 = arith.constant 1 : i32
      %broadcast_in_dim3A_1712 = vector.broadcast %broadcast_in_dim3A_1711 : i32 to vector<16xi32>
      tpu.vector_store_idx %arg10[%broadcast_in_dim3A_1712, %get3A_1700], %get3A_1710 {add = true} : memref<8x10240xf32, #tpu.memory_space<vmem>>[vector<16xi32>, vector<16xi32>], vector<16xf32>,
      %get3A_1713 = arith.constant 2 : i32
      %get3A_1714 = arith.index_cast %get3A_1713 : i32 to index
      %get3A_1715 = arith.constant 16 : index
      %get3A_1716 = tpu.vector_load %arg7[%get3A_1714, %get3A_1715] {strides = array<i32>} : memref<8x256xf32, #tpu.memory_space<vmem>>, vector<16xf32>,
      %broadcast_in_dim3A_1717 = arith.constant 2 : i32
      %broadcast_in_dim3A_1718 = vector.broadcast %broadcast_in_dim3A_1717 : i32 to vector<16xi32>
      tpu.vector_store_idx %arg10[%broadcast_in_dim3A_1718, %get3A_1700], %get3A_1716 {add = true} : memref<8x10240xf32, #tpu.memory_space<vmem>>[vector<16xi32>, vector<16xi32>], vector<16xf32>,
      %get3A_1719 = arith.constant 3 : i32
      %get3A_1720 = arith.index_cast %get3A_1719 : i32 to index
      %get3A_1721 = arith.constant 16 : index
      %get3A_1722 = tpu.vector_load %arg7[%get3A_1720, %get3A_1721] {strides = array<i32>} : memref<8x256xf32, #tpu.memory_space<vmem>>, vector<16xf32>,
      %broadcast_in_dim3A_1723 = arith.constant 3 : i32
      %broadcast_in_dim3A_1724 = vector.broadcast %broadcast_in_dim3A_1723 : i32 to vector<16xi32>
      tpu.vector_store_idx %arg10[%broadcast_in_dim3A_1724, %get3A_1700], %get3A_1722 {add = true} : memref<8x10240xf32, #tpu.memory_space<vmem>>[vector<16xi32>, vector<16xi32>], vector<16xf32>,
      %get3A_1725 = arith.constant 4 : i32
      %get3A_1726 = arith.index_cast %get3A_1725 : i32 to index
      %get3A_1727 = arith.constant 16 : index
      %get3A_1728 = tpu.vector_load %arg7[%get3A_1726, %get3A_1727] {strides = array<i32>} : memref<8x256xf32, #tpu.memory_space<vmem>>, vector<16xf32>,
      %broadcast_in_dim3A_1729 = arith.constant 4 : i32
      %broadcast_in_dim3A_1730 = vector.broadcast %broadcast_in_dim3A_1729 : i32 to vector<16xi32>
      tpu.vector_store_idx %arg10[%broadcast_in_dim3A_1730, %get3A_1700], %get3A_1728 {add = true} : memref<8x10240xf32, #tpu.memory_space<vmem>>[vector<16xi32>, vector<16xi32>], vector<16xf32>,
      %get3A_1731 = arith.constant 5 : i32
      %get3A_1732 = arith.index_cast %get3A_1731 : i32 to index
      %get3A_1733 = arith.constant 16 : index
      %get3A_1734 = tpu.vector_load %arg7[%get3A_1732, %get3A_1733] {strides = array<i32>} : memref<8x256xf32, #tpu.memory_space<vmem>>, vector<16xf32>,
      %broadcast_in_dim3A_1735 = arith.constant 5 : i32
      %broadcast_in_dim3A_1736 = vector.broadcast %broadcast_in_dim3A_1735 : i32 to vector<16xi32>
      tpu.vector_store_idx %arg10[%broadcast_in_dim3A_1736, %get3A_1700], %get3A_1734 {add = true} : memref<8x10240xf32, #tpu.memory_space<vmem>>[vector<16xi32>, vector<16xi32>], vector<16xf32>,
      %get3A_1737 = arith.constant 6 : i32
      %get3A_1738 = arith.index_cast %get3A_1737 : i32 to index
      %get3A_1739 = arith.constant 16 : index
      %get3A_1740 = tpu.vector_load %arg7[%get3A_1738, %get3A_1739] {strides = array<i32>} : memref<8x256xf32, #tpu.memory_space<vmem>>, vector<16xf32>,
      %broadcast_in_dim3A_1741 = arith.constant 6 : i32
      %broadcast_in_dim3A_1742 = vector.broadcast %broadcast_in_dim3A_1741 : i32 to vector<16xi32>
      tpu.vector_store_idx %arg10[%broadcast_in_dim3A_1742, %get3A_1700], %get3A_1740 {add = true} : memref<8x10240xf32, #tpu.memory_space<vmem>>[vector<16xi32>, vector<16xi32>], vector<16xf32>,
      %get3A_1743 = arith.constant 7 : i32
      %get3A_1744 = arith.index_cast %get3A_1743 : i32 to index
      %get3A_1745 = arith.constant 16 : index
      %get3A_1746 = tpu.vector_load %arg7[%get3A_1744, %get3A_1745] {strides = array<i32>} : memref<8x256xf32, #tpu.memory_space<vmem>>, vector<16xf32>,
      %broadcast_in_dim3A_1747 = arith.constant 7 : i32
      %broadcast_in_dim3A_1748 = vector.broadcast %broadcast_in_dim3A_1747 : i32 to vector<16xi32>
      tpu.vector_store_idx %arg10[%broadcast_in_dim3A_1748, %get3A_1700], %get3A_1746 {add = true} : memref<8x10240xf32, #tpu.memory_space<vmem>>[vector<16xi32>, vector<16xi32>], vector<16xf32>,
      %get3A_1749 = arith.constant 32 : index
      %get3A_1750 = tpu.vector_load %arg9[%get3A_1749] {strides = array<i32>} : memref<256xi32, #tpu.memory_space<vmem>>, vector<16xi32>,
      %get3A_1751 = arith.constant 0 : i32
      %get3A_1752 = arith.index_cast %get3A_1751 : i32 to index
      %get3A_1753 = arith.constant 32 : index
      %get3A_1754 = tpu.vector_load %arg7[%get3A_1752, %get3A_1753] {strides = array<i32>} : memref<8x256xf32, #tpu.memory_space<vmem>>, vector<16xf32>,
      %broadcast_in_dim3A_1755 = arith.constant 0 : i32
      %broadcast_in_dim3A_1756 = vector.broadcast %broadcast_in_dim3A_1755 : i32 to vector<16xi32>
      tpu.vector_store_idx %arg10[%broadcast_in_dim3A_1756, %get3A_1750], %get3A_1754 {add = true} : memref<8x10240xf32, #tpu.memory_space<vmem>>[vector<16xi32>, vector<16xi32>], vector<16xf32>,
      %get3A_1757 = arith.constant 1 : i32
      %get3A_1758 = arith.index_cast %get3A_1757 : i32 to index
      %get3A_1759 = arith.constant 32 : index
      %get3A_1760 = tpu.vector_load %arg7[%get3A_1758, %get3A_1759] {strides = array<i32>} : memref<8x256xf32, #tpu.memory_space<vmem>>, vector<16xf32>,
      %broadcast_in_dim3A_1761 = arith.constant 1 : i32
      %broadcast_in_dim3A_1762 = vector.broadcast %broadcast_in_dim3A_1761 : i32 to vector<16xi32>
      tpu.vector_store_idx %arg10[%broadcast_in_dim3A_1762, %get3A_1750], %get3A_1760 {add = true} : memref<8x10240xf32, #tpu.memory_space<vmem>>[vector<16xi32>, vector<16xi32>], vector<16xf32>,
      %get3A_1763 = arith.constant 2 : i32
      %get3A_1764 = arith.index_cast %get3A_1763 : i32 to index
      %get3A_1765 = arith.constant 32 : index
      %get3A_1766 = tpu.vector_load %arg7[%get3A_1764, %get3A_1765] {strides = array<i32>} : memref<8x256xf32, #tpu.memory_space<vmem>>, vector<16xf32>,
      %broadcast_in_dim3A_1767 = arith.constant 2 : i32
      %broadcast_in_dim3A_1768 = vector.broadcast %broadcast_in_dim3A_1767 : i32 to vector<16xi32>
      tpu.vector_store_idx %arg10[%broadcast_in_dim3A_1768, %get3A_1750], %get3A_1766 {add = true} : memref<8x10240xf32, #tpu.memory_space<vmem>>[vector<16xi32>, vector<16xi32>], vector<16xf32>,
      %get3A_1769 = arith.constant 3 : i32
      %get3A_1770 = arith.index_cast %get3A_1769 : i32 to index
      %get3A_1771 = arith.constant 32 : index
      %get3A_1772 = tpu.vector_load %arg7[%get3A_1770, %get3A_1771] {strides = array<i32>} : memref<8x256xf32, #tpu.memory_space<vmem>>, vector<16xf32>,
      %broadcast_in_dim3A_1773 = arith.constant 3 : i32
      %broadcast_in_dim3A_1774 = vector.broadcast %broadcast_in_dim3A_1773 : i32 to vector<16xi32>
      tpu.vector_store_idx %arg10[%broadcast_in_dim3A_1774, %get3A_1750], %get3A_1772 {add = true} : memref<8x10240xf32, #tpu.memory_space<vmem>>[vector<16xi32>, vector<16xi32>], vector<16xf32>,
      %get3A_1775 = arith.constant 4 : i32
      %get3A_1776 = arith.index_cast %get3A_1775 : i32 to index
      %get3A_1777 = arith.constant 32 : index
      %get3A_1778 = tpu.vector_load %arg7[%get3A_1776, %get3A_1777] {strides = array<i32>} : memref<8x256xf32, #tpu.memory_space<vmem>>, vector<16xf32>,
      %broadcast_in_dim3A_1779 = arith.constant 4 : i32
      %broadcast_in_dim3A_1780 = vector.broadcast %broadcast_in_dim3A_1779 : i32 to vector<16xi32>
      tpu.vector_store_idx %arg10[%broadcast_in_dim3A_1780, %get3A_1750], %get3A_1778 {add = true} : memref<8x10240xf32, #tpu.memory_space<vmem>>[vector<16xi32>, vector<16xi32>], vector<16xf32>,
      %get3A_1781 = arith.constant 5 : i32
      %get3A_1782 = arith.index_cast %get3A_1781 : i32 to index
      %get3A_1783 = arith.constant 32 : index
      %get3A_1784 = tpu.vector_load %arg7[%get3A_1782, %get3A_1783] {strides = array<i32>} : memref<8x256xf32, #tpu.memory_space<vmem>>, vector<16xf32>,
      %broadcast_in_dim3A_1785 = arith.constant 5 : i32
      %broadcast_in_dim3A_1786 = vector.broadcast %broadcast_in_dim3A_1785 : i32 to vector<16xi32>
      tpu.vector_store_idx %arg10[%broadcast_in_dim3A_1786, %get3A_1750], %get3A_1784 {add = true} : memref<8x10240xf32, #tpu.memory_space<vmem>>[vector<16xi32>, vector<16xi32>], vector<16xf32>,
      %get3A_1787 = arith.constant 6 : i32
      %get3A_1788 = arith.index_cast %get3A_1787 : i32 to index
      %get3A_1789 = arith.constant 32 : index
      %get3A_1790 = tpu.vector_load %arg7[%get3A_1788, %get3A_1789] {strides = array<i32>} : memref<8x256xf32, #tpu.memory_space<vmem>>, vector<16xf32>,
      %broadcast_in_dim3A_1791 = arith.constant 6 : i32
      %broadcast_in_dim3A_1792 = vector.broadcast %broadcast_in_dim3A_1791 : i32 to vector<16xi32>
      tpu.vector_store_idx %arg10[%broadcast_in_dim3A_1792, %get3A_1750], %get3A_1790 {add = true} : memref<8x10240xf32, #tpu.memory_space<vmem>>[vector<16xi32>, vector<16xi32>], vector<16xf32>,
      %get3A_1793 = arith.constant 7 : i32
      %get3A_1794 = arith.index_cast %get3A_1793 : i32 to index
      %get3A_1795 = arith.constant 32 : index
      %get3A_1796 = tpu.vector_load %arg7[%get3A_1794, %get3A_1795] {strides = array<i32>} : memref<8x256xf32, #tpu.memory_space<vmem>>, vector<16xf32>,
      %broadcast_in_dim3A_1797 = arith.constant 7 : i32
      %broadcast_in_dim3A_1798 = vector.broadcast %broadcast_in_dim3A_1797 : i32 to vector<16xi32>
      tpu.vector_store_idx %arg10[%broadcast_in_dim3A_1798, %get3A_1750], %get3A_1796 {add = true} : memref<8x10240xf32, #tpu.memory_space<vmem>>[vector<16xi32>, vector<16xi32>], vector<16xf32>,
      %get3A_1799 = arith.constant 48 : index
      %get3A_1800 = tpu.vector_load %arg9[%get3A_1799] {strides = array<i32>} : memref<256xi32, #tpu.memory_space<vmem>>, vector<16xi32>,
      %get3A_1801 = arith.constant 0 : i32
      %get3A_1802 = arith.index_cast %get3A_1801 : i32 to index
      %get3A_1803 = arith.constant 48 : index
      %get3A_1804 = tpu.vector_load %arg7[%get3A_1802, %get3A_1803] {strides = array<i32>} : memref<8x256xf32, #tpu.memory_space<vmem>>, vector<16xf32>,
      %broadcast_in_dim3A_1805 = arith.constant 0 : i32
      %broadcast_in_dim3A_1806 = vector.broadcast %broadcast_in_dim3A_1805 : i32 to vector<16xi32>
      tpu.vector_store_idx %arg10[%broadcast_in_dim3A_1806, %get3A_1800], %get3A_1804 {add = true} : memref<8x10240xf32, #tpu.memory_space<vmem>>[vector<16xi32>, vector<16xi32>], vector<16xf32>,
      %get3A_1807 = arith.constant 1 : i32
      %get3A_1808 = arith.index_cast %get3A_1807 : i32 to index
      %get3A_1809 = arith.constant 48 : index
      %get3A_1810 = tpu.vector_load %arg7[%get3A_1808, %get3A_1809] {strides = array<i32>} : memref<8x256xf32, #tpu.memory_space<vmem>>, vector<16xf32>,
      %broadcast_in_dim3A_1811 = arith.constant 1 : i32
      %broadcast_in_dim3A_1812 = vector.broadcast %broadcast_in_dim3A_1811 : i32 to vector<16xi32>
      tpu.vector_store_idx %arg10[%broadcast_in_dim3A_1812, %get3A_1800], %get3A_1810 {add = true} : memref<8x10240xf32, #tpu.memory_space<vmem>>[vector<16xi32>, vector<16xi32>], vector<16xf32>,
      %get3A_1813 = arith.constant 2 : i32
      %get3A_1814 = arith.index_cast %get3A_1813 : i32 to index
      %get3A_1815 = arith.constant 48 : index
      %get3A_1816 = tpu.vector_load %arg7[%get3A_1814, %get3A_1815] {strides = array<i32>} : memref<8x256xf32, #tpu.memory_space<vmem>>, vector<16xf32>,
      %broadcast_in_dim3A_1817 = arith.constant 2 : i32
      %broadcast_in_dim3A_1818 = vector.broadcast %broadcast_in_dim3A_1817 : i32 to vector<16xi32>
      tpu.vector_store_idx %arg10[%broadcast_in_dim3A_1818, %get3A_1800], %get3A_1816 {add = true} : memref<8x10240xf32, #tpu.memory_space<vmem>>[vector<16xi32>, vector<16xi32>], vector<16xf32>,
      %get3A_1819 = arith.constant 3 : i32
      %get3A_1820 = arith.index_cast %get3A_1819 : i32 to index
      %get3A_1821 = arith.constant 48 : index
      %get3A_1822 = tpu.vector_load %arg7[%get3A_1820, %get3A_1821] {strides = array<i32>} : memref<8x256xf32, #tpu.memory_space<vmem>>, vector<16xf32>,
      %broadcast_in_dim3A_1823 = arith.constant 3 : i32
      %broadcast_in_dim3A_1824 = vector.broadcast %broadcast_in_dim3A_1823 : i32 to vector<16xi32>
      tpu.vector_store_idx %arg10[%broadcast_in_dim3A_1824, %get3A_1800], %get3A_1822 {add = true} : memref<8x10240xf32, #tpu.memory_space<vmem>>[vector<16xi32>, vector<16xi32>], vector<16xf32>,
      %get3A_1825 = arith.constant 4 : i32
      %get3A_1826 = arith.index_cast %get3A_1825 : i32 to index
      %get3A_1827 = arith.constant 48 : index
      %get3A_1828 = tpu.vector_load %arg7[%get3A_1826, %get3A_1827] {strides = array<i32>} : memref<8x256xf32, #tpu.memory_space<vmem>>, vector<16xf32>,
      %broadcast_in_dim3A_1829 = arith.constant 4 : i32
      %broadcast_in_dim3A_1830 = vector.broadcast %broadcast_in_dim3A_1829 : i32 to vector<16xi32>
      tpu.vector_store_idx %arg10[%broadcast_in_dim3A_1830, %get3A_1800], %get3A_1828 {add = true} : memref<8x10240xf32, #tpu.memory_space<vmem>>[vector<16xi32>, vector<16xi32>], vector<16xf32>,
      %get3A_1831 = arith.constant 5 : i32
      %get3A_1832 = arith.index_cast %get3A_1831 : i32 to index
      %get3A_1833 = arith.constant 48 : index
      %get3A_1834 = tpu.vector_load %arg7[%get3A_1832, %get3A_1833] {strides = array<i32>} : memref<8x256xf32, #tpu.memory_space<vmem>>, vector<16xf32>,
      %broadcast_in_dim3A_1835 = arith.constant 5 : i32
      %broadcast_in_dim3A_1836 = vector.broadcast %broadcast_in_dim3A_1835 : i32 to vector<16xi32>
      tpu.vector_store_idx %arg10[%broadcast_in_dim3A_1836, %get3A_1800], %get3A_1834 {add = true} : memref<8x10240xf32, #tpu.memory_space<vmem>>[vector<16xi32>, vector<16xi32>], vector<16xf32>,
      %get3A_1837 = arith.constant 6 : i32
      %get3A_1838 = arith.index_cast %get3A_1837 : i32 to index
      %get3A_1839 = arith.constant 48 : index
      %get3A_1840 = tpu.vector_load %arg7[%get3A_1838, %get3A_1839] {strides = array<i32>} : memref<8x256xf32, #tpu.memory_space<vmem>>, vector<16xf32>,
      %broadcast_in_dim3A_1841 = arith.constant 6 : i32
      %broadcast_in_dim3A_1842 = vector.broadcast %broadcast_in_dim3A_1841 : i32 to vector<16xi32>
      tpu.vector_store_idx %arg10[%broadcast_in_dim3A_1842, %get3A_1800], %get3A_1840 {add = true} : memref<8x10240xf32, #tpu.memory_space<vmem>>[vector<16xi32>, vector<16xi32>], vector<16xf32>,
      %get3A_1843 = arith.constant 7 : i32
      %get3A_1844 = arith.index_cast %get3A_1843 : i32 to index
      %get3A_1845 = arith.constant 48 : index
      %get3A_1846 = tpu.vector_load %arg7[%get3A_1844, %get3A_1845] {strides = array<i32>} : memref<8x256xf32, #tpu.memory_space<vmem>>, vector<16xf32>,
      %broadcast_in_dim3A_1847 = arith.constant 7 : i32
      %broadcast_in_dim3A_1848 = vector.broadcast %broadcast_in_dim3A_1847 : i32 to vector<16xi32>
      tpu.vector_store_idx %arg10[%broadcast_in_dim3A_1848, %get3A_1800], %get3A_1846 {add = true} : memref<8x10240xf32, #tpu.memory_space<vmem>>[vector<16xi32>, vector<16xi32>], vector<16xf32>,
      %get3A_1849 = arith.constant 64 : index
      %get3A_1850 = tpu.vector_load %arg9[%get3A_1849] {strides = array<i32>} : memref<256xi32, #tpu.memory_space<vmem>>, vector<16xi32>,
      %get3A_1851 = arith.constant 0 : i32
      %get3A_1852 = arith.index_cast %get3A_1851 : i32 to index
      %get3A_1853 = arith.constant 64 : index
      %get3A_1854 = tpu.vector_load %arg7[%get3A_1852, %get3A_1853] {strides = array<i32>} : memref<8x256xf32, #tpu.memory_space<vmem>>, vector<16xf32>,
      %broadcast_in_dim3A_1855 = arith.constant 0 : i32
      %broadcast_in_dim3A_1856 = vector.broadcast %broadcast_in_dim3A_1855 : i32 to vector<16xi32>
      tpu.vector_store_idx %arg10[%broadcast_in_dim3A_1856, %get3A_1850], %get3A_1854 {add = true} : memref<8x10240xf32, #tpu.memory_space<vmem>>[vector<16xi32>, vector<16xi32>], vector<16xf32>,
      %get3A_1857 = arith.constant 1 : i32
      %get3A_1858 = arith.index_cast %get3A_1857 : i32 to index
      %get3A_1859 = arith.constant 64 : index
      %get3A_1860 = tpu.vector_load %arg7[%get3A_1858, %get3A_1859] {strides = array<i32>} : memref<8x256xf32, #tpu.memory_space<vmem>>, vector<16xf32>,
      %broadcast_in_dim3A_1861 = arith.constant 1 : i32
      %broadcast_in_dim3A_1862 = vector.broadcast %broadcast_in_dim3A_1861 : i32 to vector<16xi32>
      tpu.vector_store_idx %arg10[%broadcast_in_dim3A_1862, %get3A_1850], %get3A_1860 {add = true} : memref<8x10240xf32, #tpu.memory_space<vmem>>[vector<16xi32>, vector<16xi32>], vector<16xf32>,
      %get3A_1863 = arith.constant 2 : i32
      %get3A_1864 = arith.index_cast %get3A_1863 : i32 to index
      %get3A_1865 = arith.constant 64 : index
      %get3A_1866 = tpu.vector_load %arg7[%get3A_1864, %get3A_1865] {strides = array<i32>} : memref<8x256xf32, #tpu.memory_space<vmem>>, vector<16xf32>,
      %broadcast_in_dim3A_1867 = arith.constant 2 : i32
      %broadcast_in_dim3A_1868 = vector.broadcast %broadcast_in_dim3A_1867 : i32 to vector<16xi32>
      tpu.vector_store_idx %arg10[%broadcast_in_dim3A_1868, %get3A_1850], %get3A_1866 {add = true} : memref<8x10240xf32, #tpu.memory_space<vmem>>[vector<16xi32>, vector<16xi32>], vector<16xf32>,
      %get3A_1869 = arith.constant 3 : i32
      %get3A_1870 = arith.index_cast %get3A_1869 : i32 to index
      %get3A_1871 = arith.constant 64 : index
      %get3A_1872 = tpu.vector_load %arg7[%get3A_1870, %get3A_1871] {strides = array<i32>} : memref<8x256xf32, #tpu.memory_space<vmem>>, vector<16xf32>,
      %broadcast_in_dim3A_1873 = arith.constant 3 : i32
      %broadcast_in_dim3A_1874 = vector.broadcast %broadcast_in_dim3A_1873 : i32 to vector<16xi32>
      tpu.vector_store_idx %arg10[%broadcast_in_dim3A_1874, %get3A_1850], %get3A_1872 {add = true} : memref<8x10240xf32, #tpu.memory_space<vmem>>[vector<16xi32>, vector<16xi32>], vector<16xf32>,
      %get3A_1875 = arith.constant 4 : i32
      %get3A_1876 = arith.index_cast %get3A_1875 : i32 to index
      %get3A_1877 = arith.constant 64 : index
      %get3A_1878 = tpu.vector_load %arg7[%get3A_1876, %get3A_1877] {strides = array<i32>} : memref<8x256xf32, #tpu.memory_space<vmem>>, vector<16xf32>,
      %broadcast_in_dim3A_1879 = arith.constant 4 : i32
      %broadcast_in_dim3A_1880 = vector.broadcast %broadcast_in_dim3A_1879 : i32 to vector<16xi32>
      tpu.vector_store_idx %arg10[%broadcast_in_dim3A_1880, %get3A_1850], %get3A_1878 {add = true} : memref<8x10240xf32, #tpu.memory_space<vmem>>[vector<16xi32>, vector<16xi32>], vector<16xf32>,
      %get3A_1881 = arith.constant 5 : i32
      %get3A_1882 = arith.index_cast %get3A_1881 : i32 to index
      %get3A_1883 = arith.constant 64 : index
      %get3A_1884 = tpu.vector_load %arg7[%get3A_1882, %get3A_1883] {strides = array<i32>} : memref<8x256xf32, #tpu.memory_space<vmem>>, vector<16xf32>,
      %broadcast_in_dim3A_1885 = arith.constant 5 : i32
      %broadcast_in_dim3A_1886 = vector.broadcast %broadcast_in_dim3A_1885 : i32 to vector<16xi32>
      tpu.vector_store_idx %arg10[%broadcast_in_dim3A_1886, %get3A_1850], %get3A_1884 {add = true} : memref<8x10240xf32, #tpu.memory_space<vmem>>[vector<16xi32>, vector<16xi32>], vector<16xf32>,
      %get3A_1887 = arith.constant 6 : i32
      %get3A_1888 = arith.index_cast %get3A_1887 : i32 to index
      %get3A_1889 = arith.constant 64 : index
      %get3A_1890 = tpu.vector_load %arg7[%get3A_1888, %get3A_1889] {strides = array<i32>} : memref<8x256xf32, #tpu.memory_space<vmem>>, vector<16xf32>,
      %broadcast_in_dim3A_1891 = arith.constant 6 : i32
      %broadcast_in_dim3A_1892 = vector.broadcast %broadcast_in_dim3A_1891 : i32 to vector<16xi32>
      tpu.vector_store_idx %arg10[%broadcast_in_dim3A_1892, %get3A_1850], %get3A_1890 {add = true} : memref<8x10240xf32, #tpu.memory_space<vmem>>[vector<16xi32>, vector<16xi32>], vector<16xf32>,
      %get3A_1893 = arith.constant 7 : i32
      %get3A_1894 = arith.index_cast %get3A_1893 : i32 to index
      %get3A_1895 = arith.constant 64 : index
      %get3A_1896 = tpu.vector_load %arg7[%get3A_1894, %get3A_1895] {strides = array<i32>} : memref<8x256xf32, #tpu.memory_space<vmem>>, vector<16xf32>,
      %broadcast_in_dim3A_1897 = arith.constant 7 : i32
      %broadcast_in_dim3A_1898 = vector.broadcast %broadcast_in_dim3A_1897 : i32 to vector<16xi32>
      tpu.vector_store_idx %arg10[%broadcast_in_dim3A_1898, %get3A_1850], %get3A_1896 {add = true} : memref<8x10240xf32, #tpu.memory_space<vmem>>[vector<16xi32>, vector<16xi32>], vector<16xf32>,
      %get3A_1899 = arith.constant 80 : index
      %get3A_1900 = tpu.vector_load %arg9[%get3A_1899] {strides = array<i32>} : memref<256xi32, #tpu.memory_space<vmem>>, vector<16xi32>,
      %get3A_1901 = arith.constant 0 : i32
      %get3A_1902 = arith.index_cast %get3A_1901 : i32 to index
      %get3A_1903 = arith.constant 80 : index
      %get3A_1904 = tpu.vector_load %arg7[%get3A_1902, %get3A_1903] {strides = array<i32>} : memref<8x256xf32, #tpu.memory_space<vmem>>, vector<16xf32>,
      %broadcast_in_dim3A_1905 = arith.constant 0 : i32
      %broadcast_in_dim3A_1906 = vector.broadcast %broadcast_in_dim3A_1905 : i32 to vector<16xi32>
      tpu.vector_store_idx %arg10[%broadcast_in_dim3A_1906, %get3A_1900], %get3A_1904 {add = true} : memref<8x10240xf32, #tpu.memory_space<vmem>>[vector<16xi32>, vector<16xi32>], vector<16xf32>,
      %get3A_1907 = arith.constant 1 : i32
      %get3A_1908 = arith.index_cast %get3A_1907 : i32 to index
      %get3A_1909 = arith.constant 80 : index
      %get3A_1910 = tpu.vector_load %arg7[%get3A_1908, %get3A_1909] {strides = array<i32>} : memref<8x256xf32, #tpu.memory_space<vmem>>, vector<16xf32>,
      %broadcast_in_dim3A_1911 = arith.constant 1 : i32
      %broadcast_in_dim3A_1912 = vector.broadcast %broadcast_in_dim3A_1911 : i32 to vector<16xi32>
      tpu.vector_store_idx %arg10[%broadcast_in_dim3A_1912, %get3A_1900], %get3A_1910 {add = true} : memref<8x10240xf32, #tpu.memory_space<vmem>>[vector<16xi32>, vector<16xi32>], vector<16xf32>,
      %get3A_1913 = arith.constant 2 : i32
      %get3A_1914 = arith.index_cast %get3A_1913 : i32 to index
      %get3A_1915 = arith.constant 80 : index
      %get3A_1916 = tpu.vector_load %arg7[%get3A_1914, %get3A_1915] {strides = array<i32>} : memref<8x256xf32, #tpu.memory_space<vmem>>, vector<16xf32>,
      %broadcast_in_dim3A_1917 = arith.constant 2 : i32
      %broadcast_in_dim3A_1918 = vector.broadcast %broadcast_in_dim3A_1917 : i32 to vector<16xi32>
      tpu.vector_store_idx %arg10[%broadcast_in_dim3A_1918, %get3A_1900], %get3A_1916 {add = true} : memref<8x10240xf32, #tpu.memory_space<vmem>>[vector<16xi32>, vector<16xi32>], vector<16xf32>,
      %get3A_1919 = arith.constant 3 : i32
      %get3A_1920 = arith.index_cast %get3A_1919 : i32 to index
      %get3A_1921 = arith.constant 80 : index
      %get3A_1922 = tpu.vector_load %arg7[%get3A_1920, %get3A_1921] {strides = array<i32>} : memref<8x256xf32, #tpu.memory_space<vmem>>, vector<16xf32>,
      %broadcast_in_dim3A_1923 = arith.constant 3 : i32
      %broadcast_in_dim3A_1924 = vector.broadcast %broadcast_in_dim3A_1923 : i32 to vector<16xi32>
      tpu.vector_store_idx %arg10[%broadcast_in_dim3A_1924, %get3A_1900], %get3A_1922 {add = true} : memref<8x10240xf32, #tpu.memory_space<vmem>>[vector<16xi32>, vector<16xi32>], vector<16xf32>,
      %get3A_1925 = arith.constant 4 : i32
      %get3A_1926 = arith.index_cast %get3A_1925 : i32 to index
      %get3A_1927 = arith.constant 80 : index
      %get3A_1928 = tpu.vector_load %arg7[%get3A_1926, %get3A_1927] {strides = array<i32>} : memref<8x256xf32, #tpu.memory_space<vmem>>, vector<16xf32>,
      %broadcast_in_dim3A_1929 = arith.constant 4 : i32
      %broadcast_in_dim3A_1930 = vector.broadcast %broadcast_in_dim3A_1929 : i32 to vector<16xi32>
      tpu.vector_store_idx %arg10[%broadcast_in_dim3A_1930, %get3A_1900], %get3A_1928 {add = true} : memref<8x10240xf32, #tpu.memory_space<vmem>>[vector<16xi32>, vector<16xi32>], vector<16xf32>,
      %get3A_1931 = arith.constant 5 : i32
      %get3A_1932 = arith.index_cast %get3A_1931 : i32 to index
      %get3A_1933 = arith.constant 80 : index
      %get3A_1934 = tpu.vector_load %arg7[%get3A_1932, %get3A_1933] {strides = array<i32>} : memref<8x256xf32, #tpu.memory_space<vmem>>, vector<16xf32>,
      %broadcast_in_dim3A_1935 = arith.constant 5 : i32
      %broadcast_in_dim3A_1936 = vector.broadcast %broadcast_in_dim3A_1935 : i32 to vector<16xi32>
      tpu.vector_store_idx %arg10[%broadcast_in_dim3A_1936, %get3A_1900], %get3A_1934 {add = true} : memref<8x10240xf32, #tpu.memory_space<vmem>>[vector<16xi32>, vector<16xi32>], vector<16xf32>,
      %get3A_1937 = arith.constant 6 : i32
      %get3A_1938 = arith.index_cast %get3A_1937 : i32 to index
      %get3A_1939 = arith.constant 80 : index
      %get3A_1940 = tpu.vector_load %arg7[%get3A_1938, %get3A_1939] {strides = array<i32>} : memref<8x256xf32, #tpu.memory_space<vmem>>, vector<16xf32>,
      %broadcast_in_dim3A_1941 = arith.constant 6 : i32
      %broadcast_in_dim3A_1942 = vector.broadcast %broadcast_in_dim3A_1941 : i32 to vector<16xi32>
      tpu.vector_store_idx %arg10[%broadcast_in_dim3A_1942, %get3A_1900], %get3A_1940 {add = true} : memref<8x10240xf32, #tpu.memory_space<vmem>>[vector<16xi32>, vector<16xi32>], vector<16xf32>,
      %get3A_1943 = arith.constant 7 : i32
      %get3A_1944 = arith.index_cast %get3A_1943 : i32 to index
      %get3A_1945 = arith.constant 80 : index
      %get3A_1946 = tpu.vector_load %arg7[%get3A_1944, %get3A_1945] {strides = array<i32>} : memref<8x256xf32, #tpu.memory_space<vmem>>, vector<16xf32>,
      %broadcast_in_dim3A_1947 = arith.constant 7 : i32
      %broadcast_in_dim3A_1948 = vector.broadcast %broadcast_in_dim3A_1947 : i32 to vector<16xi32>
      tpu.vector_store_idx %arg10[%broadcast_in_dim3A_1948, %get3A_1900], %get3A_1946 {add = true} : memref<8x10240xf32, #tpu.memory_space<vmem>>[vector<16xi32>, vector<16xi32>], vector<16xf32>,
      %get3A_1949 = arith.constant 96 : index
      %get3A_1950 = tpu.vector_load %arg9[%get3A_1949] {strides = array<i32>} : memref<256xi32, #tpu.memory_space<vmem>>, vector<16xi32>,
      %get3A_1951 = arith.constant 0 : i32
      %get3A_1952 = arith.index_cast %get3A_1951 : i32 to index
      %get3A_1953 = arith.constant 96 : index
      %get3A_1954 = tpu.vector_load %arg7[%get3A_1952, %get3A_1953] {strides = array<i32>} : memref<8x256xf32, #tpu.memory_space<vmem>>, vector<16xf32>,
      %broadcast_in_dim3A_1955 = arith.constant 0 : i32
      %broadcast_in_dim3A_1956 = vector.broadcast %broadcast_in_dim3A_1955 : i32 to vector<16xi32>
      tpu.vector_store_idx %arg10[%broadcast_in_dim3A_1956, %get3A_1950], %get3A_1954 {add = true} : memref<8x10240xf32, #tpu.memory_space<vmem>>[vector<16xi32>, vector<16xi32>], vector<16xf32>,
      %get3A_1957 = arith.constant 1 : i32
      %get3A_1958 = arith.index_cast %get3A_1957 : i32 to index
      %get3A_1959 = arith.constant 96 : index
      %get3A_1960 = tpu.vector_load %arg7[%get3A_1958, %get3A_1959] {strides = array<i32>} : memref<8x256xf32, #tpu.memory_space<vmem>>, vector<16xf32>,
      %broadcast_in_dim3A_1961 = arith.constant 1 : i32
      %broadcast_in_dim3A_1962 = vector.broadcast %broadcast_in_dim3A_1961 : i32 to vector<16xi32>
      tpu.vector_store_idx %arg10[%broadcast_in_dim3A_1962, %get3A_1950], %get3A_1960 {add = true} : memref<8x10240xf32, #tpu.memory_space<vmem>>[vector<16xi32>, vector<16xi32>], vector<16xf32>,
      %get3A_1963 = arith.constant 2 : i32
      %get3A_1964 = arith.index_cast %get3A_1963 : i32 to index
      %get3A_1965 = arith.constant 96 : index
      %get3A_1966 = tpu.vector_load %arg7[%get3A_1964, %get3A_1965] {strides = array<i32>} : memref<8x256xf32, #tpu.memory_space<vmem>>, vector<16xf32>,
      %broadcast_in_dim3A_1967 = arith.constant 2 : i32
      %broadcast_in_dim3A_1968 = vector.broadcast %broadcast_in_dim3A_1967 : i32 to vector<16xi32>
      tpu.vector_store_idx %arg10[%broadcast_in_dim3A_1968, %get3A_1950], %get3A_1966 {add = true} : memref<8x10240xf32, #tpu.memory_space<vmem>>[vector<16xi32>, vector<16xi32>], vector<16xf32>,
      %get3A_1969 = arith.constant 3 : i32
      %get3A_1970 = arith.index_cast %get3A_1969 : i32 to index
      %get3A_1971 = arith.constant 96 : index
      %get3A_1972 = tpu.vector_load %arg7[%get3A_1970, %get3A_1971] {strides = array<i32>} : memref<8x256xf32, #tpu.memory_space<vmem>>, vector<16xf32>,
      %broadcast_in_dim3A_1973 = arith.constant 3 : i32
      %broadcast_in_dim3A_1974 = vector.broadcast %broadcast_in_dim3A_1973 : i32 to vector<16xi32>
      tpu.vector_store_idx %arg10[%broadcast_in_dim3A_1974, %get3A_1950], %get3A_1972 {add = true} : memref<8x10240xf32, #tpu.memory_space<vmem>>[vector<16xi32>, vector<16xi32>], vector<16xf32>,
      %get3A_1975 = arith.constant 4 : i32
      %get3A_1976 = arith.index_cast %get3A_1975 : i32 to index
      %get3A_1977 = arith.constant 96 : index
      %get3A_1978 = tpu.vector_load %arg7[%get3A_1976, %get3A_1977] {strides = array<i32>} : memref<8x256xf32, #tpu.memory_space<vmem>>, vector<16xf32>,
      %broadcast_in_dim3A_1979 = arith.constant 4 : i32
      %broadcast_in_dim3A_1980 = vector.broadcast %broadcast_in_dim3A_1979 : i32 to vector<16xi32>
      tpu.vector_store_idx %arg10[%broadcast_in_dim3A_1980, %get3A_1950], %get3A_1978 {add = true} : memref<8x10240xf32, #tpu.memory_space<vmem>>[vector<16xi32>, vector<16xi32>], vector<16xf32>,
      %get3A_1981 = arith.constant 5 : i32
      %get3A_1982 = arith.index_cast %get3A_1981 : i32 to index
      %get3A_1983 = arith.constant 96 : index
      %get3A_1984 = tpu.vector_load %arg7[%get3A_1982, %get3A_1983] {strides = array<i32>} : memref<8x256xf32, #tpu.memory_space<vmem>>, vector<16xf32>,
      %broadcast_in_dim3A_1985 = arith.constant 5 : i32
      %broadcast_in_dim3A_1986 = vector.broadcast %broadcast_in_dim3A_1985 : i32 to vector<16xi32>
      tpu.vector_store_idx %arg10[%broadcast_in_dim3A_1986, %get3A_1950], %get3A_1984 {add = true} : memref<8x10240xf32, #tpu.memory_space<vmem>>[vector<16xi32>, vector<16xi32>], vector<16xf32>,
      %get3A_1987 = arith.constant 6 : i32
      %get3A_1988 = arith.index_cast %get3A_1987 : i32 to index
      %get3A_1989 = arith.constant 96 : index
      %get3A_1990 = tpu.vector_load %arg7[%get3A_1988, %get3A_1989] {strides = array<i32>} : memref<8x256xf32, #tpu.memory_space<vmem>>, vector<16xf32>,
      %broadcast_in_dim3A_1991 = arith.constant 6 : i32
      %broadcast_in_dim3A_1992 = vector.broadcast %broadcast_in_dim3A_1991 : i32 to vector<16xi32>
      tpu.vector_store_idx %arg10[%broadcast_in_dim3A_1992, %get3A_1950], %get3A_1990 {add = true} : memref<8x10240xf32, #tpu.memory_space<vmem>>[vector<16xi32>, vector<16xi32>], vector<16xf32>,
      %get3A_1993 = arith.constant 7 : i32
      %get3A_1994 = arith.index_cast %get3A_1993 : i32 to index
      %get3A_1995 = arith.constant 96 : index
      %get3A_1996 = tpu.vector_load %arg7[%get3A_1994, %get3A_1995] {strides = array<i32>} : memref<8x256xf32, #tpu.memory_space<vmem>>, vector<16xf32>,
      %broadcast_in_dim3A_1997 = arith.constant 7 : i32
      %broadcast_in_dim3A_1998 = vector.broadcast %broadcast_in_dim3A_1997 : i32 to vector<16xi32>
      tpu.vector_store_idx %arg10[%broadcast_in_dim3A_1998, %get3A_1950], %get3A_1996 {add = true} : memref<8x10240xf32, #tpu.memory_space<vmem>>[vector<16xi32>, vector<16xi32>], vector<16xf32>,
      %get3A_1999 = arith.constant 112 : index
      %get3A_2000 = tpu.vector_load %arg9[%get3A_1999] {strides = array<i32>} : memref<256xi32, #tpu.memory_space<vmem>>, vector<16xi32>,
      %get3A_2001 = arith.constant 0 : i32
      %get3A_2002 = arith.index_cast %get3A_2001 : i32 to index
      %get3A_2003 = arith.constant 112 : index
      %get3A_2004 = tpu.vector_load %arg7[%get3A_2002, %get3A_2003] {strides = array<i32>} : memref<8x256xf32, #tpu.memory_space<vmem>>, vector<16xf32>,
      %broadcast_in_dim3A_2005 = arith.constant 0 : i32
      %broadcast_in_dim3A_2006 = vector.broadcast %broadcast_in_dim3A_2005 : i32 to vector<16xi32>
      tpu.vector_store_idx %arg10[%broadcast_in_dim3A_2006, %get3A_2000], %get3A_2004 {add = true} : memref<8x10240xf32, #tpu.memory_space<vmem>>[vector<16xi32>, vector<16xi32>], vector<16xf32>,
      %get3A_2007 = arith.constant 1 : i32
      %get3A_2008 = arith.index_cast %get3A_2007 : i32 to index
      %get3A_2009 = arith.constant 112 : index
      %get3A_2010 = tpu.vector_load %arg7[%get3A_2008, %get3A_2009] {strides = array<i32>} : memref<8x256xf32, #tpu.memory_space<vmem>>, vector<16xf32>,
      %broadcast_in_dim3A_2011 = arith.constant 1 : i32
      %broadcast_in_dim3A_2012 = vector.broadcast %broadcast_in_dim3A_2011 : i32 to vector<16xi32>
      tpu.vector_store_idx %arg10[%broadcast_in_dim3A_2012, %get3A_2000], %get3A_2010 {add = true} : memref<8x10240xf32, #tpu.memory_space<vmem>>[vector<16xi32>, vector<16xi32>], vector<16xf32>,
      %get3A_2013 = arith.constant 2 : i32
      %get3A_2014 = arith.index_cast %get3A_2013 : i32 to index
      %get3A_2015 = arith.constant 112 : index
      %get3A_2016 = tpu.vector_load %arg7[%get3A_2014, %get3A_2015] {strides = array<i32>} : memref<8x256xf32, #tpu.memory_space<vmem>>, vector<16xf32>,
      %broadcast_in_dim3A_2017 = arith.constant 2 : i32
      %broadcast_in_dim3A_2018 = vector.broadcast %broadcast_in_dim3A_2017 : i32 to vector<16xi32>
      tpu.vector_store_idx %arg10[%broadcast_in_dim3A_2018, %get3A_2000], %get3A_2016 {add = true} : memref<8x10240xf32, #tpu.memory_space<vmem>>[vector<16xi32>, vector<16xi32>], vector<16xf32>,
      %get3A_2019 = arith.constant 3 : i32
      %get3A_2020 = arith.index_cast %get3A_2019 : i32 to index
      %get3A_2021 = arith.constant 112 : index
      %get3A_2022 = tpu.vector_load %arg7[%get3A_2020, %get3A_2021] {strides = array<i32>} : memref<8x256xf32, #tpu.memory_space<vmem>>, vector<16xf32>,
      %broadcast_in_dim3A_2023 = arith.constant 3 : i32
      %broadcast_in_dim3A_2024 = vector.broadcast %broadcast_in_dim3A_2023 : i32 to vector<16xi32>
      tpu.vector_store_idx %arg10[%broadcast_in_dim3A_2024, %get3A_2000], %get3A_2022 {add = true} : memref<8x10240xf32, #tpu.memory_space<vmem>>[vector<16xi32>, vector<16xi32>], vector<16xf32>,
      %get3A_2025 = arith.constant 4 : i32
      %get3A_2026 = arith.index_cast %get3A_2025 : i32 to index
      %get3A_2027 = arith.constant 112 : index
      %get3A_2028 = tpu.vector_load %arg7[%get3A_2026, %get3A_2027] {strides = array<i32>} : memref<8x256xf32, #tpu.memory_space<vmem>>, vector<16xf32>,
      %broadcast_in_dim3A_2029 = arith.constant 4 : i32
      %broadcast_in_dim3A_2030 = vector.broadcast %broadcast_in_dim3A_2029 : i32 to vector<16xi32>
      tpu.vector_store_idx %arg10[%broadcast_in_dim3A_2030, %get3A_2000], %get3A_2028 {add = true} : memref<8x10240xf32, #tpu.memory_space<vmem>>[vector<16xi32>, vector<16xi32>], vector<16xf32>,
      %get3A_2031 = arith.constant 5 : i32
      %get3A_2032 = arith.index_cast %get3A_2031 : i32 to index
      %get3A_2033 = arith.constant 112 : index
      %get3A_2034 = tpu.vector_load %arg7[%get3A_2032, %get3A_2033] {strides = array<i32>} : memref<8x256xf32, #tpu.memory_space<vmem>>, vector<16xf32>,
      %broadcast_in_dim3A_2035 = arith.constant 5 : i32
      %broadcast_in_dim3A_2036 = vector.broadcast %broadcast_in_dim3A_2035 : i32 to vector<16xi32>
      tpu.vector_store_idx %arg10[%broadcast_in_dim3A_2036, %get3A_2000], %get3A_2034 {add = true} : memref<8x10240xf32, #tpu.memory_space<vmem>>[vector<16xi32>, vector<16xi32>], vector<16xf32>,
      %get3A_2037 = arith.constant 6 : i32
      %get3A_2038 = arith.index_cast %get3A_2037 : i32 to index
      %get3A_2039 = arith.constant 112 : index
      %get3A_2040 = tpu.vector_load %arg7[%get3A_2038, %get3A_2039] {strides = array<i32>} : memref<8x256xf32, #tpu.memory_space<vmem>>, vector<16xf32>,
      %broadcast_in_dim3A_2041 = arith.constant 6 : i32
      %broadcast_in_dim3A_2042 = vector.broadcast %broadcast_in_dim3A_2041 : i32 to vector<16xi32>
      tpu.vector_store_idx %arg10[%broadcast_in_dim3A_2042, %get3A_2000], %get3A_2040 {add = true} : memref<8x10240xf32, #tpu.memory_space<vmem>>[vector<16xi32>, vector<16xi32>], vector<16xf32>,
      %get3A_2043 = arith.constant 7 : i32
      %get3A_2044 = arith.index_cast %get3A_2043 : i32 to index
      %get3A_2045 = arith.constant 112 : index
      %get3A_2046 = tpu.vector_load %arg7[%get3A_2044, %get3A_2045] {strides = array<i32>} : memref<8x256xf32, #tpu.memory_space<vmem>>, vector<16xf32>,
      %broadcast_in_dim3A_2047 = arith.constant 7 : i32
      %broadcast_in_dim3A_2048 = vector.broadcast %broadcast_in_dim3A_2047 : i32 to vector<16xi32>
      tpu.vector_store_idx %arg10[%broadcast_in_dim3A_2048, %get3A_2000], %get3A_2046 {add = true} : memref<8x10240xf32, #tpu.memory_space<vmem>>[vector<16xi32>, vector<16xi32>], vector<16xf32>,
      %get3A_2049 = arith.constant 128 : index
      %get3A_2050 = tpu.vector_load %arg9[%get3A_2049] {strides = array<i32>} : memref<256xi32, #tpu.memory_space<vmem>>, vector<16xi32>,
      %get3A_2051 = arith.constant 0 : i32
      %get3A_2052 = arith.index_cast %get3A_2051 : i32 to index
      %get3A_2053 = arith.constant 128 : index
      %get3A_2054 = tpu.vector_load %arg7[%get3A_2052, %get3A_2053] {strides = array<i32>} : memref<8x256xf32, #tpu.memory_space<vmem>>, vector<16xf32>,
      %broadcast_in_dim3A_2055 = arith.constant 0 : i32
      %broadcast_in_dim3A_2056 = vector.broadcast %broadcast_in_dim3A_2055 : i32 to vector<16xi32>
      tpu.vector_store_idx %arg10[%broadcast_in_dim3A_2056, %get3A_2050], %get3A_2054 {add = true} : memref<8x10240xf32, #tpu.memory_space<vmem>>[vector<16xi32>, vector<16xi32>], vector<16xf32>,
      %get3A_2057 = arith.constant 1 : i32
      %get3A_2058 = arith.index_cast %get3A_2057 : i32 to index
      %get3A_2059 = arith.constant 128 : index
      %get3A_2060 = tpu.vector_load %arg7[%get3A_2058, %get3A_2059] {strides = array<i32>} : memref<8x256xf32, #tpu.memory_space<vmem>>, vector<16xf32>,
      %broadcast_in_dim3A_2061 = arith.constant 1 : i32
      %broadcast_in_dim3A_2062 = vector.broadcast %broadcast_in_dim3A_2061 : i32 to vector<16xi32>
      tpu.vector_store_idx %arg10[%broadcast_in_dim3A_2062, %get3A_2050], %get3A_2060 {add = true} : memref<8x10240xf32, #tpu.memory_space<vmem>>[vector<16xi32>, vector<16xi32>], vector<16xf32>,
      %get3A_2063 = arith.constant 2 : i32
      %get3A_2064 = arith.index_cast %get3A_2063 : i32 to index
      %get3A_2065 = arith.constant 128 : index
      %get3A_2066 = tpu.vector_load %arg7[%get3A_2064, %get3A_2065] {strides = array<i32>} : memref<8x256xf32, #tpu.memory_space<vmem>>, vector<16xf32>,
      %broadcast_in_dim3A_2067 = arith.constant 2 : i32
      %broadcast_in_dim3A_2068 = vector.broadcast %broadcast_in_dim3A_2067 : i32 to vector<16xi32>
      tpu.vector_store_idx %arg10[%broadcast_in_dim3A_2068, %get3A_2050], %get3A_2066 {add = true} : memref<8x10240xf32, #tpu.memory_space<vmem>>[vector<16xi32>, vector<16xi32>], vector<16xf32>,
      %get3A_2069 = arith.constant 3 : i32
      %get3A_2070 = arith.index_cast %get3A_2069 : i32 to index
      %get3A_2071 = arith.constant 128 : index
      %get3A_2072 = tpu.vector_load %arg7[%get3A_2070, %get3A_2071] {strides = array<i32>} : memref<8x256xf32, #tpu.memory_space<vmem>>, vector<16xf32>,
      %broadcast_in_dim3A_2073 = arith.constant 3 : i32
      %broadcast_in_dim3A_2074 = vector.broadcast %broadcast_in_dim3A_2073 : i32 to vector<16xi32>
      tpu.vector_store_idx %arg10[%broadcast_in_dim3A_2074, %get3A_2050], %get3A_2072 {add = true} : memref<8x10240xf32, #tpu.memory_space<vmem>>[vector<16xi32>, vector<16xi32>], vector<16xf32>,
      %get3A_2075 = arith.constant 4 : i32
      %get3A_2076 = arith.index_cast %get3A_2075 : i32 to index
      %get3A_2077 = arith.constant 128 : index
      %get3A_2078 = tpu.vector_load %arg7[%get3A_2076, %get3A_2077] {strides = array<i32>} : memref<8x256xf32, #tpu.memory_space<vmem>>, vector<16xf32>,
      %broadcast_in_dim3A_2079 = arith.constant 4 : i32
      %broadcast_in_dim3A_2080 = vector.broadcast %broadcast_in_dim3A_2079 : i32 to vector<16xi32>
      tpu.vector_store_idx %arg10[%broadcast_in_dim3A_2080, %get3A_2050], %get3A_2078 {add = true} : memref<8x10240xf32, #tpu.memory_space<vmem>>[vector<16xi32>, vector<16xi32>], vector<16xf32>,
      %get3A_2081 = arith.constant 5 : i32
      %get3A_2082 = arith.index_cast %get3A_2081 : i32 to index
      %get3A_2083 = arith.constant 128 : index
      %get3A_2084 = tpu.vector_load %arg7[%get3A_2082, %get3A_2083] {strides = array<i32>} : memref<8x256xf32, #tpu.memory_space<vmem>>, vector<16xf32>,
      %broadcast_in_dim3A_2085 = arith.constant 5 : i32
      %broadcast_in_dim3A_2086 = vector.broadcast %broadcast_in_dim3A_2085 : i32 to vector<16xi32>
      tpu.vector_store_idx %arg10[%broadcast_in_dim3A_2086, %get3A_2050], %get3A_2084 {add = true} : memref<8x10240xf32, #tpu.memory_space<vmem>>[vector<16xi32>, vector<16xi32>], vector<16xf32>,
      %get3A_2087 = arith.constant 6 : i32
      %get3A_2088 = arith.index_cast %get3A_2087 : i32 to index
      %get3A_2089 = arith.constant 128 : index
      %get3A_2090 = tpu.vector_load %arg7[%get3A_2088, %get3A_2089] {strides = array<i32>} : memref<8x256xf32, #tpu.memory_space<vmem>>, vector<16xf32>,
      %broadcast_in_dim3A_2091 = arith.constant 6 : i32
      %broadcast_in_dim3A_2092 = vector.broadcast %broadcast_in_dim3A_2091 : i32 to vector<16xi32>
      tpu.vector_store_idx %arg10[%broadcast_in_dim3A_2092, %get3A_2050], %get3A_2090 {add = true} : memref<8x10240xf32, #tpu.memory_space<vmem>>[vector<16xi32>, vector<16xi32>], vector<16xf32>,
      %get3A_2093 = arith.constant 7 : i32
      %get3A_2094 = arith.index_cast %get3A_2093 : i32 to index
      %get3A_2095 = arith.constant 128 : index
      %get3A_2096 = tpu.vector_load %arg7[%get3A_2094, %get3A_2095] {strides = array<i32>} : memref<8x256xf32, #tpu.memory_space<vmem>>, vector<16xf32>,
      %broadcast_in_dim3A_2097 = arith.constant 7 : i32
      %broadcast_in_dim3A_2098 = vector.broadcast %broadcast_in_dim3A_2097 : i32 to vector<16xi32>
      tpu.vector_store_idx %arg10[%broadcast_in_dim3A_2098, %get3A_2050], %get3A_2096 {add = true} : memref<8x10240xf32, #tpu.memory_space<vmem>>[vector<16xi32>, vector<16xi32>], vector<16xf32>,
      %get3A_2099 = arith.constant 144 : index
      %get3A_2100 = tpu.vector_load %arg9[%get3A_2099] {strides = array<i32>} : memref<256xi32, #tpu.memory_space<vmem>>, vector<16xi32>,
      %get3A_2101 = arith.constant 0 : i32
      %get3A_2102 = arith.index_cast %get3A_2101 : i32 to index
      %get3A_2103 = arith.constant 144 : index
      %get3A_2104 = tpu.vector_load %arg7[%get3A_2102, %get3A_2103] {strides = array<i32>} : memref<8x256xf32, #tpu.memory_space<vmem>>, vector<16xf32>,
      %broadcast_in_dim3A_2105 = arith.constant 0 : i32
      %broadcast_in_dim3A_2106 = vector.broadcast %broadcast_in_dim3A_2105 : i32 to vector<16xi32>
      tpu.vector_store_idx %arg10[%broadcast_in_dim3A_2106, %get3A_2100], %get3A_2104 {add = true} : memref<8x10240xf32, #tpu.memory_space<vmem>>[vector<16xi32>, vector<16xi32>], vector<16xf32>,
      %get3A_2107 = arith.constant 1 : i32
      %get3A_2108 = arith.index_cast %get3A_2107 : i32 to index
      %get3A_2109 = arith.constant 144 : index
      %get3A_2110 = tpu.vector_load %arg7[%get3A_2108, %get3A_2109] {strides = array<i32>} : memref<8x256xf32, #tpu.memory_space<vmem>>, vector<16xf32>,
      %broadcast_in_dim3A_2111 = arith.constant 1 : i32
      %broadcast_in_dim3A_2112 = vector.broadcast %broadcast_in_dim3A_2111 : i32 to vector<16xi32>
      tpu.vector_store_idx %arg10[%broadcast_in_dim3A_2112, %get3A_2100], %get3A_2110 {add = true} : memref<8x10240xf32, #tpu.memory_space<vmem>>[vector<16xi32>, vector<16xi32>], vector<16xf32>,
      %get3A_2113 = arith.constant 2 : i32
      %get3A_2114 = arith.index_cast %get3A_2113 : i32 to index
      %get3A_2115 = arith.constant 144 : index
      %get3A_2116 = tpu.vector_load %arg7[%get3A_2114, %get3A_2115] {strides = array<i32>} : memref<8x256xf32, #tpu.memory_space<vmem>>, vector<16xf32>,
      %broadcast_in_dim3A_2117 = arith.constant 2 : i32
      %broadcast_in_dim3A_2118 = vector.broadcast %broadcast_in_dim3A_2117 : i32 to vector<16xi32>
      tpu.vector_store_idx %arg10[%broadcast_in_dim3A_2118, %get3A_2100], %get3A_2116 {add = true} : memref<8x10240xf32, #tpu.memory_space<vmem>>[vector<16xi32>, vector<16xi32>], vector<16xf32>,
      %get3A_2119 = arith.constant 3 : i32
      %get3A_2120 = arith.index_cast %get3A_2119 : i32 to index
      %get3A_2121 = arith.constant 144 : index
      %get3A_2122 = tpu.vector_load %arg7[%get3A_2120, %get3A_2121] {strides = array<i32>} : memref<8x256xf32, #tpu.memory_space<vmem>>, vector<16xf32>,
      %broadcast_in_dim3A_2123 = arith.constant 3 : i32
      %broadcast_in_dim3A_2124 = vector.broadcast %broadcast_in_dim3A_2123 : i32 to vector<16xi32>
      tpu.vector_store_idx %arg10[%broadcast_in_dim3A_2124, %get3A_2100], %get3A_2122 {add = true} : memref<8x10240xf32, #tpu.memory_space<vmem>>[vector<16xi32>, vector<16xi32>], vector<16xf32>,
      %get3A_2125 = arith.constant 4 : i32
      %get3A_2126 = arith.index_cast %get3A_2125 : i32 to index
      %get3A_2127 = arith.constant 144 : index
      %get3A_2128 = tpu.vector_load %arg7[%get3A_2126, %get3A_2127] {strides = array<i32>} : memref<8x256xf32, #tpu.memory_space<vmem>>, vector<16xf32>,
      %broadcast_in_dim3A_2129 = arith.constant 4 : i32
      %broadcast_in_dim3A_2130 = vector.broadcast %broadcast_in_dim3A_2129 : i32 to vector<16xi32>
      tpu.vector_store_idx %arg10[%broadcast_in_dim3A_2130, %get3A_2100], %get3A_2128 {add = true} : memref<8x10240xf32, #tpu.memory_space<vmem>>[vector<16xi32>, vector<16xi32>], vector<16xf32>,
      %get3A_2131 = arith.constant 5 : i32
      %get3A_2132 = arith.index_cast %get3A_2131 : i32 to index
      %get3A_2133 = arith.constant 144 : index
      %get3A_2134 = tpu.vector_load %arg7[%get3A_2132, %get3A_2133] {strides = array<i32>} : memref<8x256xf32, #tpu.memory_space<vmem>>, vector<16xf32>,
      %broadcast_in_dim3A_2135 = arith.constant 5 : i32
      %broadcast_in_dim3A_2136 = vector.broadcast %broadcast_in_dim3A_2135 : i32 to vector<16xi32>
      tpu.vector_store_idx %arg10[%broadcast_in_dim3A_2136, %get3A_2100], %get3A_2134 {add = true} : memref<8x10240xf32, #tpu.memory_space<vmem>>[vector<16xi32>, vector<16xi32>], vector<16xf32>,
      %get3A_2137 = arith.constant 6 : i32
      %get3A_2138 = arith.index_cast %get3A_2137 : i32 to index
      %get3A_2139 = arith.constant 144 : index
      %get3A_2140 = tpu.vector_load %arg7[%get3A_2138, %get3A_2139] {strides = array<i32>} : memref<8x256xf32, #tpu.memory_space<vmem>>, vector<16xf32>,
      %broadcast_in_dim3A_2141 = arith.constant 6 : i32
      %broadcast_in_dim3A_2142 = vector.broadcast %broadcast_in_dim3A_2141 : i32 to vector<16xi32>
      tpu.vector_store_idx %arg10[%broadcast_in_dim3A_2142, %get3A_2100], %get3A_2140 {add = true} : memref<8x10240xf32, #tpu.memory_space<vmem>>[vector<16xi32>, vector<16xi32>], vector<16xf32>,
      %get3A_2143 = arith.constant 7 : i32
      %get3A_2144 = arith.index_cast %get3A_2143 : i32 to index
      %get3A_2145 = arith.constant 144 : index
      %get3A_2146 = tpu.vector_load %arg7[%get3A_2144, %get3A_2145] {strides = array<i32>} : memref<8x256xf32, #tpu.memory_space<vmem>>, vector<16xf32>,
      %broadcast_in_dim3A_2147 = arith.constant 7 : i32
      %broadcast_in_dim3A_2148 = vector.broadcast %broadcast_in_dim3A_2147 : i32 to vector<16xi32>
      tpu.vector_store_idx %arg10[%broadcast_in_dim3A_2148, %get3A_2100], %get3A_2146 {add = true} : memref<8x10240xf32, #tpu.memory_space<vmem>>[vector<16xi32>, vector<16xi32>], vector<16xf32>,
      %get3A_2149 = arith.constant 160 : index
      %get3A_2150 = tpu.vector_load %arg9[%get3A_2149] {strides = array<i32>} : memref<256xi32, #tpu.memory_space<vmem>>, vector<16xi32>,
      %get3A_2151 = arith.constant 0 : i32
      %get3A_2152 = arith.index_cast %get3A_2151 : i32 to index
      %get3A_2153 = arith.constant 160 : index
      %get3A_2154 = tpu.vector_load %arg7[%get3A_2152, %get3A_2153] {strides = array<i32>} : memref<8x256xf32, #tpu.memory_space<vmem>>, vector<16xf32>,
      %broadcast_in_dim3A_2155 = arith.constant 0 : i32
      %broadcast_in_dim3A_2156 = vector.broadcast %broadcast_in_dim3A_2155 : i32 to vector<16xi32>
      tpu.vector_store_idx %arg10[%broadcast_in_dim3A_2156, %get3A_2150], %get3A_2154 {add = true} : memref<8x10240xf32, #tpu.memory_space<vmem>>[vector<16xi32>, vector<16xi32>], vector<16xf32>,
      %get3A_2157 = arith.constant 1 : i32
      %get3A_2158 = arith.index_cast %get3A_2157 : i32 to index
      %get3A_2159 = arith.constant 160 : index
      %get3A_2160 = tpu.vector_load %arg7[%get3A_2158, %get3A_2159] {strides = array<i32>} : memref<8x256xf32, #tpu.memory_space<vmem>>, vector<16xf32>,
      %broadcast_in_dim3A_2161 = arith.constant 1 : i32
      %broadcast_in_dim3A_2162 = vector.broadcast %broadcast_in_dim3A_2161 : i32 to vector<16xi32>
      tpu.vector_store_idx %arg10[%broadcast_in_dim3A_2162, %get3A_2150], %get3A_2160 {add = true} : memref<8x10240xf32, #tpu.memory_space<vmem>>[vector<16xi32>, vector<16xi32>], vector<16xf32>,
      %get3A_2163 = arith.constant 2 : i32
      %get3A_2164 = arith.index_cast %get3A_2163 : i32 to index
      %get3A_2165 = arith.constant 160 : index
      %get3A_2166 = tpu.vector_load %arg7[%get3A_2164, %get3A_2165] {strides = array<i32>} : memref<8x256xf32, #tpu.memory_space<vmem>>, vector<16xf32>,
      %broadcast_in_dim3A_2167 = arith.constant 2 : i32
      %broadcast_in_dim3A_2168 = vector.broadcast %broadcast_in_dim3A_2167 : i32 to vector<16xi32>
      tpu.vector_store_idx %arg10[%broadcast_in_dim3A_2168, %get3A_2150], %get3A_2166 {add = true} : memref<8x10240xf32, #tpu.memory_space<vmem>>[vector<16xi32>, vector<16xi32>], vector<16xf32>,
      %get3A_2169 = arith.constant 3 : i32
      %get3A_2170 = arith.index_cast %get3A_2169 : i32 to index
      %get3A_2171 = arith.constant 160 : index
      %get3A_2172 = tpu.vector_load %arg7[%get3A_2170, %get3A_2171] {strides = array<i32>} : memref<8x256xf32, #tpu.memory_space<vmem>>, vector<16xf32>,
      %broadcast_in_dim3A_2173 = arith.constant 3 : i32
      %broadcast_in_dim3A_2174 = vector.broadcast %broadcast_in_dim3A_2173 : i32 to vector<16xi32>
      tpu.vector_store_idx %arg10[%broadcast_in_dim3A_2174, %get3A_2150], %get3A_2172 {add = true} : memref<8x10240xf32, #tpu.memory_space<vmem>>[vector<16xi32>, vector<16xi32>], vector<16xf32>,
      %get3A_2175 = arith.constant 4 : i32
      %get3A_2176 = arith.index_cast %get3A_2175 : i32 to index
      %get3A_2177 = arith.constant 160 : index
      %get3A_2178 = tpu.vector_load %arg7[%get3A_2176, %get3A_2177] {strides = array<i32>} : memref<8x256xf32, #tpu.memory_space<vmem>>, vector<16xf32>,
      %broadcast_in_dim3A_2179 = arith.constant 4 : i32
      %broadcast_in_dim3A_2180 = vector.broadcast %broadcast_in_dim3A_2179 : i32 to vector<16xi32>
      tpu.vector_store_idx %arg10[%broadcast_in_dim3A_2180, %get3A_2150], %get3A_2178 {add = true} : memref<8x10240xf32, #tpu.memory_space<vmem>>[vector<16xi32>, vector<16xi32>], vector<16xf32>,
      %get3A_2181 = arith.constant 5 : i32
      %get3A_2182 = arith.index_cast %get3A_2181 : i32 to index
      %get3A_2183 = arith.constant 160 : index
      %get3A_2184 = tpu.vector_load %arg7[%get3A_2182, %get3A_2183] {strides = array<i32>} : memref<8x256xf32, #tpu.memory_space<vmem>>, vector<16xf32>,
      %broadcast_in_dim3A_2185 = arith.constant 5 : i32
      %broadcast_in_dim3A_2186 = vector.broadcast %broadcast_in_dim3A_2185 : i32 to vector<16xi32>
      tpu.vector_store_idx %arg10[%broadcast_in_dim3A_2186, %get3A_2150], %get3A_2184 {add = true} : memref<8x10240xf32, #tpu.memory_space<vmem>>[vector<16xi32>, vector<16xi32>], vector<16xf32>,
      %get3A_2187 = arith.constant 6 : i32
      %get3A_2188 = arith.index_cast %get3A_2187 : i32 to index
      %get3A_2189 = arith.constant 160 : index
      %get3A_2190 = tpu.vector_load %arg7[%get3A_2188, %get3A_2189] {strides = array<i32>} : memref<8x256xf32, #tpu.memory_space<vmem>>, vector<16xf32>,
      %broadcast_in_dim3A_2191 = arith.constant 6 : i32
      %broadcast_in_dim3A_2192 = vector.broadcast %broadcast_in_dim3A_2191 : i32 to vector<16xi32>
      tpu.vector_store_idx %arg10[%broadcast_in_dim3A_2192, %get3A_2150], %get3A_2190 {add = true} : memref<8x10240xf32, #tpu.memory_space<vmem>>[vector<16xi32>, vector<16xi32>], vector<16xf32>,
      %get3A_2193 = arith.constant 7 : i32
      %get3A_2194 = arith.index_cast %get3A_2193 : i32 to index
      %get3A_2195 = arith.constant 160 : index
      %get3A_2196 = tpu.vector_load %arg7[%get3A_2194, %get3A_2195] {strides = array<i32>} : memref<8x256xf32, #tpu.memory_space<vmem>>, vector<16xf32>,
      %broadcast_in_dim3A_2197 = arith.constant 7 : i32
      %broadcast_in_dim3A_2198 = vector.broadcast %broadcast_in_dim3A_2197 : i32 to vector<16xi32>
      tpu.vector_store_idx %arg10[%broadcast_in_dim3A_2198, %get3A_2150], %get3A_2196 {add = true} : memref<8x10240xf32, #tpu.memory_space<vmem>>[vector<16xi32>, vector<16xi32>], vector<16xf32>,
      %get3A_2199 = arith.constant 176 : index
      %get3A_2200 = tpu.vector_load %arg9[%get3A_2199] {strides = array<i32>} : memref<256xi32, #tpu.memory_space<vmem>>, vector<16xi32>,
      %get3A_2201 = arith.constant 0 : i32
      %get3A_2202 = arith.index_cast %get3A_2201 : i32 to index
      %get3A_2203 = arith.constant 176 : index
      %get3A_2204 = tpu.vector_load %arg7[%get3A_2202, %get3A_2203] {strides = array<i32>} : memref<8x256xf32, #tpu.memory_space<vmem>>, vector<16xf32>,
      %broadcast_in_dim3A_2205 = arith.constant 0 : i32
      %broadcast_in_dim3A_2206 = vector.broadcast %broadcast_in_dim3A_2205 : i32 to vector<16xi32>
      tpu.vector_store_idx %arg10[%broadcast_in_dim3A_2206, %get3A_2200], %get3A_2204 {add = true} : memref<8x10240xf32, #tpu.memory_space<vmem>>[vector<16xi32>, vector<16xi32>], vector<16xf32>,
      %get3A_2207 = arith.constant 1 : i32
      %get3A_2208 = arith.index_cast %get3A_2207 : i32 to index
      %get3A_2209 = arith.constant 176 : index
      %get3A_2210 = tpu.vector_load %arg7[%get3A_2208, %get3A_2209] {strides = array<i32>} : memref<8x256xf32, #tpu.memory_space<vmem>>, vector<16xf32>,
      %broadcast_in_dim3A_2211 = arith.constant 1 : i32
      %broadcast_in_dim3A_2212 = vector.broadcast %broadcast_in_dim3A_2211 : i32 to vector<16xi32>
      tpu.vector_store_idx %arg10[%broadcast_in_dim3A_2212, %get3A_2200], %get3A_2210 {add = true} : memref<8x10240xf32, #tpu.memory_space<vmem>>[vector<16xi32>, vector<16xi32>], vector<16xf32>,
      %get3A_2213 = arith.constant 2 : i32
      %get3A_2214 = arith.index_cast %get3A_2213 : i32 to index
      %get3A_2215 = arith.constant 176 : index
      %get3A_2216 = tpu.vector_load %arg7[%get3A_2214, %get3A_2215] {strides = array<i32>} : memref<8x256xf32, #tpu.memory_space<vmem>>, vector<16xf32>,
      %broadcast_in_dim3A_2217 = arith.constant 2 : i32
      %broadcast_in_dim3A_2218 = vector.broadcast %broadcast_in_dim3A_2217 : i32 to vector<16xi32>
      tpu.vector_store_idx %arg10[%broadcast_in_dim3A_2218, %get3A_2200], %get3A_2216 {add = true} : memref<8x10240xf32, #tpu.memory_space<vmem>>[vector<16xi32>, vector<16xi32>], vector<16xf32>,
      %get3A_2219 = arith.constant 3 : i32
      %get3A_2220 = arith.index_cast %get3A_2219 : i32 to index
      %get3A_2221 = arith.constant 176 : index
      %get3A_2222 = tpu.vector_load %arg7[%get3A_2220, %get3A_2221] {strides = array<i32>} : memref<8x256xf32, #tpu.memory_space<vmem>>, vector<16xf32>,
      %broadcast_in_dim3A_2223 = arith.constant 3 : i32
      %broadcast_in_dim3A_2224 = vector.broadcast %broadcast_in_dim3A_2223 : i32 to vector<16xi32>
      tpu.vector_store_idx %arg10[%broadcast_in_dim3A_2224, %get3A_2200], %get3A_2222 {add = true} : memref<8x10240xf32, #tpu.memory_space<vmem>>[vector<16xi32>, vector<16xi32>], vector<16xf32>,
      %get3A_2225 = arith.constant 4 : i32
      %get3A_2226 = arith.index_cast %get3A_2225 : i32 to index
      %get3A_2227 = arith.constant 176 : index
      %get3A_2228 = tpu.vector_load %arg7[%get3A_2226, %get3A_2227] {strides = array<i32>} : memref<8x256xf32, #tpu.memory_space<vmem>>, vector<16xf32>,
      %broadcast_in_dim3A_2229 = arith.constant 4 : i32
      %broadcast_in_dim3A_2230 = vector.broadcast %broadcast_in_dim3A_2229 : i32 to vector<16xi32>
      tpu.vector_store_idx %arg10[%broadcast_in_dim3A_2230, %get3A_2200], %get3A_2228 {add = true} : memref<8x10240xf32, #tpu.memory_space<vmem>>[vector<16xi32>, vector<16xi32>], vector<16xf32>,
      %get3A_2231 = arith.constant 5 : i32
      %get3A_2232 = arith.index_cast %get3A_2231 : i32 to index
      %get3A_2233 = arith.constant 176 : index
      %get3A_2234 = tpu.vector_load %arg7[%get3A_2232, %get3A_2233] {strides = array<i32>} : memref<8x256xf32, #tpu.memory_space<vmem>>, vector<16xf32>,
      %broadcast_in_dim3A_2235 = arith.constant 5 : i32
      %broadcast_in_dim3A_2236 = vector.broadcast %broadcast_in_dim3A_2235 : i32 to vector<16xi32>
      tpu.vector_store_idx %arg10[%broadcast_in_dim3A_2236, %get3A_2200], %get3A_2234 {add = true} : memref<8x10240xf32, #tpu.memory_space<vmem>>[vector<16xi32>, vector<16xi32>], vector<16xf32>,
      %get3A_2237 = arith.constant 6 : i32
      %get3A_2238 = arith.index_cast %get3A_2237 : i32 to index
      %get3A_2239 = arith.constant 176 : index
      %get3A_2240 = tpu.vector_load %arg7[%get3A_2238, %get3A_2239] {strides = array<i32>} : memref<8x256xf32, #tpu.memory_space<vmem>>, vector<16xf32>,
      %broadcast_in_dim3A_2241 = arith.constant 6 : i32
      %broadcast_in_dim3A_2242 = vector.broadcast %broadcast_in_dim3A_2241 : i32 to vector<16xi32>
      tpu.vector_store_idx %arg10[%broadcast_in_dim3A_2242, %get3A_2200], %get3A_2240 {add = true} : memref<8x10240xf32, #tpu.memory_space<vmem>>[vector<16xi32>, vector<16xi32>], vector<16xf32>,
      %get3A_2243 = arith.constant 7 : i32
      %get3A_2244 = arith.index_cast %get3A_2243 : i32 to index
      %get3A_2245 = arith.constant 176 : index
      %get3A_2246 = tpu.vector_load %arg7[%get3A_2244, %get3A_2245] {strides = array<i32>} : memref<8x256xf32, #tpu.memory_space<vmem>>, vector<16xf32>,
      %broadcast_in_dim3A_2247 = arith.constant 7 : i32
      %broadcast_in_dim3A_2248 = vector.broadcast %broadcast_in_dim3A_2247 : i32 to vector<16xi32>
      tpu.vector_store_idx %arg10[%broadcast_in_dim3A_2248, %get3A_2200], %get3A_2246 {add = true} : memref<8x10240xf32, #tpu.memory_space<vmem>>[vector<16xi32>, vector<16xi32>], vector<16xf32>,
      %get3A_2249 = arith.constant 192 : index
      %get3A_2250 = tpu.vector_load %arg9[%get3A_2249] {strides = array<i32>} : memref<256xi32, #tpu.memory_space<vmem>>, vector<16xi32>,
      %get3A_2251 = arith.constant 0 : i32
      %get3A_2252 = arith.index_cast %get3A_2251 : i32 to index
      %get3A_2253 = arith.constant 192 : index
      %get3A_2254 = tpu.vector_load %arg7[%get3A_2252, %get3A_2253] {strides = array<i32>} : memref<8x256xf32, #tpu.memory_space<vmem>>, vector<16xf32>,
      %broadcast_in_dim3A_2255 = arith.constant 0 : i32
      %broadcast_in_dim3A_2256 = vector.broadcast %broadcast_in_dim3A_2255 : i32 to vector<16xi32>
      tpu.vector_store_idx %arg10[%broadcast_in_dim3A_2256, %get3A_2250], %get3A_2254 {add = true} : memref<8x10240xf32, #tpu.memory_space<vmem>>[vector<16xi32>, vector<16xi32>], vector<16xf32>,
      %get3A_2257 = arith.constant 1 : i32
      %get3A_2258 = arith.index_cast %get3A_2257 : i32 to index
      %get3A_2259 = arith.constant 192 : index
      %get3A_2260 = tpu.vector_load %arg7[%get3A_2258, %get3A_2259] {strides = array<i32>} : memref<8x256xf32, #tpu.memory_space<vmem>>, vector<16xf32>,
      %broadcast_in_dim3A_2261 = arith.constant 1 : i32
      %broadcast_in_dim3A_2262 = vector.broadcast %broadcast_in_dim3A_2261 : i32 to vector<16xi32>
      tpu.vector_store_idx %arg10[%broadcast_in_dim3A_2262, %get3A_2250], %get3A_2260 {add = true} : memref<8x10240xf32, #tpu.memory_space<vmem>>[vector<16xi32>, vector<16xi32>], vector<16xf32>,
      %get3A_2263 = arith.constant 2 : i32
      %get3A_2264 = arith.index_cast %get3A_2263 : i32 to index
      %get3A_2265 = arith.constant 192 : index
      %get3A_2266 = tpu.vector_load %arg7[%get3A_2264, %get3A_2265] {strides = array<i32>} : memref<8x256xf32, #tpu.memory_space<vmem>>, vector<16xf32>,
      %broadcast_in_dim3A_2267 = arith.constant 2 : i32
      %broadcast_in_dim3A_2268 = vector.broadcast %broadcast_in_dim3A_2267 : i32 to vector<16xi32>
      tpu.vector_store_idx %arg10[%broadcast_in_dim3A_2268, %get3A_2250], %get3A_2266 {add = true} : memref<8x10240xf32, #tpu.memory_space<vmem>>[vector<16xi32>, vector<16xi32>], vector<16xf32>,
      %get3A_2269 = arith.constant 3 : i32
      %get3A_2270 = arith.index_cast %get3A_2269 : i32 to index
      %get3A_2271 = arith.constant 192 : index
      %get3A_2272 = tpu.vector_load %arg7[%get3A_2270, %get3A_2271] {strides = array<i32>} : memref<8x256xf32, #tpu.memory_space<vmem>>, vector<16xf32>,
      %broadcast_in_dim3A_2273 = arith.constant 3 : i32
      %broadcast_in_dim3A_2274 = vector.broadcast %broadcast_in_dim3A_2273 : i32 to vector<16xi32>
      tpu.vector_store_idx %arg10[%broadcast_in_dim3A_2274, %get3A_2250], %get3A_2272 {add = true} : memref<8x10240xf32, #tpu.memory_space<vmem>>[vector<16xi32>, vector<16xi32>], vector<16xf32>,
      %get3A_2275 = arith.constant 4 : i32
      %get3A_2276 = arith.index_cast %get3A_2275 : i32 to index
      %get3A_2277 = arith.constant 192 : index
      %get3A_2278 = tpu.vector_load %arg7[%get3A_2276, %get3A_2277] {strides = array<i32>} : memref<8x256xf32, #tpu.memory_space<vmem>>, vector<16xf32>,
      %broadcast_in_dim3A_2279 = arith.constant 4 : i32
      %broadcast_in_dim3A_2280 = vector.broadcast %broadcast_in_dim3A_2279 : i32 to vector<16xi32>
      tpu.vector_store_idx %arg10[%broadcast_in_dim3A_2280, %get3A_2250], %get3A_2278 {add = true} : memref<8x10240xf32, #tpu.memory_space<vmem>>[vector<16xi32>, vector<16xi32>], vector<16xf32>,
      %get3A_2281 = arith.constant 5 : i32
      %get3A_2282 = arith.index_cast %get3A_2281 : i32 to index
      %get3A_2283 = arith.constant 192 : index
      %get3A_2284 = tpu.vector_load %arg7[%get3A_2282, %get3A_2283] {strides = array<i32>} : memref<8x256xf32, #tpu.memory_space<vmem>>, vector<16xf32>,
      %broadcast_in_dim3A_2285 = arith.constant 5 : i32
      %broadcast_in_dim3A_2286 = vector.broadcast %broadcast_in_dim3A_2285 : i32 to vector<16xi32>
      tpu.vector_store_idx %arg10[%broadcast_in_dim3A_2286, %get3A_2250], %get3A_2284 {add = true} : memref<8x10240xf32, #tpu.memory_space<vmem>>[vector<16xi32>, vector<16xi32>], vector<16xf32>,
      %get3A_2287 = arith.constant 6 : i32
      %get3A_2288 = arith.index_cast %get3A_2287 : i32 to index
      %get3A_2289 = arith.constant 192 : index
      %get3A_2290 = tpu.vector_load %arg7[%get3A_2288, %get3A_2289] {strides = array<i32>} : memref<8x256xf32, #tpu.memory_space<vmem>>, vector<16xf32>,
      %broadcast_in_dim3A_2291 = arith.constant 6 : i32
      %broadcast_in_dim3A_2292 = vector.broadcast %broadcast_in_dim3A_2291 : i32 to vector<16xi32>
      tpu.vector_store_idx %arg10[%broadcast_in_dim3A_2292, %get3A_2250], %get3A_2290 {add = true} : memref<8x10240xf32, #tpu.memory_space<vmem>>[vector<16xi32>, vector<16xi32>], vector<16xf32>,
      %get3A_2293 = arith.constant 7 : i32
      %get3A_2294 = arith.index_cast %get3A_2293 : i32 to index
      %get3A_2295 = arith.constant 192 : index
      %get3A_2296 = tpu.vector_load %arg7[%get3A_2294, %get3A_2295] {strides = array<i32>} : memref<8x256xf32, #tpu.memory_space<vmem>>, vector<16xf32>,
      %broadcast_in_dim3A_2297 = arith.constant 7 : i32
      %broadcast_in_dim3A_2298 = vector.broadcast %broadcast_in_dim3A_2297 : i32 to vector<16xi32>
      tpu.vector_store_idx %arg10[%broadcast_in_dim3A_2298, %get3A_2250], %get3A_2296 {add = true} : memref<8x10240xf32, #tpu.memory_space<vmem>>[vector<16xi32>, vector<16xi32>], vector<16xf32>,
      %get3A_2299 = arith.constant 208 : index
      %get3A_2300 = tpu.vector_load %arg9[%get3A_2299] {strides = array<i32>} : memref<256xi32, #tpu.memory_space<vmem>>, vector<16xi32>,
      %get3A_2301 = arith.constant 0 : i32
      %get3A_2302 = arith.index_cast %get3A_2301 : i32 to index
      %get3A_2303 = arith.constant 208 : index
      %get3A_2304 = tpu.vector_load %arg7[%get3A_2302, %get3A_2303] {strides = array<i32>} : memref<8x256xf32, #tpu.memory_space<vmem>>, vector<16xf32>,
      %broadcast_in_dim3A_2305 = arith.constant 0 : i32
      %broadcast_in_dim3A_2306 = vector.broadcast %broadcast_in_dim3A_2305 : i32 to vector<16xi32>
      tpu.vector_store_idx %arg10[%broadcast_in_dim3A_2306, %get3A_2300], %get3A_2304 {add = true} : memref<8x10240xf32, #tpu.memory_space<vmem>>[vector<16xi32>, vector<16xi32>], vector<16xf32>,
      %get3A_2307 = arith.constant 1 : i32
      %get3A_2308 = arith.index_cast %get3A_2307 : i32 to index
      %get3A_2309 = arith.constant 208 : index
      %get3A_2310 = tpu.vector_load %arg7[%get3A_2308, %get3A_2309] {strides = array<i32>} : memref<8x256xf32, #tpu.memory_space<vmem>>, vector<16xf32>,
      %broadcast_in_dim3A_2311 = arith.constant 1 : i32
      %broadcast_in_dim3A_2312 = vector.broadcast %broadcast_in_dim3A_2311 : i32 to vector<16xi32>
      tpu.vector_store_idx %arg10[%broadcast_in_dim3A_2312, %get3A_2300], %get3A_2310 {add = true} : memref<8x10240xf32, #tpu.memory_space<vmem>>[vector<16xi32>, vector<16xi32>], vector<16xf32>,
      %get3A_2313 = arith.constant 2 : i32
      %get3A_2314 = arith.index_cast %get3A_2313 : i32 to index
      %get3A_2315 = arith.constant 208 : index
      %get3A_2316 = tpu.vector_load %arg7[%get3A_2314, %get3A_2315] {strides = array<i32>} : memref<8x256xf32, #tpu.memory_space<vmem>>, vector<16xf32>,
      %broadcast_in_dim3A_2317 = arith.constant 2 : i32
      %broadcast_in_dim3A_2318 = vector.broadcast %broadcast_in_dim3A_2317 : i32 to vector<16xi32>
      tpu.vector_store_idx %arg10[%broadcast_in_dim3A_2318, %get3A_2300], %get3A_2316 {add = true} : memref<8x10240xf32, #tpu.memory_space<vmem>>[vector<16xi32>, vector<16xi32>], vector<16xf32>,
      %get3A_2319 = arith.constant 3 : i32
      %get3A_2320 = arith.index_cast %get3A_2319 : i32 to index
      %get3A_2321 = arith.constant 208 : index
      %get3A_2322 = tpu.vector_load %arg7[%get3A_2320, %get3A_2321] {strides = array<i32>} : memref<8x256xf32, #tpu.memory_space<vmem>>, vector<16xf32>,
      %broadcast_in_dim3A_2323 = arith.constant 3 : i32
      %broadcast_in_dim3A_2324 = vector.broadcast %broadcast_in_dim3A_2323 : i32 to vector<16xi32>
      tpu.vector_store_idx %arg10[%broadcast_in_dim3A_2324, %get3A_2300], %get3A_2322 {add = true} : memref<8x10240xf32, #tpu.memory_space<vmem>>[vector<16xi32>, vector<16xi32>], vector<16xf32>,
      %get3A_2325 = arith.constant 4 : i32
      %get3A_2326 = arith.index_cast %get3A_2325 : i32 to index
      %get3A_2327 = arith.constant 208 : index
      %get3A_2328 = tpu.vector_load %arg7[%get3A_2326, %get3A_2327] {strides = array<i32>} : memref<8x256xf32, #tpu.memory_space<vmem>>, vector<16xf32>,
      %broadcast_in_dim3A_2329 = arith.constant 4 : i32
      %broadcast_in_dim3A_2330 = vector.broadcast %broadcast_in_dim3A_2329 : i32 to vector<16xi32>
      tpu.vector_store_idx %arg10[%broadcast_in_dim3A_2330, %get3A_2300], %get3A_2328 {add = true} : memref<8x10240xf32, #tpu.memory_space<vmem>>[vector<16xi32>, vector<16xi32>], vector<16xf32>,
      %get3A_2331 = arith.constant 5 : i32
      %get3A_2332 = arith.index_cast %get3A_2331 : i32 to index
      %get3A_2333 = arith.constant 208 : index
      %get3A_2334 = tpu.vector_load %arg7[%get3A_2332, %get3A_2333] {strides = array<i32>} : memref<8x256xf32, #tpu.memory_space<vmem>>, vector<16xf32>,
      %broadcast_in_dim3A_2335 = arith.constant 5 : i32
      %broadcast_in_dim3A_2336 = vector.broadcast %broadcast_in_dim3A_2335 : i32 to vector<16xi32>
      tpu.vector_store_idx %arg10[%broadcast_in_dim3A_2336, %get3A_2300], %get3A_2334 {add = true} : memref<8x10240xf32, #tpu.memory_space<vmem>>[vector<16xi32>, vector<16xi32>], vector<16xf32>,
      %get3A_2337 = arith.constant 6 : i32
      %get3A_2338 = arith.index_cast %get3A_2337 : i32 to index
      %get3A_2339 = arith.constant 208 : index
      %get3A_2340 = tpu.vector_load %arg7[%get3A_2338, %get3A_2339] {strides = array<i32>} : memref<8x256xf32, #tpu.memory_space<vmem>>, vector<16xf32>,
      %broadcast_in_dim3A_2341 = arith.constant 6 : i32
      %broadcast_in_dim3A_2342 = vector.broadcast %broadcast_in_dim3A_2341 : i32 to vector<16xi32>
      tpu.vector_store_idx %arg10[%broadcast_in_dim3A_2342, %get3A_2300], %get3A_2340 {add = true} : memref<8x10240xf32, #tpu.memory_space<vmem>>[vector<16xi32>, vector<16xi32>], vector<16xf32>,
      %get3A_2343 = arith.constant 7 : i32
      %get3A_2344 = arith.index_cast %get3A_2343 : i32 to index
      %get3A_2345 = arith.constant 208 : index
      %get3A_2346 = tpu.vector_load %arg7[%get3A_2344, %get3A_2345] {strides = array<i32>} : memref<8x256xf32, #tpu.memory_space<vmem>>, vector<16xf32>,
      %broadcast_in_dim3A_2347 = arith.constant 7 : i32
      %broadcast_in_dim3A_2348 = vector.broadcast %broadcast_in_dim3A_2347 : i32 to vector<16xi32>
      tpu.vector_store_idx %arg10[%broadcast_in_dim3A_2348, %get3A_2300], %get3A_2346 {add = true} : memref<8x10240xf32, #tpu.memory_space<vmem>>[vector<16xi32>, vector<16xi32>], vector<16xf32>,
      %get3A_2349 = arith.constant 224 : index
      %get3A_2350 = tpu.vector_load %arg9[%get3A_2349] {strides = array<i32>} : memref<256xi32, #tpu.memory_space<vmem>>, vector<16xi32>,
      %get3A_2351 = arith.constant 0 : i32
      %get3A_2352 = arith.index_cast %get3A_2351 : i32 to index
      %get3A_2353 = arith.constant 224 : index
      %get3A_2354 = tpu.vector_load %arg7[%get3A_2352, %get3A_2353] {strides = array<i32>} : memref<8x256xf32, #tpu.memory_space<vmem>>, vector<16xf32>,
      %broadcast_in_dim3A_2355 = arith.constant 0 : i32
      %broadcast_in_dim3A_2356 = vector.broadcast %broadcast_in_dim3A_2355 : i32 to vector<16xi32>
      tpu.vector_store_idx %arg10[%broadcast_in_dim3A_2356, %get3A_2350], %get3A_2354 {add = true} : memref<8x10240xf32, #tpu.memory_space<vmem>>[vector<16xi32>, vector<16xi32>], vector<16xf32>,
      %get3A_2357 = arith.constant 1 : i32
      %get3A_2358 = arith.index_cast %get3A_2357 : i32 to index
      %get3A_2359 = arith.constant 224 : index
      %get3A_2360 = tpu.vector_load %arg7[%get3A_2358, %get3A_2359] {strides = array<i32>} : memref<8x256xf32, #tpu.memory_space<vmem>>, vector<16xf32>,
      %broadcast_in_dim3A_2361 = arith.constant 1 : i32
      %broadcast_in_dim3A_2362 = vector.broadcast %broadcast_in_dim3A_2361 : i32 to vector<16xi32>
      tpu.vector_store_idx %arg10[%broadcast_in_dim3A_2362, %get3A_2350], %get3A_2360 {add = true} : memref<8x10240xf32, #tpu.memory_space<vmem>>[vector<16xi32>, vector<16xi32>], vector<16xf32>,
      %get3A_2363 = arith.constant 2 : i32
      %get3A_2364 = arith.index_cast %get3A_2363 : i32 to index
      %get3A_2365 = arith.constant 224 : index
      %get3A_2366 = tpu.vector_load %arg7[%get3A_2364, %get3A_2365] {strides = array<i32>} : memref<8x256xf32, #tpu.memory_space<vmem>>, vector<16xf32>,
      %broadcast_in_dim3A_2367 = arith.constant 2 : i32
      %broadcast_in_dim3A_2368 = vector.broadcast %broadcast_in_dim3A_2367 : i32 to vector<16xi32>
      tpu.vector_store_idx %arg10[%broadcast_in_dim3A_2368, %get3A_2350], %get3A_2366 {add = true} : memref<8x10240xf32, #tpu.memory_space<vmem>>[vector<16xi32>, vector<16xi32>], vector<16xf32>,
      %get3A_2369 = arith.constant 3 : i32
      %get3A_2370 = arith.index_cast %get3A_2369 : i32 to index
      %get3A_2371 = arith.constant 224 : index
      %get3A_2372 = tpu.vector_load %arg7[%get3A_2370, %get3A_2371] {strides = array<i32>} : memref<8x256xf32, #tpu.memory_space<vmem>>, vector<16xf32>,
      %broadcast_in_dim3A_2373 = arith.constant 3 : i32
      %broadcast_in_dim3A_2374 = vector.broadcast %broadcast_in_dim3A_2373 : i32 to vector<16xi32>
      tpu.vector_store_idx %arg10[%broadcast_in_dim3A_2374, %get3A_2350], %get3A_2372 {add = true} : memref<8x10240xf32, #tpu.memory_space<vmem>>[vector<16xi32>, vector<16xi32>], vector<16xf32>,
      %get3A_2375 = arith.constant 4 : i32
      %get3A_2376 = arith.index_cast %get3A_2375 : i32 to index
      %get3A_2377 = arith.constant 224 : index
      %get3A_2378 = tpu.vector_load %arg7[%get3A_2376, %get3A_2377] {strides = array<i32>} : memref<8x256xf32, #tpu.memory_space<vmem>>, vector<16xf32>,
      %broadcast_in_dim3A_2379 = arith.constant 4 : i32
      %broadcast_in_dim3A_2380 = vector.broadcast %broadcast_in_dim3A_2379 : i32 to vector<16xi32>
      tpu.vector_store_idx %arg10[%broadcast_in_dim3A_2380, %get3A_2350], %get3A_2378 {add = true} : memref<8x10240xf32, #tpu.memory_space<vmem>>[vector<16xi32>, vector<16xi32>], vector<16xf32>,
      %get3A_2381 = arith.constant 5 : i32
      %get3A_2382 = arith.index_cast %get3A_2381 : i32 to index
      %get3A_2383 = arith.constant 224 : index
      %get3A_2384 = tpu.vector_load %arg7[%get3A_2382, %get3A_2383] {strides = array<i32>} : memref<8x256xf32, #tpu.memory_space<vmem>>, vector<16xf32>,
      %broadcast_in_dim3A_2385 = arith.constant 5 : i32
      %broadcast_in_dim3A_2386 = vector.broadcast %broadcast_in_dim3A_2385 : i32 to vector<16xi32>
      tpu.vector_store_idx %arg10[%broadcast_in_dim3A_2386, %get3A_2350], %get3A_2384 {add = true} : memref<8x10240xf32, #tpu.memory_space<vmem>>[vector<16xi32>, vector<16xi32>], vector<16xf32>,
      %get3A_2387 = arith.constant 6 : i32
      %get3A_2388 = arith.index_cast %get3A_2387 : i32 to index
      %get3A_2389 = arith.constant 224 : index
      %get3A_2390 = tpu.vector_load %arg7[%get3A_2388, %get3A_2389] {strides = array<i32>} : memref<8x256xf32, #tpu.memory_space<vmem>>, vector<16xf32>,
      %broadcast_in_dim3A_2391 = arith.constant 6 : i32
      %broadcast_in_dim3A_2392 = vector.broadcast %broadcast_in_dim3A_2391 : i32 to vector<16xi32>
      tpu.vector_store_idx %arg10[%broadcast_in_dim3A_2392, %get3A_2350], %get3A_2390 {add = true} : memref<8x10240xf32, #tpu.memory_space<vmem>>[vector<16xi32>, vector<16xi32>], vector<16xf32>,
      %get3A_2393 = arith.constant 7 : i32
      %get3A_2394 = arith.index_cast %get3A_2393 : i32 to index
      %get3A_2395 = arith.constant 224 : index
      %get3A_2396 = tpu.vector_load %arg7[%get3A_2394, %get3A_2395] {strides = array<i32>} : memref<8x256xf32, #tpu.memory_space<vmem>>, vector<16xf32>,
      %broadcast_in_dim3A_2397 = arith.constant 7 : i32
      %broadcast_in_dim3A_2398 = vector.broadcast %broadcast_in_dim3A_2397 : i32 to vector<16xi32>
      tpu.vector_store_idx %arg10[%broadcast_in_dim3A_2398, %get3A_2350], %get3A_2396 {add = true} : memref<8x10240xf32, #tpu.memory_space<vmem>>[vector<16xi32>, vector<16xi32>], vector<16xf32>,
      %get3A_2399 = arith.constant 240 : index
      %get3A_2400 = tpu.vector_load %arg9[%get3A_2399] {strides = array<i32>} : memref<256xi32, #tpu.memory_space<vmem>>, vector<16xi32>,
      %get3A_2401 = arith.constant 0 : i32
      %get3A_2402 = arith.index_cast %get3A_2401 : i32 to index
      %get3A_2403 = arith.constant 240 : index
      %get3A_2404 = tpu.vector_load %arg7[%get3A_2402, %get3A_2403] {strides = array<i32>} : memref<8x256xf32, #tpu.memory_space<vmem>>, vector<16xf32>,
      %broadcast_in_dim3A_2405 = arith.constant 0 : i32
      %broadcast_in_dim3A_2406 = vector.broadcast %broadcast_in_dim3A_2405 : i32 to vector<16xi32>
      tpu.vector_store_idx %arg10[%broadcast_in_dim3A_2406, %get3A_2400], %get3A_2404 {add = true} : memref<8x10240xf32, #tpu.memory_space<vmem>>[vector<16xi32>, vector<16xi32>], vector<16xf32>,
      %get3A_2407 = arith.constant 1 : i32
      %get3A_2408 = arith.index_cast %get3A_2407 : i32 to index
      %get3A_2409 = arith.constant 240 : index
      %get3A_2410 = tpu.vector_load %arg7[%get3A_2408, %get3A_2409] {strides = array<i32>} : memref<8x256xf32, #tpu.memory_space<vmem>>, vector<16xf32>,
      %broadcast_in_dim3A_2411 = arith.constant 1 : i32
      %broadcast_in_dim3A_2412 = vector.broadcast %broadcast_in_dim3A_2411 : i32 to vector<16xi32>
      tpu.vector_store_idx %arg10[%broadcast_in_dim3A_2412, %get3A_2400], %get3A_2410 {add = true} : memref<8x10240xf32, #tpu.memory_space<vmem>>[vector<16xi32>, vector<16xi32>], vector<16xf32>,
      %get3A_2413 = arith.constant 2 : i32
      %get3A_2414 = arith.index_cast %get3A_2413 : i32 to index
      %get3A_2415 = arith.constant 240 : index
      %get3A_2416 = tpu.vector_load %arg7[%get3A_2414, %get3A_2415] {strides = array<i32>} : memref<8x256xf32, #tpu.memory_space<vmem>>, vector<16xf32>,
      %broadcast_in_dim3A_2417 = arith.constant 2 : i32
      %broadcast_in_dim3A_2418 = vector.broadcast %broadcast_in_dim3A_2417 : i32 to vector<16xi32>
      tpu.vector_store_idx %arg10[%broadcast_in_dim3A_2418, %get3A_2400], %get3A_2416 {add = true} : memref<8x10240xf32, #tpu.memory_space<vmem>>[vector<16xi32>, vector<16xi32>], vector<16xf32>,
      %get3A_2419 = arith.constant 3 : i32
      %get3A_2420 = arith.index_cast %get3A_2419 : i32 to index
      %get3A_2421 = arith.constant 240 : index
      %get3A_2422 = tpu.vector_load %arg7[%get3A_2420, %get3A_2421] {strides = array<i32>} : memref<8x256xf32, #tpu.memory_space<vmem>>, vector<16xf32>,
      %broadcast_in_dim3A_2423 = arith.constant 3 : i32
      %broadcast_in_dim3A_2424 = vector.broadcast %broadcast_in_dim3A_2423 : i32 to vector<16xi32>
      tpu.vector_store_idx %arg10[%broadcast_in_dim3A_2424, %get3A_2400], %get3A_2422 {add = true} : memref<8x10240xf32, #tpu.memory_space<vmem>>[vector<16xi32>, vector<16xi32>], vector<16xf32>,
      %get3A_2425 = arith.constant 4 : i32
      %get3A_2426 = arith.index_cast %get3A_2425 : i32 to index
      %get3A_2427 = arith.constant 240 : index
      %get3A_2428 = tpu.vector_load %arg7[%get3A_2426, %get3A_2427] {strides = array<i32>} : memref<8x256xf32, #tpu.memory_space<vmem>>, vector<16xf32>,
      %broadcast_in_dim3A_2429 = arith.constant 4 : i32
      %broadcast_in_dim3A_2430 = vector.broadcast %broadcast_in_dim3A_2429 : i32 to vector<16xi32>
      tpu.vector_store_idx %arg10[%broadcast_in_dim3A_2430, %get3A_2400], %get3A_2428 {add = true} : memref<8x10240xf32, #tpu.memory_space<vmem>>[vector<16xi32>, vector<16xi32>], vector<16xf32>,
      %get3A_2431 = arith.constant 5 : i32
      %get3A_2432 = arith.index_cast %get3A_2431 : i32 to index
      %get3A_2433 = arith.constant 240 : index
      %get3A_2434 = tpu.vector_load %arg7[%get3A_2432, %get3A_2433] {strides = array<i32>} : memref<8x256xf32, #tpu.memory_space<vmem>>, vector<16xf32>,
      %broadcast_in_dim3A_2435 = arith.constant 5 : i32
      %broadcast_in_dim3A_2436 = vector.broadcast %broadcast_in_dim3A_2435 : i32 to vector<16xi32>
      tpu.vector_store_idx %arg10[%broadcast_in_dim3A_2436, %get3A_2400], %get3A_2434 {add = true} : memref<8x10240xf32, #tpu.memory_space<vmem>>[vector<16xi32>, vector<16xi32>], vector<16xf32>,
      %get3A_2437 = arith.constant 6 : i32
      %get3A_2438 = arith.index_cast %get3A_2437 : i32 to index
      %get3A_2439 = arith.constant 240 : index
      %get3A_2440 = tpu.vector_load %arg7[%get3A_2438, %get3A_2439] {strides = array<i32>} : memref<8x256xf32, #tpu.memory_space<vmem>>, vector<16xf32>,
      %broadcast_in_dim3A_2441 = arith.constant 6 : i32
      %broadcast_in_dim3A_2442 = vector.broadcast %broadcast_in_dim3A_2441 : i32 to vector<16xi32>
      tpu.vector_store_idx %arg10[%broadcast_in_dim3A_2442, %get3A_2400], %get3A_2440 {add = true} : memref<8x10240xf32, #tpu.memory_space<vmem>>[vector<16xi32>, vector<16xi32>], vector<16xf32>,
      %get3A_2443 = arith.constant 7 : i32
      %get3A_2444 = arith.index_cast %get3A_2443 : i32 to index
      %get3A_2445 = arith.constant 240 : index
      %get3A_2446 = tpu.vector_load %arg7[%get3A_2444, %get3A_2445] {strides = array<i32>} : memref<8x256xf32, #tpu.memory_space<vmem>>, vector<16xf32>,
      %broadcast_in_dim3A_2447 = arith.constant 7 : i32
      %broadcast_in_dim3A_2448 = vector.broadcast %broadcast_in_dim3A_2447 : i32 to vector<16xi32>
      tpu.vector_store_idx %arg10[%broadcast_in_dim3A_2448, %get3A_2400], %get3A_2446 {add = true} : memref<8x10240xf32, #tpu.memory_space<vmem>>[vector<16xi32>, vector<16xi32>], vector<16xf32>,
    }
    %scan3A_14 = arith.constant 312 : i32
    %dma_wait3A = arith.constant 159744 : i32
    %dma_wait3A_15 = tpu.memref_slice %arg3[%dma_wait3A] : memref<160000xi32, #tpu.memory_space<hbm>> -> memref<256xi32, #tpu.memory_space<hbm>>
    %dma_wait3A_16 = arith.constant 159744 : i32
    %dma_wait3A_17 = tpu.memref_slice %arg3[%dma_wait3A_16] : memref<160000xi32, #tpu.memory_space<hbm>> -> memref<256xi32, #tpu.memory_space<hbm>>
    tpu.wait_dma2 semaphore(%arg13 : memref<!tpu.dma_semaphore, #tpu.memory_space<semaphore_mem>>) src(%dma_wait3A_17 : memref<256xi32, #tpu.memory_space<hbm>>) dst(%arg8 : memref<256xi32, #tpu.memory_space<vmem>>)
    %dma_wait3A_18 = arith.constant 159744 : i32
    %dma_wait3A_19 = tpu.memref_slice %arg2[%mul3A_2, %dma_wait3A_18] : memref<256x160000xf32, #tpu.memory_space<hbm>> -> memref<8x256xf32, #tpu.memory_space<hbm>>
    %dma_wait3A_20 = arith.constant 159744 : i32
    %dma_wait3A_21 = tpu.memref_slice %arg2[%mul3A_2, %dma_wait3A_20] : memref<256x160000xf32, #tpu.memory_space<hbm>> -> memref<8x256xf32, #tpu.memory_space<hbm>>
    tpu.wait_dma2 semaphore(%arg11 : memref<!tpu.dma_semaphore, #tpu.memory_space<semaphore_mem>>) src(%dma_wait3A_21 : memref<8x256xf32, #tpu.memory_space<hbm>>) dst(%arg6 : memref<8x256xf32, #tpu.memory_space<vmem>>)
    %get3A = arith.constant 0 : index
    %get3A_22 = tpu.vector_load %arg8[%get3A] {strides = array<i32>} : memref<256xi32, #tpu.memory_space<vmem>>, vector<16xi32>,
    %get3A_23 = arith.constant 0 : i32
    %get3A_24 = arith.index_cast %get3A_23 : i32 to index
    %get3A_25 = arith.constant 0 : index
    %get3A_26 = tpu.vector_load %arg6[%get3A_24, %get3A_25] {strides = array<i32>} : memref<8x256xf32, #tpu.memory_space<vmem>>, vector<16xf32>,
    %broadcast_in_dim3A = arith.constant 0 : i32
    %broadcast_in_dim3A_27 = vector.broadcast %broadcast_in_dim3A : i32 to vector<16xi32>
    tpu.vector_store_idx %arg10[%broadcast_in_dim3A_27, %get3A_22], %get3A_26 {add = true} : memref<8x10240xf32, #tpu.memory_space<vmem>>[vector<16xi32>, vector<16xi32>], vector<16xf32>,
    %get3A_28 = arith.constant 1 : i32
    %get3A_29 = arith.index_cast %get3A_28 : i32 to index
    %get3A_30 = arith.constant 0 : index
    %get3A_31 = tpu.vector_load %arg6[%get3A_29, %get3A_30] {strides = array<i32>} : memref<8x256xf32, #tpu.memory_space<vmem>>, vector<16xf32>,
    %broadcast_in_dim3A_32 = arith.constant 1 : i32
    %broadcast_in_dim3A_33 = vector.broadcast %broadcast_in_dim3A_32 : i32 to vector<16xi32>
    tpu.vector_store_idx %arg10[%broadcast_in_dim3A_33, %get3A_22], %get3A_31 {add = true} : memref<8x10240xf32, #tpu.memory_space<vmem>>[vector<16xi32>, vector<16xi32>], vector<16xf32>,
    %get3A_34 = arith.constant 2 : i32
    %get3A_35 = arith.index_cast %get3A_34 : i32 to index
    %get3A_36 = arith.constant 0 : index
    %get3A_37 = tpu.vector_load %arg6[%get3A_35, %get3A_36] {strides = array<i32>} : memref<8x256xf32, #tpu.memory_space<vmem>>, vector<16xf32>,
    %broadcast_in_dim3A_38 = arith.constant 2 : i32
    %broadcast_in_dim3A_39 = vector.broadcast %broadcast_in_dim3A_38 : i32 to vector<16xi32>
    tpu.vector_store_idx %arg10[%broadcast_in_dim3A_39, %get3A_22], %get3A_37 {add = true} : memref<8x10240xf32, #tpu.memory_space<vmem>>[vector<16xi32>, vector<16xi32>], vector<16xf32>,
    %get3A_40 = arith.constant 3 : i32
    %get3A_41 = arith.index_cast %get3A_40 : i32 to index
    %get3A_42 = arith.constant 0 : index
    %get3A_43 = tpu.vector_load %arg6[%get3A_41, %get3A_42] {strides = array<i32>} : memref<8x256xf32, #tpu.memory_space<vmem>>, vector<16xf32>,
    %broadcast_in_dim3A_44 = arith.constant 3 : i32
    %broadcast_in_dim3A_45 = vector.broadcast %broadcast_in_dim3A_44 : i32 to vector<16xi32>
    tpu.vector_store_idx %arg10[%broadcast_in_dim3A_45, %get3A_22], %get3A_43 {add = true} : memref<8x10240xf32, #tpu.memory_space<vmem>>[vector<16xi32>, vector<16xi32>], vector<16xf32>,
    %get3A_46 = arith.constant 4 : i32
    %get3A_47 = arith.index_cast %get3A_46 : i32 to index
    %get3A_48 = arith.constant 0 : index
    %get3A_49 = tpu.vector_load %arg6[%get3A_47, %get3A_48] {strides = array<i32>} : memref<8x256xf32, #tpu.memory_space<vmem>>, vector<16xf32>,
    %broadcast_in_dim3A_50 = arith.constant 4 : i32
    %broadcast_in_dim3A_51 = vector.broadcast %broadcast_in_dim3A_50 : i32 to vector<16xi32>
    tpu.vector_store_idx %arg10[%broadcast_in_dim3A_51, %get3A_22], %get3A_49 {add = true} : memref<8x10240xf32, #tpu.memory_space<vmem>>[vector<16xi32>, vector<16xi32>], vector<16xf32>,
    %get3A_52 = arith.constant 5 : i32
    %get3A_53 = arith.index_cast %get3A_52 : i32 to index
    %get3A_54 = arith.constant 0 : index
    %get3A_55 = tpu.vector_load %arg6[%get3A_53, %get3A_54] {strides = array<i32>} : memref<8x256xf32, #tpu.memory_space<vmem>>, vector<16xf32>,
    %broadcast_in_dim3A_56 = arith.constant 5 : i32
    %broadcast_in_dim3A_57 = vector.broadcast %broadcast_in_dim3A_56 : i32 to vector<16xi32>
    tpu.vector_store_idx %arg10[%broadcast_in_dim3A_57, %get3A_22], %get3A_55 {add = true} : memref<8x10240xf32, #tpu.memory_space<vmem>>[vector<16xi32>, vector<16xi32>], vector<16xf32>,
    %get3A_58 = arith.constant 6 : i32
    %get3A_59 = arith.index_cast %get3A_58 : i32 to index
    %get3A_60 = arith.constant 0 : index
    %get3A_61 = tpu.vector_load %arg6[%get3A_59, %get3A_60] {strides = array<i32>} : memref<8x256xf32, #tpu.memory_space<vmem>>, vector<16xf32>,
    %broadcast_in_dim3A_62 = arith.constant 6 : i32
    %broadcast_in_dim3A_63 = vector.broadcast %broadcast_in_dim3A_62 : i32 to vector<16xi32>
    tpu.vector_store_idx %arg10[%broadcast_in_dim3A_63, %get3A_22], %get3A_61 {add = true} : memref<8x10240xf32, #tpu.memory_space<vmem>>[vector<16xi32>, vector<16xi32>], vector<16xf32>,
    %get3A_64 = arith.constant 7 : i32
    %get3A_65 = arith.index_cast %get3A_64 : i32 to index
    %get3A_66 = arith.constant 0 : index
    %get3A_67 = tpu.vector_load %arg6[%get3A_65, %get3A_66] {strides = array<i32>} : memref<8x256xf32, #tpu.memory_space<vmem>>, vector<16xf32>,
    %broadcast_in_dim3A_68 = arith.constant 7 : i32
    %broadcast_in_dim3A_69 = vector.broadcast %broadcast_in_dim3A_68 : i32 to vector<16xi32>
    tpu.vector_store_idx %arg10[%broadcast_in_dim3A_69, %get3A_22], %get3A_67 {add = true} : memref<8x10240xf32, #tpu.memory_space<vmem>>[vector<16xi32>, vector<16xi32>], vector<16xf32>,
    %get3A_70 = arith.constant 16 : index
    %get3A_71 = tpu.vector_load %arg8[%get3A_70] {strides = array<i32>} : memref<256xi32, #tpu.memory_space<vmem>>, vector<16xi32>,
    %get3A_72 = arith.constant 0 : i32
    %get3A_73 = arith.index_cast %get3A_72 : i32 to index
    %get3A_74 = arith.constant 16 : index
    %get3A_75 = tpu.vector_load %arg6[%get3A_73, %get3A_74] {strides = array<i32>} : memref<8x256xf32, #tpu.memory_space<vmem>>, vector<16xf32>,
    %broadcast_in_dim3A_76 = arith.constant 0 : i32
    %broadcast_in_dim3A_77 = vector.broadcast %broadcast_in_dim3A_76 : i32 to vector<16xi32>
    tpu.vector_store_idx %arg10[%broadcast_in_dim3A_77, %get3A_71], %get3A_75 {add = true} : memref<8x10240xf32, #tpu.memory_space<vmem>>[vector<16xi32>, vector<16xi32>], vector<16xf32>,
    %get3A_78 = arith.constant 1 : i32
    %get3A_79 = arith.index_cast %get3A_78 : i32 to index
    %get3A_80 = arith.constant 16 : index
    %get3A_81 = tpu.vector_load %arg6[%get3A_79, %get3A_80] {strides = array<i32>} : memref<8x256xf32, #tpu.memory_space<vmem>>, vector<16xf32>,
    %broadcast_in_dim3A_82 = arith.constant 1 : i32
    %broadcast_in_dim3A_83 = vector.broadcast %broadcast_in_dim3A_82 : i32 to vector<16xi32>
    tpu.vector_store_idx %arg10[%broadcast_in_dim3A_83, %get3A_71], %get3A_81 {add = true} : memref<8x10240xf32, #tpu.memory_space<vmem>>[vector<16xi32>, vector<16xi32>], vector<16xf32>,
    %get3A_84 = arith.constant 2 : i32
    %get3A_85 = arith.index_cast %get3A_84 : i32 to index
    %get3A_86 = arith.constant 16 : index
    %get3A_87 = tpu.vector_load %arg6[%get3A_85, %get3A_86] {strides = array<i32>} : memref<8x256xf32, #tpu.memory_space<vmem>>, vector<16xf32>,
    %broadcast_in_dim3A_88 = arith.constant 2 : i32
    %broadcast_in_dim3A_89 = vector.broadcast %broadcast_in_dim3A_88 : i32 to vector<16xi32>
    tpu.vector_store_idx %arg10[%broadcast_in_dim3A_89, %get3A_71], %get3A_87 {add = true} : memref<8x10240xf32, #tpu.memory_space<vmem>>[vector<16xi32>, vector<16xi32>], vector<16xf32>,
    %get3A_90 = arith.constant 3 : i32
    %get3A_91 = arith.index_cast %get3A_90 : i32 to index
    %get3A_92 = arith.constant 16 : index
    %get3A_93 = tpu.vector_load %arg6[%get3A_91, %get3A_92] {strides = array<i32>} : memref<8x256xf32, #tpu.memory_space<vmem>>, vector<16xf32>,
    %broadcast_in_dim3A_94 = arith.constant 3 : i32
    %broadcast_in_dim3A_95 = vector.broadcast %broadcast_in_dim3A_94 : i32 to vector<16xi32>
    tpu.vector_store_idx %arg10[%broadcast_in_dim3A_95, %get3A_71], %get3A_93 {add = true} : memref<8x10240xf32, #tpu.memory_space<vmem>>[vector<16xi32>, vector<16xi32>], vector<16xf32>,
    %get3A_96 = arith.constant 4 : i32
    %get3A_97 = arith.index_cast %get3A_96 : i32 to index
    %get3A_98 = arith.constant 16 : index
    %get3A_99 = tpu.vector_load %arg6[%get3A_97, %get3A_98] {strides = array<i32>} : memref<8x256xf32, #tpu.memory_space<vmem>>, vector<16xf32>,
    %broadcast_in_dim3A_100 = arith.constant 4 : i32
    %broadcast_in_dim3A_101 = vector.broadcast %broadcast_in_dim3A_100 : i32 to vector<16xi32>
    tpu.vector_store_idx %arg10[%broadcast_in_dim3A_101, %get3A_71], %get3A_99 {add = true} : memref<8x10240xf32, #tpu.memory_space<vmem>>[vector<16xi32>, vector<16xi32>], vector<16xf32>,
    %get3A_102 = arith.constant 5 : i32
    %get3A_103 = arith.index_cast %get3A_102 : i32 to index
    %get3A_104 = arith.constant 16 : index
    %get3A_105 = tpu.vector_load %arg6[%get3A_103, %get3A_104] {strides = array<i32>} : memref<8x256xf32, #tpu.memory_space<vmem>>, vector<16xf32>,
    %broadcast_in_dim3A_106 = arith.constant 5 : i32
    %broadcast_in_dim3A_107 = vector.broadcast %broadcast_in_dim3A_106 : i32 to vector<16xi32>
    tpu.vector_store_idx %arg10[%broadcast_in_dim3A_107, %get3A_71], %get3A_105 {add = true} : memref<8x10240xf32, #tpu.memory_space<vmem>>[vector<16xi32>, vector<16xi32>], vector<16xf32>,
    %get3A_108 = arith.constant 6 : i32
    %get3A_109 = arith.index_cast %get3A_108 : i32 to index
    %get3A_110 = arith.constant 16 : index
    %get3A_111 = tpu.vector_load %arg6[%get3A_109, %get3A_110] {strides = array<i32>} : memref<8x256xf32, #tpu.memory_space<vmem>>, vector<16xf32>,
    %broadcast_in_dim3A_112 = arith.constant 6 : i32
    %broadcast_in_dim3A_113 = vector.broadcast %broadcast_in_dim3A_112 : i32 to vector<16xi32>
    tpu.vector_store_idx %arg10[%broadcast_in_dim3A_113, %get3A_71], %get3A_111 {add = true} : memref<8x10240xf32, #tpu.memory_space<vmem>>[vector<16xi32>, vector<16xi32>], vector<16xf32>,
    %get3A_114 = arith.constant 7 : i32
    %get3A_115 = arith.index_cast %get3A_114 : i32 to index
    %get3A_116 = arith.constant 16 : index
    %get3A_117 = tpu.vector_load %arg6[%get3A_115, %get3A_116] {strides = array<i32>} : memref<8x256xf32, #tpu.memory_space<vmem>>, vector<16xf32>,
    %broadcast_in_dim3A_118 = arith.constant 7 : i32
    %broadcast_in_dim3A_119 = vector.broadcast %broadcast_in_dim3A_118 : i32 to vector<16xi32>
    tpu.vector_store_idx %arg10[%broadcast_in_dim3A_119, %get3A_71], %get3A_117 {add = true} : memref<8x10240xf32, #tpu.memory_space<vmem>>[vector<16xi32>, vector<16xi32>], vector<16xf32>,
    %get3A_120 = arith.constant 32 : index
    %get3A_121 = tpu.vector_load %arg8[%get3A_120] {strides = array<i32>} : memref<256xi32, #tpu.memory_space<vmem>>, vector<16xi32>,
    %get3A_122 = arith.constant 0 : i32
    %get3A_123 = arith.index_cast %get3A_122 : i32 to index
    %get3A_124 = arith.constant 32 : index
    %get3A_125 = tpu.vector_load %arg6[%get3A_123, %get3A_124] {strides = array<i32>} : memref<8x256xf32, #tpu.memory_space<vmem>>, vector<16xf32>,
    %broadcast_in_dim3A_126 = arith.constant 0 : i32
    %broadcast_in_dim3A_127 = vector.broadcast %broadcast_in_dim3A_126 : i32 to vector<16xi32>
    tpu.vector_store_idx %arg10[%broadcast_in_dim3A_127, %get3A_121], %get3A_125 {add = true} : memref<8x10240xf32, #tpu.memory_space<vmem>>[vector<16xi32>, vector<16xi32>], vector<16xf32>,
    %get3A_128 = arith.constant 1 : i32
    %get3A_129 = arith.index_cast %get3A_128 : i32 to index
    %get3A_130 = arith.constant 32 : index
    %get3A_131 = tpu.vector_load %arg6[%get3A_129, %get3A_130] {strides = array<i32>} : memref<8x256xf32, #tpu.memory_space<vmem>>, vector<16xf32>,
    %broadcast_in_dim3A_132 = arith.constant 1 : i32
    %broadcast_in_dim3A_133 = vector.broadcast %broadcast_in_dim3A_132 : i32 to vector<16xi32>
    tpu.vector_store_idx %arg10[%broadcast_in_dim3A_133, %get3A_121], %get3A_131 {add = true} : memref<8x10240xf32, #tpu.memory_space<vmem>>[vector<16xi32>, vector<16xi32>], vector<16xf32>,
    %get3A_134 = arith.constant 2 : i32
    %get3A_135 = arith.index_cast %get3A_134 : i32 to index
    %get3A_136 = arith.constant 32 : index
    %get3A_137 = tpu.vector_load %arg6[%get3A_135, %get3A_136] {strides = array<i32>} : memref<8x256xf32, #tpu.memory_space<vmem>>, vector<16xf32>,
    %broadcast_in_dim3A_138 = arith.constant 2 : i32
    %broadcast_in_dim3A_139 = vector.broadcast %broadcast_in_dim3A_138 : i32 to vector<16xi32>
    tpu.vector_store_idx %arg10[%broadcast_in_dim3A_139, %get3A_121], %get3A_137 {add = true} : memref<8x10240xf32, #tpu.memory_space<vmem>>[vector<16xi32>, vector<16xi32>], vector<16xf32>,
    %get3A_140 = arith.constant 3 : i32
    %get3A_141 = arith.index_cast %get3A_140 : i32 to index
    %get3A_142 = arith.constant 32 : index
    %get3A_143 = tpu.vector_load %arg6[%get3A_141, %get3A_142] {strides = array<i32>} : memref<8x256xf32, #tpu.memory_space<vmem>>, vector<16xf32>,
    %broadcast_in_dim3A_144 = arith.constant 3 : i32
    %broadcast_in_dim3A_145 = vector.broadcast %broadcast_in_dim3A_144 : i32 to vector<16xi32>
    tpu.vector_store_idx %arg10[%broadcast_in_dim3A_145, %get3A_121], %get3A_143 {add = true} : memref<8x10240xf32, #tpu.memory_space<vmem>>[vector<16xi32>, vector<16xi32>], vector<16xf32>,
    %get3A_146 = arith.constant 4 : i32
    %get3A_147 = arith.index_cast %get3A_146 : i32 to index
    %get3A_148 = arith.constant 32 : index
    %get3A_149 = tpu.vector_load %arg6[%get3A_147, %get3A_148] {strides = array<i32>} : memref<8x256xf32, #tpu.memory_space<vmem>>, vector<16xf32>,
    %broadcast_in_dim3A_150 = arith.constant 4 : i32
    %broadcast_in_dim3A_151 = vector.broadcast %broadcast_in_dim3A_150 : i32 to vector<16xi32>
    tpu.vector_store_idx %arg10[%broadcast_in_dim3A_151, %get3A_121], %get3A_149 {add = true} : memref<8x10240xf32, #tpu.memory_space<vmem>>[vector<16xi32>, vector<16xi32>], vector<16xf32>,
    %get3A_152 = arith.constant 5 : i32
    %get3A_153 = arith.index_cast %get3A_152 : i32 to index
    %get3A_154 = arith.constant 32 : index
    %get3A_155 = tpu.vector_load %arg6[%get3A_153, %get3A_154] {strides = array<i32>} : memref<8x256xf32, #tpu.memory_space<vmem>>, vector<16xf32>,
    %broadcast_in_dim3A_156 = arith.constant 5 : i32
    %broadcast_in_dim3A_157 = vector.broadcast %broadcast_in_dim3A_156 : i32 to vector<16xi32>
    tpu.vector_store_idx %arg10[%broadcast_in_dim3A_157, %get3A_121], %get3A_155 {add = true} : memref<8x10240xf32, #tpu.memory_space<vmem>>[vector<16xi32>, vector<16xi32>], vector<16xf32>,
    %get3A_158 = arith.constant 6 : i32
    %get3A_159 = arith.index_cast %get3A_158 : i32 to index
    %get3A_160 = arith.constant 32 : index
    %get3A_161 = tpu.vector_load %arg6[%get3A_159, %get3A_160] {strides = array<i32>} : memref<8x256xf32, #tpu.memory_space<vmem>>, vector<16xf32>,
    %broadcast_in_dim3A_162 = arith.constant 6 : i32
    %broadcast_in_dim3A_163 = vector.broadcast %broadcast_in_dim3A_162 : i32 to vector<16xi32>
    tpu.vector_store_idx %arg10[%broadcast_in_dim3A_163, %get3A_121], %get3A_161 {add = true} : memref<8x10240xf32, #tpu.memory_space<vmem>>[vector<16xi32>, vector<16xi32>], vector<16xf32>,
    %get3A_164 = arith.constant 7 : i32
    %get3A_165 = arith.index_cast %get3A_164 : i32 to index
    %get3A_166 = arith.constant 32 : index
    %get3A_167 = tpu.vector_load %arg6[%get3A_165, %get3A_166] {strides = array<i32>} : memref<8x256xf32, #tpu.memory_space<vmem>>, vector<16xf32>,
    %broadcast_in_dim3A_168 = arith.constant 7 : i32
    %broadcast_in_dim3A_169 = vector.broadcast %broadcast_in_dim3A_168 : i32 to vector<16xi32>
    tpu.vector_store_idx %arg10[%broadcast_in_dim3A_169, %get3A_121], %get3A_167 {add = true} : memref<8x10240xf32, #tpu.memory_space<vmem>>[vector<16xi32>, vector<16xi32>], vector<16xf32>,
    %get3A_170 = arith.constant 48 : index
    %get3A_171 = tpu.vector_load %arg8[%get3A_170] {strides = array<i32>} : memref<256xi32, #tpu.memory_space<vmem>>, vector<16xi32>,
    %get3A_172 = arith.constant 0 : i32
    %get3A_173 = arith.index_cast %get3A_172 : i32 to index
    %get3A_174 = arith.constant 48 : index
    %get3A_175 = tpu.vector_load %arg6[%get3A_173, %get3A_174] {strides = array<i32>} : memref<8x256xf32, #tpu.memory_space<vmem>>, vector<16xf32>,
    %broadcast_in_dim3A_176 = arith.constant 0 : i32
    %broadcast_in_dim3A_177 = vector.broadcast %broadcast_in_dim3A_176 : i32 to vector<16xi32>
    tpu.vector_store_idx %arg10[%broadcast_in_dim3A_177, %get3A_171], %get3A_175 {add = true} : memref<8x10240xf32, #tpu.memory_space<vmem>>[vector<16xi32>, vector<16xi32>], vector<16xf32>,
    %get3A_178 = arith.constant 1 : i32
    %get3A_179 = arith.index_cast %get3A_178 : i32 to index
    %get3A_180 = arith.constant 48 : index
    %get3A_181 = tpu.vector_load %arg6[%get3A_179, %get3A_180] {strides = array<i32>} : memref<8x256xf32, #tpu.memory_space<vmem>>, vector<16xf32>,
    %broadcast_in_dim3A_182 = arith.constant 1 : i32
    %broadcast_in_dim3A_183 = vector.broadcast %broadcast_in_dim3A_182 : i32 to vector<16xi32>
    tpu.vector_store_idx %arg10[%broadcast_in_dim3A_183, %get3A_171], %get3A_181 {add = true} : memref<8x10240xf32, #tpu.memory_space<vmem>>[vector<16xi32>, vector<16xi32>], vector<16xf32>,
    %get3A_184 = arith.constant 2 : i32
    %get3A_185 = arith.index_cast %get3A_184 : i32 to index
    %get3A_186 = arith.constant 48 : index
    %get3A_187 = tpu.vector_load %arg6[%get3A_185, %get3A_186] {strides = array<i32>} : memref<8x256xf32, #tpu.memory_space<vmem>>, vector<16xf32>,
    %broadcast_in_dim3A_188 = arith.constant 2 : i32
    %broadcast_in_dim3A_189 = vector.broadcast %broadcast_in_dim3A_188 : i32 to vector<16xi32>
    tpu.vector_store_idx %arg10[%broadcast_in_dim3A_189, %get3A_171], %get3A_187 {add = true} : memref<8x10240xf32, #tpu.memory_space<vmem>>[vector<16xi32>, vector<16xi32>], vector<16xf32>,
    %get3A_190 = arith.constant 3 : i32
    %get3A_191 = arith.index_cast %get3A_190 : i32 to index
    %get3A_192 = arith.constant 48 : index
    %get3A_193 = tpu.vector_load %arg6[%get3A_191, %get3A_192] {strides = array<i32>} : memref<8x256xf32, #tpu.memory_space<vmem>>, vector<16xf32>,
    %broadcast_in_dim3A_194 = arith.constant 3 : i32
    %broadcast_in_dim3A_195 = vector.broadcast %broadcast_in_dim3A_194 : i32 to vector<16xi32>
    tpu.vector_store_idx %arg10[%broadcast_in_dim3A_195, %get3A_171], %get3A_193 {add = true} : memref<8x10240xf32, #tpu.memory_space<vmem>>[vector<16xi32>, vector<16xi32>], vector<16xf32>,
    %get3A_196 = arith.constant 4 : i32
    %get3A_197 = arith.index_cast %get3A_196 : i32 to index
    %get3A_198 = arith.constant 48 : index
    %get3A_199 = tpu.vector_load %arg6[%get3A_197, %get3A_198] {strides = array<i32>} : memref<8x256xf32, #tpu.memory_space<vmem>>, vector<16xf32>,
    %broadcast_in_dim3A_200 = arith.constant 4 : i32
    %broadcast_in_dim3A_201 = vector.broadcast %broadcast_in_dim3A_200 : i32 to vector<16xi32>
    tpu.vector_store_idx %arg10[%broadcast_in_dim3A_201, %get3A_171], %get3A_199 {add = true} : memref<8x10240xf32, #tpu.memory_space<vmem>>[vector<16xi32>, vector<16xi32>], vector<16xf32>,
    %get3A_202 = arith.constant 5 : i32
    %get3A_203 = arith.index_cast %get3A_202 : i32 to index
    %get3A_204 = arith.constant 48 : index
    %get3A_205 = tpu.vector_load %arg6[%get3A_203, %get3A_204] {strides = array<i32>} : memref<8x256xf32, #tpu.memory_space<vmem>>, vector<16xf32>,
    %broadcast_in_dim3A_206 = arith.constant 5 : i32
    %broadcast_in_dim3A_207 = vector.broadcast %broadcast_in_dim3A_206 : i32 to vector<16xi32>
    tpu.vector_store_idx %arg10[%broadcast_in_dim3A_207, %get3A_171], %get3A_205 {add = true} : memref<8x10240xf32, #tpu.memory_space<vmem>>[vector<16xi32>, vector<16xi32>], vector<16xf32>,
    %get3A_208 = arith.constant 6 : i32
    %get3A_209 = arith.index_cast %get3A_208 : i32 to index
    %get3A_210 = arith.constant 48 : index
    %get3A_211 = tpu.vector_load %arg6[%get3A_209, %get3A_210] {strides = array<i32>} : memref<8x256xf32, #tpu.memory_space<vmem>>, vector<16xf32>,
    %broadcast_in_dim3A_212 = arith.constant 6 : i32
    %broadcast_in_dim3A_213 = vector.broadcast %broadcast_in_dim3A_212 : i32 to vector<16xi32>
    tpu.vector_store_idx %arg10[%broadcast_in_dim3A_213, %get3A_171], %get3A_211 {add = true} : memref<8x10240xf32, #tpu.memory_space<vmem>>[vector<16xi32>, vector<16xi32>], vector<16xf32>,
    %get3A_214 = arith.constant 7 : i32
    %get3A_215 = arith.index_cast %get3A_214 : i32 to index
    %get3A_216 = arith.constant 48 : index
    %get3A_217 = tpu.vector_load %arg6[%get3A_215, %get3A_216] {strides = array<i32>} : memref<8x256xf32, #tpu.memory_space<vmem>>, vector<16xf32>,
    %broadcast_in_dim3A_218 = arith.constant 7 : i32
    %broadcast_in_dim3A_219 = vector.broadcast %broadcast_in_dim3A_218 : i32 to vector<16xi32>
    tpu.vector_store_idx %arg10[%broadcast_in_dim3A_219, %get3A_171], %get3A_217 {add = true} : memref<8x10240xf32, #tpu.memory_space<vmem>>[vector<16xi32>, vector<16xi32>], vector<16xf32>,
    %get3A_220 = arith.constant 64 : index
    %get3A_221 = tpu.vector_load %arg8[%get3A_220] {strides = array<i32>} : memref<256xi32, #tpu.memory_space<vmem>>, vector<16xi32>,
    %get3A_222 = arith.constant 0 : i32
    %get3A_223 = arith.index_cast %get3A_222 : i32 to index
    %get3A_224 = arith.constant 64 : index
    %get3A_225 = tpu.vector_load %arg6[%get3A_223, %get3A_224] {strides = array<i32>} : memref<8x256xf32, #tpu.memory_space<vmem>>, vector<16xf32>,
    %broadcast_in_dim3A_226 = arith.constant 0 : i32
    %broadcast_in_dim3A_227 = vector.broadcast %broadcast_in_dim3A_226 : i32 to vector<16xi32>
    tpu.vector_store_idx %arg10[%broadcast_in_dim3A_227, %get3A_221], %get3A_225 {add = true} : memref<8x10240xf32, #tpu.memory_space<vmem>>[vector<16xi32>, vector<16xi32>], vector<16xf32>,
    %get3A_228 = arith.constant 1 : i32
    %get3A_229 = arith.index_cast %get3A_228 : i32 to index
    %get3A_230 = arith.constant 64 : index
    %get3A_231 = tpu.vector_load %arg6[%get3A_229, %get3A_230] {strides = array<i32>} : memref<8x256xf32, #tpu.memory_space<vmem>>, vector<16xf32>,
    %broadcast_in_dim3A_232 = arith.constant 1 : i32
    %broadcast_in_dim3A_233 = vector.broadcast %broadcast_in_dim3A_232 : i32 to vector<16xi32>
    tpu.vector_store_idx %arg10[%broadcast_in_dim3A_233, %get3A_221], %get3A_231 {add = true} : memref<8x10240xf32, #tpu.memory_space<vmem>>[vector<16xi32>, vector<16xi32>], vector<16xf32>,
    %get3A_234 = arith.constant 2 : i32
    %get3A_235 = arith.index_cast %get3A_234 : i32 to index
    %get3A_236 = arith.constant 64 : index
    %get3A_237 = tpu.vector_load %arg6[%get3A_235, %get3A_236] {strides = array<i32>} : memref<8x256xf32, #tpu.memory_space<vmem>>, vector<16xf32>,
    %broadcast_in_dim3A_238 = arith.constant 2 : i32
    %broadcast_in_dim3A_239 = vector.broadcast %broadcast_in_dim3A_238 : i32 to vector<16xi32>
    tpu.vector_store_idx %arg10[%broadcast_in_dim3A_239, %get3A_221], %get3A_237 {add = true} : memref<8x10240xf32, #tpu.memory_space<vmem>>[vector<16xi32>, vector<16xi32>], vector<16xf32>,
    %get3A_240 = arith.constant 3 : i32
    %get3A_241 = arith.index_cast %get3A_240 : i32 to index
    %get3A_242 = arith.constant 64 : index
    %get3A_243 = tpu.vector_load %arg6[%get3A_241, %get3A_242] {strides = array<i32>} : memref<8x256xf32, #tpu.memory_space<vmem>>, vector<16xf32>,
    %broadcast_in_dim3A_244 = arith.constant 3 : i32
    %broadcast_in_dim3A_245 = vector.broadcast %broadcast_in_dim3A_244 : i32 to vector<16xi32>
    tpu.vector_store_idx %arg10[%broadcast_in_dim3A_245, %get3A_221], %get3A_243 {add = true} : memref<8x10240xf32, #tpu.memory_space<vmem>>[vector<16xi32>, vector<16xi32>], vector<16xf32>,
    %get3A_246 = arith.constant 4 : i32
    %get3A_247 = arith.index_cast %get3A_246 : i32 to index
    %get3A_248 = arith.constant 64 : index
    %get3A_249 = tpu.vector_load %arg6[%get3A_247, %get3A_248] {strides = array<i32>} : memref<8x256xf32, #tpu.memory_space<vmem>>, vector<16xf32>,
    %broadcast_in_dim3A_250 = arith.constant 4 : i32
    %broadcast_in_dim3A_251 = vector.broadcast %broadcast_in_dim3A_250 : i32 to vector<16xi32>
    tpu.vector_store_idx %arg10[%broadcast_in_dim3A_251, %get3A_221], %get3A_249 {add = true} : memref<8x10240xf32, #tpu.memory_space<vmem>>[vector<16xi32>, vector<16xi32>], vector<16xf32>,
    %get3A_252 = arith.constant 5 : i32
    %get3A_253 = arith.index_cast %get3A_252 : i32 to index
    %get3A_254 = arith.constant 64 : index
    %get3A_255 = tpu.vector_load %arg6[%get3A_253, %get3A_254] {strides = array<i32>} : memref<8x256xf32, #tpu.memory_space<vmem>>, vector<16xf32>,
    %broadcast_in_dim3A_256 = arith.constant 5 : i32
    %broadcast_in_dim3A_257 = vector.broadcast %broadcast_in_dim3A_256 : i32 to vector<16xi32>
    tpu.vector_store_idx %arg10[%broadcast_in_dim3A_257, %get3A_221], %get3A_255 {add = true} : memref<8x10240xf32, #tpu.memory_space<vmem>>[vector<16xi32>, vector<16xi32>], vector<16xf32>,
    %get3A_258 = arith.constant 6 : i32
    %get3A_259 = arith.index_cast %get3A_258 : i32 to index
    %get3A_260 = arith.constant 64 : index
    %get3A_261 = tpu.vector_load %arg6[%get3A_259, %get3A_260] {strides = array<i32>} : memref<8x256xf32, #tpu.memory_space<vmem>>, vector<16xf32>,
    %broadcast_in_dim3A_262 = arith.constant 6 : i32
    %broadcast_in_dim3A_263 = vector.broadcast %broadcast_in_dim3A_262 : i32 to vector<16xi32>
    tpu.vector_store_idx %arg10[%broadcast_in_dim3A_263, %get3A_221], %get3A_261 {add = true} : memref<8x10240xf32, #tpu.memory_space<vmem>>[vector<16xi32>, vector<16xi32>], vector<16xf32>,
    %get3A_264 = arith.constant 7 : i32
    %get3A_265 = arith.index_cast %get3A_264 : i32 to index
    %get3A_266 = arith.constant 64 : index
    %get3A_267 = tpu.vector_load %arg6[%get3A_265, %get3A_266] {strides = array<i32>} : memref<8x256xf32, #tpu.memory_space<vmem>>, vector<16xf32>,
    %broadcast_in_dim3A_268 = arith.constant 7 : i32
    %broadcast_in_dim3A_269 = vector.broadcast %broadcast_in_dim3A_268 : i32 to vector<16xi32>
    tpu.vector_store_idx %arg10[%broadcast_in_dim3A_269, %get3A_221], %get3A_267 {add = true} : memref<8x10240xf32, #tpu.memory_space<vmem>>[vector<16xi32>, vector<16xi32>], vector<16xf32>,
    %get3A_270 = arith.constant 80 : index
    %get3A_271 = tpu.vector_load %arg8[%get3A_270] {strides = array<i32>} : memref<256xi32, #tpu.memory_space<vmem>>, vector<16xi32>,
    %get3A_272 = arith.constant 0 : i32
    %get3A_273 = arith.index_cast %get3A_272 : i32 to index
    %get3A_274 = arith.constant 80 : index
    %get3A_275 = tpu.vector_load %arg6[%get3A_273, %get3A_274] {strides = array<i32>} : memref<8x256xf32, #tpu.memory_space<vmem>>, vector<16xf32>,
    %broadcast_in_dim3A_276 = arith.constant 0 : i32
    %broadcast_in_dim3A_277 = vector.broadcast %broadcast_in_dim3A_276 : i32 to vector<16xi32>
    tpu.vector_store_idx %arg10[%broadcast_in_dim3A_277, %get3A_271], %get3A_275 {add = true} : memref<8x10240xf32, #tpu.memory_space<vmem>>[vector<16xi32>, vector<16xi32>], vector<16xf32>,
    %get3A_278 = arith.constant 1 : i32
    %get3A_279 = arith.index_cast %get3A_278 : i32 to index
    %get3A_280 = arith.constant 80 : index
    %get3A_281 = tpu.vector_load %arg6[%get3A_279, %get3A_280] {strides = array<i32>} : memref<8x256xf32, #tpu.memory_space<vmem>>, vector<16xf32>,
    %broadcast_in_dim3A_282 = arith.constant 1 : i32
    %broadcast_in_dim3A_283 = vector.broadcast %broadcast_in_dim3A_282 : i32 to vector<16xi32>
    tpu.vector_store_idx %arg10[%broadcast_in_dim3A_283, %get3A_271], %get3A_281 {add = true} : memref<8x10240xf32, #tpu.memory_space<vmem>>[vector<16xi32>, vector<16xi32>], vector<16xf32>,
    %get3A_284 = arith.constant 2 : i32
    %get3A_285 = arith.index_cast %get3A_284 : i32 to index
    %get3A_286 = arith.constant 80 : index
    %get3A_287 = tpu.vector_load %arg6[%get3A_285, %get3A_286] {strides = array<i32>} : memref<8x256xf32, #tpu.memory_space<vmem>>, vector<16xf32>,
    %broadcast_in_dim3A_288 = arith.constant 2 : i32
    %broadcast_in_dim3A_289 = vector.broadcast %broadcast_in_dim3A_288 : i32 to vector<16xi32>
    tpu.vector_store_idx %arg10[%broadcast_in_dim3A_289, %get3A_271], %get3A_287 {add = true} : memref<8x10240xf32, #tpu.memory_space<vmem>>[vector<16xi32>, vector<16xi32>], vector<16xf32>,
    %get3A_290 = arith.constant 3 : i32
    %get3A_291 = arith.index_cast %get3A_290 : i32 to index
    %get3A_292 = arith.constant 80 : index
    %get3A_293 = tpu.vector_load %arg6[%get3A_291, %get3A_292] {strides = array<i32>} : memref<8x256xf32, #tpu.memory_space<vmem>>, vector<16xf32>,
    %broadcast_in_dim3A_294 = arith.constant 3 : i32
    %broadcast_in_dim3A_295 = vector.broadcast %broadcast_in_dim3A_294 : i32 to vector<16xi32>
    tpu.vector_store_idx %arg10[%broadcast_in_dim3A_295, %get3A_271], %get3A_293 {add = true} : memref<8x10240xf32, #tpu.memory_space<vmem>>[vector<16xi32>, vector<16xi32>], vector<16xf32>,
    %get3A_296 = arith.constant 4 : i32
    %get3A_297 = arith.index_cast %get3A_296 : i32 to index
    %get3A_298 = arith.constant 80 : index
    %get3A_299 = tpu.vector_load %arg6[%get3A_297, %get3A_298] {strides = array<i32>} : memref<8x256xf32, #tpu.memory_space<vmem>>, vector<16xf32>,
    %broadcast_in_dim3A_300 = arith.constant 4 : i32
    %broadcast_in_dim3A_301 = vector.broadcast %broadcast_in_dim3A_300 : i32 to vector<16xi32>
    tpu.vector_store_idx %arg10[%broadcast_in_dim3A_301, %get3A_271], %get3A_299 {add = true} : memref<8x10240xf32, #tpu.memory_space<vmem>>[vector<16xi32>, vector<16xi32>], vector<16xf32>,
    %get3A_302 = arith.constant 5 : i32
    %get3A_303 = arith.index_cast %get3A_302 : i32 to index
    %get3A_304 = arith.constant 80 : index
    %get3A_305 = tpu.vector_load %arg6[%get3A_303, %get3A_304] {strides = array<i32>} : memref<8x256xf32, #tpu.memory_space<vmem>>, vector<16xf32>,
    %broadcast_in_dim3A_306 = arith.constant 5 : i32
    %broadcast_in_dim3A_307 = vector.broadcast %broadcast_in_dim3A_306 : i32 to vector<16xi32>
    tpu.vector_store_idx %arg10[%broadcast_in_dim3A_307, %get3A_271], %get3A_305 {add = true} : memref<8x10240xf32, #tpu.memory_space<vmem>>[vector<16xi32>, vector<16xi32>], vector<16xf32>,
    %get3A_308 = arith.constant 6 : i32
    %get3A_309 = arith.index_cast %get3A_308 : i32 to index
    %get3A_310 = arith.constant 80 : index
    %get3A_311 = tpu.vector_load %arg6[%get3A_309, %get3A_310] {strides = array<i32>} : memref<8x256xf32, #tpu.memory_space<vmem>>, vector<16xf32>,
    %broadcast_in_dim3A_312 = arith.constant 6 : i32
    %broadcast_in_dim3A_313 = vector.broadcast %broadcast_in_dim3A_312 : i32 to vector<16xi32>
    tpu.vector_store_idx %arg10[%broadcast_in_dim3A_313, %get3A_271], %get3A_311 {add = true} : memref<8x10240xf32, #tpu.memory_space<vmem>>[vector<16xi32>, vector<16xi32>], vector<16xf32>,
    %get3A_314 = arith.constant 7 : i32
    %get3A_315 = arith.index_cast %get3A_314 : i32 to index
    %get3A_316 = arith.constant 80 : index
    %get3A_317 = tpu.vector_load %arg6[%get3A_315, %get3A_316] {strides = array<i32>} : memref<8x256xf32, #tpu.memory_space<vmem>>, vector<16xf32>,
    %broadcast_in_dim3A_318 = arith.constant 7 : i32
    %broadcast_in_dim3A_319 = vector.broadcast %broadcast_in_dim3A_318 : i32 to vector<16xi32>
    tpu.vector_store_idx %arg10[%broadcast_in_dim3A_319, %get3A_271], %get3A_317 {add = true} : memref<8x10240xf32, #tpu.memory_space<vmem>>[vector<16xi32>, vector<16xi32>], vector<16xf32>,
    %get3A_320 = arith.constant 96 : index
    %get3A_321 = tpu.vector_load %arg8[%get3A_320] {strides = array<i32>} : memref<256xi32, #tpu.memory_space<vmem>>, vector<16xi32>,
    %get3A_322 = arith.constant 0 : i32
    %get3A_323 = arith.index_cast %get3A_322 : i32 to index
    %get3A_324 = arith.constant 96 : index
    %get3A_325 = tpu.vector_load %arg6[%get3A_323, %get3A_324] {strides = array<i32>} : memref<8x256xf32, #tpu.memory_space<vmem>>, vector<16xf32>,
    %broadcast_in_dim3A_326 = arith.constant 0 : i32
    %broadcast_in_dim3A_327 = vector.broadcast %broadcast_in_dim3A_326 : i32 to vector<16xi32>
    tpu.vector_store_idx %arg10[%broadcast_in_dim3A_327, %get3A_321], %get3A_325 {add = true} : memref<8x10240xf32, #tpu.memory_space<vmem>>[vector<16xi32>, vector<16xi32>], vector<16xf32>,
    %get3A_328 = arith.constant 1 : i32
    %get3A_329 = arith.index_cast %get3A_328 : i32 to index
    %get3A_330 = arith.constant 96 : index
    %get3A_331 = tpu.vector_load %arg6[%get3A_329, %get3A_330] {strides = array<i32>} : memref<8x256xf32, #tpu.memory_space<vmem>>, vector<16xf32>,
    %broadcast_in_dim3A_332 = arith.constant 1 : i32
    %broadcast_in_dim3A_333 = vector.broadcast %broadcast_in_dim3A_332 : i32 to vector<16xi32>
    tpu.vector_store_idx %arg10[%broadcast_in_dim3A_333, %get3A_321], %get3A_331 {add = true} : memref<8x10240xf32, #tpu.memory_space<vmem>>[vector<16xi32>, vector<16xi32>], vector<16xf32>,
    %get3A_334 = arith.constant 2 : i32
    %get3A_335 = arith.index_cast %get3A_334 : i32 to index
    %get3A_336 = arith.constant 96 : index
    %get3A_337 = tpu.vector_load %arg6[%get3A_335, %get3A_336] {strides = array<i32>} : memref<8x256xf32, #tpu.memory_space<vmem>>, vector<16xf32>,
    %broadcast_in_dim3A_338 = arith.constant 2 : i32
    %broadcast_in_dim3A_339 = vector.broadcast %broadcast_in_dim3A_338 : i32 to vector<16xi32>
    tpu.vector_store_idx %arg10[%broadcast_in_dim3A_339, %get3A_321], %get3A_337 {add = true} : memref<8x10240xf32, #tpu.memory_space<vmem>>[vector<16xi32>, vector<16xi32>], vector<16xf32>,
    %get3A_340 = arith.constant 3 : i32
    %get3A_341 = arith.index_cast %get3A_340 : i32 to index
    %get3A_342 = arith.constant 96 : index
    %get3A_343 = tpu.vector_load %arg6[%get3A_341, %get3A_342] {strides = array<i32>} : memref<8x256xf32, #tpu.memory_space<vmem>>, vector<16xf32>,
    %broadcast_in_dim3A_344 = arith.constant 3 : i32
    %broadcast_in_dim3A_345 = vector.broadcast %broadcast_in_dim3A_344 : i32 to vector<16xi32>
    tpu.vector_store_idx %arg10[%broadcast_in_dim3A_345, %get3A_321], %get3A_343 {add = true} : memref<8x10240xf32, #tpu.memory_space<vmem>>[vector<16xi32>, vector<16xi32>], vector<16xf32>,
    %get3A_346 = arith.constant 4 : i32
    %get3A_347 = arith.index_cast %get3A_346 : i32 to index
    %get3A_348 = arith.constant 96 : index
    %get3A_349 = tpu.vector_load %arg6[%get3A_347, %get3A_348] {strides = array<i32>} : memref<8x256xf32, #tpu.memory_space<vmem>>, vector<16xf32>,
    %broadcast_in_dim3A_350 = arith.constant 4 : i32
    %broadcast_in_dim3A_351 = vector.broadcast %broadcast_in_dim3A_350 : i32 to vector<16xi32>
    tpu.vector_store_idx %arg10[%broadcast_in_dim3A_351, %get3A_321], %get3A_349 {add = true} : memref<8x10240xf32, #tpu.memory_space<vmem>>[vector<16xi32>, vector<16xi32>], vector<16xf32>,
    %get3A_352 = arith.constant 5 : i32
    %get3A_353 = arith.index_cast %get3A_352 : i32 to index
    %get3A_354 = arith.constant 96 : index
    %get3A_355 = tpu.vector_load %arg6[%get3A_353, %get3A_354] {strides = array<i32>} : memref<8x256xf32, #tpu.memory_space<vmem>>, vector<16xf32>,
    %broadcast_in_dim3A_356 = arith.constant 5 : i32
    %broadcast_in_dim3A_357 = vector.broadcast %broadcast_in_dim3A_356 : i32 to vector<16xi32>
    tpu.vector_store_idx %arg10[%broadcast_in_dim3A_357, %get3A_321], %get3A_355 {add = true} : memref<8x10240xf32, #tpu.memory_space<vmem>>[vector<16xi32>, vector<16xi32>], vector<16xf32>,
    %get3A_358 = arith.constant 6 : i32
    %get3A_359 = arith.index_cast %get3A_358 : i32 to index
    %get3A_360 = arith.constant 96 : index
    %get3A_361 = tpu.vector_load %arg6[%get3A_359, %get3A_360] {strides = array<i32>} : memref<8x256xf32, #tpu.memory_space<vmem>>, vector<16xf32>,
    %broadcast_in_dim3A_362 = arith.constant 6 : i32
    %broadcast_in_dim3A_363 = vector.broadcast %broadcast_in_dim3A_362 : i32 to vector<16xi32>
    tpu.vector_store_idx %arg10[%broadcast_in_dim3A_363, %get3A_321], %get3A_361 {add = true} : memref<8x10240xf32, #tpu.memory_space<vmem>>[vector<16xi32>, vector<16xi32>], vector<16xf32>,
    %get3A_364 = arith.constant 7 : i32
    %get3A_365 = arith.index_cast %get3A_364 : i32 to index
    %get3A_366 = arith.constant 96 : index
    %get3A_367 = tpu.vector_load %arg6[%get3A_365, %get3A_366] {strides = array<i32>} : memref<8x256xf32, #tpu.memory_space<vmem>>, vector<16xf32>,
    %broadcast_in_dim3A_368 = arith.constant 7 : i32
    %broadcast_in_dim3A_369 = vector.broadcast %broadcast_in_dim3A_368 : i32 to vector<16xi32>
    tpu.vector_store_idx %arg10[%broadcast_in_dim3A_369, %get3A_321], %get3A_367 {add = true} : memref<8x10240xf32, #tpu.memory_space<vmem>>[vector<16xi32>, vector<16xi32>], vector<16xf32>,
    %get3A_370 = arith.constant 112 : index
    %get3A_371 = tpu.vector_load %arg8[%get3A_370] {strides = array<i32>} : memref<256xi32, #tpu.memory_space<vmem>>, vector<16xi32>,
    %get3A_372 = arith.constant 0 : i32
    %get3A_373 = arith.index_cast %get3A_372 : i32 to index
    %get3A_374 = arith.constant 112 : index
    %get3A_375 = tpu.vector_load %arg6[%get3A_373, %get3A_374] {strides = array<i32>} : memref<8x256xf32, #tpu.memory_space<vmem>>, vector<16xf32>,
    %broadcast_in_dim3A_376 = arith.constant 0 : i32
    %broadcast_in_dim3A_377 = vector.broadcast %broadcast_in_dim3A_376 : i32 to vector<16xi32>
    tpu.vector_store_idx %arg10[%broadcast_in_dim3A_377, %get3A_371], %get3A_375 {add = true} : memref<8x10240xf32, #tpu.memory_space<vmem>>[vector<16xi32>, vector<16xi32>], vector<16xf32>,
    %get3A_378 = arith.constant 1 : i32
    %get3A_379 = arith.index_cast %get3A_378 : i32 to index
    %get3A_380 = arith.constant 112 : index
    %get3A_381 = tpu.vector_load %arg6[%get3A_379, %get3A_380] {strides = array<i32>} : memref<8x256xf32, #tpu.memory_space<vmem>>, vector<16xf32>,
    %broadcast_in_dim3A_382 = arith.constant 1 : i32
    %broadcast_in_dim3A_383 = vector.broadcast %broadcast_in_dim3A_382 : i32 to vector<16xi32>
    tpu.vector_store_idx %arg10[%broadcast_in_dim3A_383, %get3A_371], %get3A_381 {add = true} : memref<8x10240xf32, #tpu.memory_space<vmem>>[vector<16xi32>, vector<16xi32>], vector<16xf32>,
    %get3A_384 = arith.constant 2 : i32
    %get3A_385 = arith.index_cast %get3A_384 : i32 to index
    %get3A_386 = arith.constant 112 : index
    %get3A_387 = tpu.vector_load %arg6[%get3A_385, %get3A_386] {strides = array<i32>} : memref<8x256xf32, #tpu.memory_space<vmem>>, vector<16xf32>,
    %broadcast_in_dim3A_388 = arith.constant 2 : i32
    %broadcast_in_dim3A_389 = vector.broadcast %broadcast_in_dim3A_388 : i32 to vector<16xi32>
    tpu.vector_store_idx %arg10[%broadcast_in_dim3A_389, %get3A_371], %get3A_387 {add = true} : memref<8x10240xf32, #tpu.memory_space<vmem>>[vector<16xi32>, vector<16xi32>], vector<16xf32>,
    %get3A_390 = arith.constant 3 : i32
    %get3A_391 = arith.index_cast %get3A_390 : i32 to index
    %get3A_392 = arith.constant 112 : index
    %get3A_393 = tpu.vector_load %arg6[%get3A_391, %get3A_392] {strides = array<i32>} : memref<8x256xf32, #tpu.memory_space<vmem>>, vector<16xf32>,
    %broadcast_in_dim3A_394 = arith.constant 3 : i32
    %broadcast_in_dim3A_395 = vector.broadcast %broadcast_in_dim3A_394 : i32 to vector<16xi32>
    tpu.vector_store_idx %arg10[%broadcast_in_dim3A_395, %get3A_371], %get3A_393 {add = true} : memref<8x10240xf32, #tpu.memory_space<vmem>>[vector<16xi32>, vector<16xi32>], vector<16xf32>,
    %get3A_396 = arith.constant 4 : i32
    %get3A_397 = arith.index_cast %get3A_396 : i32 to index
    %get3A_398 = arith.constant 112 : index
    %get3A_399 = tpu.vector_load %arg6[%get3A_397, %get3A_398] {strides = array<i32>} : memref<8x256xf32, #tpu.memory_space<vmem>>, vector<16xf32>,
    %broadcast_in_dim3A_400 = arith.constant 4 : i32
    %broadcast_in_dim3A_401 = vector.broadcast %broadcast_in_dim3A_400 : i32 to vector<16xi32>
    tpu.vector_store_idx %arg10[%broadcast_in_dim3A_401, %get3A_371], %get3A_399 {add = true} : memref<8x10240xf32, #tpu.memory_space<vmem>>[vector<16xi32>, vector<16xi32>], vector<16xf32>,
    %get3A_402 = arith.constant 5 : i32
    %get3A_403 = arith.index_cast %get3A_402 : i32 to index
    %get3A_404 = arith.constant 112 : index
    %get3A_405 = tpu.vector_load %arg6[%get3A_403, %get3A_404] {strides = array<i32>} : memref<8x256xf32, #tpu.memory_space<vmem>>, vector<16xf32>,
    %broadcast_in_dim3A_406 = arith.constant 5 : i32
    %broadcast_in_dim3A_407 = vector.broadcast %broadcast_in_dim3A_406 : i32 to vector<16xi32>
    tpu.vector_store_idx %arg10[%broadcast_in_dim3A_407, %get3A_371], %get3A_405 {add = true} : memref<8x10240xf32, #tpu.memory_space<vmem>>[vector<16xi32>, vector<16xi32>], vector<16xf32>,
    %get3A_408 = arith.constant 6 : i32
    %get3A_409 = arith.index_cast %get3A_408 : i32 to index
    %get3A_410 = arith.constant 112 : index
    %get3A_411 = tpu.vector_load %arg6[%get3A_409, %get3A_410] {strides = array<i32>} : memref<8x256xf32, #tpu.memory_space<vmem>>, vector<16xf32>,
    %broadcast_in_dim3A_412 = arith.constant 6 : i32
    %broadcast_in_dim3A_413 = vector.broadcast %broadcast_in_dim3A_412 : i32 to vector<16xi32>
    tpu.vector_store_idx %arg10[%broadcast_in_dim3A_413, %get3A_371], %get3A_411 {add = true} : memref<8x10240xf32, #tpu.memory_space<vmem>>[vector<16xi32>, vector<16xi32>], vector<16xf32>,
    %get3A_414 = arith.constant 7 : i32
    %get3A_415 = arith.index_cast %get3A_414 : i32 to index
    %get3A_416 = arith.constant 112 : index
    %get3A_417 = tpu.vector_load %arg6[%get3A_415, %get3A_416] {strides = array<i32>} : memref<8x256xf32, #tpu.memory_space<vmem>>, vector<16xf32>,
    %broadcast_in_dim3A_418 = arith.constant 7 : i32
    %broadcast_in_dim3A_419 = vector.broadcast %broadcast_in_dim3A_418 : i32 to vector<16xi32>
    tpu.vector_store_idx %arg10[%broadcast_in_dim3A_419, %get3A_371], %get3A_417 {add = true} : memref<8x10240xf32, #tpu.memory_space<vmem>>[vector<16xi32>, vector<16xi32>], vector<16xf32>,
    %get3A_420 = arith.constant 128 : index
    %get3A_421 = tpu.vector_load %arg8[%get3A_420] {strides = array<i32>} : memref<256xi32, #tpu.memory_space<vmem>>, vector<16xi32>,
    %get3A_422 = arith.constant 0 : i32
    %get3A_423 = arith.index_cast %get3A_422 : i32 to index
    %get3A_424 = arith.constant 128 : index
    %get3A_425 = tpu.vector_load %arg6[%get3A_423, %get3A_424] {strides = array<i32>} : memref<8x256xf32, #tpu.memory_space<vmem>>, vector<16xf32>,
    %broadcast_in_dim3A_426 = arith.constant 0 : i32
    %broadcast_in_dim3A_427 = vector.broadcast %broadcast_in_dim3A_426 : i32 to vector<16xi32>
    tpu.vector_store_idx %arg10[%broadcast_in_dim3A_427, %get3A_421], %get3A_425 {add = true} : memref<8x10240xf32, #tpu.memory_space<vmem>>[vector<16xi32>, vector<16xi32>], vector<16xf32>,
    %get3A_428 = arith.constant 1 : i32
    %get3A_429 = arith.index_cast %get3A_428 : i32 to index
    %get3A_430 = arith.constant 128 : index
    %get3A_431 = tpu.vector_load %arg6[%get3A_429, %get3A_430] {strides = array<i32>} : memref<8x256xf32, #tpu.memory_space<vmem>>, vector<16xf32>,
    %broadcast_in_dim3A_432 = arith.constant 1 : i32
    %broadcast_in_dim3A_433 = vector.broadcast %broadcast_in_dim3A_432 : i32 to vector<16xi32>
    tpu.vector_store_idx %arg10[%broadcast_in_dim3A_433, %get3A_421], %get3A_431 {add = true} : memref<8x10240xf32, #tpu.memory_space<vmem>>[vector<16xi32>, vector<16xi32>], vector<16xf32>,
    %get3A_434 = arith.constant 2 : i32
    %get3A_435 = arith.index_cast %get3A_434 : i32 to index
    %get3A_436 = arith.constant 128 : index
    %get3A_437 = tpu.vector_load %arg6[%get3A_435, %get3A_436] {strides = array<i32>} : memref<8x256xf32, #tpu.memory_space<vmem>>, vector<16xf32>,
    %broadcast_in_dim3A_438 = arith.constant 2 : i32
    %broadcast_in_dim3A_439 = vector.broadcast %broadcast_in_dim3A_438 : i32 to vector<16xi32>
    tpu.vector_store_idx %arg10[%broadcast_in_dim3A_439, %get3A_421], %get3A_437 {add = true} : memref<8x10240xf32, #tpu.memory_space<vmem>>[vector<16xi32>, vector<16xi32>], vector<16xf32>,
    %get3A_440 = arith.constant 3 : i32
    %get3A_441 = arith.index_cast %get3A_440 : i32 to index
    %get3A_442 = arith.constant 128 : index
    %get3A_443 = tpu.vector_load %arg6[%get3A_441, %get3A_442] {strides = array<i32>} : memref<8x256xf32, #tpu.memory_space<vmem>>, vector<16xf32>,
    %broadcast_in_dim3A_444 = arith.constant 3 : i32
    %broadcast_in_dim3A_445 = vector.broadcast %broadcast_in_dim3A_444 : i32 to vector<16xi32>
    tpu.vector_store_idx %arg10[%broadcast_in_dim3A_445, %get3A_421], %get3A_443 {add = true} : memref<8x10240xf32, #tpu.memory_space<vmem>>[vector<16xi32>, vector<16xi32>], vector<16xf32>,
    %get3A_446 = arith.constant 4 : i32
    %get3A_447 = arith.index_cast %get3A_446 : i32 to index
    %get3A_448 = arith.constant 128 : index
    %get3A_449 = tpu.vector_load %arg6[%get3A_447, %get3A_448] {strides = array<i32>} : memref<8x256xf32, #tpu.memory_space<vmem>>, vector<16xf32>,
    %broadcast_in_dim3A_450 = arith.constant 4 : i32
    %broadcast_in_dim3A_451 = vector.broadcast %broadcast_in_dim3A_450 : i32 to vector<16xi32>
    tpu.vector_store_idx %arg10[%broadcast_in_dim3A_451, %get3A_421], %get3A_449 {add = true} : memref<8x10240xf32, #tpu.memory_space<vmem>>[vector<16xi32>, vector<16xi32>], vector<16xf32>,
    %get3A_452 = arith.constant 5 : i32
    %get3A_453 = arith.index_cast %get3A_452 : i32 to index
    %get3A_454 = arith.constant 128 : index
    %get3A_455 = tpu.vector_load %arg6[%get3A_453, %get3A_454] {strides = array<i32>} : memref<8x256xf32, #tpu.memory_space<vmem>>, vector<16xf32>,
    %broadcast_in_dim3A_456 = arith.constant 5 : i32
    %broadcast_in_dim3A_457 = vector.broadcast %broadcast_in_dim3A_456 : i32 to vector<16xi32>
    tpu.vector_store_idx %arg10[%broadcast_in_dim3A_457, %get3A_421], %get3A_455 {add = true} : memref<8x10240xf32, #tpu.memory_space<vmem>>[vector<16xi32>, vector<16xi32>], vector<16xf32>,
    %get3A_458 = arith.constant 6 : i32
    %get3A_459 = arith.index_cast %get3A_458 : i32 to index
    %get3A_460 = arith.constant 128 : index
    %get3A_461 = tpu.vector_load %arg6[%get3A_459, %get3A_460] {strides = array<i32>} : memref<8x256xf32, #tpu.memory_space<vmem>>, vector<16xf32>,
    %broadcast_in_dim3A_462 = arith.constant 6 : i32
    %broadcast_in_dim3A_463 = vector.broadcast %broadcast_in_dim3A_462 : i32 to vector<16xi32>
    tpu.vector_store_idx %arg10[%broadcast_in_dim3A_463, %get3A_421], %get3A_461 {add = true} : memref<8x10240xf32, #tpu.memory_space<vmem>>[vector<16xi32>, vector<16xi32>], vector<16xf32>,
    %get3A_464 = arith.constant 7 : i32
    %get3A_465 = arith.index_cast %get3A_464 : i32 to index
    %get3A_466 = arith.constant 128 : index
    %get3A_467 = tpu.vector_load %arg6[%get3A_465, %get3A_466] {strides = array<i32>} : memref<8x256xf32, #tpu.memory_space<vmem>>, vector<16xf32>,
    %broadcast_in_dim3A_468 = arith.constant 7 : i32
    %broadcast_in_dim3A_469 = vector.broadcast %broadcast_in_dim3A_468 : i32 to vector<16xi32>
    tpu.vector_store_idx %arg10[%broadcast_in_dim3A_469, %get3A_421], %get3A_467 {add = true} : memref<8x10240xf32, #tpu.memory_space<vmem>>[vector<16xi32>, vector<16xi32>], vector<16xf32>,
    %get3A_470 = arith.constant 144 : index
    %get3A_471 = tpu.vector_load %arg8[%get3A_470] {strides = array<i32>} : memref<256xi32, #tpu.memory_space<vmem>>, vector<16xi32>,
    %get3A_472 = arith.constant 0 : i32
    %get3A_473 = arith.index_cast %get3A_472 : i32 to index
    %get3A_474 = arith.constant 144 : index
    %get3A_475 = tpu.vector_load %arg6[%get3A_473, %get3A_474] {strides = array<i32>} : memref<8x256xf32, #tpu.memory_space<vmem>>, vector<16xf32>,
    %broadcast_in_dim3A_476 = arith.constant 0 : i32
    %broadcast_in_dim3A_477 = vector.broadcast %broadcast_in_dim3A_476 : i32 to vector<16xi32>
    tpu.vector_store_idx %arg10[%broadcast_in_dim3A_477, %get3A_471], %get3A_475 {add = true} : memref<8x10240xf32, #tpu.memory_space<vmem>>[vector<16xi32>, vector<16xi32>], vector<16xf32>,
    %get3A_478 = arith.constant 1 : i32
    %get3A_479 = arith.index_cast %get3A_478 : i32 to index
    %get3A_480 = arith.constant 144 : index
    %get3A_481 = tpu.vector_load %arg6[%get3A_479, %get3A_480] {strides = array<i32>} : memref<8x256xf32, #tpu.memory_space<vmem>>, vector<16xf32>,
    %broadcast_in_dim3A_482 = arith.constant 1 : i32
    %broadcast_in_dim3A_483 = vector.broadcast %broadcast_in_dim3A_482 : i32 to vector<16xi32>
    tpu.vector_store_idx %arg10[%broadcast_in_dim3A_483, %get3A_471], %get3A_481 {add = true} : memref<8x10240xf32, #tpu.memory_space<vmem>>[vector<16xi32>, vector<16xi32>], vector<16xf32>,
    %get3A_484 = arith.constant 2 : i32
    %get3A_485 = arith.index_cast %get3A_484 : i32 to index
    %get3A_486 = arith.constant 144 : index
    %get3A_487 = tpu.vector_load %arg6[%get3A_485, %get3A_486] {strides = array<i32>} : memref<8x256xf32, #tpu.memory_space<vmem>>, vector<16xf32>,
    %broadcast_in_dim3A_488 = arith.constant 2 : i32
    %broadcast_in_dim3A_489 = vector.broadcast %broadcast_in_dim3A_488 : i32 to vector<16xi32>
    tpu.vector_store_idx %arg10[%broadcast_in_dim3A_489, %get3A_471], %get3A_487 {add = true} : memref<8x10240xf32, #tpu.memory_space<vmem>>[vector<16xi32>, vector<16xi32>], vector<16xf32>,
    %get3A_490 = arith.constant 3 : i32
    %get3A_491 = arith.index_cast %get3A_490 : i32 to index
    %get3A_492 = arith.constant 144 : index
    %get3A_493 = tpu.vector_load %arg6[%get3A_491, %get3A_492] {strides = array<i32>} : memref<8x256xf32, #tpu.memory_space<vmem>>, vector<16xf32>,
    %broadcast_in_dim3A_494 = arith.constant 3 : i32
    %broadcast_in_dim3A_495 = vector.broadcast %broadcast_in_dim3A_494 : i32 to vector<16xi32>
    tpu.vector_store_idx %arg10[%broadcast_in_dim3A_495, %get3A_471], %get3A_493 {add = true} : memref<8x10240xf32, #tpu.memory_space<vmem>>[vector<16xi32>, vector<16xi32>], vector<16xf32>,
    %get3A_496 = arith.constant 4 : i32
    %get3A_497 = arith.index_cast %get3A_496 : i32 to index
    %get3A_498 = arith.constant 144 : index
    %get3A_499 = tpu.vector_load %arg6[%get3A_497, %get3A_498] {strides = array<i32>} : memref<8x256xf32, #tpu.memory_space<vmem>>, vector<16xf32>,
    %broadcast_in_dim3A_500 = arith.constant 4 : i32
    %broadcast_in_dim3A_501 = vector.broadcast %broadcast_in_dim3A_500 : i32 to vector<16xi32>
    tpu.vector_store_idx %arg10[%broadcast_in_dim3A_501, %get3A_471], %get3A_499 {add = true} : memref<8x10240xf32, #tpu.memory_space<vmem>>[vector<16xi32>, vector<16xi32>], vector<16xf32>,
    %get3A_502 = arith.constant 5 : i32
    %get3A_503 = arith.index_cast %get3A_502 : i32 to index
    %get3A_504 = arith.constant 144 : index
    %get3A_505 = tpu.vector_load %arg6[%get3A_503, %get3A_504] {strides = array<i32>} : memref<8x256xf32, #tpu.memory_space<vmem>>, vector<16xf32>,
    %broadcast_in_dim3A_506 = arith.constant 5 : i32
    %broadcast_in_dim3A_507 = vector.broadcast %broadcast_in_dim3A_506 : i32 to vector<16xi32>
    tpu.vector_store_idx %arg10[%broadcast_in_dim3A_507, %get3A_471], %get3A_505 {add = true} : memref<8x10240xf32, #tpu.memory_space<vmem>>[vector<16xi32>, vector<16xi32>], vector<16xf32>,
    %get3A_508 = arith.constant 6 : i32
    %get3A_509 = arith.index_cast %get3A_508 : i32 to index
    %get3A_510 = arith.constant 144 : index
    %get3A_511 = tpu.vector_load %arg6[%get3A_509, %get3A_510] {strides = array<i32>} : memref<8x256xf32, #tpu.memory_space<vmem>>, vector<16xf32>,
    %broadcast_in_dim3A_512 = arith.constant 6 : i32
    %broadcast_in_dim3A_513 = vector.broadcast %broadcast_in_dim3A_512 : i32 to vector<16xi32>
    tpu.vector_store_idx %arg10[%broadcast_in_dim3A_513, %get3A_471], %get3A_511 {add = true} : memref<8x10240xf32, #tpu.memory_space<vmem>>[vector<16xi32>, vector<16xi32>], vector<16xf32>,
    %get3A_514 = arith.constant 7 : i32
    %get3A_515 = arith.index_cast %get3A_514 : i32 to index
    %get3A_516 = arith.constant 144 : index
    %get3A_517 = tpu.vector_load %arg6[%get3A_515, %get3A_516] {strides = array<i32>} : memref<8x256xf32, #tpu.memory_space<vmem>>, vector<16xf32>,
    %broadcast_in_dim3A_518 = arith.constant 7 : i32
    %broadcast_in_dim3A_519 = vector.broadcast %broadcast_in_dim3A_518 : i32 to vector<16xi32>
    tpu.vector_store_idx %arg10[%broadcast_in_dim3A_519, %get3A_471], %get3A_517 {add = true} : memref<8x10240xf32, #tpu.memory_space<vmem>>[vector<16xi32>, vector<16xi32>], vector<16xf32>,
    %get3A_520 = arith.constant 160 : index
    %get3A_521 = tpu.vector_load %arg8[%get3A_520] {strides = array<i32>} : memref<256xi32, #tpu.memory_space<vmem>>, vector<16xi32>,
    %get3A_522 = arith.constant 0 : i32
    %get3A_523 = arith.index_cast %get3A_522 : i32 to index
    %get3A_524 = arith.constant 160 : index
    %get3A_525 = tpu.vector_load %arg6[%get3A_523, %get3A_524] {strides = array<i32>} : memref<8x256xf32, #tpu.memory_space<vmem>>, vector<16xf32>,
    %broadcast_in_dim3A_526 = arith.constant 0 : i32
    %broadcast_in_dim3A_527 = vector.broadcast %broadcast_in_dim3A_526 : i32 to vector<16xi32>
    tpu.vector_store_idx %arg10[%broadcast_in_dim3A_527, %get3A_521], %get3A_525 {add = true} : memref<8x10240xf32, #tpu.memory_space<vmem>>[vector<16xi32>, vector<16xi32>], vector<16xf32>,
    %get3A_528 = arith.constant 1 : i32
    %get3A_529 = arith.index_cast %get3A_528 : i32 to index
    %get3A_530 = arith.constant 160 : index
    %get3A_531 = tpu.vector_load %arg6[%get3A_529, %get3A_530] {strides = array<i32>} : memref<8x256xf32, #tpu.memory_space<vmem>>, vector<16xf32>,
    %broadcast_in_dim3A_532 = arith.constant 1 : i32
    %broadcast_in_dim3A_533 = vector.broadcast %broadcast_in_dim3A_532 : i32 to vector<16xi32>
    tpu.vector_store_idx %arg10[%broadcast_in_dim3A_533, %get3A_521], %get3A_531 {add = true} : memref<8x10240xf32, #tpu.memory_space<vmem>>[vector<16xi32>, vector<16xi32>], vector<16xf32>,
    %get3A_534 = arith.constant 2 : i32
    %get3A_535 = arith.index_cast %get3A_534 : i32 to index
    %get3A_536 = arith.constant 160 : index
    %get3A_537 = tpu.vector_load %arg6[%get3A_535, %get3A_536] {strides = array<i32>} : memref<8x256xf32, #tpu.memory_space<vmem>>, vector<16xf32>,
    %broadcast_in_dim3A_538 = arith.constant 2 : i32
    %broadcast_in_dim3A_539 = vector.broadcast %broadcast_in_dim3A_538 : i32 to vector<16xi32>
    tpu.vector_store_idx %arg10[%broadcast_in_dim3A_539, %get3A_521], %get3A_537 {add = true} : memref<8x10240xf32, #tpu.memory_space<vmem>>[vector<16xi32>, vector<16xi32>], vector<16xf32>,
    %get3A_540 = arith.constant 3 : i32
    %get3A_541 = arith.index_cast %get3A_540 : i32 to index
    %get3A_542 = arith.constant 160 : index
    %get3A_543 = tpu.vector_load %arg6[%get3A_541, %get3A_542] {strides = array<i32>} : memref<8x256xf32, #tpu.memory_space<vmem>>, vector<16xf32>,
    %broadcast_in_dim3A_544 = arith.constant 3 : i32
    %broadcast_in_dim3A_545 = vector.broadcast %broadcast_in_dim3A_544 : i32 to vector<16xi32>
    tpu.vector_store_idx %arg10[%broadcast_in_dim3A_545, %get3A_521], %get3A_543 {add = true} : memref<8x10240xf32, #tpu.memory_space<vmem>>[vector<16xi32>, vector<16xi32>], vector<16xf32>,
    %get3A_546 = arith.constant 4 : i32
    %get3A_547 = arith.index_cast %get3A_546 : i32 to index
    %get3A_548 = arith.constant 160 : index
    %get3A_549 = tpu.vector_load %arg6[%get3A_547, %get3A_548] {strides = array<i32>} : memref<8x256xf32, #tpu.memory_space<vmem>>, vector<16xf32>,
    %broadcast_in_dim3A_550 = arith.constant 4 : i32
    %broadcast_in_dim3A_551 = vector.broadcast %broadcast_in_dim3A_550 : i32 to vector<16xi32>
    tpu.vector_store_idx %arg10[%broadcast_in_dim3A_551, %get3A_521], %get3A_549 {add = true} : memref<8x10240xf32, #tpu.memory_space<vmem>>[vector<16xi32>, vector<16xi32>], vector<16xf32>,
    %get3A_552 = arith.constant 5 : i32
    %get3A_553 = arith.index_cast %get3A_552 : i32 to index
    %get3A_554 = arith.constant 160 : index
    %get3A_555 = tpu.vector_load %arg6[%get3A_553, %get3A_554] {strides = array<i32>} : memref<8x256xf32, #tpu.memory_space<vmem>>, vector<16xf32>,
    %broadcast_in_dim3A_556 = arith.constant 5 : i32
    %broadcast_in_dim3A_557 = vector.broadcast %broadcast_in_dim3A_556 : i32 to vector<16xi32>
    tpu.vector_store_idx %arg10[%broadcast_in_dim3A_557, %get3A_521], %get3A_555 {add = true} : memref<8x10240xf32, #tpu.memory_space<vmem>>[vector<16xi32>, vector<16xi32>], vector<16xf32>,
    %get3A_558 = arith.constant 6 : i32
    %get3A_559 = arith.index_cast %get3A_558 : i32 to index
    %get3A_560 = arith.constant 160 : index
    %get3A_561 = tpu.vector_load %arg6[%get3A_559, %get3A_560] {strides = array<i32>} : memref<8x256xf32, #tpu.memory_space<vmem>>, vector<16xf32>,
    %broadcast_in_dim3A_562 = arith.constant 6 : i32
    %broadcast_in_dim3A_563 = vector.broadcast %broadcast_in_dim3A_562 : i32 to vector<16xi32>
    tpu.vector_store_idx %arg10[%broadcast_in_dim3A_563, %get3A_521], %get3A_561 {add = true} : memref<8x10240xf32, #tpu.memory_space<vmem>>[vector<16xi32>, vector<16xi32>], vector<16xf32>,
    %get3A_564 = arith.constant 7 : i32
    %get3A_565 = arith.index_cast %get3A_564 : i32 to index
    %get3A_566 = arith.constant 160 : index
    %get3A_567 = tpu.vector_load %arg6[%get3A_565, %get3A_566] {strides = array<i32>} : memref<8x256xf32, #tpu.memory_space<vmem>>, vector<16xf32>,
    %broadcast_in_dim3A_568 = arith.constant 7 : i32
    %broadcast_in_dim3A_569 = vector.broadcast %broadcast_in_dim3A_568 : i32 to vector<16xi32>
    tpu.vector_store_idx %arg10[%broadcast_in_dim3A_569, %get3A_521], %get3A_567 {add = true} : memref<8x10240xf32, #tpu.memory_space<vmem>>[vector<16xi32>, vector<16xi32>], vector<16xf32>,
    %get3A_570 = arith.constant 176 : index
    %get3A_571 = tpu.vector_load %arg8[%get3A_570] {strides = array<i32>} : memref<256xi32, #tpu.memory_space<vmem>>, vector<16xi32>,
    %get3A_572 = arith.constant 0 : i32
    %get3A_573 = arith.index_cast %get3A_572 : i32 to index
    %get3A_574 = arith.constant 176 : index
    %get3A_575 = tpu.vector_load %arg6[%get3A_573, %get3A_574] {strides = array<i32>} : memref<8x256xf32, #tpu.memory_space<vmem>>, vector<16xf32>,
    %broadcast_in_dim3A_576 = arith.constant 0 : i32
    %broadcast_in_dim3A_577 = vector.broadcast %broadcast_in_dim3A_576 : i32 to vector<16xi32>
    tpu.vector_store_idx %arg10[%broadcast_in_dim3A_577, %get3A_571], %get3A_575 {add = true} : memref<8x10240xf32, #tpu.memory_space<vmem>>[vector<16xi32>, vector<16xi32>], vector<16xf32>,
    %get3A_578 = arith.constant 1 : i32
    %get3A_579 = arith.index_cast %get3A_578 : i32 to index
    %get3A_580 = arith.constant 176 : index
    %get3A_581 = tpu.vector_load %arg6[%get3A_579, %get3A_580] {strides = array<i32>} : memref<8x256xf32, #tpu.memory_space<vmem>>, vector<16xf32>,
    %broadcast_in_dim3A_582 = arith.constant 1 : i32
    %broadcast_in_dim3A_583 = vector.broadcast %broadcast_in_dim3A_582 : i32 to vector<16xi32>
    tpu.vector_store_idx %arg10[%broadcast_in_dim3A_583, %get3A_571], %get3A_581 {add = true} : memref<8x10240xf32, #tpu.memory_space<vmem>>[vector<16xi32>, vector<16xi32>], vector<16xf32>,
    %get3A_584 = arith.constant 2 : i32
    %get3A_585 = arith.index_cast %get3A_584 : i32 to index
    %get3A_586 = arith.constant 176 : index
    %get3A_587 = tpu.vector_load %arg6[%get3A_585, %get3A_586] {strides = array<i32>} : memref<8x256xf32, #tpu.memory_space<vmem>>, vector<16xf32>,
    %broadcast_in_dim3A_588 = arith.constant 2 : i32
    %broadcast_in_dim3A_589 = vector.broadcast %broadcast_in_dim3A_588 : i32 to vector<16xi32>
    tpu.vector_store_idx %arg10[%broadcast_in_dim3A_589, %get3A_571], %get3A_587 {add = true} : memref<8x10240xf32, #tpu.memory_space<vmem>>[vector<16xi32>, vector<16xi32>], vector<16xf32>,
    %get3A_590 = arith.constant 3 : i32
    %get3A_591 = arith.index_cast %get3A_590 : i32 to index
    %get3A_592 = arith.constant 176 : index
    %get3A_593 = tpu.vector_load %arg6[%get3A_591, %get3A_592] {strides = array<i32>} : memref<8x256xf32, #tpu.memory_space<vmem>>, vector<16xf32>,
    %broadcast_in_dim3A_594 = arith.constant 3 : i32
    %broadcast_in_dim3A_595 = vector.broadcast %broadcast_in_dim3A_594 : i32 to vector<16xi32>
    tpu.vector_store_idx %arg10[%broadcast_in_dim3A_595, %get3A_571], %get3A_593 {add = true} : memref<8x10240xf32, #tpu.memory_space<vmem>>[vector<16xi32>, vector<16xi32>], vector<16xf32>,
    %get3A_596 = arith.constant 4 : i32
    %get3A_597 = arith.index_cast %get3A_596 : i32 to index
    %get3A_598 = arith.constant 176 : index
    %get3A_599 = tpu.vector_load %arg6[%get3A_597, %get3A_598] {strides = array<i32>} : memref<8x256xf32, #tpu.memory_space<vmem>>, vector<16xf32>,
    %broadcast_in_dim3A_600 = arith.constant 4 : i32
    %broadcast_in_dim3A_601 = vector.broadcast %broadcast_in_dim3A_600 : i32 to vector<16xi32>
    tpu.vector_store_idx %arg10[%broadcast_in_dim3A_601, %get3A_571], %get3A_599 {add = true} : memref<8x10240xf32, #tpu.memory_space<vmem>>[vector<16xi32>, vector<16xi32>], vector<16xf32>,
    %get3A_602 = arith.constant 5 : i32
    %get3A_603 = arith.index_cast %get3A_602 : i32 to index
    %get3A_604 = arith.constant 176 : index
    %get3A_605 = tpu.vector_load %arg6[%get3A_603, %get3A_604] {strides = array<i32>} : memref<8x256xf32, #tpu.memory_space<vmem>>, vector<16xf32>,
    %broadcast_in_dim3A_606 = arith.constant 5 : i32
    %broadcast_in_dim3A_607 = vector.broadcast %broadcast_in_dim3A_606 : i32 to vector<16xi32>
    tpu.vector_store_idx %arg10[%broadcast_in_dim3A_607, %get3A_571], %get3A_605 {add = true} : memref<8x10240xf32, #tpu.memory_space<vmem>>[vector<16xi32>, vector<16xi32>], vector<16xf32>,
    %get3A_608 = arith.constant 6 : i32
    %get3A_609 = arith.index_cast %get3A_608 : i32 to index
    %get3A_610 = arith.constant 176 : index
    %get3A_611 = tpu.vector_load %arg6[%get3A_609, %get3A_610] {strides = array<i32>} : memref<8x256xf32, #tpu.memory_space<vmem>>, vector<16xf32>,
    %broadcast_in_dim3A_612 = arith.constant 6 : i32
    %broadcast_in_dim3A_613 = vector.broadcast %broadcast_in_dim3A_612 : i32 to vector<16xi32>
    tpu.vector_store_idx %arg10[%broadcast_in_dim3A_613, %get3A_571], %get3A_611 {add = true} : memref<8x10240xf32, #tpu.memory_space<vmem>>[vector<16xi32>, vector<16xi32>], vector<16xf32>,
    %get3A_614 = arith.constant 7 : i32
    %get3A_615 = arith.index_cast %get3A_614 : i32 to index
    %get3A_616 = arith.constant 176 : index
    %get3A_617 = tpu.vector_load %arg6[%get3A_615, %get3A_616] {strides = array<i32>} : memref<8x256xf32, #tpu.memory_space<vmem>>, vector<16xf32>,
    %broadcast_in_dim3A_618 = arith.constant 7 : i32
    %broadcast_in_dim3A_619 = vector.broadcast %broadcast_in_dim3A_618 : i32 to vector<16xi32>
    tpu.vector_store_idx %arg10[%broadcast_in_dim3A_619, %get3A_571], %get3A_617 {add = true} : memref<8x10240xf32, #tpu.memory_space<vmem>>[vector<16xi32>, vector<16xi32>], vector<16xf32>,
    %get3A_620 = arith.constant 192 : index
    %get3A_621 = tpu.vector_load %arg8[%get3A_620] {strides = array<i32>} : memref<256xi32, #tpu.memory_space<vmem>>, vector<16xi32>,
    %get3A_622 = arith.constant 0 : i32
    %get3A_623 = arith.index_cast %get3A_622 : i32 to index
    %get3A_624 = arith.constant 192 : index
    %get3A_625 = tpu.vector_load %arg6[%get3A_623, %get3A_624] {strides = array<i32>} : memref<8x256xf32, #tpu.memory_space<vmem>>, vector<16xf32>,
    %broadcast_in_dim3A_626 = arith.constant 0 : i32
    %broadcast_in_dim3A_627 = vector.broadcast %broadcast_in_dim3A_626 : i32 to vector<16xi32>
    tpu.vector_store_idx %arg10[%broadcast_in_dim3A_627, %get3A_621], %get3A_625 {add = true} : memref<8x10240xf32, #tpu.memory_space<vmem>>[vector<16xi32>, vector<16xi32>], vector<16xf32>,
    %get3A_628 = arith.constant 1 : i32
    %get3A_629 = arith.index_cast %get3A_628 : i32 to index
    %get3A_630 = arith.constant 192 : index
    %get3A_631 = tpu.vector_load %arg6[%get3A_629, %get3A_630] {strides = array<i32>} : memref<8x256xf32, #tpu.memory_space<vmem>>, vector<16xf32>,
    %broadcast_in_dim3A_632 = arith.constant 1 : i32
    %broadcast_in_dim3A_633 = vector.broadcast %broadcast_in_dim3A_632 : i32 to vector<16xi32>
    tpu.vector_store_idx %arg10[%broadcast_in_dim3A_633, %get3A_621], %get3A_631 {add = true} : memref<8x10240xf32, #tpu.memory_space<vmem>>[vector<16xi32>, vector<16xi32>], vector<16xf32>,
    %get3A_634 = arith.constant 2 : i32
    %get3A_635 = arith.index_cast %get3A_634 : i32 to index
    %get3A_636 = arith.constant 192 : index
    %get3A_637 = tpu.vector_load %arg6[%get3A_635, %get3A_636] {strides = array<i32>} : memref<8x256xf32, #tpu.memory_space<vmem>>, vector<16xf32>,
    %broadcast_in_dim3A_638 = arith.constant 2 : i32
    %broadcast_in_dim3A_639 = vector.broadcast %broadcast_in_dim3A_638 : i32 to vector<16xi32>
    tpu.vector_store_idx %arg10[%broadcast_in_dim3A_639, %get3A_621], %get3A_637 {add = true} : memref<8x10240xf32, #tpu.memory_space<vmem>>[vector<16xi32>, vector<16xi32>], vector<16xf32>,
    %get3A_640 = arith.constant 3 : i32
    %get3A_641 = arith.index_cast %get3A_640 : i32 to index
    %get3A_642 = arith.constant 192 : index
    %get3A_643 = tpu.vector_load %arg6[%get3A_641, %get3A_642] {strides = array<i32>} : memref<8x256xf32, #tpu.memory_space<vmem>>, vector<16xf32>,
    %broadcast_in_dim3A_644 = arith.constant 3 : i32
    %broadcast_in_dim3A_645 = vector.broadcast %broadcast_in_dim3A_644 : i32 to vector<16xi32>
    tpu.vector_store_idx %arg10[%broadcast_in_dim3A_645, %get3A_621], %get3A_643 {add = true} : memref<8x10240xf32, #tpu.memory_space<vmem>>[vector<16xi32>, vector<16xi32>], vector<16xf32>,
    %get3A_646 = arith.constant 4 : i32
    %get3A_647 = arith.index_cast %get3A_646 : i32 to index
    %get3A_648 = arith.constant 192 : index
    %get3A_649 = tpu.vector_load %arg6[%get3A_647, %get3A_648] {strides = array<i32>} : memref<8x256xf32, #tpu.memory_space<vmem>>, vector<16xf32>,
    %broadcast_in_dim3A_650 = arith.constant 4 : i32
    %broadcast_in_dim3A_651 = vector.broadcast %broadcast_in_dim3A_650 : i32 to vector<16xi32>
    tpu.vector_store_idx %arg10[%broadcast_in_dim3A_651, %get3A_621], %get3A_649 {add = true} : memref<8x10240xf32, #tpu.memory_space<vmem>>[vector<16xi32>, vector<16xi32>], vector<16xf32>,
    %get3A_652 = arith.constant 5 : i32
    %get3A_653 = arith.index_cast %get3A_652 : i32 to index
    %get3A_654 = arith.constant 192 : index
    %get3A_655 = tpu.vector_load %arg6[%get3A_653, %get3A_654] {strides = array<i32>} : memref<8x256xf32, #tpu.memory_space<vmem>>, vector<16xf32>,
    %broadcast_in_dim3A_656 = arith.constant 5 : i32
    %broadcast_in_dim3A_657 = vector.broadcast %broadcast_in_dim3A_656 : i32 to vector<16xi32>
    tpu.vector_store_idx %arg10[%broadcast_in_dim3A_657, %get3A_621], %get3A_655 {add = true} : memref<8x10240xf32, #tpu.memory_space<vmem>>[vector<16xi32>, vector<16xi32>], vector<16xf32>,
    %get3A_658 = arith.constant 6 : i32
    %get3A_659 = arith.index_cast %get3A_658 : i32 to index
    %get3A_660 = arith.constant 192 : index
    %get3A_661 = tpu.vector_load %arg6[%get3A_659, %get3A_660] {strides = array<i32>} : memref<8x256xf32, #tpu.memory_space<vmem>>, vector<16xf32>,
    %broadcast_in_dim3A_662 = arith.constant 6 : i32
    %broadcast_in_dim3A_663 = vector.broadcast %broadcast_in_dim3A_662 : i32 to vector<16xi32>
    tpu.vector_store_idx %arg10[%broadcast_in_dim3A_663, %get3A_621], %get3A_661 {add = true} : memref<8x10240xf32, #tpu.memory_space<vmem>>[vector<16xi32>, vector<16xi32>], vector<16xf32>,
    %get3A_664 = arith.constant 7 : i32
    %get3A_665 = arith.index_cast %get3A_664 : i32 to index
    %get3A_666 = arith.constant 192 : index
    %get3A_667 = tpu.vector_load %arg6[%get3A_665, %get3A_666] {strides = array<i32>} : memref<8x256xf32, #tpu.memory_space<vmem>>, vector<16xf32>,
    %broadcast_in_dim3A_668 = arith.constant 7 : i32
    %broadcast_in_dim3A_669 = vector.broadcast %broadcast_in_dim3A_668 : i32 to vector<16xi32>
    tpu.vector_store_idx %arg10[%broadcast_in_dim3A_669, %get3A_621], %get3A_667 {add = true} : memref<8x10240xf32, #tpu.memory_space<vmem>>[vector<16xi32>, vector<16xi32>], vector<16xf32>,
    %get3A_670 = arith.constant 208 : index
    %get3A_671 = tpu.vector_load %arg8[%get3A_670] {strides = array<i32>} : memref<256xi32, #tpu.memory_space<vmem>>, vector<16xi32>,
    %get3A_672 = arith.constant 0 : i32
    %get3A_673 = arith.index_cast %get3A_672 : i32 to index
    %get3A_674 = arith.constant 208 : index
    %get3A_675 = tpu.vector_load %arg6[%get3A_673, %get3A_674] {strides = array<i32>} : memref<8x256xf32, #tpu.memory_space<vmem>>, vector<16xf32>,
    %broadcast_in_dim3A_676 = arith.constant 0 : i32
    %broadcast_in_dim3A_677 = vector.broadcast %broadcast_in_dim3A_676 : i32 to vector<16xi32>
    tpu.vector_store_idx %arg10[%broadcast_in_dim3A_677, %get3A_671], %get3A_675 {add = true} : memref<8x10240xf32, #tpu.memory_space<vmem>>[vector<16xi32>, vector<16xi32>], vector<16xf32>,
    %get3A_678 = arith.constant 1 : i32
    %get3A_679 = arith.index_cast %get3A_678 : i32 to index
    %get3A_680 = arith.constant 208 : index
    %get3A_681 = tpu.vector_load %arg6[%get3A_679, %get3A_680] {strides = array<i32>} : memref<8x256xf32, #tpu.memory_space<vmem>>, vector<16xf32>,
    %broadcast_in_dim3A_682 = arith.constant 1 : i32
    %broadcast_in_dim3A_683 = vector.broadcast %broadcast_in_dim3A_682 : i32 to vector<16xi32>
    tpu.vector_store_idx %arg10[%broadcast_in_dim3A_683, %get3A_671], %get3A_681 {add = true} : memref<8x10240xf32, #tpu.memory_space<vmem>>[vector<16xi32>, vector<16xi32>], vector<16xf32>,
    %get3A_684 = arith.constant 2 : i32
    %get3A_685 = arith.index_cast %get3A_684 : i32 to index
    %get3A_686 = arith.constant 208 : index
    %get3A_687 = tpu.vector_load %arg6[%get3A_685, %get3A_686] {strides = array<i32>} : memref<8x256xf32, #tpu.memory_space<vmem>>, vector<16xf32>,
    %broadcast_in_dim3A_688 = arith.constant 2 : i32
    %broadcast_in_dim3A_689 = vector.broadcast %broadcast_in_dim3A_688 : i32 to vector<16xi32>
    tpu.vector_store_idx %arg10[%broadcast_in_dim3A_689, %get3A_671], %get3A_687 {add = true} : memref<8x10240xf32, #tpu.memory_space<vmem>>[vector<16xi32>, vector<16xi32>], vector<16xf32>,
    %get3A_690 = arith.constant 3 : i32
    %get3A_691 = arith.index_cast %get3A_690 : i32 to index
    %get3A_692 = arith.constant 208 : index
    %get3A_693 = tpu.vector_load %arg6[%get3A_691, %get3A_692] {strides = array<i32>} : memref<8x256xf32, #tpu.memory_space<vmem>>, vector<16xf32>,
    %broadcast_in_dim3A_694 = arith.constant 3 : i32
    %broadcast_in_dim3A_695 = vector.broadcast %broadcast_in_dim3A_694 : i32 to vector<16xi32>
    tpu.vector_store_idx %arg10[%broadcast_in_dim3A_695, %get3A_671], %get3A_693 {add = true} : memref<8x10240xf32, #tpu.memory_space<vmem>>[vector<16xi32>, vector<16xi32>], vector<16xf32>,
    %get3A_696 = arith.constant 4 : i32
    %get3A_697 = arith.index_cast %get3A_696 : i32 to index
    %get3A_698 = arith.constant 208 : index
    %get3A_699 = tpu.vector_load %arg6[%get3A_697, %get3A_698] {strides = array<i32>} : memref<8x256xf32, #tpu.memory_space<vmem>>, vector<16xf32>,
    %broadcast_in_dim3A_700 = arith.constant 4 : i32
    %broadcast_in_dim3A_701 = vector.broadcast %broadcast_in_dim3A_700 : i32 to vector<16xi32>
    tpu.vector_store_idx %arg10[%broadcast_in_dim3A_701, %get3A_671], %get3A_699 {add = true} : memref<8x10240xf32, #tpu.memory_space<vmem>>[vector<16xi32>, vector<16xi32>], vector<16xf32>,
    %get3A_702 = arith.constant 5 : i32
    %get3A_703 = arith.index_cast %get3A_702 : i32 to index
    %get3A_704 = arith.constant 208 : index
    %get3A_705 = tpu.vector_load %arg6[%get3A_703, %get3A_704] {strides = array<i32>} : memref<8x256xf32, #tpu.memory_space<vmem>>, vector<16xf32>,
    %broadcast_in_dim3A_706 = arith.constant 5 : i32
    %broadcast_in_dim3A_707 = vector.broadcast %broadcast_in_dim3A_706 : i32 to vector<16xi32>
    tpu.vector_store_idx %arg10[%broadcast_in_dim3A_707, %get3A_671], %get3A_705 {add = true} : memref<8x10240xf32, #tpu.memory_space<vmem>>[vector<16xi32>, vector<16xi32>], vector<16xf32>,
    %get3A_708 = arith.constant 6 : i32
    %get3A_709 = arith.index_cast %get3A_708 : i32 to index
    %get3A_710 = arith.constant 208 : index
    %get3A_711 = tpu.vector_load %arg6[%get3A_709, %get3A_710] {strides = array<i32>} : memref<8x256xf32, #tpu.memory_space<vmem>>, vector<16xf32>,
    %broadcast_in_dim3A_712 = arith.constant 6 : i32
    %broadcast_in_dim3A_713 = vector.broadcast %broadcast_in_dim3A_712 : i32 to vector<16xi32>
    tpu.vector_store_idx %arg10[%broadcast_in_dim3A_713, %get3A_671], %get3A_711 {add = true} : memref<8x10240xf32, #tpu.memory_space<vmem>>[vector<16xi32>, vector<16xi32>], vector<16xf32>,
    %get3A_714 = arith.constant 7 : i32
    %get3A_715 = arith.index_cast %get3A_714 : i32 to index
    %get3A_716 = arith.constant 208 : index
    %get3A_717 = tpu.vector_load %arg6[%get3A_715, %get3A_716] {strides = array<i32>} : memref<8x256xf32, #tpu.memory_space<vmem>>, vector<16xf32>,
    %broadcast_in_dim3A_718 = arith.constant 7 : i32
    %broadcast_in_dim3A_719 = vector.broadcast %broadcast_in_dim3A_718 : i32 to vector<16xi32>
    tpu.vector_store_idx %arg10[%broadcast_in_dim3A_719, %get3A_671], %get3A_717 {add = true} : memref<8x10240xf32, #tpu.memory_space<vmem>>[vector<16xi32>, vector<16xi32>], vector<16xf32>,
    %get3A_720 = arith.constant 224 : index
    %get3A_721 = tpu.vector_load %arg8[%get3A_720] {strides = array<i32>} : memref<256xi32, #tpu.memory_space<vmem>>, vector<16xi32>,
    %get3A_722 = arith.constant 0 : i32
    %get3A_723 = arith.index_cast %get3A_722 : i32 to index
    %get3A_724 = arith.constant 224 : index
    %get3A_725 = tpu.vector_load %arg6[%get3A_723, %get3A_724] {strides = array<i32>} : memref<8x256xf32, #tpu.memory_space<vmem>>, vector<16xf32>,
    %broadcast_in_dim3A_726 = arith.constant 0 : i32
    %broadcast_in_dim3A_727 = vector.broadcast %broadcast_in_dim3A_726 : i32 to vector<16xi32>
    tpu.vector_store_idx %arg10[%broadcast_in_dim3A_727, %get3A_721], %get3A_725 {add = true} : memref<8x10240xf32, #tpu.memory_space<vmem>>[vector<16xi32>, vector<16xi32>], vector<16xf32>,
    %get3A_728 = arith.constant 1 : i32
    %get3A_729 = arith.index_cast %get3A_728 : i32 to index
    %get3A_730 = arith.constant 224 : index
    %get3A_731 = tpu.vector_load %arg6[%get3A_729, %get3A_730] {strides = array<i32>} : memref<8x256xf32, #tpu.memory_space<vmem>>, vector<16xf32>,
    %broadcast_in_dim3A_732 = arith.constant 1 : i32
    %broadcast_in_dim3A_733 = vector.broadcast %broadcast_in_dim3A_732 : i32 to vector<16xi32>
    tpu.vector_store_idx %arg10[%broadcast_in_dim3A_733, %get3A_721], %get3A_731 {add = true} : memref<8x10240xf32, #tpu.memory_space<vmem>>[vector<16xi32>, vector<16xi32>], vector<16xf32>,
    %get3A_734 = arith.constant 2 : i32
    %get3A_735 = arith.index_cast %get3A_734 : i32 to index
    %get3A_736 = arith.constant 224 : index
    %get3A_737 = tpu.vector_load %arg6[%get3A_735, %get3A_736] {strides = array<i32>} : memref<8x256xf32, #tpu.memory_space<vmem>>, vector<16xf32>,
    %broadcast_in_dim3A_738 = arith.constant 2 : i32
    %broadcast_in_dim3A_739 = vector.broadcast %broadcast_in_dim3A_738 : i32 to vector<16xi32>
    tpu.vector_store_idx %arg10[%broadcast_in_dim3A_739, %get3A_721], %get3A_737 {add = true} : memref<8x10240xf32, #tpu.memory_space<vmem>>[vector<16xi32>, vector<16xi32>], vector<16xf32>,
    %get3A_740 = arith.constant 3 : i32
    %get3A_741 = arith.index_cast %get3A_740 : i32 to index
    %get3A_742 = arith.constant 224 : index
    %get3A_743 = tpu.vector_load %arg6[%get3A_741, %get3A_742] {strides = array<i32>} : memref<8x256xf32, #tpu.memory_space<vmem>>, vector<16xf32>,
    %broadcast_in_dim3A_744 = arith.constant 3 : i32
    %broadcast_in_dim3A_745 = vector.broadcast %broadcast_in_dim3A_744 : i32 to vector<16xi32>
    tpu.vector_store_idx %arg10[%broadcast_in_dim3A_745, %get3A_721], %get3A_743 {add = true} : memref<8x10240xf32, #tpu.memory_space<vmem>>[vector<16xi32>, vector<16xi32>], vector<16xf32>,
    %get3A_746 = arith.constant 4 : i32
    %get3A_747 = arith.index_cast %get3A_746 : i32 to index
    %get3A_748 = arith.constant 224 : index
    %get3A_749 = tpu.vector_load %arg6[%get3A_747, %get3A_748] {strides = array<i32>} : memref<8x256xf32, #tpu.memory_space<vmem>>, vector<16xf32>,
    %broadcast_in_dim3A_750 = arith.constant 4 : i32
    %broadcast_in_dim3A_751 = vector.broadcast %broadcast_in_dim3A_750 : i32 to vector<16xi32>
    tpu.vector_store_idx %arg10[%broadcast_in_dim3A_751, %get3A_721], %get3A_749 {add = true} : memref<8x10240xf32, #tpu.memory_space<vmem>>[vector<16xi32>, vector<16xi32>], vector<16xf32>,
    %get3A_752 = arith.constant 5 : i32
    %get3A_753 = arith.index_cast %get3A_752 : i32 to index
    %get3A_754 = arith.constant 224 : index
    %get3A_755 = tpu.vector_load %arg6[%get3A_753, %get3A_754] {strides = array<i32>} : memref<8x256xf32, #tpu.memory_space<vmem>>, vector<16xf32>,
    %broadcast_in_dim3A_756 = arith.constant 5 : i32
    %broadcast_in_dim3A_757 = vector.broadcast %broadcast_in_dim3A_756 : i32 to vector<16xi32>
    tpu.vector_store_idx %arg10[%broadcast_in_dim3A_757, %get3A_721], %get3A_755 {add = true} : memref<8x10240xf32, #tpu.memory_space<vmem>>[vector<16xi32>, vector<16xi32>], vector<16xf32>,
    %get3A_758 = arith.constant 6 : i32
    %get3A_759 = arith.index_cast %get3A_758 : i32 to index
    %get3A_760 = arith.constant 224 : index
    %get3A_761 = tpu.vector_load %arg6[%get3A_759, %get3A_760] {strides = array<i32>} : memref<8x256xf32, #tpu.memory_space<vmem>>, vector<16xf32>,
    %broadcast_in_dim3A_762 = arith.constant 6 : i32
    %broadcast_in_dim3A_763 = vector.broadcast %broadcast_in_dim3A_762 : i32 to vector<16xi32>
    tpu.vector_store_idx %arg10[%broadcast_in_dim3A_763, %get3A_721], %get3A_761 {add = true} : memref<8x10240xf32, #tpu.memory_space<vmem>>[vector<16xi32>, vector<16xi32>], vector<16xf32>,
    %get3A_764 = arith.constant 7 : i32
    %get3A_765 = arith.index_cast %get3A_764 : i32 to index
    %get3A_766 = arith.constant 224 : index
    %get3A_767 = tpu.vector_load %arg6[%get3A_765, %get3A_766] {strides = array<i32>} : memref<8x256xf32, #tpu.memory_space<vmem>>, vector<16xf32>,
    %broadcast_in_dim3A_768 = arith.constant 7 : i32
    %broadcast_in_dim3A_769 = vector.broadcast %broadcast_in_dim3A_768 : i32 to vector<16xi32>
    tpu.vector_store_idx %arg10[%broadcast_in_dim3A_769, %get3A_721], %get3A_767 {add = true} : memref<8x10240xf32, #tpu.memory_space<vmem>>[vector<16xi32>, vector<16xi32>], vector<16xf32>,
    %get3A_770 = arith.constant 240 : index
    %get3A_771 = tpu.vector_load %arg8[%get3A_770] {strides = array<i32>} : memref<256xi32, #tpu.memory_space<vmem>>, vector<16xi32>,
    %get3A_772 = arith.constant 0 : i32
    %get3A_773 = arith.index_cast %get3A_772 : i32 to index
    %get3A_774 = arith.constant 240 : index
    %get3A_775 = tpu.vector_load %arg6[%get3A_773, %get3A_774] {strides = array<i32>} : memref<8x256xf32, #tpu.memory_space<vmem>>, vector<16xf32>,
    %broadcast_in_dim3A_776 = arith.constant 0 : i32
    %broadcast_in_dim3A_777 = vector.broadcast %broadcast_in_dim3A_776 : i32 to vector<16xi32>
    tpu.vector_store_idx %arg10[%broadcast_in_dim3A_777, %get3A_771], %get3A_775 {add = true} : memref<8x10240xf32, #tpu.memory_space<vmem>>[vector<16xi32>, vector<16xi32>], vector<16xf32>,
    %get3A_778 = arith.constant 1 : i32
    %get3A_779 = arith.index_cast %get3A_778 : i32 to index
    %get3A_780 = arith.constant 240 : index
    %get3A_781 = tpu.vector_load %arg6[%get3A_779, %get3A_780] {strides = array<i32>} : memref<8x256xf32, #tpu.memory_space<vmem>>, vector<16xf32>,
    %broadcast_in_dim3A_782 = arith.constant 1 : i32
    %broadcast_in_dim3A_783 = vector.broadcast %broadcast_in_dim3A_782 : i32 to vector<16xi32>
    tpu.vector_store_idx %arg10[%broadcast_in_dim3A_783, %get3A_771], %get3A_781 {add = true} : memref<8x10240xf32, #tpu.memory_space<vmem>>[vector<16xi32>, vector<16xi32>], vector<16xf32>,
    %get3A_784 = arith.constant 2 : i32
    %get3A_785 = arith.index_cast %get3A_784 : i32 to index
    %get3A_786 = arith.constant 240 : index
    %get3A_787 = tpu.vector_load %arg6[%get3A_785, %get3A_786] {strides = array<i32>} : memref<8x256xf32, #tpu.memory_space<vmem>>, vector<16xf32>,
    %broadcast_in_dim3A_788 = arith.constant 2 : i32
    %broadcast_in_dim3A_789 = vector.broadcast %broadcast_in_dim3A_788 : i32 to vector<16xi32>
    tpu.vector_store_idx %arg10[%broadcast_in_dim3A_789, %get3A_771], %get3A_787 {add = true} : memref<8x10240xf32, #tpu.memory_space<vmem>>[vector<16xi32>, vector<16xi32>], vector<16xf32>,
    %get3A_790 = arith.constant 3 : i32
    %get3A_791 = arith.index_cast %get3A_790 : i32 to index
    %get3A_792 = arith.constant 240 : index
    %get3A_793 = tpu.vector_load %arg6[%get3A_791, %get3A_792] {strides = array<i32>} : memref<8x256xf32, #tpu.memory_space<vmem>>, vector<16xf32>,
    %broadcast_in_dim3A_794 = arith.constant 3 : i32
    %broadcast_in_dim3A_795 = vector.broadcast %broadcast_in_dim3A_794 : i32 to vector<16xi32>
    tpu.vector_store_idx %arg10[%broadcast_in_dim3A_795, %get3A_771], %get3A_793 {add = true} : memref<8x10240xf32, #tpu.memory_space<vmem>>[vector<16xi32>, vector<16xi32>], vector<16xf32>,
    %get3A_796 = arith.constant 4 : i32
    %get3A_797 = arith.index_cast %get3A_796 : i32 to index
    %get3A_798 = arith.constant 240 : index
    %get3A_799 = tpu.vector_load %arg6[%get3A_797, %get3A_798] {strides = array<i32>} : memref<8x256xf32, #tpu.memory_space<vmem>>, vector<16xf32>,
    %broadcast_in_dim3A_800 = arith.constant 4 : i32
    %broadcast_in_dim3A_801 = vector.broadcast %broadcast_in_dim3A_800 : i32 to vector<16xi32>
    tpu.vector_store_idx %arg10[%broadcast_in_dim3A_801, %get3A_771], %get3A_799 {add = true} : memref<8x10240xf32, #tpu.memory_space<vmem>>[vector<16xi32>, vector<16xi32>], vector<16xf32>,
    %get3A_802 = arith.constant 5 : i32
    %get3A_803 = arith.index_cast %get3A_802 : i32 to index
    %get3A_804 = arith.constant 240 : index
    %get3A_805 = tpu.vector_load %arg6[%get3A_803, %get3A_804] {strides = array<i32>} : memref<8x256xf32, #tpu.memory_space<vmem>>, vector<16xf32>,
    %broadcast_in_dim3A_806 = arith.constant 5 : i32
    %broadcast_in_dim3A_807 = vector.broadcast %broadcast_in_dim3A_806 : i32 to vector<16xi32>
    tpu.vector_store_idx %arg10[%broadcast_in_dim3A_807, %get3A_771], %get3A_805 {add = true} : memref<8x10240xf32, #tpu.memory_space<vmem>>[vector<16xi32>, vector<16xi32>], vector<16xf32>,
    %get3A_808 = arith.constant 6 : i32
    %get3A_809 = arith.index_cast %get3A_808 : i32 to index
    %get3A_810 = arith.constant 240 : index
    %get3A_811 = tpu.vector_load %arg6[%get3A_809, %get3A_810] {strides = array<i32>} : memref<8x256xf32, #tpu.memory_space<vmem>>, vector<16xf32>,
    %broadcast_in_dim3A_812 = arith.constant 6 : i32
    %broadcast_in_dim3A_813 = vector.broadcast %broadcast_in_dim3A_812 : i32 to vector<16xi32>
    tpu.vector_store_idx %arg10[%broadcast_in_dim3A_813, %get3A_771], %get3A_811 {add = true} : memref<8x10240xf32, #tpu.memory_space<vmem>>[vector<16xi32>, vector<16xi32>], vector<16xf32>,
    %get3A_814 = arith.constant 7 : i32
    %get3A_815 = arith.index_cast %get3A_814 : i32 to index
    %get3A_816 = arith.constant 240 : index
    %get3A_817 = tpu.vector_load %arg6[%get3A_815, %get3A_816] {strides = array<i32>} : memref<8x256xf32, #tpu.memory_space<vmem>>, vector<16xf32>,
    %broadcast_in_dim3A_818 = arith.constant 7 : i32
    %broadcast_in_dim3A_819 = vector.broadcast %broadcast_in_dim3A_818 : i32 to vector<16xi32>
    tpu.vector_store_idx %arg10[%broadcast_in_dim3A_819, %get3A_771], %get3A_817 {add = true} : memref<8x10240xf32, #tpu.memory_space<vmem>>[vector<16xi32>, vector<16xi32>], vector<16xf32>,
    "tpu.region"() ({
      %run_scoped3A = tpu.sem_alloc : memref<!tpu.dma_semaphore, #tpu.memory_space<semaphore_mem>>
      %dma_start3A_820 = arith.constant 0 : i32
      %dma_start3A_821 = tpu.memref_slice %arg5[%mul3A_2, %dma_start3A_820] : memref<256x10240xf32, #tpu.memory_space<hbm>> -> memref<8x10240xf32, #tpu.memory_space<hbm>>
      %dma_start3A_822 = arith.constant 0 : i32
      %dma_start3A_823 = tpu.memref_slice %arg5[%mul3A_2, %dma_start3A_822] : memref<256x10240xf32, #tpu.memory_space<hbm>> -> memref<8x10240xf32, #tpu.memory_space<hbm>>
      tpu.enqueue_dma source(%arg10 : memref<8x10240xf32, #tpu.memory_space<vmem>>) target(%dma_start3A_823 : memref<8x10240xf32, #tpu.memory_space<hbm>>) target_semaphore(%run_scoped3A : memref<!tpu.dma_semaphore, #tpu.memory_space<semaphore_mem>>)
      %dma_wait3A_824 = arith.constant 0 : i32
      %dma_wait3A_825 = tpu.memref_slice %arg5[%mul3A_2, %dma_wait3A_824] : memref<256x10240xf32, #tpu.memory_space<hbm>> -> memref<8x10240xf32, #tpu.memory_space<hbm>>
      %dma_wait3A_826 = arith.constant 0 : i32
      %dma_wait3A_827 = tpu.memref_slice %arg5[%mul3A_2, %dma_wait3A_826] : memref<256x10240xf32, #tpu.memory_space<hbm>> -> memref<8x10240xf32, #tpu.memory_space<hbm>>
      tpu.wait_dma2 semaphore(%run_scoped3A : memref<!tpu.dma_semaphore, #tpu.memory_space<semaphore_mem>>) src(%arg10 : memref<8x10240xf32, #tpu.memory_space<vmem>>) dst(%dma_wait3A_827 : memref<8x10240xf32, #tpu.memory_space<hbm>>)
      tpu.yield
    }) : () -> ()
    return
  }
}

module attributes {stable_mosaic.version = 14 : i64} {
  func.func @_edge_body(%arg0: i32, %arg1: memref<1280x256xf32, #tpu.memory_space<vmem>>, %arg2: memref<1280x256xf32, #tpu.memory_space<vmem>>, %arg3: memref<1280x256xf32, #tpu.memory_space<vmem>>, %arg4: memref<768x512xf32, #tpu.memory_space<vmem>>, %arg5: memref<512x1xf32, #tpu.memory_space<vmem>>, %arg6: memref<512x256xf32, #tpu.memory_space<vmem>>, %arg7: memref<256x1xf32, #tpu.memory_space<vmem>>, %arg8: memref<256x1xf32, #tpu.memory_space<vmem>>, %arg9: memref<256x1xf32, #tpu.memory_space<vmem>>, %arg10: memref<256x1280xf32, #tpu.memory_space<vmem>>) attributes {dimension_semantics = [#tpu.dimension_semantics<arbitrary>], iteration_bounds = array<i64: 125>, scalar_prefetch = 0 : i64, scratch_operands = 0 : i64, tpu.core_type = #tpu.core_type<tc>, window_params = [{transform_indices = @transform_0, window_bounds = array<i64: 1280, 256>}, {transform_indices = @transform_1, window_bounds = array<i64: 1280, 256>}, {transform_indices = @transform_2, window_bounds = array<i64: 1280, 256>}, {pipeline_mode = #tpu.pipeline_mode<synchronous>, transform_indices = @transform_3, window_bounds = array<i64: 768, 512>}, {pipeline_mode = #tpu.pipeline_mode<synchronous>, transform_indices = @transform_4, window_bounds = array<i64: 512, 1>}, {pipeline_mode = #tpu.pipeline_mode<synchronous>, transform_indices = @transform_5, window_bounds = array<i64: 512, 256>}, {pipeline_mode = #tpu.pipeline_mode<synchronous>, transform_indices = @transform_6, window_bounds = array<i64: 256, 1>}, {pipeline_mode = #tpu.pipeline_mode<synchronous>, transform_indices = @transform_7, window_bounds = array<i64: 256, 1>}, {pipeline_mode = #tpu.pipeline_mode<synchronous>, transform_indices = @transform_8, window_bounds = array<i64: 256, 1>}, {transform_indices = @transform_9, window_bounds = array<i64: 256, 1280>}]} {
    %get3A = arith.constant 0 : index
    %get3A_0 = arith.constant 0 : index
    %get3A_1 = vector.load %arg4[%get3A, %get3A_0] : memref<768x512xf32, #tpu.memory_space<vmem>>, vector<256x512xf32>
    %get3A_2 = arith.constant 0 : index
    %get3A_3 = arith.constant 0 : index
    %get3A_4 = vector.load %arg1[%get3A_2, %get3A_3] : memref<1280x256xf32, #tpu.memory_space<vmem>>, vector<1280x256xf32>
    %dot_general3A = arith.constant dense<0.000000e+00> : vector<512x1280xf32>
    %dot_general3A_5 = tpu.matmul %get3A_1, %get3A_4, %dot_general3A {dimension_numbers = #tpu.dot_dimension_numbers<[0], [1], [1], [0], [0, 1, 1, 0], [], []>, transpose_lhs_hint = false} : vector<256x512xf32>, vector<1280x256xf32>, vector<512x1280xf32> -> vector<512x1280xf32>
    %get3A_6 = arith.constant 256 : index
    %get3A_7 = arith.constant 0 : index
    %get3A_8 = vector.load %arg4[%get3A_6, %get3A_7] : memref<768x512xf32, #tpu.memory_space<vmem>>, vector<256x512xf32>
    %get3A_9 = arith.constant 0 : index
    %get3A_10 = arith.constant 0 : index
    %get3A_11 = vector.load %arg2[%get3A_9, %get3A_10] : memref<1280x256xf32, #tpu.memory_space<vmem>>, vector<1280x256xf32>
    %dot_general3A_12 = arith.constant dense<0.000000e+00> : vector<512x1280xf32>
    %dot_general3A_13 = tpu.matmul %get3A_8, %get3A_11, %dot_general3A_12 {dimension_numbers = #tpu.dot_dimension_numbers<[0], [1], [1], [0], [0, 1, 1, 0], [], []>, transpose_lhs_hint = false} : vector<256x512xf32>, vector<1280x256xf32>, vector<512x1280xf32> -> vector<512x1280xf32>
    %add3A = arith.addf %dot_general3A_5, %dot_general3A_13 : vector<512x1280xf32>
    %get3A_14 = arith.constant 512 : index
    %get3A_15 = arith.constant 0 : index
    %get3A_16 = vector.load %arg4[%get3A_14, %get3A_15] : memref<768x512xf32, #tpu.memory_space<vmem>>, vector<256x512xf32>
    %get3A_17 = arith.constant 0 : index
    %get3A_18 = arith.constant 0 : index
    %get3A_19 = vector.load %arg3[%get3A_17, %get3A_18] : memref<1280x256xf32, #tpu.memory_space<vmem>>, vector<1280x256xf32>
    %dot_general3A_20 = arith.constant dense<0.000000e+00> : vector<512x1280xf32>
    %dot_general3A_21 = tpu.matmul %get3A_16, %get3A_19, %dot_general3A_20 {dimension_numbers = #tpu.dot_dimension_numbers<[0], [1], [1], [0], [0, 1, 1, 0], [], []>, transpose_lhs_hint = false} : vector<256x512xf32>, vector<1280x256xf32>, vector<512x1280xf32> -> vector<512x1280xf32>
    %add3A_22 = arith.addf %add3A, %dot_general3A_21 : vector<512x1280xf32>
    %get3A_23 = arith.constant 0 : index
    %get3A_24 = arith.constant 0 : index
    %get3A_25 = vector.load %arg5[%get3A_23, %get3A_24] : memref<512x1xf32, #tpu.memory_space<vmem>>, vector<512x1xf32>
    %add3A_26 = vector.broadcast %get3A_25 : vector<512x1xf32> to vector<512x1280xf32>
    %add3A_27 = arith.addf %add3A_22, %add3A_26 : vector<512x1280xf32>
    %logistic3A = arith.negf %add3A_27 : vector<512x1280xf32>
    %logistic3A_28 = math.exp %logistic3A : vector<512x1280xf32>
    %logistic3A_29 = arith.constant 1.000000e+00 : f32
    %logistic3A_30 = vector.broadcast %logistic3A_29 : f32 to vector<512x1280xf32>
    %logistic3A_31 = arith.addf %logistic3A_30, %logistic3A_28 : vector<512x1280xf32>
    %logistic3A_32 = arith.divf %logistic3A_30, %logistic3A_31 : vector<512x1280xf32>
    %mul3A = arith.mulf %add3A_27, %logistic3A_32 : vector<512x1280xf32>
    %get3A_33 = arith.constant 0 : index
    %get3A_34 = arith.constant 0 : index
    %get3A_35 = vector.load %arg6[%get3A_33, %get3A_34] : memref<512x256xf32, #tpu.memory_space<vmem>>, vector<512x256xf32>
    %dot_general3A_36 = arith.constant dense<0.000000e+00> : vector<256x1280xf32>
    %dot_general3A_37 = tpu.matmul %get3A_35, %mul3A, %dot_general3A_36 {dimension_numbers = #tpu.dot_dimension_numbers<[0], [0], [1], [1], [0, 1, 1, 1], [], []>, transpose_lhs_hint = false} : vector<512x256xf32>, vector<512x1280xf32>, vector<256x1280xf32> -> vector<256x1280xf32>
    %get3A_38 = arith.constant 0 : index
    %get3A_39 = arith.constant 0 : index
    %get3A_40 = vector.load %arg7[%get3A_38, %get3A_39] : memref<256x1xf32, #tpu.memory_space<vmem>>, vector<256x1xf32>
    %add3A_41 = vector.broadcast %get3A_40 : vector<256x1xf32> to vector<256x1280xf32>
    %add3A_42 = arith.addf %dot_general3A_37, %add3A_41 : vector<256x1280xf32>
    %reduce_sum3A = arith.constant dense<0.000000e+00> : vector<1280xf32>
    %reduce_sum3A_43 = vector.multi_reduction <add>, %add3A_42, %reduce_sum3A [0] : vector<256x1280xf32> to vector<1280xf32>
    %broadcast_in_dim3A = vector.shape_cast %reduce_sum3A_43 : vector<1280xf32> to vector<1x1280xf32>
    %div3A = arith.constant 2.560000e+02 : f32
    %div3A_44 = vector.broadcast %div3A : f32 to vector<1x1280xf32>
    %div3A_45 = arith.divf %broadcast_in_dim3A, %div3A_44 : vector<1x1280xf32>
    %sub3A = vector.broadcast %div3A_45 : vector<1x1280xf32> to vector<256x1280xf32>
    %sub3A_46 = arith.subf %add3A_42, %sub3A : vector<256x1280xf32>
    %integer_pow3A = arith.mulf %sub3A_46, %sub3A_46 : vector<256x1280xf32>
    %reduce_sum3A_47 = arith.constant dense<0.000000e+00> : vector<1280xf32>
    %reduce_sum3A_48 = vector.multi_reduction <add>, %integer_pow3A, %reduce_sum3A_47 [0] : vector<256x1280xf32> to vector<1280xf32>
    %broadcast_in_dim3A_49 = vector.shape_cast %reduce_sum3A_48 : vector<1280xf32> to vector<1x1280xf32>
    %div3A_50 = arith.constant 2.560000e+02 : f32
    %div3A_51 = vector.broadcast %div3A_50 : f32 to vector<1x1280xf32>
    %div3A_52 = arith.divf %broadcast_in_dim3A_49, %div3A_51 : vector<1x1280xf32>
    %sub3A_53 = vector.broadcast %div3A_45 : vector<1x1280xf32> to vector<256x1280xf32>
    %sub3A_54 = arith.subf %add3A_42, %sub3A_53 : vector<256x1280xf32>
    %add3A_55 = arith.constant 9.99999974E-6 : f32
    %add3A_56 = vector.broadcast %add3A_55 : f32 to vector<1x1280xf32>
    %add3A_57 = arith.addf %div3A_52, %add3A_56 : vector<1x1280xf32>
    %rsqrt3A = math.rsqrt %add3A_57 : vector<1x1280xf32>
    %mul3A_58 = vector.broadcast %rsqrt3A : vector<1x1280xf32> to vector<256x1280xf32>
    %mul3A_59 = arith.mulf %sub3A_54, %mul3A_58 : vector<256x1280xf32>
    %get3A_60 = arith.constant 0 : index
    %get3A_61 = arith.constant 0 : index
    %get3A_62 = vector.load %arg8[%get3A_60, %get3A_61] : memref<256x1xf32, #tpu.memory_space<vmem>>, vector<256x1xf32>
    %mul3A_63 = vector.broadcast %get3A_62 : vector<256x1xf32> to vector<256x1280xf32>
    %mul3A_64 = arith.mulf %mul3A_59, %mul3A_63 : vector<256x1280xf32>
    %get3A_65 = arith.constant 0 : index
    %get3A_66 = arith.constant 0 : index
    %get3A_67 = vector.load %arg9[%get3A_65, %get3A_66] : memref<256x1xf32, #tpu.memory_space<vmem>>, vector<256x1xf32>
    %add3A_68 = vector.broadcast %get3A_67 : vector<256x1xf32> to vector<256x1280xf32>
    %add3A_69 = arith.addf %mul3A_64, %add3A_68 : vector<256x1280xf32>
    %swap3A = arith.constant 0 : index
    %swap3A_70 = arith.constant 0 : index
    %swap3A_71 = vector.load %arg10[%swap3A, %swap3A_70] : memref<256x1280xf32, #tpu.memory_space<vmem>>, vector<256x1280xf32>
    tpu.vector_store %arg10[%swap3A, %swap3A_70], %add3A_69 {strides = array<i32>} : memref<256x1280xf32, #tpu.memory_space<vmem>>, vector<256x1280xf32>,
    return
  }
  func.func @transform_0(%arg0: i32) -> (i32, i32) {
    %c0_i32 = arith.constant 0 : i32
    %c0_i32_0 = arith.constant 0 : i32
    return %arg0, %c0_i32 : i32, i32
  }
  func.func @transform_1(%arg0: i32) -> (i32, i32) {
    %c0_i32 = arith.constant 0 : i32
    %c0_i32_0 = arith.constant 0 : i32
    return %arg0, %c0_i32 : i32, i32
  }
  func.func @transform_2(%arg0: i32) -> (i32, i32) {
    %c0_i32 = arith.constant 0 : i32
    %c0_i32_0 = arith.constant 0 : i32
    return %arg0, %c0_i32 : i32, i32
  }
  func.func @transform_3(%arg0: i32) -> (i32, i32) {
    %c0_i32 = arith.constant 0 : i32
    %c0_i32_0 = arith.constant 0 : i32
    %c0_i32_1 = arith.constant 0 : i32
    return %c0_i32, %c0_i32_0 : i32, i32
  }
  func.func @transform_4(%arg0: i32) -> (i32, i32) {
    %c0_i32 = arith.constant 0 : i32
    %c0_i32_0 = arith.constant 0 : i32
    %c0_i32_1 = arith.constant 0 : i32
    return %c0_i32, %c0_i32_0 : i32, i32
  }
  func.func @transform_5(%arg0: i32) -> (i32, i32) {
    %c0_i32 = arith.constant 0 : i32
    %c0_i32_0 = arith.constant 0 : i32
    %c0_i32_1 = arith.constant 0 : i32
    return %c0_i32, %c0_i32_0 : i32, i32
  }
  func.func @transform_6(%arg0: i32) -> (i32, i32) {
    %c0_i32 = arith.constant 0 : i32
    %c0_i32_0 = arith.constant 0 : i32
    %c0_i32_1 = arith.constant 0 : i32
    return %c0_i32, %c0_i32_0 : i32, i32
  }
  func.func @transform_7(%arg0: i32) -> (i32, i32) {
    %c0_i32 = arith.constant 0 : i32
    %c0_i32_0 = arith.constant 0 : i32
    %c0_i32_1 = arith.constant 0 : i32
    return %c0_i32, %c0_i32_0 : i32, i32
  }
  func.func @transform_8(%arg0: i32) -> (i32, i32) {
    %c0_i32 = arith.constant 0 : i32
    %c0_i32_0 = arith.constant 0 : i32
    %c0_i32_1 = arith.constant 0 : i32
    return %c0_i32, %c0_i32_0 : i32, i32
  }
  func.func @transform_9(%arg0: i32) -> (i32, i32) {
    %c0_i32 = arith.constant 0 : i32
    %c0_i32_0 = arith.constant 0 : i32
    return %c0_i32, %arg0 : i32, i32
  }
}

module attributes {stable_mosaic.version = 14 : i64} {
  func.func @_node_body(%arg0: i32, %arg1: memref<256x1024xf32, #tpu.memory_space<vmem>>, %arg2: memref<1024x256xf32, #tpu.memory_space<vmem>>, %arg3: memref<512x512xf32, #tpu.memory_space<vmem>>, %arg4: memref<1x512xf32, #tpu.memory_space<vmem>>, %arg5: memref<512x256xf32, #tpu.memory_space<vmem>>, %arg6: memref<1x256xf32, #tpu.memory_space<vmem>>, %arg7: memref<1x256xf32, #tpu.memory_space<vmem>>, %arg8: memref<1x256xf32, #tpu.memory_space<vmem>>, %arg9: memref<1024x256xf32, #tpu.memory_space<vmem>>) attributes {dimension_semantics = [#tpu.dimension_semantics<arbitrary>], iteration_bounds = array<i64: 10>, scalar_prefetch = 0 : i64, scratch_operands = 0 : i64, tpu.core_type = #tpu.core_type<tc>, window_params = [{transform_indices = @transform_0, window_bounds = array<i64: 256, 1024>}, {transform_indices = @transform_1, window_bounds = array<i64: 1024, 256>}, {pipeline_mode = #tpu.pipeline_mode<synchronous>, transform_indices = @transform_2, window_bounds = array<i64: 512, 512>}, {pipeline_mode = #tpu.pipeline_mode<synchronous>, transform_indices = @transform_3, window_bounds = array<i64: 1, 512>}, {pipeline_mode = #tpu.pipeline_mode<synchronous>, transform_indices = @transform_4, window_bounds = array<i64: 512, 256>}, {pipeline_mode = #tpu.pipeline_mode<synchronous>, transform_indices = @transform_5, window_bounds = array<i64: 1, 256>}, {pipeline_mode = #tpu.pipeline_mode<synchronous>, transform_indices = @transform_6, window_bounds = array<i64: 1, 256>}, {pipeline_mode = #tpu.pipeline_mode<synchronous>, transform_indices = @transform_7, window_bounds = array<i64: 1, 256>}, {transform_indices = @transform_8, window_bounds = array<i64: 1024, 256>}]} {
    %get3A = arith.constant 0 : index
    %get3A_0 = arith.constant 0 : index
    %get3A_1 = vector.load %arg1[%get3A, %get3A_0] : memref<256x1024xf32, #tpu.memory_space<vmem>>, vector<256x1024xf32>
    %get3A_2 = arith.constant 0 : index
    %get3A_3 = arith.constant 0 : index
    %get3A_4 = vector.load %arg3[%get3A_2, %get3A_3] : memref<512x512xf32, #tpu.memory_space<vmem>>, vector<256x512xf32>
    %dot_general3A = arith.constant dense<0.000000e+00> : vector<1024x512xf32>
    %dot_general3A_5 = tpu.matmul %get3A_1, %get3A_4, %dot_general3A {dimension_numbers = #tpu.dot_dimension_numbers<[0], [0], [1], [1], [0, 1, 1, 1], [], []>, transpose_lhs_hint = false} : vector<256x1024xf32>, vector<256x512xf32>, vector<1024x512xf32> -> vector<1024x512xf32>
    %get3A_6 = arith.constant 0 : index
    %get3A_7 = arith.constant 0 : index
    %get3A_8 = vector.load %arg2[%get3A_6, %get3A_7] : memref<1024x256xf32, #tpu.memory_space<vmem>>, vector<1024x256xf32>
    %get3A_9 = arith.constant 256 : index
    %get3A_10 = arith.constant 0 : index
    %get3A_11 = vector.load %arg3[%get3A_9, %get3A_10] : memref<512x512xf32, #tpu.memory_space<vmem>>, vector<256x512xf32>
    %dot_general3A_12 = arith.constant dense<0.000000e+00> : vector<1024x512xf32>
    %dot_general3A_13 = tpu.matmul %get3A_8, %get3A_11, %dot_general3A_12 {dimension_numbers = #tpu.dot_dimension_numbers<[1], [0], [0], [1], [0, 0, 1, 1], [], []>, transpose_lhs_hint = false} : vector<1024x256xf32>, vector<256x512xf32>, vector<1024x512xf32> -> vector<1024x512xf32>
    %add3A = arith.addf %dot_general3A_5, %dot_general3A_13 : vector<1024x512xf32>
    %get3A_14 = arith.constant 0 : index
    %get3A_15 = arith.constant 0 : index
    %get3A_16 = vector.load %arg4[%get3A_14, %get3A_15] : memref<1x512xf32, #tpu.memory_space<vmem>>, vector<1x512xf32>
    %add3A_17 = vector.broadcast %get3A_16 : vector<1x512xf32> to vector<1024x512xf32>
    %add3A_18 = arith.addf %add3A, %add3A_17 : vector<1024x512xf32>
    %logistic3A = arith.negf %add3A_18 : vector<1024x512xf32>
    %logistic3A_19 = math.exp %logistic3A : vector<1024x512xf32>
    %logistic3A_20 = arith.constant 1.000000e+00 : f32
    %logistic3A_21 = vector.broadcast %logistic3A_20 : f32 to vector<1024x512xf32>
    %logistic3A_22 = arith.addf %logistic3A_21, %logistic3A_19 : vector<1024x512xf32>
    %logistic3A_23 = arith.divf %logistic3A_21, %logistic3A_22 : vector<1024x512xf32>
    %mul3A = arith.mulf %add3A_18, %logistic3A_23 : vector<1024x512xf32>
    %get3A_24 = arith.constant 0 : index
    %get3A_25 = arith.constant 0 : index
    %get3A_26 = vector.load %arg5[%get3A_24, %get3A_25] : memref<512x256xf32, #tpu.memory_space<vmem>>, vector<512x256xf32>
    %dot_general3A_27 = arith.constant dense<0.000000e+00> : vector<1024x256xf32>
    %dot_general3A_28 = tpu.matmul %mul3A, %get3A_26, %dot_general3A_27 {dimension_numbers = #tpu.dot_dimension_numbers<[1], [0], [0], [1], [0, 0, 1, 1], [], []>, transpose_lhs_hint = false} : vector<1024x512xf32>, vector<512x256xf32>, vector<1024x256xf32> -> vector<1024x256xf32>
    %get3A_29 = arith.constant 0 : index
    %get3A_30 = arith.constant 0 : index
    %get3A_31 = vector.load %arg6[%get3A_29, %get3A_30] : memref<1x256xf32, #tpu.memory_space<vmem>>, vector<1x256xf32>
    %add3A_32 = vector.broadcast %get3A_31 : vector<1x256xf32> to vector<1024x256xf32>
    %add3A_33 = arith.addf %dot_general3A_28, %add3A_32 : vector<1024x256xf32>
    %reduce_sum3A = arith.constant dense<0.000000e+00> : vector<1024xf32>
    %reduce_sum3A_34 = vector.multi_reduction <add>, %add3A_33, %reduce_sum3A [1] : vector<1024x256xf32> to vector<1024xf32>
    %broadcast_in_dim3A = vector.shape_cast %reduce_sum3A_34 : vector<1024xf32> to vector<1024x1xf32>
    %div3A = arith.constant 2.560000e+02 : f32
    %div3A_35 = vector.broadcast %div3A : f32 to vector<1024x1xf32>
    %div3A_36 = arith.divf %broadcast_in_dim3A, %div3A_35 : vector<1024x1xf32>
    %sub3A = vector.broadcast %div3A_36 : vector<1024x1xf32> to vector<1024x256xf32>
    %sub3A_37 = arith.subf %add3A_33, %sub3A : vector<1024x256xf32>
    %integer_pow3A = arith.mulf %sub3A_37, %sub3A_37 : vector<1024x256xf32>
    %reduce_sum3A_38 = arith.constant dense<0.000000e+00> : vector<1024xf32>
    %reduce_sum3A_39 = vector.multi_reduction <add>, %integer_pow3A, %reduce_sum3A_38 [1] : vector<1024x256xf32> to vector<1024xf32>
    %broadcast_in_dim3A_40 = vector.shape_cast %reduce_sum3A_39 : vector<1024xf32> to vector<1024x1xf32>
    %div3A_41 = arith.constant 2.560000e+02 : f32
    %div3A_42 = vector.broadcast %div3A_41 : f32 to vector<1024x1xf32>
    %div3A_43 = arith.divf %broadcast_in_dim3A_40, %div3A_42 : vector<1024x1xf32>
    %sub3A_44 = vector.broadcast %div3A_36 : vector<1024x1xf32> to vector<1024x256xf32>
    %sub3A_45 = arith.subf %add3A_33, %sub3A_44 : vector<1024x256xf32>
    %add3A_46 = arith.constant 9.99999974E-6 : f32
    %add3A_47 = vector.broadcast %add3A_46 : f32 to vector<1024x1xf32>
    %add3A_48 = arith.addf %div3A_43, %add3A_47 : vector<1024x1xf32>
    %rsqrt3A = math.rsqrt %add3A_48 : vector<1024x1xf32>
    %mul3A_49 = vector.broadcast %rsqrt3A : vector<1024x1xf32> to vector<1024x256xf32>
    %mul3A_50 = arith.mulf %sub3A_45, %mul3A_49 : vector<1024x256xf32>
    %get3A_51 = arith.constant 0 : index
    %get3A_52 = arith.constant 0 : index
    %get3A_53 = vector.load %arg7[%get3A_51, %get3A_52] : memref<1x256xf32, #tpu.memory_space<vmem>>, vector<1x256xf32>
    %mul3A_54 = vector.broadcast %get3A_53 : vector<1x256xf32> to vector<1024x256xf32>
    %mul3A_55 = arith.mulf %mul3A_50, %mul3A_54 : vector<1024x256xf32>
    %get3A_56 = arith.constant 0 : index
    %get3A_57 = arith.constant 0 : index
    %get3A_58 = vector.load %arg8[%get3A_56, %get3A_57] : memref<1x256xf32, #tpu.memory_space<vmem>>, vector<1x256xf32>
    %add3A_59 = vector.broadcast %get3A_58 : vector<1x256xf32> to vector<1024x256xf32>
    %add3A_60 = arith.addf %mul3A_55, %add3A_59 : vector<1024x256xf32>
    %get3A_61 = arith.constant 0 : index
    %get3A_62 = arith.constant 0 : index
    %get3A_63 = vector.load %arg2[%get3A_61, %get3A_62] : memref<1024x256xf32, #tpu.memory_space<vmem>>, vector<1024x256xf32>
    %add3A_64 = arith.addf %add3A_60, %get3A_63 : vector<1024x256xf32>
    %swap3A = arith.constant 0 : index
    %swap3A_65 = arith.constant 0 : index
    %swap3A_66 = vector.load %arg9[%swap3A, %swap3A_65] : memref<1024x256xf32, #tpu.memory_space<vmem>>, vector<1024x256xf32>
    tpu.vector_store %arg9[%swap3A, %swap3A_65], %add3A_64 {strides = array<i32>} : memref<1024x256xf32, #tpu.memory_space<vmem>>, vector<1024x256xf32>,
    return
  }
  func.func @transform_0(%arg0: i32) -> (i32, i32) {
    %c0_i32 = arith.constant 0 : i32
    %c0_i32_0 = arith.constant 0 : i32
    return %c0_i32, %arg0 : i32, i32
  }
  func.func @transform_1(%arg0: i32) -> (i32, i32) {
    %c0_i32 = arith.constant 0 : i32
    %c0_i32_0 = arith.constant 0 : i32
    return %arg0, %c0_i32 : i32, i32
  }
  func.func @transform_2(%arg0: i32) -> (i32, i32) {
    %c0_i32 = arith.constant 0 : i32
    %c0_i32_0 = arith.constant 0 : i32
    %c0_i32_1 = arith.constant 0 : i32
    return %c0_i32, %c0_i32_0 : i32, i32
  }
  func.func @transform_3(%arg0: i32) -> (i32, i32) {
    %c0_i32 = arith.constant 0 : i32
    %c0_i32_0 = arith.constant 0 : i32
    %c0_i32_1 = arith.constant 0 : i32
    return %c0_i32, %c0_i32_0 : i32, i32
  }
  func.func @transform_4(%arg0: i32) -> (i32, i32) {
    %c0_i32 = arith.constant 0 : i32
    %c0_i32_0 = arith.constant 0 : i32
    %c0_i32_1 = arith.constant 0 : i32
    return %c0_i32, %c0_i32_0 : i32, i32
  }
  func.func @transform_5(%arg0: i32) -> (i32, i32) {
    %c0_i32 = arith.constant 0 : i32
    %c0_i32_0 = arith.constant 0 : i32
    %c0_i32_1 = arith.constant 0 : i32
    return %c0_i32, %c0_i32_0 : i32, i32
  }
  func.func @transform_6(%arg0: i32) -> (i32, i32) {
    %c0_i32 = arith.constant 0 : i32
    %c0_i32_0 = arith.constant 0 : i32
    %c0_i32_1 = arith.constant 0 : i32
    return %c0_i32, %c0_i32_0 : i32, i32
  }
  func.func @transform_7(%arg0: i32) -> (i32, i32) {
    %c0_i32 = arith.constant 0 : i32
    %c0_i32_0 = arith.constant 0 : i32
    %c0_i32_1 = arith.constant 0 : i32
    return %c0_i32, %c0_i32_0 : i32, i32
  }
  func.func @transform_8(%arg0: i32) -> (i32, i32) {
    %c0_i32 = arith.constant 0 : i32
    %c0_i32_0 = arith.constant 0 : i32
    return %arg0, %c0_i32 : i32, i32
  }
}

</mosaic_0001>

<sc_bundles>
// kernel: kernel.6.cloned.1.call-start
scs
__scs_entry_jumppad:
0x0: {  	(pc) =	sbr.rel $0x88, $3  }
0x1: {  	(tag) =	ssettag $0x0;
	lr =	simm.s32 $0x1  }
0x2: {  	[smem:$0x3F91] =	sst lr;
	_ =	strace $0xD0000000  }
0x3: {  	_ = 	snop  }
0x4: {  	_ = 	snop  }
0x5: {  	_ = 	snop  }
0x6: {  	_ = 	snop  }
0x7: {  	_ = 	snop  }
__scs_overlays_trampoline_lowered:
0x8: {  	[smem:$0x3FA0] =	sst s0  }
0x9: {  	[smem:$0x3FA1] =	sst s1  }
0xa: {  	[smem:$0x3FA2] =	sst s2  }
0xb: {  	[smem:$0x3FA3] =	sst s3  }
0xc: {  	[smem:$0x3FA4] =	sst s4  }
0xd: {  	[smem:$0x3FA5] =	sst s5  }
0xe: {  	[smem:$0x3FA6] =	sst s6  }
0xf: {  	[smem:$0x3FA7] =	sst s7  }
0x10: {  	[smem:$0x3FA8] =	sst s8  }
0x11: {  	[smem:$0x3FA9] =	sst s9;
	s0 =	simm.s32 @!p0 $0x0  }
0x12: {  	s1 =	sld [smem:$0x3F8F];
	s0 =	simm.s32 @p0 $0x1  }
0x13: {  	[smem:$0x3FAA] =	sst s0;
	s0 =	simm.s32 @!p1 $0x0  }
0x14: {  	s2 =	sld [smem:$0x3F8E];
	s0 =	simm.s32 @p1 $0x1  }
0x15: {  	[smem:$0x3FAB] =	sst s0;
	s0 =	simm.s32 @!p2 $0x0  }
0x16: {  	s3 =	sld [smem:$0x3FDB];
	s0 =	simm.s32 @p2 $0x1  }
0x17: {  	s4 =	simm.s32 $0x1BF5;
	[smem:$0x3FAD] =	sst s0  }
0x18: {  	s0 =	sld [smem:$0x3F90];
	_ =	swait.ge [sflag:s4], $0x0  }
0x19: {  	s7 =	sld [smem:$0x3F91]  }
0x1a: {  	s8 =	sadd.s32 $0xFFFFE003, lr  }
0x1b: {  	s9 =	sadd.s32 $0xFFFFFEF7, lr;
	s5 =	simm.s32 $0xFFFFFFFF;
	p2 =	slt.u32 s8, $0xFFFFF086  }
0x1c: {  	p1 =	slt.u32 s9, $0xF7A;
	s5 =	simm.s32 @!p2 $0x0  }
0x1d: {  	s5 =	simm.s32 @p1 $0x1;
	p0 =	seq.s32 s7, s2  }
0x1e: {  	s7 =	smul.u32 @!p0 $0xF7A, s2;
	p2 =	seq.s32 @!p0 s5, $0x0  }
0x1f: {  	s9 =	smul.u32 $0xF7A, s1;
	s8 =	simm.s32 @!p0 $0x1BF5;
	p2 =	por !p2, p0  }
0x20: {  	[sflag:s8] =	ssyncset.s32 @!p0 $0xFFFFF086;
	s6 =	sadd.s32 @!p0 s3, s7;
	s7 =	simm.s32 @!p0 $0x108  }
0x21: {  	s3 =	sadd.s32 s3, s9;
	s6 =	sadd.s32 @!p0 $0x88, s6;
	s7 =	simm.s32 @p2 $0x1082  }
0x22: {  	[simem:s7], [sflag:s8] =	dma.local @!p0 [hbm:s6], $0xF7A  }
0x23: {  	s9 =	sor.u32 $0xD0000000, s2;
	s6 =	simm.s32 $0x108;
	_ =	swait.ge @!p0 [sflag:s8], $0x0  }
0x24: {  	s3 =	sadd.s32 $0x88, s3;
	s6 =	simm.s32 @!p1 $0x1082;
	[sflag:s4] =	ssyncset.s32 $0xFFFFF086  }
0x25: {  	[simem:s6], [sflag:s4] =	dma.local [hbm:s3], $0xF7A  }
0x26: {  	[smem:$0x3F91] =	sst s1;
	(tag) =	ssettag s2;
	_ =	strace s9  }
0x27: {  	s1 =	sld [smem:$0x3FA1]  }
0x28: {  	s2 =	sld [smem:$0x3FA2]  }
0x29: {  	s4 =	sld [smem:$0x3FA4]  }
0x2a: {  	p0 =	seq.s32 s5, $0x0;
	s5 =	sld [smem:$0x3FA5]  }
0x2b: {  	s6 =	sld [smem:$0x3FA6]  }
0x2c: {  	s7 =	sld [smem:$0x3FA7]  }
0x2d: {  	s3 =	simm.s32 $0x108;
	s8 =	sld [smem:$0x3FA8]  }
0x2e: {  	s3 =	simm.s32 @!p0 $0x1082;
	s9 =	sld [smem:$0x3FA9]  }
0x2f: {  	lr =	sadd.s32 s0, s3;
	s0 =	sld [smem:$0x3FA0]  }
0x30: {  	s3 =	sld [smem:$0x3FA3]  }
0x31: {  	[smem:$0x3FAC] =	sst s10  }
0x32: {  	s10 =	sld [smem:$0x3FAA];
	_ =	sdelay $0x3  }
0x33: {  	p0 =	seq.s32 s10, $0x1;
	s10 =	sld [smem:$0x3FAC];
	_ =	sdelay $0x3  }
0x34: {  	[smem:$0x3FAC] =	sst s10  }
0x35: {  	s10 =	sld [smem:$0x3FAB];
	_ =	sdelay $0x3  }
0x36: {  	p1 =	seq.s32 s10, $0x1;
	s10 =	sld [smem:$0x3FAC];
	_ =	sdelay $0x3  }
0x37: {  	[smem:$0x3FAC] =	sst s10  }
0x38: {  	s10 =	sld [smem:$0x3FAD]  }
0x39: {  	_ = 	snop;
	(pc) =	sbr.ind lr, $3  }
0x3a: {  	_ = 	snop  }
0x3b: {  	_ = 	snop  }
0x3c: {  	p2 =	seq.s32 s10, $0x1;
	s10 =	sld [smem:$0x3FAC]  }
0x3d: {  	_ =	shalt  }
0x3e: {  	_ =	shalt  }
0x3f: {  	_ =	shalt  }
0x40: {  	_ =	shalt  }
0x41: {  	_ =	shalt  }
0x42: {  	_ =	shalt  }
0x43: {  	_ =	shalt  }
0x44: {  	_ =	shalt  }
0x45: {  	_ =	shalt  }
0x46: {  	_ =	shalt  }
0x47: {  	_ =	shalt  }
0x48: {  	_ =	shalt  }
0x49: {  	_ =	shalt  }
0x4a: {  	_ =	shalt  }
0x4b: {  	_ =	shalt  }
0x4c: {  	_ =	shalt  }
0x4d: {  	_ =	shalt  }
0x4e: {  	_ =	shalt  }
0x4f: {  	_ =	shalt  }
0x50: {  	_ =	shalt  }
0x51: {  	_ =	shalt  }
0x52: {  	_ =	shalt  }
0x53: {  	_ =	shalt  }
0x54: {  	_ =	shalt  }
0x55: {  	_ =	shalt  }
0x56: {  	_ =	shalt  }
0x57: {  	_ =	shalt  }
0x58: {  	_ =	shalt  }
0x59: {  	_ =	shalt  }
0x5a: {  	_ =	shalt  }
0x5b: {  	_ =	shalt  }
0x5c: {  	_ =	shalt  }
0x5d: {  	_ =	shalt  }
0x5e: {  	_ =	shalt  }
0x5f: {  	_ =	shalt  }
0x60: {  	_ =	shalt  }
0x61: {  	_ =	shalt  }
0x62: {  	_ =	shalt  }
0x63: {  	_ =	shalt  }
0x64: {  	_ =	shalt  }
0x65: {  	_ =	shalt  }
0x66: {  	_ =	shalt  }
0x67: {  	_ =	shalt  }
0x68: {  	_ =	shalt  }
0x69: {  	_ =	shalt  }
0x6a: {  	_ =	shalt  }
0x6b: {  	_ =	shalt  }
0x6c: {  	_ =	shalt  }
0x6d: {  	_ =	shalt  }
0x6e: {  	_ =	shalt  }
0x6f: {  	_ =	shalt  }
0x70: {  	_ =	shalt  }
0x71: {  	_ =	shalt  }
0x72: {  	_ =	shalt  }
0x73: {  	_ =	shalt  }
0x74: {  	_ =	shalt  }
0x75: {  	_ =	shalt  }
0x76: {  	_ =	shalt  }
0x77: {  	_ =	shalt  }
0x78: {  	_ =	shalt  }
0x79: {  	_ =	shalt  }
0x7a: {  	_ =	shalt  }
0x7b: {  	_ =	shalt  }
0x7c: {  	_ =	shalt  }
0x7d: {  	_ =	shalt  }
0x7e: {  	_ =	shalt  }
0x7f: {  	_ =	shalt  }
0x80: {  	_ =	shalt  }
0x81: {  	_ =	shalt  }
0x82: {  	_ =	shalt  }
0x83: {  	_ =	shalt  }
0x84: {  	_ =	shalt  }
0x85: {  	_ =	shalt  }
0x86: {  	_ =	shalt  }
0x87: {  	_ =	shalt  }
.Lfunc_end0:
.L_simem_size_0:
called_computation_lowered:
.L_overlay_start_0:
0x88: {  	s2 =	sld [smem:$0x3FD9]  }
0x89: {  	s3 =	sld [smem:$0x3FFE];
	_ =	sdelay $0x1  }
0x8a: {  	s1 =	srdreg.scid  }
0x8b: {  	s0 =	sand.u32 $0x1, s1  }
0x8c: {  	s17 =	sshll.u32 s0, $0xA;
	s2 =	sadd.s32 s3, s2  }
0x8d: {  	s2 =	sadd.s32 s2, s17  }
0x8e: {  	[smem:$0x3FB8] =	sst s2  }
0x8f: {  	_ = 	snop  }
0x90: {  	s2 =	sld [smem:$0x3FC8]  }
0x91: {  	s18 =	sld [smem:$0x3FC7]  }
0x92: {  	s4 =	sld [smem:$0x3FD0];
	(tm) =	ssettm $0x1  }
0x93: {  	s5 =	sld [smem:$0x3FFB];
	_ =	sdelay $0x3  }
0x94: {  	_ =	strace s5  }
0x95: {  	s5 =	sld [smem:$0x3FFC];
	_ =	sdelay $0x3  }
0x96: {  	_ =	strace s5  }
0x97: {  	s5 =	sld [smem:$0x3FFD];
	_ =	sdelay $0x3  }
0x98: {  	_ =	strace s5  }
0x99: {  	_ =	strace $0x8FFFFFFF  }
0x9a: {  	s19 =	sld [smem:$0x3FDB];
	_ =	sdelay $0x1  }
0x9b: {  	s6 =	simm.s32 $_scs_section_size  }
0x9c: {  	s7 =	simm.s32 $_size__tile_overlayer_lowered;
	s8 =	simm.s32 $_tile_overlayer_lowered  }
0x9d: {  	s22 =	simm.s32 $0x1BFF;
	s21 =	sshll.u32 s8, $0x1;
	s5 =	sadd.s32 s6, s19  }
0x9e: {  	s9 =	simm.s32 $0x0;
	s20 =	sshll.u32 s7, $0x1;
	s7 =	sadd.s32 s21, s5  }
0x9f: {  	[timem:s9], [sflag:s22] =	dma.local [hbm:s7], s20  }
0xa0: {  	_ =	swait.ge [sflag:s22], s20  }
0xa1: {  	s6 =	ssub.s32 $0x0, s20;
	[sflag:s22] =	ssyncset.done $0x0  }
0xa2: {  	[sflag:s22] =	ssyncadd.s32 s6;
	_ =	sdelay $0x1  }
0xa3: {  	s23 =	simm.s32 $0x1B8B  }
0xa4: {  	_ =	swait.ge [sflag:s23], $0x1  }
0xa5: {  	[sflag:s23] =	ssyncset.done $0x0  }
0xa6: {  	s25 =	simm.s32 $0x1B8E;
	s24 =	sld [smem:$0x3FFE];
	[sflag:s23] =	ssyncadd.s32 $0xFFFFFFFF  }
0xa7: {  	s26 =	simm.s32 $execute0_lowered;
	[smem:$0x3FD2] =	sst s25  }
0xa8: {  	s7 =	sshll.u32 s26, $0x1;
	_ =	strace $0x80000046;
	[dreg:$0x1] =	wrdreg $0xFFFFFFFF  }
0xa9: {  	s28 =	simm.s32 $_size_execute0_lowered;
	s5 =	sadd.s32 s5, s7;
	[dreg:$0x0] =	wrdreg $0x0  }
0xaa: {  	s7 =	sshll.u32 s28, $0x1;
	[dreg:$0x2] =	wrdreg s5  }
0xab: {  	[dreg:$0x3] =	wrdreg s7  }
0xac: {  	[dreg:$0x4] =	wrdreg $0xC0  }
0xad: {  	_ =	task [dreg:s9], $0x5FFFF  }
0xae: {  	[dreg:$0x1] =	wrdreg $0xFFFFFFFF  }
0xaf: {  	[dreg:$0x0] =	wrdreg $0x60  }
0xb0: {  	[dreg:$0x2] =	wrdreg s18  }
0xb1: {  	[dreg:$0x3] =	wrdreg s2  }
0xb2: {  	[dreg:$0x4] =	wrdreg s24  }
0xb3: {  	[dreg:$0x5] =	wrdreg s4  }
0xb4: {  	[dreg:$0x6] =	wrdreg $0x9  }
0xb5: {  	_ =	task.clear_ibuf [dreg:s9], $0x7FFFF;
	_ =	strace $0x90000046  }
0xb6: {  	s29 =	simm.s32 $0x9;
	_ =	strace $0x80000048  }
0xb7: {  	_ =	swait.ge [sflag:s29], $0x1  }
0xb8: {  	[sflag:s29] =	ssyncadd.s32 $0xFFFFFFFF  }
0xb9: {  	_ =	strace $0x90000048  }
0xba: {  	_ =	sfence  }
0xbb: {  	s30 =	sld [smem:$0x0];
	_ =	sdelay $0x2  }
0xbc: {  	s31 =	sshll.u32 s1, $0xD;
	s1 =	sshrl.u32 s1, $0x2  }
0xbd: {  	s3 =	sand.u32 $0x4000, s31;
	s1 =	sadd.s32 s1, s30  }
0xbe: {  	s0 =	sor.u32 s3, s0;
	s1 =	sshll.u32 s1, $0x11  }
0xbf: {  	s0 =	sor.u32 s1, s0  }
0xc0: {  	s0 =	sadd.s32 $0x8F2B, s0  }
0xc1: {  	[sflag:s0] =	ssyncadd.remote.s32 $0x1  }
0xc2: {  	_ =	sfence.sel $0xFFFF  }
0xc3: {  	[dreg:$0x0] =	wrdreg $0xFFFFFFFF;
	(pc) =	sbr.abs _section_cstart, $3  }
0xc4: {  	[dreg:$0x1] =	wrdreg $0xFFFFFFFF  }
0xc5: {  	_ =	task.clear_ibuf [dreg:s9], $0x2FFFF;
	_ =	strace $0x9FFFFFFF  }
0xc6: {  	(tm) =	ssettm $0x7FFFFFFF  }
0xc7: {  	_ =	shalt  }
tec
execute0_lowered:
.L_overlay_start_1:
0x0: {  	(tag) =	ssettag $0x1  }
0x1: {  	s1 =	rddreg [dreg:$0x0]  }
0x2: {  	s2 =	rddreg [dreg:$0x1]  }
0x3: {  	s0 =	rddreg [dreg:$0x2]  }
0x4: {  	s3 =	rddreg [dreg:$0x3]  }
0x5: {  	s4 =	simm.s32 $0x0;
	s12 =	stileid.u32;
	s6 =	srdreg.scid  }
0x6: {  	s15 =	simm.s32 $0x1;
	s16 =	simm.s32 $0x2;
	s17 =	simm.s32 $0x200  }
0x7: {  	s14 =	simm.s32 $0x8200;
	s28 =	simm.s32 $0x5;
	s29 =	simm.s32 $0x6  }
0x8: {  	s30 =	simm.s32 $0x7;
	s31 =	simm.s32 $0x8;
	[smem:$0x7FF] =	sst s4  }
0x9: {  	s5 =	sadd.s32 $0x2000, s0;
	s7 =	sshll.u32 s12, $0xD;
	s6 =	sand.u32 $0x1, s6  }
0xa: {  	s8 =	sshll.u32 s12, $0x1;
	s25 =	sshll.u32 s12, $0x5;
	_ =	strace $0x80000047  }
0xb: {  	s0 =	sadd.s32 s7, s0;
	s21 =	ssub.s32 $0x2, s6;
	s11 =	sor.u32 s6, s8  }
0xc: {  	s10 =	sshll.u32 s6, $0xC;
	s22 =	sshrl.u32 s21, $0x1;
	s9 =	sshll.u32 s11, $0x4  }
0xd: {  	s0 =	sadd.s32 s10, s0;
	s10 =	sshll.u32 s6, $0x4;
	s26 =	sor.u32 $0x20, s11  }
0xe: {  	s6 =	simm.s32 $0x0;
	s7 =	ssub.s32 s21, s22;
	s23 =	sadd.s32 s5, s9  }
0xf: {  	s24 =	sadd.s32 s3, s9;
	s8 =	sadd.s32 $0x4E9000, s0;
	s9 =	sadd.s32 $0x7000, s0  }
0x10: {  	s3 =	sadd.s32 s25, s3;
	s0 =	sadd.s32 s25, s5;
	[dreg:$0xa] =	wrdreg s26  }
.Ltmp0:
0x11: {  	s21 =	simm.s32 $0xD200;
	[dreg:$0x5] =	wrdreg s23;
	(pc) =	sbr.rel .LBB2_1-.Ltmp0, $4  }
0x12: {  	s22 =	simm.s32 $0xDA00;
	s25 =	simm.s32 $0xF200;
	[dreg:$0x6] =	wrdreg s24  }
0x13: {  	v2 =	vlaneseq.u32;
	s26 =	simm.s32 $0xFA00;
	s7 =	smax.u32 s7, $0x1;
	[dreg:$0x8] =	wrdreg s3  }
0x14: {  	vm0 =	vmmov $0xffff;
	v1 =	vshrl.u32 v2, $0x3;
	[dreg:$0x9] =	wrdreg s0;
	s23 =	simm.s32 $0xE200;
	s24 =	simm.s32 $0xEA00  }
0x15: {  	v0 =	vand.u32 $0x7, v2;
	v2 =	vor.u32 $0x8, v2;
	v1 =	vmul.u32 $0x8, v1;
	s0 =	simm.s32 $0x3;
	s3 =	simm.s32 $0x4;
	[dreg:$0x7] =	wrdreg s7  }
.LBB2_5:
0x16: {  	s6 =	rddreg [dreg:$0xb]  }
0x17: {  	s5 =	rddreg [dreg:$0x7];
	s6 =	sadd.s32 $0x1, s6  }
0x18: {  	p0 =	sne.s32 s6, s5  }
.Ltmp1:
0x19: {  	_ = 	snop;
	(pc) =	sbr.rel @!p0 .LBB2_6-.Ltmp1, $1  }
0x1a: {  	_ =	sdelay $0x3  }
.LBB2_1:
0x1b: {  	[dreg:$0xb] =	wrdreg s6  }
0x1c: {  	s5 =	rddreg [dreg:$0x5]  }
0x1d: {  	s19 =	rddreg [dreg:$0x6]  }
.Ltmp2:
0x1e: {  	s6 =	rddreg [dreg:$0x9];
	(pc) =	sbr.rel .LBB2_2-.Ltmp2, $4  }
0x1f: {  	s7 =	rddreg [dreg:$0x8]  }
0x20: {  	[tilespmem:s4], [sflag:$0x1] =	stream.linear.gather [hbm4b:s5+s4], $0x80, $0x38;
	[tilespmem:$0x10200] =	vst v63  }
0x21: {  	s20 =	simm.s32 $0x80;
	s11 =	simm.s32 $0x0;
	s5 =	rddreg [dreg:$0xa]  }
0x22: {  	[tilespmem:s20], [sflag:$0x2] =	stream.linear.gather [hbm4b:s19+s4], $0x80, $0x38;
	[tilespmem:$0x10200] =	vst v63  }
.LBB2_4:
0x23: {  	s11 =	sadd.s32 $0x40000, s11  }
0x24: {  	p0 =	sne.s32 s11, $0x500000  }
.Ltmp3:
0x25: {  	_ = 	snop;
	(pc) =	sbr.rel @!p0 .LBB2_5-.Ltmp3, $2  }
0x26: {  	_ =	sdelay $0x2  }
0x27: {  	s7 =	sadd.s32 $0x400, s7;
	s6 =	sadd.s32 $0x400, s6;
	s5 =	sadd.s32 $0x40, s5  }
.LBB2_2:
0x28: {  	p0 =	sgt.u32 s5, $0x4E1  }
0x29: {  	s12 =	sadd.s32 @!p0 s6, s10  }
0x2a: {  	s13 =	simm.s32 @!p0 $0x0;
	s18 =	simm.s32 @!p0 $0x100;
	s12 =	sadd.s32 @!p0 $0x200, s12  }
0x2b: {  	[tilespmem:s18], [sflag:$0x3] =	stream.linear.gather @!p0 [hbm4b:s12+s13], $0x80, $0x38;
	[tilespmem:$0x10200] =	vst v63  }
0x2c: {  	s12 =	sadd.s32 @!p0 s7, s10  }
0x2d: {  	s18 =	simm.s32 @!p0 $0x180;
	s12 =	sadd.s32 @!p0 $0x200, s12  }
0x2e: {  	[tilespmem:s18], [sflag:$0x4] =	stream.linear.gather @!p0 [hbm4b:s12+s13], $0x80, $0x38;
	[tilespmem:$0x10200] =	vst v63  }
0x2f: {  	_ =	swait.ge [sflag:s15], $0x80  }
0x30: {  	[sflag:s15] =	ssyncset.done $0x0  }
0x31: {  	[sflag:s15] =	ssyncadd.s32 $0xFFFFFF80  }
0x32: {  	_ =	swait.ge [sflag:s16], $0x80  }
0x33: {  	[sflag:s16] =	ssyncset.done $0x0  }
0x34: {  	[sflag:s16] =	ssyncadd.s32 $0xFFFFFF80  }
0x35: {  	v3 =	vld [tilespmem:$0x0];
	_ =	sdelay $0x4  }
0x36: {  	v4 =	vshll.u32 v3, $0x1  }
0x37: {  	v3 =	vand.u32 $0x7, v3;
	v4 =	vand.u32 $0xFFFFFFF0, v4  }
0x38: {  	v3 =	vor.u32 v3, v4  }
0x39: {  	v4 =	vperm.xlane v3, v0;
	_ =	sdelay $0x1  }
0x3a: {  	v3 =	vperm.xlane v3, v2;
	v4 =	vadd.s32 v1, v4;
	_ =	sdelay $0x1  }
0x3b: {  	v3 =	vadd.s32 v1, v3;
	_ =	sdelay $0x2  }
0x3c: {  	[tilespmem:s17], [sflag:$0x5] =	stream.indirect_vreg.gather [hbm4b:s1+s4], $0x80, v4, vm0, $0xb8;
	[tilespmem:$0x10200] =	vst v63  }
0x3d: {  	s20 =	simm.s32 $0xA00  }
0x3e: {  	[tilespmem:s20], [sflag:$0x5] =	stream.indirect_vreg.gather [hbm4b:s1+s4], $0x80, v3, vm0, $0xb8;
	[tilespmem:$0x10200] =	vst v63  }
0x3f: {  	v3 =	vld [tilespmem:$0x10];
	_ =	sdelay $0x4  }
0x40: {  	v49 =	vshll.u32 v3, $0x1  }
0x41: {  	v3 =	vand.u32 $0x7, v3;
	v4 =	vand.u32 $0xFFFFFFF0, v49  }
0x42: {  	v3 =	vor.u32 v3, v4  }
0x43: {  	v4 =	vperm.xlane v3, v0;
	_ =	sdelay $0x1  }
0x44: {  	v3 =	vperm.xlane v3, v2;
	v4 =	vadd.s32 v1, v4;
	_ =	sdelay $0x1  }
0x45: {  	v3 =	vadd.s32 v1, v3;
	_ =	sdelay $0x1  }
0x46: {  	s13 =	simm.s32 $0x1200  }
0x47: {  	[tilespmem:s13], [sflag:$0x5] =	stream.indirect_vreg.gather [hbm4b:s1+s4], $0x80, v4, vm0, $0xb8;
	[tilespmem:$0x10200] =	vst v63  }
0x48: {  	s18 =	simm.s32 $0x1A00  }
0x49: {  	[tilespmem:s18], [sflag:$0x5] =	stream.indirect_vreg.gather [hbm4b:s1+s4], $0x80, v3, vm0, $0xb8;
	[tilespmem:$0x10200] =	vst v63  }
0x4a: {  	v3 =	vld [tilespmem:$0x20];
	_ =	sdelay $0x4  }
0x4b: {  	v50 =	vshll.u32 v3, $0x1  }
0x4c: {  	v3 =	vand.u32 $0x7, v3;
	v4 =	vand.u32 $0xFFFFFFF0, v50  }
0x4d: {  	v3 =	vor.u32 v3, v4  }
0x4e: {  	v4 =	vperm.xlane v3, v0;
	_ =	sdelay $0x1  }
0x4f: {  	v3 =	vperm.xlane v3, v2;
	v4 =	vadd.s32 v1, v4;
	_ =	sdelay $0x1  }
0x50: {  	v3 =	vadd.s32 v1, v3;
	_ =	sdelay $0x1  }
0x51: {  	s19 =	simm.s32 $0x2200  }
0x52: {  	[tilespmem:s19], [sflag:$0x5] =	stream.indirect_vreg.gather [hbm4b:s1+s4], $0x80, v4, vm0, $0xb8;
	[tilespmem:$0x10200] =	vst v63  }
0x53: {  	s20 =	simm.s32 $0x2A00  }
0x54: {  	[tilespmem:s20], [sflag:$0x5] =	stream.indirect_vreg.gather [hbm4b:s1+s4], $0x80, v3, vm0, $0xb8;
	[tilespmem:$0x10200] =	vst v63  }
0x55: {  	v3 =	vld [tilespmem:$0x30];
	_ =	sdelay $0x4  }
0x56: {  	v51 =	vshll.u32 v3, $0x1  }
0x57: {  	v3 =	vand.u32 $0x7, v3;
	v4 =	vand.u32 $0xFFFFFFF0, v51  }
0x58: {  	v3 =	vor.u32 v3, v4  }
0x59: {  	v4 =	vperm.xlane v3, v0;
	_ =	sdelay $0x1  }
0x5a: {  	v3 =	vperm.xlane v3, v2;
	v4 =	vadd.s32 v1, v4;
	_ =	sdelay $0x1  }
0x5b: {  	v3 =	vadd.s32 v1, v3;
	_ =	sdelay $0x1  }
0x5c: {  	s13 =	simm.s32 $0x3200  }
0x5d: {  	[tilespmem:s13], [sflag:$0x5] =	stream.indirect_vreg.gather [hbm4b:s1+s4], $0x80, v4, vm0, $0xb8;
	[tilespmem:$0x10200] =	vst v63  }
0x5e: {  	s18 =	simm.s32 $0x3A00  }
0x5f: {  	[tilespmem:s18], [sflag:$0x5] =	stream.indirect_vreg.gather [hbm4b:s1+s4], $0x80, v3, vm0, $0xb8;
	[tilespmem:$0x10200] =	vst v63  }
0x60: {  	v3 =	vld [tilespmem:$0x40];
	_ =	sdelay $0x4  }
0x61: {  	v52 =	vshll.u32 v3, $0x1  }
0x62: {  	v3 =	vand.u32 $0x7, v3;
	v4 =	vand.u32 $0xFFFFFFF0, v52  }
0x63: {  	v3 =	vor.u32 v3, v4  }
0x64: {  	v4 =	vperm.xlane v3, v0;
	_ =	sdelay $0x1  }
0x65: {  	v3 =	vperm.xlane v3, v2;
	v4 =	vadd.s32 v1, v4;
	_ =	sdelay $0x1  }
0x66: {  	v3 =	vadd.s32 v1, v3;
	_ =	sdelay $0x1  }
0x67: {  	s19 =	simm.s32 $0x4200  }
0x68: {  	[tilespmem:s19], [sflag:$0x5] =	stream.indirect_vreg.gather [hbm4b:s1+s4], $0x80, v4, vm0, $0xb8;
	[tilespmem:$0x10200] =	vst v63  }
0x69: {  	s20 =	simm.s32 $0x4A00  }
0x6a: {  	[tilespmem:s20], [sflag:$0x5] =	stream.indirect_vreg.gather [hbm4b:s1+s4], $0x80, v3, vm0, $0xb8;
	[tilespmem:$0x10200] =	vst v63  }
0x6b: {  	v3 =	vld [tilespmem:$0x50];
	_ =	sdelay $0x4  }
0x6c: {  	v53 =	vshll.u32 v3, $0x1  }
0x6d: {  	v3 =	vand.u32 $0x7, v3;
	v4 =	vand.u32 $0xFFFFFFF0, v53  }
0x6e: {  	v3 =	vor.u32 v3, v4  }
0x6f: {  	v4 =	vperm.xlane v3, v0;
	_ =	sdelay $0x1  }
0x70: {  	v3 =	vperm.xlane v3, v2;
	v4 =	vadd.s32 v1, v4;
	_ =	sdelay $0x1  }
0x71: {  	v3 =	vadd.s32 v1, v3;
	_ =	sdelay $0x1  }
0x72: {  	s13 =	simm.s32 $0x5200  }
0x73: {  	[tilespmem:s13], [sflag:$0x5] =	stream.indirect_vreg.gather [hbm4b:s1+s4], $0x80, v4, vm0, $0xb8;
	[tilespmem:$0x10200] =	vst v63  }
0x74: {  	s18 =	simm.s32 $0x5A00  }
0x75: {  	[tilespmem:s18], [sflag:$0x5] =	stream.indirect_vreg.gather [hbm4b:s1+s4], $0x80, v3, vm0, $0xb8;
	[tilespmem:$0x10200] =	vst v63  }
0x76: {  	v3 =	vld [tilespmem:$0x60];
	_ =	sdelay $0x4  }
0x77: {  	v54 =	vshll.u32 v3, $0x1  }
0x78: {  	v3 =	vand.u32 $0x7, v3;
	v4 =	vand.u32 $0xFFFFFFF0, v54  }
0x79: {  	v3 =	vor.u32 v3, v4  }
0x7a: {  	v4 =	vperm.xlane v3, v0;
	_ =	sdelay $0x1  }
0x7b: {  	v3 =	vperm.xlane v3, v2;
	v4 =	vadd.s32 v1, v4;
	_ =	sdelay $0x1  }
0x7c: {  	v3 =	vadd.s32 v1, v3;
	_ =	sdelay $0x1  }
0x7d: {  	s19 =	simm.s32 $0x6200  }
0x7e: {  	[tilespmem:s19], [sflag:$0x5] =	stream.indirect_vreg.gather [hbm4b:s1+s4], $0x80, v4, vm0, $0xb8;
	[tilespmem:$0x10200] =	vst v63  }
0x7f: {  	s20 =	simm.s32 $0x6A00  }
0x80: {  	[tilespmem:s20], [sflag:$0x5] =	stream.indirect_vreg.gather [hbm4b:s1+s4], $0x80, v3, vm0, $0xb8;
	[tilespmem:$0x10200] =	vst v63  }
0x81: {  	v3 =	vld [tilespmem:$0x70];
	_ =	sdelay $0x4  }
0x82: {  	v55 =	vshll.u32 v3, $0x1  }
0x83: {  	v3 =	vand.u32 $0x7, v3;
	v4 =	vand.u32 $0xFFFFFFF0, v55  }
0x84: {  	v3 =	vor.u32 v3, v4  }
0x85: {  	v4 =	vperm.xlane v3, v0;
	_ =	sdelay $0x1  }
0x86: {  	v3 =	vperm.xlane v3, v2;
	v4 =	vadd.s32 v1, v4;
	_ =	sdelay $0x1  }
0x87: {  	v3 =	vadd.s32 v1, v3;
	_ =	sdelay $0x1  }
0x88: {  	s13 =	simm.s32 $0x7200  }
0x89: {  	[tilespmem:s13], [sflag:$0x5] =	stream.indirect_vreg.gather [hbm4b:s1+s4], $0x80, v4, vm0, $0xb8;
	[tilespmem:$0x10200] =	vst v63  }
0x8a: {  	s18 =	simm.s32 $0x7A00  }
0x8b: {  	[tilespmem:s18], [sflag:$0x5] =	stream.indirect_vreg.gather [hbm4b:s1+s4], $0x80, v3, vm0, $0xb8;
	[tilespmem:$0x10200] =	vst v63  }
0x8c: {  	v3 =	vld [tilespmem:$0x80];
	_ =	sdelay $0x4  }
0x8d: {  	v56 =	vshll.u32 v3, $0x1  }
0x8e: {  	v3 =	vand.u32 $0x7, v3;
	v4 =	vand.u32 $0xFFFFFFF0, v56  }
0x8f: {  	v3 =	vor.u32 v3, v4  }
0x90: {  	v4 =	vperm.xlane v3, v0;
	_ =	sdelay $0x1  }
0x91: {  	v3 =	vperm.xlane v3, v2;
	v4 =	vadd.s32 v1, v4;
	_ =	sdelay $0x1  }
0x92: {  	v3 =	vadd.s32 v1, v3;
	_ =	sdelay $0x2  }
0x93: {  	[tilespmem:s14], [sflag:$0x6] =	stream.indirect_vreg.gather [hbm4b:s2+s4], $0x80, v4, vm0, $0xb8;
	[tilespmem:$0x10200] =	vst v63  }
0x94: {  	s19 =	simm.s32 $0x8A00  }
0x95: {  	[tilespmem:s19], [sflag:$0x6] =	stream.indirect_vreg.gather [hbm4b:s2+s4], $0x80, v3, vm0, $0xb8;
	[tilespmem:$0x10200] =	vst v63  }
0x96: {  	v3 =	vld [tilespmem:$0x90];
	_ =	sdelay $0x4  }
0x97: {  	v57 =	vshll.u32 v3, $0x1  }
0x98: {  	v3 =	vand.u32 $0x7, v3;
	v4 =	vand.u32 $0xFFFFFFF0, v57  }
0x99: {  	v3 =	vor.u32 v3, v4  }
0x9a: {  	v4 =	vperm.xlane v3, v0;
	_ =	sdelay $0x1  }
0x9b: {  	v3 =	vperm.xlane v3, v2;
	v4 =	vadd.s32 v1, v4;
	_ =	sdelay $0x1  }
0x9c: {  	v3 =	vadd.s32 v1, v3;
	_ =	sdelay $0x1  }
0x9d: {  	s20 =	simm.s32 $0x9200  }
0x9e: {  	[tilespmem:s20], [sflag:$0x6] =	stream.indirect_vreg.gather [hbm4b:s2+s4], $0x80, v4, vm0, $0xb8;
	[tilespmem:$0x10200] =	vst v63  }
0x9f: {  	s13 =	simm.s32 $0x9A00  }
0xa0: {  	[tilespmem:s13], [sflag:$0x6] =	stream.indirect_vreg.gather [hbm4b:s2+s4], $0x80, v3, vm0, $0xb8;
	[tilespmem:$0x10200] =	vst v63  }
0xa1: {  	v3 =	vld [tilespmem:$0xA0];
	_ =	sdelay $0x4  }
0xa2: {  	v58 =	vshll.u32 v3, $0x1  }
0xa3: {  	v3 =	vand.u32 $0x7, v3;
	v4 =	vand.u32 $0xFFFFFFF0, v58  }
0xa4: {  	v3 =	vor.u32 v3, v4  }
0xa5: {  	v4 =	vperm.xlane v3, v0;
	_ =	sdelay $0x1  }
0xa6: {  	v3 =	vperm.xlane v3, v2;
	v4 =	vadd.s32 v1, v4;
	_ =	sdelay $0x1  }
0xa7: {  	v3 =	vadd.s32 v1, v3;
	_ =	sdelay $0x1  }
0xa8: {  	s18 =	simm.s32 $0xA200  }
0xa9: {  	[tilespmem:s18], [sflag:$0x6] =	stream.indirect_vreg.gather [hbm4b:s2+s4], $0x80, v4, vm0, $0xb8;
	[tilespmem:$0x10200] =	vst v63  }
0xaa: {  	s19 =	simm.s32 $0xAA00  }
0xab: {  	[tilespmem:s19], [sflag:$0x6] =	stream.indirect_vreg.gather [hbm4b:s2+s4], $0x80, v3, vm0, $0xb8;
	[tilespmem:$0x10200] =	vst v63  }
0xac: {  	v3 =	vld [tilespmem:$0xB0];
	_ =	sdelay $0x4  }
0xad: {  	v59 =	vshll.u32 v3, $0x1  }
0xae: {  	v3 =	vand.u32 $0x7, v3;
	v4 =	vand.u32 $0xFFFFFFF0, v59  }
0xaf: {  	v3 =	vor.u32 v3, v4  }
0xb0: {  	v4 =	vperm.xlane v3, v0;
	_ =	sdelay $0x1  }
0xb1: {  	v3 =	vperm.xlane v3, v2;
	v4 =	vadd.s32 v1, v4;
	_ =	sdelay $0x1  }
0xb2: {  	v3 =	vadd.s32 v1, v3;
	_ =	sdelay $0x1  }
0xb3: {  	s20 =	simm.s32 $0xB200  }
0xb4: {  	[tilespmem:s20], [sflag:$0x6] =	stream.indirect_vreg.gather [hbm4b:s2+s4], $0x80, v4, vm0, $0xb8;
	[tilespmem:$0x10200] =	vst v63  }
0xb5: {  	s13 =	simm.s32 $0xBA00  }
0xb6: {  	[tilespmem:s13], [sflag:$0x6] =	stream.indirect_vreg.gather [hbm4b:s2+s4], $0x80, v3, vm0, $0xb8;
	[tilespmem:$0x10200] =	vst v63  }
0xb7: {  	v3 =	vld [tilespmem:$0xC0];
	_ =	sdelay $0x4  }
0xb8: {  	v60 =	vshll.u32 v3, $0x1  }
0xb9: {  	v3 =	vand.u32 $0x7, v3;
	v4 =	vand.u32 $0xFFFFFFF0, v60  }
0xba: {  	v3 =	vor.u32 v3, v4  }
0xbb: {  	v4 =	vperm.xlane v3, v0;
	_ =	sdelay $0x1  }
0xbc: {  	v3 =	vperm.xlane v3, v2;
	v4 =	vadd.s32 v1, v4;
	_ =	sdelay $0x1  }
0xbd: {  	v3 =	vadd.s32 v1, v3;
	_ =	sdelay $0x1  }
0xbe: {  	s18 =	simm.s32 $0xC200  }
0xbf: {  	[tilespmem:s18], [sflag:$0x6] =	stream.indirect_vreg.gather [hbm4b:s2+s4], $0x80, v4, vm0, $0xb8;
	[tilespmem:$0x10200] =	vst v63  }
0xc0: {  	s19 =	simm.s32 $0xCA00  }
0xc1: {  	[tilespmem:s19], [sflag:$0x6] =	stream.indirect_vreg.gather [hbm4b:s2+s4], $0x80, v3, vm0, $0xb8;
	[tilespmem:$0x10200] =	vst v63  }
0xc2: {  	v3 =	vld [tilespmem:$0xD0];
	_ =	sdelay $0x4  }
0xc3: {  	v61 =	vshll.u32 v3, $0x1  }
0xc4: {  	v3 =	vand.u32 $0x7, v3;
	v4 =	vand.u32 $0xFFFFFFF0, v61  }
0xc5: {  	v3 =	vor.u32 v3, v4  }
0xc6: {  	v4 =	vperm.xlane v3, v0;
	_ =	sdelay $0x1  }
0xc7: {  	v3 =	vperm.xlane v3, v2;
	v4 =	vadd.s32 v1, v4;
	_ =	sdelay $0x1  }
0xc8: {  	v3 =	vadd.s32 v1, v3;
	_ =	sdelay $0x2  }
0xc9: {  	[tilespmem:s21], [sflag:$0x6] =	stream.indirect_vreg.gather [hbm4b:s2+s4], $0x80, v4, vm0, $0xb8;
	[tilespmem:$0x10200] =	vst v63  }
0xca: {  	_ = 	snop  }
0xcb: {  	[tilespmem:s22], [sflag:$0x6] =	stream.indirect_vreg.gather [hbm4b:s2+s4], $0x80, v3, vm0, $0xb8;
	[tilespmem:$0x10200] =	vst v63  }
0xcc: {  	v3 =	vld [tilespmem:$0xE0];
	_ =	sdelay $0x4  }
0xcd: {  	v62 =	vshll.u32 v3, $0x1  }
0xce: {  	v3 =	vand.u32 $0x7, v3;
	v4 =	vand.u32 $0xFFFFFFF0, v62  }
0xcf: {  	v3 =	vor.u32 v3, v4  }
0xd0: {  	v4 =	vperm.xlane v3, v0;
	_ =	sdelay $0x1  }
0xd1: {  	v3 =	vperm.xlane v3, v2;
	v4 =	vadd.s32 v1, v4;
	_ =	sdelay $0x1  }
0xd2: {  	v3 =	vadd.s32 v1, v3;
	_ =	sdelay $0x2  }
0xd3: {  	[tilespmem:s23], [sflag:$0x6] =	stream.indirect_vreg.gather [hbm4b:s2+s4], $0x80, v4, vm0, $0xb8;
	[tilespmem:$0x10200] =	vst v63  }
0xd4: {  	_ = 	snop  }
0xd5: {  	[tilespmem:s24], [sflag:$0x6] =	stream.indirect_vreg.gather [hbm4b:s2+s4], $0x80, v3, vm0, $0xb8;
	[tilespmem:$0x10200] =	vst v63  }
0xd6: {  	v3 =	vld [tilespmem:$0xF0];
	_ =	sdelay $0x4  }
0xd7: {  	v63 =	vshll.u32 v3, $0x1  }
0xd8: {  	v3 =	vand.u32 $0x7, v3;
	v4 =	vand.u32 $0xFFFFFFF0, v63  }
0xd9: {  	v3 =	vor.u32 v3, v4  }
0xda: {  	v4 =	vperm.xlane v3, v0;
	_ =	sdelay $0x1  }
0xdb: {  	v3 =	vperm.xlane v3, v2;
	v4 =	vadd.s32 v1, v4;
	_ =	sdelay $0x1  }
0xdc: {  	v3 =	vadd.s32 v1, v3;
	_ =	sdelay $0x2  }
0xdd: {  	[tilespmem:s25], [sflag:$0x6] =	stream.indirect_vreg.gather [hbm4b:s2+s4], $0x80, v4, vm0, $0xb8;
	[tilespmem:$0x10200] =	vst v63  }
0xde: {  	_ = 	snop  }
0xdf: {  	[tilespmem:s26], [sflag:$0x6] =	stream.indirect_vreg.gather [hbm4b:s2+s4], $0x80, v3, vm0, $0xb8;
	[tilespmem:$0x10200] =	vst v63  }
0xe0: {  	_ =	swait.ge [sflag:s28], $0x8000  }
0xe1: {  	[sflag:s28] =	ssyncset.done $0x0  }
0xe2: {  	[sflag:s28] =	ssyncadd.s32 $0xFFFF8000  }
0xe3: {  	_ =	swait.ge [sflag:s29], $0x8000  }
0xe4: {  	[sflag:s29] =	ssyncset.done $0x0  }
0xe5: {  	s12 =	sadd.s32 s11, s9;
	[sflag:s29] =	ssyncadd.s32 $0xFFFF8000  }
0xe6: {  	[hbm4b:s12+s4] =	stream.linear.scatter [tilespmem:s17], [sflag:$0x7], $0x8000, $0x38;
	[tilespmem:$0x10200] =	vst v63  }
0xe7: {  	s13 =	sadd.s32 s11, s8  }
0xe8: {  	[hbm4b:s13+s4] =	stream.linear.scatter [tilespmem:s14], [sflag:$0x8], $0x8000, $0x38;
	[tilespmem:$0x10200] =	vst v63  }
0xe9: {  	_ =	swait.ge [sflag:s30], $0x8000  }
0xea: {  	s20 =	sadd.s32 $0x20, s5;
	[sflag:s30] =	ssyncset.done $0x0  }
0xeb: {  	p1 =	sgt.u32 s20, $0x4E1;
	[sflag:s30] =	ssyncadd.s32 $0xFFFF8000  }
0xec: {  	s18 =	sadd.s32 @!p1 s6, s10;
	_ =	swait.ge [sflag:s31], $0x8000  }
0xed: {  	s18 =	sadd.s32 @!p1 $0x400, s18;
	[sflag:s31] =	ssyncset.done $0x0  }
.Ltmp4:
0xee: {  	s19 =	simm.s32 @!p1 $0x0;
	[sflag:s31] =	ssyncadd.s32 $0xFFFF8000;
	(pc) =	sbr.rel @p0 .LBB2_4-.Ltmp4, $4  }
0xef: {  	[tilespmem:s19], [sflag:$0x1] =	stream.linear.gather @!p1 [hbm4b:s18+s19], $0x80, $0x38;
	[tilespmem:$0x10200] =	vst v63  }
0xf0: {  	s18 =	sadd.s32 @!p1 s7, s10  }
0xf1: {  	s20 =	simm.s32 @!p1 $0x80;
	s18 =	sadd.s32 @!p1 $0x400, s18  }
0xf2: {  	[tilespmem:s20], [sflag:$0x2] =	stream.linear.gather @!p1 [hbm4b:s18+s19], $0x80, $0x38;
	[tilespmem:$0x10200] =	vst v63  }
0xf3: {  	_ =	swait.ge [sflag:s0], $0x80  }
0xf4: {  	[sflag:s0] =	ssyncset.done $0x0  }
0xf5: {  	[sflag:s0] =	ssyncadd.s32 $0xFFFFFF80  }
0xf6: {  	_ =	swait.ge [sflag:s3], $0x80  }
0xf7: {  	[sflag:s3] =	ssyncset.done $0x0  }
0xf8: {  	[sflag:s3] =	ssyncadd.s32 $0xFFFFFF80  }
0xf9: {  	v3 =	vld [tilespmem:$0x100];
	_ =	sdelay $0x4  }
0xfa: {  	v4 =	vshll.u32 v3, $0x1  }
0xfb: {  	v3 =	vand.u32 $0x7, v3;
	v4 =	vand.u32 $0xFFFFFFF0, v4  }
0xfc: {  	v3 =	vor.u32 v3, v4  }
0xfd: {  	v4 =	vperm.xlane v3, v0;
	_ =	sdelay $0x1  }
0xfe: {  	v3 =	vperm.xlane v3, v2;
	v4 =	vadd.s32 v1, v4;
	_ =	sdelay $0x1  }
0xff: {  	v3 =	vadd.s32 v1, v3;
	_ =	sdelay $0x2  }
0x100: {  	[tilespmem:s17], [sflag:$0x5] =	stream.indirect_vreg.gather [hbm4b:s1+s4], $0x80, v4, vm0, $0xb8;
	[tilespmem:$0x10200] =	vst v63  }
0x101: {  	s18 =	simm.s32 $0xA00  }
0x102: {  	[tilespmem:s18], [sflag:$0x5] =	stream.indirect_vreg.gather [hbm4b:s1+s4], $0x80, v3, vm0, $0xb8;
	[tilespmem:$0x10200] =	vst v63  }
0x103: {  	v3 =	vld [tilespmem:$0x110];
	_ =	sdelay $0x4  }
0x104: {  	v49 =	vshll.u32 v3, $0x1  }
0x105: {  	v3 =	vand.u32 $0x7, v3;
	v4 =	vand.u32 $0xFFFFFFF0, v49  }
0x106: {  	v3 =	vor.u32 v3, v4  }
0x107: {  	v4 =	vperm.xlane v3, v0;
	_ =	sdelay $0x1  }
0x108: {  	v3 =	vperm.xlane v3, v2;
	v4 =	vadd.s32 v1, v4;
	_ =	sdelay $0x1  }
0x109: {  	v3 =	vadd.s32 v1, v3;
	_ =	sdelay $0x1  }
0x10a: {  	s19 =	simm.s32 $0x1200  }
0x10b: {  	[tilespmem:s19], [sflag:$0x5] =	stream.indirect_vreg.gather [hbm4b:s1+s4], $0x80, v4, vm0, $0xb8;
	[tilespmem:$0x10200] =	vst v63  }
0x10c: {  	s20 =	simm.s32 $0x1A00  }
0x10d: {  	[tilespmem:s20], [sflag:$0x5] =	stream.indirect_vreg.gather [hbm4b:s1+s4], $0x80, v3, vm0, $0xb8;
	[tilespmem:$0x10200] =	vst v63  }
0x10e: {  	v3 =	vld [tilespmem:$0x120];
	_ =	sdelay $0x4  }
0x10f: {  	v50 =	vshll.u32 v3, $0x1  }
0x110: {  	v3 =	vand.u32 $0x7, v3;
	v4 =	vand.u32 $0xFFFFFFF0, v50  }
0x111: {  	v3 =	vor.u32 v3, v4  }
0x112: {  	v4 =	vperm.xlane v3, v0;
	_ =	sdelay $0x1  }
0x113: {  	v3 =	vperm.xlane v3, v2;
	v4 =	vadd.s32 v1, v4;
	_ =	sdelay $0x1  }
0x114: {  	v3 =	vadd.s32 v1, v3;
	_ =	sdelay $0x1  }
0x115: {  	s19 =	simm.s32 $0x2200  }
0x116: {  	[tilespmem:s19], [sflag:$0x5] =	stream.indirect_vreg.gather [hbm4b:s1+s4], $0x80, v4, vm0, $0xb8;
	[tilespmem:$0x10200] =	vst v63  }
0x117: {  	s20 =	simm.s32 $0x2A00  }
0x118: {  	[tilespmem:s20], [sflag:$0x5] =	stream.indirect_vreg.gather [hbm4b:s1+s4], $0x80, v3, vm0, $0xb8;
	[tilespmem:$0x10200] =	vst v63  }
0x119: {  	v3 =	vld [tilespmem:$0x130];
	_ =	sdelay $0x4  }
0x11a: {  	v51 =	vshll.u32 v3, $0x1  }
0x11b: {  	v3 =	vand.u32 $0x7, v3;
	v4 =	vand.u32 $0xFFFFFFF0, v51  }
0x11c: {  	v3 =	vor.u32 v3, v4  }
0x11d: {  	v4 =	vperm.xlane v3, v0;
	_ =	sdelay $0x1  }
0x11e: {  	v3 =	vperm.xlane v3, v2;
	v4 =	vadd.s32 v1, v4;
	_ =	sdelay $0x1  }
0x11f: {  	v3 =	vadd.s32 v1, v3;
	_ =	sdelay $0x1  }
0x120: {  	s19 =	simm.s32 $0x3200  }
0x121: {  	[tilespmem:s19], [sflag:$0x5] =	stream.indirect_vreg.gather [hbm4b:s1+s4], $0x80, v4, vm0, $0xb8;
	[tilespmem:$0x10200] =	vst v63  }
0x122: {  	s20 =	simm.s32 $0x3A00  }
0x123: {  	[tilespmem:s20], [sflag:$0x5] =	stream.indirect_vreg.gather [hbm4b:s1+s4], $0x80, v3, vm0, $0xb8;
	[tilespmem:$0x10200] =	vst v63  }
0x124: {  	v3 =	vld [tilespmem:$0x140];
	_ =	sdelay $0x4  }
0x125: {  	v52 =	vshll.u32 v3, $0x1  }
0x126: {  	v3 =	vand.u32 $0x7, v3;
	v4 =	vand.u32 $0xFFFFFFF0, v52  }
0x127: {  	v3 =	vor.u32 v3, v4  }
0x128: {  	v4 =	vperm.xlane v3, v0;
	_ =	sdelay $0x1  }
0x129: {  	v3 =	vperm.xlane v3, v2;
	v4 =	vadd.s32 v1, v4;
	_ =	sdelay $0x1  }
0x12a: {  	v3 =	vadd.s32 v1, v3;
	_ =	sdelay $0x1  }
0x12b: {  	s19 =	simm.s32 $0x4200  }
0x12c: {  	[tilespmem:s19], [sflag:$0x5] =	stream.indirect_vreg.gather [hbm4b:s1+s4], $0x80, v4, vm0, $0xb8;
	[tilespmem:$0x10200] =	vst v63  }
0x12d: {  	s20 =	simm.s32 $0x4A00  }
0x12e: {  	[tilespmem:s20], [sflag:$0x5] =	stream.indirect_vreg.gather [hbm4b:s1+s4], $0x80, v3, vm0, $0xb8;
	[tilespmem:$0x10200] =	vst v63  }
0x12f: {  	v3 =	vld [tilespmem:$0x150];
	_ =	sdelay $0x4  }
0x130: {  	v53 =	vshll.u32 v3, $0x1  }
0x131: {  	v3 =	vand.u32 $0x7, v3;
	v4 =	vand.u32 $0xFFFFFFF0, v53  }
0x132: {  	v3 =	vor.u32 v3, v4  }
0x133: {  	v4 =	vperm.xlane v3, v0;
	_ =	sdelay $0x1  }
0x134: {  	v3 =	vperm.xlane v3, v2;
	v4 =	vadd.s32 v1, v4;
	_ =	sdelay $0x1  }
0x135: {  	v3 =	vadd.s32 v1, v3;
	_ =	sdelay $0x1  }
0x136: {  	s19 =	simm.s32 $0x5200  }
0x137: {  	[tilespmem:s19], [sflag:$0x5] =	stream.indirect_vreg.gather [hbm4b:s1+s4], $0x80, v4, vm0, $0xb8;
	[tilespmem:$0x10200] =	vst v63  }
0x138: {  	s20 =	simm.s32 $0x5A00  }
0x139: {  	[tilespmem:s20], [sflag:$0x5] =	stream.indirect_vreg.gather [hbm4b:s1+s4], $0x80, v3, vm0, $0xb8;
	[tilespmem:$0x10200] =	vst v63  }
0x13a: {  	v3 =	vld [tilespmem:$0x160];
	_ =	sdelay $0x4  }
0x13b: {  	v54 =	vshll.u32 v3, $0x1  }
0x13c: {  	v3 =	vand.u32 $0x7, v3;
	v4 =	vand.u32 $0xFFFFFFF0, v54  }
0x13d: {  	v3 =	vor.u32 v3, v4  }
0x13e: {  	v4 =	vperm.xlane v3, v0;
	_ =	sdelay $0x1  }
0x13f: {  	v3 =	vperm.xlane v3, v2;
	v4 =	vadd.s32 v1, v4;
	_ =	sdelay $0x1  }
0x140: {  	v3 =	vadd.s32 v1, v3;
	_ =	sdelay $0x1  }
0x141: {  	s19 =	simm.s32 $0x6200  }
0x142: {  	[tilespmem:s19], [sflag:$0x5] =	stream.indirect_vreg.gather [hbm4b:s1+s4], $0x80, v4, vm0, $0xb8;
	[tilespmem:$0x10200] =	vst v63  }
0x143: {  	s20 =	simm.s32 $0x6A00  }
0x144: {  	[tilespmem:s20], [sflag:$0x5] =	stream.indirect_vreg.gather [hbm4b:s1+s4], $0x80, v3, vm0, $0xb8;
	[tilespmem:$0x10200] =	vst v63  }
0x145: {  	v3 =	vld [tilespmem:$0x170];
	_ =	sdelay $0x4  }
0x146: {  	v55 =	vshll.u32 v3, $0x1  }
0x147: {  	v3 =	vand.u32 $0x7, v3;
	v4 =	vand.u32 $0xFFFFFFF0, v55  }
0x148: {  	v3 =	vor.u32 v3, v4  }
0x149: {  	v4 =	vperm.xlane v3, v0;
	_ =	sdelay $0x1  }
0x14a: {  	v3 =	vperm.xlane v3, v2;
	v4 =	vadd.s32 v1, v4;
	_ =	sdelay $0x1  }
0x14b: {  	v3 =	vadd.s32 v1, v3;
	_ =	sdelay $0x1  }
0x14c: {  	s19 =	simm.s32 $0x7200  }
0x14d: {  	[tilespmem:s19], [sflag:$0x5] =	stream.indirect_vreg.gather [hbm4b:s1+s4], $0x80, v4, vm0, $0xb8;
	[tilespmem:$0x10200] =	vst v63  }
0x14e: {  	s20 =	simm.s32 $0x7A00  }
0x14f: {  	[tilespmem:s20], [sflag:$0x5] =	stream.indirect_vreg.gather [hbm4b:s1+s4], $0x80, v3, vm0, $0xb8;
	[tilespmem:$0x10200] =	vst v63  }
0x150: {  	v3 =	vld [tilespmem:$0x180];
	_ =	sdelay $0x4  }
0x151: {  	v56 =	vshll.u32 v3, $0x1  }
0x152: {  	v3 =	vand.u32 $0x7, v3;
	v4 =	vand.u32 $0xFFFFFFF0, v56  }
0x153: {  	v3 =	vor.u32 v3, v4  }
0x154: {  	v4 =	vperm.xlane v3, v0;
	_ =	sdelay $0x1  }
0x155: {  	v3 =	vperm.xlane v3, v2;
	v4 =	vadd.s32 v1, v4;
	_ =	sdelay $0x1  }
0x156: {  	v3 =	vadd.s32 v1, v3;
	_ =	sdelay $0x2  }
0x157: {  	[tilespmem:s14], [sflag:$0x6] =	stream.indirect_vreg.gather [hbm4b:s2+s4], $0x80, v4, vm0, $0xb8;
	[tilespmem:$0x10200] =	vst v63  }
0x158: {  	s19 =	simm.s32 $0x8A00  }
0x159: {  	[tilespmem:s19], [sflag:$0x6] =	stream.indirect_vreg.gather [hbm4b:s2+s4], $0x80, v3, vm0, $0xb8;
	[tilespmem:$0x10200] =	vst v63  }
0x15a: {  	v3 =	vld [tilespmem:$0x190];
	_ =	sdelay $0x4  }
0x15b: {  	v57 =	vshll.u32 v3, $0x1  }
0x15c: {  	v3 =	vand.u32 $0x7, v3;
	v4 =	vand.u32 $0xFFFFFFF0, v57  }
0x15d: {  	v3 =	vor.u32 v3, v4  }
0x15e: {  	v4 =	vperm.xlane v3, v0;
	_ =	sdelay $0x1  }
0x15f: {  	v3 =	vperm.xlane v3, v2;
	v4 =	vadd.s32 v1, v4;
	_ =	sdelay $0x1  }
0x160: {  	v3 =	vadd.s32 v1, v3;
	_ =	sdelay $0x1  }
0x161: {  	s20 =	simm.s32 $0x9200  }
0x162: {  	[tilespmem:s20], [sflag:$0x6] =	stream.indirect_vreg.gather [hbm4b:s2+s4], $0x80, v4, vm0, $0xb8;
	[tilespmem:$0x10200] =	vst v63  }
0x163: {  	s19 =	simm.s32 $0x9A00  }
0x164: {  	[tilespmem:s19], [sflag:$0x6] =	stream.indirect_vreg.gather [hbm4b:s2+s4], $0x80, v3, vm0, $0xb8;
	[tilespmem:$0x10200] =	vst v63  }
0x165: {  	v3 =	vld [tilespmem:$0x1A0];
	_ =	sdelay $0x4  }
0x166: {  	v58 =	vshll.u32 v3, $0x1  }
0x167: {  	v3 =	vand.u32 $0x7, v3;
	v4 =	vand.u32 $0xFFFFFFF0, v58  }
0x168: {  	v3 =	vor.u32 v3, v4  }
0x169: {  	v4 =	vperm.xlane v3, v0;
	_ =	sdelay $0x1  }
0x16a: {  	v3 =	vperm.xlane v3, v2;
	v4 =	vadd.s32 v1, v4;
	_ =	sdelay $0x1  }
0x16b: {  	v3 =	vadd.s32 v1, v3;
	_ =	sdelay $0x1  }
0x16c: {  	s20 =	simm.s32 $0xA200  }
0x16d: {  	[tilespmem:s20], [sflag:$0x6] =	stream.indirect_vreg.gather [hbm4b:s2+s4], $0x80, v4, vm0, $0xb8;
	[tilespmem:$0x10200] =	vst v63  }
0x16e: {  	s19 =	simm.s32 $0xAA00  }
0x16f: {  	[tilespmem:s19], [sflag:$0x6] =	stream.indirect_vreg.gather [hbm4b:s2+s4], $0x80, v3, vm0, $0xb8;
	[tilespmem:$0x10200] =	vst v63  }
0x170: {  	v3 =	vld [tilespmem:$0x1B0];
	_ =	sdelay $0x4  }
0x171: {  	v59 =	vshll.u32 v3, $0x1  }
0x172: {  	v3 =	vand.u32 $0x7, v3;
	v4 =	vand.u32 $0xFFFFFFF0, v59  }
0x173: {  	v3 =	vor.u32 v3, v4  }
0x174: {  	v4 =	vperm.xlane v3, v0;
	_ =	sdelay $0x1  }
0x175: {  	v3 =	vperm.xlane v3, v2;
	v4 =	vadd.s32 v1, v4;
	_ =	sdelay $0x1  }
0x176: {  	v3 =	vadd.s32 v1, v3;
	_ =	sdelay $0x1  }
0x177: {  	s20 =	simm.s32 $0xB200  }
0x178: {  	[tilespmem:s20], [sflag:$0x6] =	stream.indirect_vreg.gather [hbm4b:s2+s4], $0x80, v4, vm0, $0xb8;
	[tilespmem:$0x10200] =	vst v63  }
0x179: {  	s19 =	simm.s32 $0xBA00  }
0x17a: {  	[tilespmem:s19], [sflag:$0x6] =	stream.indirect_vreg.gather [hbm4b:s2+s4], $0x80, v3, vm0, $0xb8;
	[tilespmem:$0x10200] =	vst v63  }
0x17b: {  	v3 =	vld [tilespmem:$0x1C0];
	_ =	sdelay $0x4  }
0x17c: {  	v60 =	vshll.u32 v3, $0x1  }
0x17d: {  	v3 =	vand.u32 $0x7, v3;
	v4 =	vand.u32 $0xFFFFFFF0, v60  }
0x17e: {  	v3 =	vor.u32 v3, v4  }
0x17f: {  	v4 =	vperm.xlane v3, v0;
	_ =	sdelay $0x1  }
0x180: {  	v3 =	vperm.xlane v3, v2;
	v4 =	vadd.s32 v1, v4;
	_ =	sdelay $0x1  }
0x181: {  	v3 =	vadd.s32 v1, v3;
	_ =	sdelay $0x1  }
0x182: {  	s20 =	simm.s32 $0xC200  }
0x183: {  	[tilespmem:s20], [sflag:$0x6] =	stream.indirect_vreg.gather [hbm4b:s2+s4], $0x80, v4, vm0, $0xb8;
	[tilespmem:$0x10200] =	vst v63  }
0x184: {  	s19 =	simm.s32 $0xCA00  }
0x185: {  	[tilespmem:s19], [sflag:$0x6] =	stream.indirect_vreg.gather [hbm4b:s2+s4], $0x80, v3, vm0, $0xb8;
	[tilespmem:$0x10200] =	vst v63  }
0x186: {  	v3 =	vld [tilespmem:$0x1D0];
	_ =	sdelay $0x4  }
0x187: {  	v61 =	vshll.u32 v3, $0x1  }
0x188: {  	v3 =	vand.u32 $0x7, v3;
	v4 =	vand.u32 $0xFFFFFFF0, v61  }
0x189: {  	v3 =	vor.u32 v3, v4  }
0x18a: {  	v4 =	vperm.xlane v3, v0;
	_ =	sdelay $0x1  }
0x18b: {  	v3 =	vperm.xlane v3, v2;
	v4 =	vadd.s32 v1, v4;
	_ =	sdelay $0x1  }
0x18c: {  	v3 =	vadd.s32 v1, v3;
	_ =	sdelay $0x2  }
0x18d: {  	[tilespmem:s21], [sflag:$0x6] =	stream.indirect_vreg.gather [hbm4b:s2+s4], $0x80, v4, vm0, $0xb8;
	[tilespmem:$0x10200] =	vst v63  }
0x18e: {  	_ = 	snop  }
0x18f: {  	[tilespmem:s22], [sflag:$0x6] =	stream.indirect_vreg.gather [hbm4b:s2+s4], $0x80, v3, vm0, $0xb8;
	[tilespmem:$0x10200] =	vst v63  }
0x190: {  	v3 =	vld [tilespmem:$0x1E0];
	_ =	sdelay $0x4  }
0x191: {  	v62 =	vshll.u32 v3, $0x1  }
0x192: {  	v3 =	vand.u32 $0x7, v3;
	v4 =	vand.u32 $0xFFFFFFF0, v62  }
0x193: {  	v3 =	vor.u32 v3, v4  }
0x194: {  	v4 =	vperm.xlane v3, v0;
	_ =	sdelay $0x1  }
0x195: {  	v3 =	vperm.xlane v3, v2;
	v4 =	vadd.s32 v1, v4;
	_ =	sdelay $0x1  }
0x196: {  	v3 =	vadd.s32 v1, v3;
	_ =	sdelay $0x2  }
0x197: {  	[tilespmem:s23], [sflag:$0x6] =	stream.indirect_vreg.gather [hbm4b:s2+s4], $0x80, v4, vm0, $0xb8;
	[tilespmem:$0x10200] =	vst v63  }
0x198: {  	_ = 	snop  }
0x199: {  	[tilespmem:s24], [sflag:$0x6] =	stream.indirect_vreg.gather [hbm4b:s2+s4], $0x80, v3, vm0, $0xb8;
	[tilespmem:$0x10200] =	vst v63  }
0x19a: {  	v3 =	vld [tilespmem:$0x1F0];
	_ =	sdelay $0x4  }
0x19b: {  	v63 =	vshll.u32 v3, $0x1  }
0x19c: {  	v3 =	vand.u32 $0x7, v3;
	v4 =	vand.u32 $0xFFFFFFF0, v63  }
0x19d: {  	v3 =	vor.u32 v3, v4  }
0x19e: {  	v4 =	vperm.xlane v3, v0;
	_ =	sdelay $0x1  }
0x19f: {  	v3 =	vperm.xlane v3, v2;
	v4 =	vadd.s32 v1, v4;
	_ =	sdelay $0x1  }
0x1a0: {  	v3 =	vadd.s32 v1, v3;
	_ =	sdelay $0x2  }
0x1a1: {  	[tilespmem:s25], [sflag:$0x6] =	stream.indirect_vreg.gather [hbm4b:s2+s4], $0x80, v4, vm0, $0xb8;
	[tilespmem:$0x10200] =	vst v63  }
0x1a2: {  	_ = 	snop  }
0x1a3: {  	[tilespmem:s26], [sflag:$0x6] =	stream.indirect_vreg.gather [hbm4b:s2+s4], $0x80, v3, vm0, $0xb8;
	[tilespmem:$0x10200] =	vst v63  }
0x1a4: {  	_ =	swait.ge [sflag:s28], $0x8000  }
0x1a5: {  	[sflag:s28] =	ssyncset.done $0x0  }
0x1a6: {  	[sflag:s28] =	ssyncadd.s32 $0xFFFF8000  }
0x1a7: {  	_ =	swait.ge [sflag:s29], $0x8000  }
0x1a8: {  	[sflag:s29] =	ssyncset.done $0x0  }
0x1a9: {  	s12 =	sadd.s32 $0x20000, s12;
	[sflag:s29] =	ssyncadd.s32 $0xFFFF8000  }
0x1aa: {  	[hbm4b:s12+s4] =	stream.linear.scatter [tilespmem:s17], [sflag:$0x7], $0x8000, $0x38;
	[tilespmem:$0x10200] =	vst v63  }
0x1ab: {  	s20 =	sadd.s32 $0x20000, s13  }
0x1ac: {  	[hbm4b:s20+s4] =	stream.linear.scatter [tilespmem:s14], [sflag:$0x8], $0x8000, $0x38;
	[tilespmem:$0x10200] =	vst v63  }
0x1ad: {  	_ =	swait.ge [sflag:s30], $0x8000  }
.Ltmp5:
0x1ae: {  	[sflag:s30] =	ssyncset.done $0x0;
	(pc) =	sbr.rel .LBB2_4-.Ltmp5, $4  }
0x1af: {  	[sflag:s30] =	ssyncadd.s32 $0xFFFF8000  }
0x1b0: {  	_ =	swait.ge [sflag:s31], $0x8000  }
0x1b1: {  	[sflag:s31] =	ssyncset.done $0x0  }
0x1b2: {  	[sflag:s31] =	ssyncadd.s32 $0xFFFF8000  }
.LBB2_6:
0x1b3: {  	_ =	sfence.sel $0x180000  }
0x1b4: {  	[bflag:$0x0] =	sbarrier.arrive $0xFFFF  }
0x1b5: {  	_ =	strace $0x90000047  }
0x1b6: {  	s0 =	stileid.u32;
	[bflag:$0x2] =	sbarrier.arrive $0xFFFF  }
0x1b7: {  	p0 =	sne.s32 s0, $0x0;
	s0 =	rddreg [dreg:$0x4]  }
0x1b8: {  	s0 =	sadd.s32 @!p0 $0x100000, s0  }
0x1b9: {  	[sflag:s0] =	ssyncadd.tile.s32 @!p0 $0x1;
	_ =	shalt  }
.Lfunc_end2:
_tile_overlayer_lowered:
.L_overlay_start_2:
0x1ba: {  	(tag) =	ssettag $0x2  }
0x1bb: {  	s0 =	rddreg [dreg:$0x0];
	s2 =	stileid.u32  }
0x1bc: {  	s1 =	rddreg [dreg:$0x1];
	p0 =	sne.s32 s2, $0x0  }
0x1bd: {  	s3 =	rddreg [dreg:$0x2];
	[bflag:$0x3] =	sbarrier.arrive $0xFFFF;
	s2 =	simm.s32 @!p0 $0x1C09  }
0x1be: {  	[timem:s3], [sflag:s2] =	dma.local @!p0 [hbm:s0], s1  }
0x1bf: {  	s0 =	simm.s32 @!p0 $0x9  }
0x1c0: {  	_ =	swait.ge @!p0 [sflag:s0], s1  }
0x1c1: {  	s1 =	ssub.s32 @!p0 $0x0, s1;
	[sflag:s0] =	ssyncset.done @!p0 $0x0  }
0x1c2: {  	[sflag:s0] =	ssyncadd.s32 @!p0 s1  }
0x1c3: {  	[bflag:$0x3] =	sbarrier.arrive $0xFFFF  }
0x1c4: {  	_ =	shalt  }

// kernel: kernel.9.cloned.1.call-start
scs
__scs_entry_jumppad:
0x0: {  	(pc) =	sbr.rel $0x88, $3  }
0x1: {  	(tag) =	ssettag $0x0;
	lr =	simm.s32 $0x1  }
0x2: {  	[smem:$0x3F91] =	sst lr;
	_ =	strace $0xD0000000  }
0x3: {  	_ = 	snop  }
0x4: {  	_ = 	snop  }
0x5: {  	_ = 	snop  }
0x6: {  	_ = 	snop  }
0x7: {  	_ = 	snop  }
__scs_overlays_trampoline_lowered:
0x8: {  	[smem:$0x3FA0] =	sst s0  }
0x9: {  	[smem:$0x3FA1] =	sst s1  }
0xa: {  	[smem:$0x3FA2] =	sst s2  }
0xb: {  	[smem:$0x3FA3] =	sst s3  }
0xc: {  	[smem:$0x3FA4] =	sst s4  }
0xd: {  	[smem:$0x3FA5] =	sst s5  }
0xe: {  	[smem:$0x3FA6] =	sst s6  }
0xf: {  	[smem:$0x3FA7] =	sst s7  }
0x10: {  	[smem:$0x3FA8] =	sst s8  }
0x11: {  	[smem:$0x3FA9] =	sst s9;
	s0 =	simm.s32 @!p0 $0x0  }
0x12: {  	s1 =	sld [smem:$0x3F8F];
	s0 =	simm.s32 @p0 $0x1  }
0x13: {  	[smem:$0x3FAA] =	sst s0;
	s0 =	simm.s32 @!p1 $0x0  }
0x14: {  	s2 =	sld [smem:$0x3F8E];
	s0 =	simm.s32 @p1 $0x1  }
0x15: {  	[smem:$0x3FAB] =	sst s0;
	s0 =	simm.s32 @!p2 $0x0  }
0x16: {  	s3 =	sld [smem:$0x3FDB];
	s0 =	simm.s32 @p2 $0x1  }
0x17: {  	s4 =	simm.s32 $0x1BF5;
	[smem:$0x3FAD] =	sst s0  }
0x18: {  	s0 =	sld [smem:$0x3F90];
	_ =	swait.ge [sflag:s4], $0x0  }
0x19: {  	s7 =	sld [smem:$0x3F91]  }
0x1a: {  	s8 =	sadd.s32 $0xFFFFE003, lr  }
0x1b: {  	s9 =	sadd.s32 $0xFFFFFEF7, lr;
	s5 =	simm.s32 $0xFFFFFFFF;
	p2 =	slt.u32 s8, $0xFFFFF086  }
0x1c: {  	p1 =	slt.u32 s9, $0xF7A;
	s5 =	simm.s32 @!p2 $0x0  }
0x1d: {  	s5 =	simm.s32 @p1 $0x1;
	p0 =	seq.s32 s7, s2  }
0x1e: {  	s7 =	smul.u32 @!p0 $0xF7A, s2;
	p2 =	seq.s32 @!p0 s5, $0x0  }
0x1f: {  	s9 =	smul.u32 $0xF7A, s1;
	s8 =	simm.s32 @!p0 $0x1BF5;
	p2 =	por !p2, p0  }
0x20: {  	[sflag:s8] =	ssyncset.s32 @!p0 $0xFFFFF086;
	s6 =	sadd.s32 @!p0 s3, s7;
	s7 =	simm.s32 @!p0 $0x108  }
0x21: {  	s3 =	sadd.s32 s3, s9;
	s6 =	sadd.s32 @!p0 $0x88, s6;
	s7 =	simm.s32 @p2 $0x1082  }
0x22: {  	[simem:s7], [sflag:s8] =	dma.local @!p0 [hbm:s6], $0xF7A  }
0x23: {  	s9 =	sor.u32 $0xD0000000, s2;
	s6 =	simm.s32 $0x108;
	_ =	swait.ge @!p0 [sflag:s8], $0x0  }
0x24: {  	s3 =	sadd.s32 $0x88, s3;
	s6 =	simm.s32 @!p1 $0x1082;
	[sflag:s4] =	ssyncset.s32 $0xFFFFF086  }
0x25: {  	[simem:s6], [sflag:s4] =	dma.local [hbm:s3], $0xF7A  }
0x26: {  	[smem:$0x3F91] =	sst s1;
	(tag) =	ssettag s2;
	_ =	strace s9  }
0x27: {  	s1 =	sld [smem:$0x3FA1]  }
0x28: {  	s2 =	sld [smem:$0x3FA2]  }
0x29: {  	s4 =	sld [smem:$0x3FA4]  }
0x2a: {  	p0 =	seq.s32 s5, $0x0;
	s5 =	sld [smem:$0x3FA5]  }
0x2b: {  	s6 =	sld [smem:$0x3FA6]  }
0x2c: {  	s7 =	sld [smem:$0x3FA7]  }
0x2d: {  	s3 =	simm.s32 $0x108;
	s8 =	sld [smem:$0x3FA8]  }
0x2e: {  	s3 =	simm.s32 @!p0 $0x1082;
	s9 =	sld [smem:$0x3FA9]  }
0x2f: {  	lr =	sadd.s32 s0, s3;
	s0 =	sld [smem:$0x3FA0]  }
0x30: {  	s3 =	sld [smem:$0x3FA3]  }
0x31: {  	[smem:$0x3FAC] =	sst s10  }
0x32: {  	s10 =	sld [smem:$0x3FAA];
	_ =	sdelay $0x3  }
0x33: {  	p0 =	seq.s32 s10, $0x1;
	s10 =	sld [smem:$0x3FAC];
	_ =	sdelay $0x3  }
0x34: {  	[smem:$0x3FAC] =	sst s10  }
0x35: {  	s10 =	sld [smem:$0x3FAB];
	_ =	sdelay $0x3  }
0x36: {  	p1 =	seq.s32 s10, $0x1;
	s10 =	sld [smem:$0x3FAC];
	_ =	sdelay $0x3  }
0x37: {  	[smem:$0x3FAC] =	sst s10  }
0x38: {  	s10 =	sld [smem:$0x3FAD]  }
0x39: {  	_ = 	snop;
	(pc) =	sbr.ind lr, $3  }
0x3a: {  	_ = 	snop  }
0x3b: {  	_ = 	snop  }
0x3c: {  	p2 =	seq.s32 s10, $0x1;
	s10 =	sld [smem:$0x3FAC]  }
0x3d: {  	_ =	shalt  }
0x3e: {  	_ =	shalt  }
0x3f: {  	_ =	shalt  }
0x40: {  	_ =	shalt  }
0x41: {  	_ =	shalt  }
0x42: {  	_ =	shalt  }
0x43: {  	_ =	shalt  }
0x44: {  	_ =	shalt  }
0x45: {  	_ =	shalt  }
0x46: {  	_ =	shalt  }
0x47: {  	_ =	shalt  }
0x48: {  	_ =	shalt  }
0x49: {  	_ =	shalt  }
0x4a: {  	_ =	shalt  }
0x4b: {  	_ =	shalt  }
0x4c: {  	_ =	shalt  }
0x4d: {  	_ =	shalt  }
0x4e: {  	_ =	shalt  }
0x4f: {  	_ =	shalt  }
0x50: {  	_ =	shalt  }
0x51: {  	_ =	shalt  }
0x52: {  	_ =	shalt  }
0x53: {  	_ =	shalt  }
0x54: {  	_ =	shalt  }
0x55: {  	_ =	shalt  }
0x56: {  	_ =	shalt  }
0x57: {  	_ =	shalt  }
0x58: {  	_ =	shalt  }
0x59: {  	_ =	shalt  }
0x5a: {  	_ =	shalt  }
0x5b: {  	_ =	shalt  }
0x5c: {  	_ =	shalt  }
0x5d: {  	_ =	shalt  }
0x5e: {  	_ =	shalt  }
0x5f: {  	_ =	shalt  }
0x60: {  	_ =	shalt  }
0x61: {  	_ =	shalt  }
0x62: {  	_ =	shalt  }
0x63: {  	_ =	shalt  }
0x64: {  	_ =	shalt  }
0x65: {  	_ =	shalt  }
0x66: {  	_ =	shalt  }
0x67: {  	_ =	shalt  }
0x68: {  	_ =	shalt  }
0x69: {  	_ =	shalt  }
0x6a: {  	_ =	shalt  }
0x6b: {  	_ =	shalt  }
0x6c: {  	_ =	shalt  }
0x6d: {  	_ =	shalt  }
0x6e: {  	_ =	shalt  }
0x6f: {  	_ =	shalt  }
0x70: {  	_ =	shalt  }
0x71: {  	_ =	shalt  }
0x72: {  	_ =	shalt  }
0x73: {  	_ =	shalt  }
0x74: {  	_ =	shalt  }
0x75: {  	_ =	shalt  }
0x76: {  	_ =	shalt  }
0x77: {  	_ =	shalt  }
0x78: {  	_ =	shalt  }
0x79: {  	_ =	shalt  }
0x7a: {  	_ =	shalt  }
0x7b: {  	_ =	shalt  }
0x7c: {  	_ =	shalt  }
0x7d: {  	_ =	shalt  }
0x7e: {  	_ =	shalt  }
0x7f: {  	_ =	shalt  }
0x80: {  	_ =	shalt  }
0x81: {  	_ =	shalt  }
0x82: {  	_ =	shalt  }
0x83: {  	_ =	shalt  }
0x84: {  	_ =	shalt  }
0x85: {  	_ =	shalt  }
0x86: {  	_ =	shalt  }
0x87: {  	_ =	shalt  }
.Lfunc_end0:
.L_simem_size_0:
called_computation.1_lowered:
.L_overlay_start_0:
0x88: {  	s2 =	sld [smem:$0x3FD9]  }
0x89: {  	s3 =	sld [smem:$0x3FFE];
	_ =	sdelay $0x1  }
0x8a: {  	s1 =	srdreg.scid  }
0x8b: {  	s0 =	sand.u32 $0x1, s1  }
0x8c: {  	s17 =	sshll.u32 s0, $0xA;
	s2 =	sadd.s32 s3, s2  }
0x8d: {  	s2 =	sadd.s32 s2, s17  }
0x8e: {  	[smem:$0x3FB8] =	sst s2  }
0x8f: {  	_ = 	snop  }
0x90: {  	s2 =	sld [smem:$0x3FD0];
	(tm) =	ssettm $0x1  }
0x91: {  	s18 =	sld [smem:$0x3FFB];
	_ =	sdelay $0x3  }
0x92: {  	_ =	strace s18  }
0x93: {  	s3 =	sld [smem:$0x3FFC];
	_ =	sdelay $0x3  }
0x94: {  	_ =	strace s3  }
0x95: {  	s3 =	sld [smem:$0x3FFD];
	_ =	sdelay $0x3  }
0x96: {  	_ =	strace s3  }
0x97: {  	_ =	strace $0x8FFFFFFF  }
0x98: {  	s19 =	sld [smem:$0x3FDB];
	_ =	sdelay $0x1  }
0x99: {  	s4 =	simm.s32 $_scs_section_size  }
0x9a: {  	s5 =	simm.s32 $_size__tile_overlayer_lowered;
	s6 =	simm.s32 $_tile_overlayer_lowered  }
0x9b: {  	s22 =	simm.s32 $0x1BFF;
	s21 =	sshll.u32 s6, $0x1;
	s3 =	sadd.s32 s4, s19  }
0x9c: {  	s7 =	simm.s32 $0x0;
	s20 =	sshll.u32 s5, $0x1;
	s5 =	sadd.s32 s21, s3  }
0x9d: {  	[timem:s7], [sflag:s22] =	dma.local [hbm:s5], s20  }
0x9e: {  	_ =	swait.ge [sflag:s22], s20  }
0x9f: {  	s4 =	ssub.s32 $0x0, s20;
	[sflag:s22] =	ssyncset.done $0x0  }
0xa0: {  	[sflag:s22] =	ssyncadd.s32 s4;
	_ =	sdelay $0x1  }
0xa1: {  	s23 =	simm.s32 $0x1B8B  }
0xa2: {  	_ =	swait.ge [sflag:s23], $0x1  }
0xa3: {  	[sflag:s23] =	ssyncset.done $0x0  }
0xa4: {  	s25 =	simm.s32 $0x1B8E;
	s24 =	sld [smem:$0x3FFE];
	[sflag:s23] =	ssyncadd.s32 $0xFFFFFFFF  }
0xa5: {  	s26 =	simm.s32 $execute0_lowered;
	[smem:$0x3FD2] =	sst s25  }
0xa6: {  	s5 =	sshll.u32 s26, $0x1;
	_ =	strace $0x80000049;
	[dreg:$0x1] =	wrdreg $0xFFFFFFFF  }
0xa7: {  	s28 =	simm.s32 $_size_execute0_lowered;
	s3 =	sadd.s32 s3, s5;
	[dreg:$0x0] =	wrdreg $0x0  }
0xa8: {  	s5 =	sshll.u32 s28, $0x1;
	[dreg:$0x2] =	wrdreg s3  }
0xa9: {  	[dreg:$0x3] =	wrdreg s5  }
0xaa: {  	[dreg:$0x4] =	wrdreg $0xC0  }
0xab: {  	_ =	task [dreg:s7], $0x5FFFF  }
0xac: {  	[dreg:$0x1] =	wrdreg $0xFFFFFFFF  }
0xad: {  	[dreg:$0x0] =	wrdreg $0x60  }
0xae: {  	[dreg:$0x2] =	wrdreg s24  }
0xaf: {  	[dreg:$0x3] =	wrdreg s2  }
0xb0: {  	[dreg:$0x4] =	wrdreg $0x9  }
0xb1: {  	_ =	task.clear_ibuf [dreg:s7], $0x5FFFF;
	_ =	strace $0x90000049  }
0xb2: {  	s29 =	simm.s32 $0x9;
	_ =	strace $0x8000004B  }
0xb3: {  	_ =	swait.ge [sflag:s29], $0x1  }
0xb4: {  	[sflag:s29] =	ssyncadd.s32 $0xFFFFFFFF  }
0xb5: {  	_ =	strace $0x9000004B  }
0xb6: {  	_ =	sfence  }
0xb7: {  	s30 =	sld [smem:$0x0];
	_ =	sdelay $0x2  }
0xb8: {  	s31 =	sshll.u32 s1, $0xD;
	s1 =	sshrl.u32 s1, $0x2  }
0xb9: {  	s3 =	sand.u32 $0x4000, s31;
	s1 =	sadd.s32 s1, s30  }
0xba: {  	s0 =	sor.u32 s3, s0;
	s1 =	sshll.u32 s1, $0x11  }
0xbb: {  	s0 =	sor.u32 s1, s0  }
0xbc: {  	s0 =	sadd.s32 $0x8F2B, s0  }
0xbd: {  	[sflag:s0] =	ssyncadd.remote.s32 $0x1  }
0xbe: {  	_ =	sfence.sel $0xFFFF  }
0xbf: {  	[dreg:$0x0] =	wrdreg $0xFFFFFFFF;
	(pc) =	sbr.abs _section_cstart, $3  }
0xc0: {  	[dreg:$0x1] =	wrdreg $0xFFFFFFFF  }
0xc1: {  	_ =	task.clear_ibuf [dreg:s7], $0x2FFFF;
	_ =	strace $0x9FFFFFFF  }
0xc2: {  	(tm) =	ssettm $0x7FFFFFFF  }
0xc3: {  	_ =	shalt  }
tec
execute0_lowered:
.L_overlay_start_1:
0x0: {  	(tag) =	ssettag $0x1  }
0x1: {  	s1 =	srdreg.scid;
	s5 =	rddreg [dreg:$0x0]  }
0x2: {  	s0 =	stileid.u32;
	s2 =	rddreg [dreg:$0x1]  }
0x3: {  	s3 =	simm.s32 $0x0;
	s12 =	simm.s32 $0x5;
	s13 =	simm.s32 $0x1000  }
0x4: {  	s14 =	simm.s32 $0x1100;
	s15 =	simm.s32 $0x800;
	s16 =	simm.s32 $0x3  }
0x5: {  	s17 =	simm.s32 $0x1;
	s18 =	simm.s32 $0x4;
	s19 =	simm.s32 $0x2  }
0x6: {  	s20 =	simm.s32 $0x0;
	s6 =	sand.u32 $0x1, s1;
	s1 =	rddreg [dreg:$0x2]  }
0x7: {  	s28 =	sshll.u32 s0, $0x1;
	[smem:$0x7FF] =	sst s3;
	s9 =	smul.u32 $0x271000, s0  }
0x8: {  	s10 =	sadd.s32 $0x9CB000, s5;
	s4 =	sor.u32 s6, s28;
	s11 =	smul.u32 $0x138800, s6  }
0x9: {  	_ =	strace $0x8000004A;
	s29 =	ssub.s32 $0x2, s6;
	s7 =	smul.u32 $0x2800, s4  }
0xa: {  	s8 =	smul.u32 $0x138800, s4;
	s4 =	sadd.s32 $0x2000, s5;
	s6 =	sshrl.u32 s29, $0x1  }
0xb: {  	s9 =	sadd.s32 s11, s9;
	s30 =	ssub.s32 s29, s6;
	s11 =	simm.s32 $0x1200  }
0xc: {  	s7 =	sadd.s32 s7, s5;
	s8 =	sshrl.u32 s8, $0x3;
	s31 =	sadd.s32 $0x800, s9  }
0xd: {  	s9 =	sshrl.u32 s9, $0x3;
	s5 =	sadd.s32 s10, s8;
	s8 =	sshrl.u32 s31, $0x3  }
0xe: {  	s6 =	sadd.s32 $0x4800, s7;
	s8 =	sadd.s32 s8, s10;
	s10 =	sadd.s32 s9, s10  }
0xf: {  	s7 =	smax.u32 s30, $0x1;
	s9 =	sadd.s32 $0x20, s2;
	s10 =	sadd.s32 $0x200, s10  }
.LBB2_1:
0x10: {  	[tilespmem:s11], [sflag:$0x5] =	stream.linear.gather [hbm4b:s4+s3], $0x14000, $0x38;
	[tilespmem:$0x15200] =	vst v63  }
0x11: {  	_ =	swait.ge [sflag:s12], $0x14000  }
0x12: {  	[sflag:s12] =	ssyncset.done $0x0  }
0x13: {  	[sflag:s12] =	ssyncadd.s32 $0xFFFEC000  }
0x14: {  	[tilespmem:s13], [sflag:$0x3] =	stream.linear.gather [hbm4b:s2+s3], $0x100, $0x38;
	[tilespmem:$0x15200] =	vst v63  }
0x15: {  	s21 =	smov.u32 s9;
	s22 =	simm.s32 $0x0  }
0x16: {  	[tilespmem:s3], [sflag:$0x1] =	stream.linear.gather [hbm4b:s5+s3], $0x800, $0x38;
	[tilespmem:$0x15200] =	vst v63  }
.LBB2_2:
0x17: {  	[tilespmem:s14], [sflag:$0x4] =	stream.linear.gather [hbm4b:s21+s3], $0x100, $0x38;
	[tilespmem:$0x15200] =	vst v63  }
0x18: {  	s23 =	sadd.s32 s22, s8  }
0x19: {  	[tilespmem:s15], [sflag:$0x2] =	stream.linear.gather [hbm4b:s23+s3], $0x800, $0x38;
	[tilespmem:$0x15200] =	vst v63  }
0x1a: {  	_ =	swait.ge [sflag:s16], $0x100  }
0x1b: {  	[sflag:s16] =	ssyncset.done $0x0  }
0x1c: {  	[sflag:s16] =	ssyncadd.s32 $0xFFFFFF00  }
0x1d: {  	_ =	swait.ge [sflag:s17], $0x800  }
0x1e: {  	[sflag:s17] =	ssyncset.done $0x0  }
0x1f: {  	[sflag:s17] =	ssyncadd.s32 $0xFFFFF800  }
0x20: {  	v0 =	vld [tilespmem:$0x1000];
	_ =	sdelay $0x4  }
0x21: {  	v1 =	vshll.u32 v0, $0x3  }
0x22: {  	v0 =	vand.u32 $0x7F, v0;
	v1 =	vand.u32 $0xFFFFFC00, v1  }
0x23: {  	v2 =	vld [tilespmem:$0x0];
	v0 =	vor.u32 v0, v1;
	_ =	sdelay $0x4  }
0x24: {  	[tilespmem:v0+s11+$0x0] =	vst.idx.add.f32.msk $0xffff, v2  }
0x25: {  	v47 =	vor.u32 $0x80, v0;
	v46 =	vld [tilespmem:$0x80];
	_ =	sdelay $0x4  }
0x26: {  	[tilespmem:v47+s11+$0x0] =	vst.idx.add.f32.msk $0xffff, v46  }
0x27: {  	v48 =	vor.u32 $0x100, v0;
	v1 =	vld [tilespmem:$0x100];
	_ =	sdelay $0x4  }
0x28: {  	[tilespmem:v48+s11+$0x0] =	vst.idx.add.f32.msk $0xffff, v1  }
0x29: {  	v49 =	vor.u32 $0x180, v0;
	v1 =	vld [tilespmem:$0x180];
	_ =	sdelay $0x4  }
0x2a: {  	[tilespmem:v49+s11+$0x0] =	vst.idx.add.f32.msk $0xffff, v1  }
0x2b: {  	v50 =	vor.u32 $0x200, v0;
	v1 =	vld [tilespmem:$0x200];
	_ =	sdelay $0x4  }
0x2c: {  	[tilespmem:v50+s11+$0x0] =	vst.idx.add.f32.msk $0xffff, v1  }
0x2d: {  	v51 =	vor.u32 $0x280, v0;
	v1 =	vld [tilespmem:$0x280];
	_ =	sdelay $0x4  }
0x2e: {  	[tilespmem:v51+s11+$0x0] =	vst.idx.add.f32.msk $0xffff, v1  }
0x2f: {  	v52 =	vor.u32 $0x300, v0;
	v1 =	vld [tilespmem:$0x300];
	_ =	sdelay $0x4  }
0x30: {  	[tilespmem:v52+s11+$0x0] =	vst.idx.add.f32.msk $0xffff, v1  }
0x31: {  	v0 =	vor.u32 $0x380, v0;
	v1 =	vld [tilespmem:$0x380];
	_ =	sdelay $0x4  }
0x32: {  	[tilespmem:v0+s11+$0x0] =	vst.idx.add.f32.msk $0xffff, v1  }
0x33: {  	v0 =	vld [tilespmem:$0x1010];
	_ =	sdelay $0x4  }
0x34: {  	v53 =	vshll.u32 v0, $0x3  }
0x35: {  	v0 =	vand.u32 $0x7F, v0;
	v1 =	vand.u32 $0xFFFFFC00, v53  }
0x36: {  	v2 =	vld [tilespmem:$0x10];
	v0 =	vor.u32 v0, v1;
	_ =	sdelay $0x4  }
0x37: {  	[tilespmem:v0+s11+$0x0] =	vst.idx.add.f32.msk $0xffff, v2  }
0x38: {  	v55 =	vor.u32 $0x80, v0;
	v54 =	vld [tilespmem:$0x90];
	_ =	sdelay $0x4  }
0x39: {  	[tilespmem:v55+s11+$0x0] =	vst.idx.add.f32.msk $0xffff, v54  }
0x3a: {  	v56 =	vor.u32 $0x100, v0;
	v1 =	vld [tilespmem:$0x110];
	_ =	sdelay $0x4  }
0x3b: {  	[tilespmem:v56+s11+$0x0] =	vst.idx.add.f32.msk $0xffff, v1  }
0x3c: {  	v57 =	vor.u32 $0x180, v0;
	v1 =	vld [tilespmem:$0x190];
	_ =	sdelay $0x4  }
0x3d: {  	[tilespmem:v57+s11+$0x0] =	vst.idx.add.f32.msk $0xffff, v1  }
0x3e: {  	v58 =	vor.u32 $0x200, v0;
	v1 =	vld [tilespmem:$0x210];
	_ =	sdelay $0x4  }
0x3f: {  	[tilespmem:v58+s11+$0x0] =	vst.idx.add.f32.msk $0xffff, v1  }
0x40: {  	v59 =	vor.u32 $0x280, v0;
	v1 =	vld [tilespmem:$0x290];
	_ =	sdelay $0x4  }
0x41: {  	[tilespmem:v59+s11+$0x0] =	vst.idx.add.f32.msk $0xffff, v1  }
0x42: {  	v60 =	vor.u32 $0x300, v0;
	v1 =	vld [tilespmem:$0x310];
	_ =	sdelay $0x4  }
0x43: {  	[tilespmem:v60+s11+$0x0] =	vst.idx.add.f32.msk $0xffff, v1  }
0x44: {  	v0 =	vor.u32 $0x380, v0;
	v1 =	vld [tilespmem:$0x390];
	_ =	sdelay $0x4  }
0x45: {  	[tilespmem:v0+s11+$0x0] =	vst.idx.add.f32.msk $0xffff, v1  }
0x46: {  	v0 =	vld [tilespmem:$0x1020];
	_ =	sdelay $0x4  }
0x47: {  	v61 =	vshll.u32 v0, $0x3  }
0x48: {  	v0 =	vand.u32 $0x7F, v0;
	v1 =	vand.u32 $0xFFFFFC00, v61  }
0x49: {  	v2 =	vld [tilespmem:$0x20];
	v0 =	vor.u32 v0, v1;
	_ =	sdelay $0x4  }
0x4a: {  	[tilespmem:v0+s11+$0x0] =	vst.idx.add.f32.msk $0xffff, v2  }
0x4b: {  	v63 =	vor.u32 $0x80, v0;
	v62 =	vld [tilespmem:$0xA0];
	_ =	sdelay $0x4  }
0x4c: {  	[tilespmem:v63+s11+$0x0] =	vst.idx.add.f32.msk $0xffff, v62  }
0x4d: {  	v4 =	vor.u32 $0x100, v0;
	v1 =	vld [tilespmem:$0x120];
	_ =	sdelay $0x4  }
0x4e: {  	[tilespmem:v4+s11+$0x0] =	vst.idx.add.f32.msk $0xffff, v1  }
0x4f: {  	v5 =	vor.u32 $0x180, v0;
	v1 =	vld [tilespmem:$0x1A0];
	_ =	sdelay $0x4  }
0x50: {  	[tilespmem:v5+s11+$0x0] =	vst.idx.add.f32.msk $0xffff, v1  }
0x51: {  	v6 =	vor.u32 $0x200, v0;
	v1 =	vld [tilespmem:$0x220];
	_ =	sdelay $0x4  }
0x52: {  	[tilespmem:v6+s11+$0x0] =	vst.idx.add.f32.msk $0xffff, v1  }
0x53: {  	v7 =	vor.u32 $0x280, v0;
	v1 =	vld [tilespmem:$0x2A0];
	_ =	sdelay $0x4  }
0x54: {  	[tilespmem:v7+s11+$0x0] =	vst.idx.add.f32.msk $0xffff, v1  }
0x55: {  	v8 =	vor.u32 $0x300, v0;
	v1 =	vld [tilespmem:$0x320];
	_ =	sdelay $0x4  }
0x56: {  	[tilespmem:v8+s11+$0x0] =	vst.idx.add.f32.msk $0xffff, v1  }
0x57: {  	v0 =	vor.u32 $0x380, v0;
	v1 =	vld [tilespmem:$0x3A0];
	_ =	sdelay $0x4  }
0x58: {  	[tilespmem:v0+s11+$0x0] =	vst.idx.add.f32.msk $0xffff, v1  }
0x59: {  	v0 =	vld [tilespmem:$0x1030];
	_ =	sdelay $0x4  }
0x5a: {  	v9 =	vshll.u32 v0, $0x3  }
0x5b: {  	v0 =	vand.u32 $0x7F, v0;
	v1 =	vand.u32 $0xFFFFFC00, v9  }
0x5c: {  	v10 =	vld [tilespmem:$0x30];
	v0 =	vor.u32 v0, v1;
	_ =	sdelay $0x4  }
0x5d: {  	[tilespmem:v0+s11+$0x0] =	vst.idx.add.f32.msk $0xffff, v10  }
0x5e: {  	v12 =	vor.u32 $0x80, v0;
	v11 =	vld [tilespmem:$0xB0];
	_ =	sdelay $0x4  }
0x5f: {  	[tilespmem:v12+s11+$0x0] =	vst.idx.add.f32.msk $0xffff, v11  }
0x60: {  	v13 =	vor.u32 $0x100, v0;
	v1 =	vld [tilespmem:$0x130];
	_ =	sdelay $0x4  }
0x61: {  	[tilespmem:v13+s11+$0x0] =	vst.idx.add.f32.msk $0xffff, v1  }
0x62: {  	v14 =	vor.u32 $0x180, v0;
	v1 =	vld [tilespmem:$0x1B0];
	_ =	sdelay $0x4  }
0x63: {  	[tilespmem:v14+s11+$0x0] =	vst.idx.add.f32.msk $0xffff, v1  }
0x64: {  	v15 =	vor.u32 $0x200, v0;
	v1 =	vld [tilespmem:$0x230];
	_ =	sdelay $0x4  }
0x65: {  	[tilespmem:v15+s11+$0x0] =	vst.idx.add.f32.msk $0xffff, v1  }
0x66: {  	v16 =	vor.u32 $0x280, v0;
	v1 =	vld [tilespmem:$0x2B0];
	_ =	sdelay $0x4  }
0x67: {  	[tilespmem:v16+s11+$0x0] =	vst.idx.add.f32.msk $0xffff, v1  }
0x68: {  	v17 =	vor.u32 $0x300, v0;
	v1 =	vld [tilespmem:$0x330];
	_ =	sdelay $0x4  }
0x69: {  	[tilespmem:v17+s11+$0x0] =	vst.idx.add.f32.msk $0xffff, v1  }
0x6a: {  	v0 =	vor.u32 $0x380, v0;
	v1 =	vld [tilespmem:$0x3B0];
	_ =	sdelay $0x4  }
0x6b: {  	[tilespmem:v0+s11+$0x0] =	vst.idx.add.f32.msk $0xffff, v1  }
0x6c: {  	v0 =	vld [tilespmem:$0x1040];
	_ =	sdelay $0x4  }
0x6d: {  	v18 =	vshll.u32 v0, $0x3  }
0x6e: {  	v0 =	vand.u32 $0x7F, v0;
	v1 =	vand.u32 $0xFFFFFC00, v18  }
0x6f: {  	v2 =	vld [tilespmem:$0x40];
	v0 =	vor.u32 v0, v1;
	_ =	sdelay $0x4  }
0x70: {  	[tilespmem:v0+s11+$0x0] =	vst.idx.add.f32.msk $0xffff, v2  }
0x71: {  	v20 =	vor.u32 $0x80, v0;
	v19 =	vld [tilespmem:$0xC0];
	_ =	sdelay $0x4  }
0x72: {  	[tilespmem:v20+s11+$0x0] =	vst.idx.add.f32.msk $0xffff, v19  }
0x73: {  	v21 =	vor.u32 $0x100, v0;
	v1 =	vld [tilespmem:$0x140];
	_ =	sdelay $0x4  }
0x74: {  	[tilespmem:v21+s11+$0x0] =	vst.idx.add.f32.msk $0xffff, v1  }
0x75: {  	v22 =	vor.u32 $0x180, v0;
	v1 =	vld [tilespmem:$0x1C0];
	_ =	sdelay $0x4  }
0x76: {  	[tilespmem:v22+s11+$0x0] =	vst.idx.add.f32.msk $0xffff, v1  }
0x77: {  	v23 =	vor.u32 $0x200, v0;
	v1 =	vld [tilespmem:$0x240];
	_ =	sdelay $0x4  }
0x78: {  	[tilespmem:v23+s11+$0x0] =	vst.idx.add.f32.msk $0xffff, v1  }
0x79: {  	v24 =	vor.u32 $0x280, v0;
	v1 =	vld [tilespmem:$0x2C0];
	_ =	sdelay $0x4  }
0x7a: {  	[tilespmem:v24+s11+$0x0] =	vst.idx.add.f32.msk $0xffff, v1  }
0x7b: {  	v25 =	vor.u32 $0x300, v0;
	v1 =	vld [tilespmem:$0x340];
	_ =	sdelay $0x4  }
0x7c: {  	[tilespmem:v25+s11+$0x0] =	vst.idx.add.f32.msk $0xffff, v1  }
0x7d: {  	v0 =	vor.u32 $0x380, v0;
	v1 =	vld [tilespmem:$0x3C0];
	_ =	sdelay $0x4  }
0x7e: {  	[tilespmem:v0+s11+$0x0] =	vst.idx.add.f32.msk $0xffff, v1  }
0x7f: {  	v0 =	vld [tilespmem:$0x1050];
	_ =	sdelay $0x4  }
0x80: {  	v26 =	vshll.u32 v0, $0x3  }
0x81: {  	v0 =	vand.u32 $0x7F, v0;
	v1 =	vand.u32 $0xFFFFFC00, v26  }
0x82: {  	v2 =	vld [tilespmem:$0x50];
	v0 =	vor.u32 v0, v1;
	_ =	sdelay $0x4  }
0x83: {  	[tilespmem:v0+s11+$0x0] =	vst.idx.add.f32.msk $0xffff, v2  }
0x84: {  	v28 =	vor.u32 $0x80, v0;
	v27 =	vld [tilespmem:$0xD0];
	_ =	sdelay $0x4  }
0x85: {  	[tilespmem:v28+s11+$0x0] =	vst.idx.add.f32.msk $0xffff, v27  }
0x86: {  	v29 =	vor.u32 $0x100, v0;
	v1 =	vld [tilespmem:$0x150];
	_ =	sdelay $0x4  }
0x87: {  	[tilespmem:v29+s11+$0x0] =	vst.idx.add.f32.msk $0xffff, v1  }
0x88: {  	v30 =	vor.u32 $0x180, v0;
	v1 =	vld [tilespmem:$0x1D0];
	_ =	sdelay $0x4  }
0x89: {  	[tilespmem:v30+s11+$0x0] =	vst.idx.add.f32.msk $0xffff, v1  }
0x8a: {  	v31 =	vor.u32 $0x200, v0;
	v1 =	vld [tilespmem:$0x250];
	_ =	sdelay $0x4  }
0x8b: {  	[tilespmem:v31+s11+$0x0] =	vst.idx.add.f32.msk $0xffff, v1  }
0x8c: {  	v32 =	vor.u32 $0x280, v0;
	v1 =	vld [tilespmem:$0x2D0];
	_ =	sdelay $0x4  }
0x8d: {  	[tilespmem:v32+s11+$0x0] =	vst.idx.add.f32.msk $0xffff, v1  }
0x8e: {  	v33 =	vor.u32 $0x300, v0;
	v1 =	vld [tilespmem:$0x350];
	_ =	sdelay $0x4  }
0x8f: {  	[tilespmem:v33+s11+$0x0] =	vst.idx.add.f32.msk $0xffff, v1  }
0x90: {  	v0 =	vor.u32 $0x380, v0;
	v1 =	vld [tilespmem:$0x3D0];
	_ =	sdelay $0x4  }
0x91: {  	[tilespmem:v0+s11+$0x0] =	vst.idx.add.f32.msk $0xffff, v1  }
0x92: {  	v0 =	vld [tilespmem:$0x1060];
	_ =	sdelay $0x4  }
0x93: {  	v34 =	vshll.u32 v0, $0x3  }
0x94: {  	v0 =	vand.u32 $0x7F, v0;
	v1 =	vand.u32 $0xFFFFFC00, v34  }
0x95: {  	v2 =	vld [tilespmem:$0x60];
	v0 =	vor.u32 v0, v1;
	_ =	sdelay $0x4  }
0x96: {  	[tilespmem:v0+s11+$0x0] =	vst.idx.add.f32.msk $0xffff, v2  }
0x97: {  	v36 =	vor.u32 $0x80, v0;
	v35 =	vld [tilespmem:$0xE0];
	_ =	sdelay $0x4  }
0x98: {  	[tilespmem:v36+s11+$0x0] =	vst.idx.add.f32.msk $0xffff, v35  }
0x99: {  	v37 =	vor.u32 $0x100, v0;
	v1 =	vld [tilespmem:$0x160];
	_ =	sdelay $0x4  }
0x9a: {  	[tilespmem:v37+s11+$0x0] =	vst.idx.add.f32.msk $0xffff, v1  }
0x9b: {  	v38 =	vor.u32 $0x180, v0;
	v1 =	vld [tilespmem:$0x1E0];
	_ =	sdelay $0x4  }
0x9c: {  	[tilespmem:v38+s11+$0x0] =	vst.idx.add.f32.msk $0xffff, v1  }
0x9d: {  	v39 =	vor.u32 $0x200, v0;
	v1 =	vld [tilespmem:$0x260];
	_ =	sdelay $0x4  }
0x9e: {  	[tilespmem:v39+s11+$0x0] =	vst.idx.add.f32.msk $0xffff, v1  }
0x9f: {  	v40 =	vor.u32 $0x280, v0;
	v1 =	vld [tilespmem:$0x2E0];
	_ =	sdelay $0x4  }
0xa0: {  	[tilespmem:v40+s11+$0x0] =	vst.idx.add.f32.msk $0xffff, v1  }
0xa1: {  	v41 =	vor.u32 $0x300, v0;
	v1 =	vld [tilespmem:$0x360];
	_ =	sdelay $0x4  }
0xa2: {  	[tilespmem:v41+s11+$0x0] =	vst.idx.add.f32.msk $0xffff, v1  }
0xa3: {  	v0 =	vor.u32 $0x380, v0;
	v1 =	vld [tilespmem:$0x3E0];
	_ =	sdelay $0x4  }
0xa4: {  	[tilespmem:v0+s11+$0x0] =	vst.idx.add.f32.msk $0xffff, v1  }
0xa5: {  	v0 =	vld [tilespmem:$0x1070];
	_ =	sdelay $0x4  }
0xa6: {  	v42 =	vshll.u32 v0, $0x3  }
0xa7: {  	v0 =	vand.u32 $0x7F, v0;
	v1 =	vand.u32 $0xFFFFFC00, v42  }
0xa8: {  	v2 =	vld [tilespmem:$0x70];
	v0 =	vor.u32 v0, v1;
	_ =	sdelay $0x4  }
0xa9: {  	[tilespmem:v0+s11+$0x0] =	vst.idx.add.f32.msk $0xffff, v2  }
0xaa: {  	v44 =	vor.u32 $0x80, v0;
	v43 =	vld [tilespmem:$0xF0];
	_ =	sdelay $0x4  }
0xab: {  	[tilespmem:v44+s11+$0x0] =	vst.idx.add.f32.msk $0xffff, v43  }
0xac: {  	v45 =	vor.u32 $0x100, v0;
	v1 =	vld [tilespmem:$0x170];
	_ =	sdelay $0x4  }
0xad: {  	[tilespmem:v45+s11+$0x0] =	vst.idx.add.f32.msk $0xffff, v1  }
0xae: {  	v46 =	vor.u32 $0x180, v0;
	v1 =	vld [tilespmem:$0x1F0];
	_ =	sdelay $0x4  }
0xaf: {  	[tilespmem:v46+s11+$0x0] =	vst.idx.add.f32.msk $0xffff, v1  }
0xb0: {  	v47 =	vor.u32 $0x200, v0;
	v1 =	vld [tilespmem:$0x270];
	_ =	sdelay $0x4  }
0xb1: {  	[tilespmem:v47+s11+$0x0] =	vst.idx.add.f32.msk $0xffff, v1  }
0xb2: {  	v48 =	vor.u32 $0x280, v0;
	v1 =	vld [tilespmem:$0x2F0];
	_ =	sdelay $0x4  }
0xb3: {  	[tilespmem:v48+s11+$0x0] =	vst.idx.add.f32.msk $0xffff, v1  }
0xb4: {  	v49 =	vor.u32 $0x300, v0;
	v1 =	vld [tilespmem:$0x370];
	_ =	sdelay $0x4  }
0xb5: {  	[tilespmem:v49+s11+$0x0] =	vst.idx.add.f32.msk $0xffff, v1  }
0xb6: {  	v0 =	vor.u32 $0x380, v0;
	v1 =	vld [tilespmem:$0x3F0];
	_ =	sdelay $0x4  }
0xb7: {  	[tilespmem:v0+s11+$0x0] =	vst.idx.add.f32.msk $0xffff, v1  }
0xb8: {  	v0 =	vld [tilespmem:$0x1080];
	_ =	sdelay $0x4  }
0xb9: {  	v50 =	vshll.u32 v0, $0x3  }
0xba: {  	v0 =	vand.u32 $0x7F, v0;
	v1 =	vand.u32 $0xFFFFFC00, v50  }
0xbb: {  	v2 =	vld [tilespmem:$0x400];
	v0 =	vor.u32 v0, v1;
	_ =	sdelay $0x4  }
0xbc: {  	[tilespmem:v0+s11+$0x0] =	vst.idx.add.f32.msk $0xffff, v2  }
0xbd: {  	v52 =	vor.u32 $0x80, v0;
	v51 =	vld [tilespmem:$0x480];
	_ =	sdelay $0x4  }
0xbe: {  	[tilespmem:v52+s11+$0x0] =	vst.idx.add.f32.msk $0xffff, v51  }
0xbf: {  	v53 =	vor.u32 $0x100, v0;
	v1 =	vld [tilespmem:$0x500];
	_ =	sdelay $0x4  }
0xc0: {  	[tilespmem:v53+s11+$0x0] =	vst.idx.add.f32.msk $0xffff, v1  }
0xc1: {  	v54 =	vor.u32 $0x180, v0;
	v1 =	vld [tilespmem:$0x580];
	_ =	sdelay $0x4  }
0xc2: {  	[tilespmem:v54+s11+$0x0] =	vst.idx.add.f32.msk $0xffff, v1  }
0xc3: {  	v55 =	vor.u32 $0x200, v0;
	v1 =	vld [tilespmem:$0x600];
	_ =	sdelay $0x4  }
0xc4: {  	[tilespmem:v55+s11+$0x0] =	vst.idx.add.f32.msk $0xffff, v1  }
0xc5: {  	v56 =	vor.u32 $0x280, v0;
	v1 =	vld [tilespmem:$0x680];
	_ =	sdelay $0x4  }
0xc6: {  	[tilespmem:v56+s11+$0x0] =	vst.idx.add.f32.msk $0xffff, v1  }
0xc7: {  	v57 =	vor.u32 $0x300, v0;
	v1 =	vld [tilespmem:$0x700];
	_ =	sdelay $0x4  }
0xc8: {  	[tilespmem:v57+s11+$0x0] =	vst.idx.add.f32.msk $0xffff, v1  }
0xc9: {  	v0 =	vor.u32 $0x380, v0;
	v1 =	vld [tilespmem:$0x780];
	_ =	sdelay $0x4  }
0xca: {  	[tilespmem:v0+s11+$0x0] =	vst.idx.add.f32.msk $0xffff, v1  }
0xcb: {  	v0 =	vld [tilespmem:$0x1090];
	_ =	sdelay $0x4  }
0xcc: {  	v58 =	vshll.u32 v0, $0x3  }
0xcd: {  	v0 =	vand.u32 $0x7F, v0;
	v1 =	vand.u32 $0xFFFFFC00, v58  }
0xce: {  	v2 =	vld [tilespmem:$0x410];
	v0 =	vor.u32 v0, v1;
	_ =	sdelay $0x4  }
0xcf: {  	[tilespmem:v0+s11+$0x0] =	vst.idx.add.f32.msk $0xffff, v2  }
0xd0: {  	v60 =	vor.u32 $0x80, v0;
	v59 =	vld [tilespmem:$0x490];
	_ =	sdelay $0x4  }
0xd1: {  	[tilespmem:v60+s11+$0x0] =	vst.idx.add.f32.msk $0xffff, v59  }
0xd2: {  	v61 =	vor.u32 $0x100, v0;
	v1 =	vld [tilespmem:$0x510];
	_ =	sdelay $0x4  }
0xd3: {  	[tilespmem:v61+s11+$0x0] =	vst.idx.add.f32.msk $0xffff, v1  }
0xd4: {  	v62 =	vor.u32 $0x180, v0;
	v1 =	vld [tilespmem:$0x590];
	_ =	sdelay $0x4  }
0xd5: {  	[tilespmem:v62+s11+$0x0] =	vst.idx.add.f32.msk $0xffff, v1  }
0xd6: {  	v63 =	vor.u32 $0x200, v0;
	v1 =	vld [tilespmem:$0x610];
	_ =	sdelay $0x4  }
0xd7: {  	[tilespmem:v63+s11+$0x0] =	vst.idx.add.f32.msk $0xffff, v1  }
0xd8: {  	v4 =	vor.u32 $0x280, v0;
	v1 =	vld [tilespmem:$0x690];
	_ =	sdelay $0x4  }
0xd9: {  	[tilespmem:v4+s11+$0x0] =	vst.idx.add.f32.msk $0xffff, v1  }
0xda: {  	v5 =	vor.u32 $0x300, v0;
	v1 =	vld [tilespmem:$0x710];
	_ =	sdelay $0x4  }
0xdb: {  	[tilespmem:v5+s11+$0x0] =	vst.idx.add.f32.msk $0xffff, v1  }
0xdc: {  	v0 =	vor.u32 $0x380, v0;
	v1 =	vld [tilespmem:$0x790];
	_ =	sdelay $0x4  }
0xdd: {  	[tilespmem:v0+s11+$0x0] =	vst.idx.add.f32.msk $0xffff, v1  }
0xde: {  	v0 =	vld [tilespmem:$0x10A0];
	_ =	sdelay $0x4  }
0xdf: {  	v6 =	vshll.u32 v0, $0x3  }
0xe0: {  	v0 =	vand.u32 $0x7F, v0;
	v1 =	vand.u32 $0xFFFFFC00, v6  }
0xe1: {  	v2 =	vld [tilespmem:$0x420];
	v0 =	vor.u32 v0, v1;
	_ =	sdelay $0x4  }
0xe2: {  	[tilespmem:v0+s11+$0x0] =	vst.idx.add.f32.msk $0xffff, v2  }
0xe3: {  	v8 =	vor.u32 $0x80, v0;
	v7 =	vld [tilespmem:$0x4A0];
	_ =	sdelay $0x4  }
0xe4: {  	[tilespmem:v8+s11+$0x0] =	vst.idx.add.f32.msk $0xffff, v7  }
0xe5: {  	v9 =	vor.u32 $0x100, v0;
	v1 =	vld [tilespmem:$0x520];
	_ =	sdelay $0x4  }
0xe6: {  	[tilespmem:v9+s11+$0x0] =	vst.idx.add.f32.msk $0xffff, v1  }
0xe7: {  	v10 =	vor.u32 $0x180, v0;
	v1 =	vld [tilespmem:$0x5A0];
	_ =	sdelay $0x4  }
0xe8: {  	[tilespmem:v10+s11+$0x0] =	vst.idx.add.f32.msk $0xffff, v1  }
0xe9: {  	v11 =	vor.u32 $0x200, v0;
	v1 =	vld [tilespmem:$0x620];
	_ =	sdelay $0x4  }
0xea: {  	[tilespmem:v11+s11+$0x0] =	vst.idx.add.f32.msk $0xffff, v1  }
0xeb: {  	v12 =	vor.u32 $0x280, v0;
	v1 =	vld [tilespmem:$0x6A0];
	_ =	sdelay $0x4  }
0xec: {  	[tilespmem:v12+s11+$0x0] =	vst.idx.add.f32.msk $0xffff, v1  }
0xed: {  	v13 =	vor.u32 $0x300, v0;
	v1 =	vld [tilespmem:$0x720];
	_ =	sdelay $0x4  }
0xee: {  	[tilespmem:v13+s11+$0x0] =	vst.idx.add.f32.msk $0xffff, v1  }
0xef: {  	v0 =	vor.u32 $0x380, v0;
	v1 =	vld [tilespmem:$0x7A0];
	_ =	sdelay $0x4  }
0xf0: {  	[tilespmem:v0+s11+$0x0] =	vst.idx.add.f32.msk $0xffff, v1  }
0xf1: {  	v0 =	vld [tilespmem:$0x10B0];
	_ =	sdelay $0x4  }
0xf2: {  	v14 =	vshll.u32 v0, $0x3  }
0xf3: {  	v0 =	vand.u32 $0x7F, v0;
	v1 =	vand.u32 $0xFFFFFC00, v14  }
0xf4: {  	v2 =	vld [tilespmem:$0x430];
	v0 =	vor.u32 v0, v1;
	_ =	sdelay $0x4  }
0xf5: {  	[tilespmem:v0+s11+$0x0] =	vst.idx.add.f32.msk $0xffff, v2  }
0xf6: {  	v16 =	vor.u32 $0x80, v0;
	v15 =	vld [tilespmem:$0x4B0];
	_ =	sdelay $0x4  }
0xf7: {  	[tilespmem:v16+s11+$0x0] =	vst.idx.add.f32.msk $0xffff, v15  }
0xf8: {  	v17 =	vor.u32 $0x100, v0;
	v1 =	vld [tilespmem:$0x530];
	_ =	sdelay $0x4  }
0xf9: {  	[tilespmem:v17+s11+$0x0] =	vst.idx.add.f32.msk $0xffff, v1  }
0xfa: {  	v18 =	vor.u32 $0x180, v0;
	v1 =	vld [tilespmem:$0x5B0];
	_ =	sdelay $0x4  }
0xfb: {  	[tilespmem:v18+s11+$0x0] =	vst.idx.add.f32.msk $0xffff, v1  }
0xfc: {  	v19 =	vor.u32 $0x200, v0;
	v1 =	vld [tilespmem:$0x630];
	_ =	sdelay $0x4  }
0xfd: {  	[tilespmem:v19+s11+$0x0] =	vst.idx.add.f32.msk $0xffff, v1  }
0xfe: {  	v20 =	vor.u32 $0x280, v0;
	v1 =	vld [tilespmem:$0x6B0];
	_ =	sdelay $0x4  }
0xff: {  	[tilespmem:v20+s11+$0x0] =	vst.idx.add.f32.msk $0xffff, v1  }
0x100: {  	v21 =	vor.u32 $0x300, v0;
	v1 =	vld [tilespmem:$0x730];
	_ =	sdelay $0x4  }
0x101: {  	[tilespmem:v21+s11+$0x0] =	vst.idx.add.f32.msk $0xffff, v1  }
0x102: {  	v0 =	vor.u32 $0x380, v0;
	v1 =	vld [tilespmem:$0x7B0];
	_ =	sdelay $0x4  }
0x103: {  	[tilespmem:v0+s11+$0x0] =	vst.idx.add.f32.msk $0xffff, v1  }
0x104: {  	v0 =	vld [tilespmem:$0x10C0];
	_ =	sdelay $0x4  }
0x105: {  	v22 =	vshll.u32 v0, $0x3  }
0x106: {  	v0 =	vand.u32 $0x7F, v0;
	v1 =	vand.u32 $0xFFFFFC00, v22  }
0x107: {  	v2 =	vld [tilespmem:$0x440];
	v0 =	vor.u32 v0, v1;
	_ =	sdelay $0x4  }
0x108: {  	[tilespmem:v0+s11+$0x0] =	vst.idx.add.f32.msk $0xffff, v2  }
0x109: {  	v24 =	vor.u32 $0x80, v0;
	v23 =	vld [tilespmem:$0x4C0];
	_ =	sdelay $0x4  }
0x10a: {  	[tilespmem:v24+s11+$0x0] =	vst.idx.add.f32.msk $0xffff, v23  }
0x10b: {  	v25 =	vor.u32 $0x100, v0;
	v1 =	vld [tilespmem:$0x540];
	_ =	sdelay $0x4  }
0x10c: {  	[tilespmem:v25+s11+$0x0] =	vst.idx.add.f32.msk $0xffff, v1  }
0x10d: {  	v26 =	vor.u32 $0x180, v0;
	v1 =	vld [tilespmem:$0x5C0];
	_ =	sdelay $0x4  }
0x10e: {  	[tilespmem:v26+s11+$0x0] =	vst.idx.add.f32.msk $0xffff, v1  }
0x10f: {  	v27 =	vor.u32 $0x200, v0;
	v1 =	vld [tilespmem:$0x640];
	_ =	sdelay $0x4  }
0x110: {  	[tilespmem:v27+s11+$0x0] =	vst.idx.add.f32.msk $0xffff, v1  }
0x111: {  	v28 =	vor.u32 $0x280, v0;
	v1 =	vld [tilespmem:$0x6C0];
	_ =	sdelay $0x4  }
0x112: {  	[tilespmem:v28+s11+$0x0] =	vst.idx.add.f32.msk $0xffff, v1  }
0x113: {  	v29 =	vor.u32 $0x300, v0;
	v1 =	vld [tilespmem:$0x740];
	_ =	sdelay $0x4  }
0x114: {  	[tilespmem:v29+s11+$0x0] =	vst.idx.add.f32.msk $0xffff, v1  }
0x115: {  	v0 =	vor.u32 $0x380, v0;
	v1 =	vld [tilespmem:$0x7C0];
	_ =	sdelay $0x4  }
0x116: {  	[tilespmem:v0+s11+$0x0] =	vst.idx.add.f32.msk $0xffff, v1  }
0x117: {  	v0 =	vld [tilespmem:$0x10D0];
	_ =	sdelay $0x4  }
0x118: {  	v30 =	vshll.u32 v0, $0x3  }
0x119: {  	v0 =	vand.u32 $0x7F, v0;
	v1 =	vand.u32 $0xFFFFFC00, v30  }
0x11a: {  	v2 =	vld [tilespmem:$0x450];
	v0 =	vor.u32 v0, v1;
	_ =	sdelay $0x4  }
0x11b: {  	[tilespmem:v0+s11+$0x0] =	vst.idx.add.f32.msk $0xffff, v2  }
0x11c: {  	v32 =	vor.u32 $0x80, v0;
	v31 =	vld [tilespmem:$0x4D0];
	_ =	sdelay $0x4  }
0x11d: {  	[tilespmem:v32+s11+$0x0] =	vst.idx.add.f32.msk $0xffff, v31  }
0x11e: {  	v33 =	vor.u32 $0x100, v0;
	v1 =	vld [tilespmem:$0x550];
	_ =	sdelay $0x4  }
0x11f: {  	[tilespmem:v33+s11+$0x0] =	vst.idx.add.f32.msk $0xffff, v1  }
0x120: {  	v34 =	vor.u32 $0x180, v0;
	v1 =	vld [tilespmem:$0x5D0];
	_ =	sdelay $0x4  }
0x121: {  	[tilespmem:v34+s11+$0x0] =	vst.idx.add.f32.msk $0xffff, v1  }
0x122: {  	v35 =	vor.u32 $0x200, v0;
	v1 =	vld [tilespmem:$0x650];
	_ =	sdelay $0x4  }
0x123: {  	[tilespmem:v35+s11+$0x0] =	vst.idx.add.f32.msk $0xffff, v1  }
0x124: {  	v36 =	vor.u32 $0x280, v0;
	v1 =	vld [tilespmem:$0x6D0];
	_ =	sdelay $0x4  }
0x125: {  	[tilespmem:v36+s11+$0x0] =	vst.idx.add.f32.msk $0xffff, v1  }
0x126: {  	v37 =	vor.u32 $0x300, v0;
	v1 =	vld [tilespmem:$0x750];
	_ =	sdelay $0x4  }
0x127: {  	[tilespmem:v37+s11+$0x0] =	vst.idx.add.f32.msk $0xffff, v1  }
0x128: {  	v0 =	vor.u32 $0x380, v0;
	v1 =	vld [tilespmem:$0x7D0];
	_ =	sdelay $0x4  }
0x129: {  	[tilespmem:v0+s11+$0x0] =	vst.idx.add.f32.msk $0xffff, v1  }
0x12a: {  	v0 =	vld [tilespmem:$0x10E0];
	_ =	sdelay $0x4  }
0x12b: {  	v38 =	vshll.u32 v0, $0x3  }
0x12c: {  	v0 =	vand.u32 $0x7F, v0;
	v1 =	vand.u32 $0xFFFFFC00, v38  }
0x12d: {  	v2 =	vld [tilespmem:$0x460];
	v0 =	vor.u32 v0, v1;
	_ =	sdelay $0x4  }
0x12e: {  	[tilespmem:v0+s11+$0x0] =	vst.idx.add.f32.msk $0xffff, v2  }
0x12f: {  	v40 =	vor.u32 $0x80, v0;
	v39 =	vld [tilespmem:$0x4E0];
	_ =	sdelay $0x4  }
0x130: {  	[tilespmem:v40+s11+$0x0] =	vst.idx.add.f32.msk $0xffff, v39  }
0x131: {  	v41 =	vor.u32 $0x100, v0;
	v1 =	vld [tilespmem:$0x560];
	_ =	sdelay $0x4  }
0x132: {  	[tilespmem:v41+s11+$0x0] =	vst.idx.add.f32.msk $0xffff, v1  }
0x133: {  	v42 =	vor.u32 $0x180, v0;
	v1 =	vld [tilespmem:$0x5E0];
	_ =	sdelay $0x4  }
0x134: {  	[tilespmem:v42+s11+$0x0] =	vst.idx.add.f32.msk $0xffff, v1  }
0x135: {  	v43 =	vor.u32 $0x200, v0;
	v1 =	vld [tilespmem:$0x660];
	_ =	sdelay $0x4  }
0x136: {  	[tilespmem:v43+s11+$0x0] =	vst.idx.add.f32.msk $0xffff, v1  }
0x137: {  	v44 =	vor.u32 $0x280, v0;
	v1 =	vld [tilespmem:$0x6E0];
	_ =	sdelay $0x4  }
0x138: {  	[tilespmem:v44+s11+$0x0] =	vst.idx.add.f32.msk $0xffff, v1  }
0x139: {  	v45 =	vor.u32 $0x300, v0;
	v1 =	vld [tilespmem:$0x760];
	_ =	sdelay $0x4  }
0x13a: {  	[tilespmem:v45+s11+$0x0] =	vst.idx.add.f32.msk $0xffff, v1  }
0x13b: {  	v0 =	vor.u32 $0x380, v0;
	v1 =	vld [tilespmem:$0x7E0];
	_ =	sdelay $0x4  }
0x13c: {  	[tilespmem:v0+s11+$0x0] =	vst.idx.add.f32.msk $0xffff, v1  }
0x13d: {  	v0 =	vld [tilespmem:$0x10F0];
	_ =	sdelay $0x4  }
0x13e: {  	v46 =	vshll.u32 v0, $0x3  }
0x13f: {  	v0 =	vand.u32 $0x7F, v0;
	v1 =	vand.u32 $0xFFFFFC00, v46  }
0x140: {  	v2 =	vld [tilespmem:$0x470];
	v0 =	vor.u32 v0, v1;
	_ =	sdelay $0x4  }
0x141: {  	[tilespmem:v0+s11+$0x0] =	vst.idx.add.f32.msk $0xffff, v2  }
0x142: {  	v48 =	vor.u32 $0x80, v0;
	v47 =	vld [tilespmem:$0x4F0];
	_ =	sdelay $0x4  }
0x143: {  	[tilespmem:v48+s11+$0x0] =	vst.idx.add.f32.msk $0xffff, v47  }
0x144: {  	v49 =	vor.u32 $0x100, v0;
	v1 =	vld [tilespmem:$0x570];
	_ =	sdelay $0x4  }
0x145: {  	[tilespmem:v49+s11+$0x0] =	vst.idx.add.f32.msk $0xffff, v1  }
0x146: {  	v50 =	vor.u32 $0x180, v0;
	v1 =	vld [tilespmem:$0x5F0];
	_ =	sdelay $0x4  }
0x147: {  	[tilespmem:v50+s11+$0x0] =	vst.idx.add.f32.msk $0xffff, v1  }
0x148: {  	v51 =	vor.u32 $0x200, v0;
	v1 =	vld [tilespmem:$0x670];
	_ =	sdelay $0x4  }
0x149: {  	[tilespmem:v51+s11+$0x0] =	vst.idx.add.f32.msk $0xffff, v1  }
0x14a: {  	v52 =	vor.u32 $0x280, v0;
	v1 =	vld [tilespmem:$0x6F0];
	_ =	sdelay $0x4  }
0x14b: {  	[tilespmem:v52+s11+$0x0] =	vst.idx.add.f32.msk $0xffff, v1  }
0x14c: {  	v53 =	vor.u32 $0x300, v0;
	v1 =	vld [tilespmem:$0x770];
	_ =	sdelay $0x4  }
0x14d: {  	[tilespmem:v53+s11+$0x0] =	vst.idx.add.f32.msk $0xffff, v1  }
0x14e: {  	v0 =	vor.u32 $0x380, v0;
	v1 =	vld [tilespmem:$0x7F0];
	_ =	sdelay $0x4  }
0x14f: {  	s30 =	sadd.s32 $0x20, s21;
	[tilespmem:v0+s11+$0x0] =	vst.idx.add.f32.msk $0xffff, v1  }
0x150: {  	[tilespmem:s13], [sflag:$0x3] =	stream.linear.gather [hbm4b:s30+s3], $0x100, $0x38;
	[tilespmem:$0x15200] =	vst v63  }
0x151: {  	s31 =	sadd.s32 s22, s10  }
0x152: {  	[tilespmem:s3], [sflag:$0x1] =	stream.linear.gather [hbm4b:s31+s3], $0x800, $0x38;
	[tilespmem:$0x15200] =	vst v63  }
0x153: {  	_ =	swait.ge [sflag:s18], $0x100  }
0x154: {  	[sflag:s18] =	ssyncset.done $0x0  }
0x155: {  	[sflag:s18] =	ssyncadd.s32 $0xFFFFFF00  }
0x156: {  	_ =	swait.ge [sflag:s19], $0x800  }
0x157: {  	[sflag:s19] =	ssyncset.done $0x0  }
0x158: {  	[sflag:s19] =	ssyncadd.s32 $0xFFFFF800  }
0x159: {  	v54 =	vld [tilespmem:$0x1100];
	_ =	sdelay $0x4  }
0x15a: {  	v55 =	vshll.u32 v54, $0x3  }
0x15b: {  	v0 =	vand.u32 $0x7F, v54;
	v1 =	vand.u32 $0xFFFFFC00, v55  }
0x15c: {  	v56 =	vld [tilespmem:$0x800];
	v0 =	vor.u32 v0, v1;
	_ =	sdelay $0x4  }
0x15d: {  	[tilespmem:v0+s11+$0x0] =	vst.idx.add.f32.msk $0xffff, v56  }
0x15e: {  	v58 =	vor.u32 $0x80, v0;
	v57 =	vld [tilespmem:$0x880];
	_ =	sdelay $0x4  }
0x15f: {  	[tilespmem:v58+s11+$0x0] =	vst.idx.add.f32.msk $0xffff, v57  }
0x160: {  	v59 =	vor.u32 $0x100, v0;
	v1 =	vld [tilespmem:$0x900];
	_ =	sdelay $0x4  }
0x161: {  	[tilespmem:v59+s11+$0x0] =	vst.idx.add.f32.msk $0xffff, v1  }
0x162: {  	v60 =	vor.u32 $0x180, v0;
	v1 =	vld [tilespmem:$0x980];
	_ =	sdelay $0x4  }
0x163: {  	[tilespmem:v60+s11+$0x0] =	vst.idx.add.f32.msk $0xffff, v1  }
0x164: {  	v61 =	vor.u32 $0x200, v0;
	v1 =	vld [tilespmem:$0xA00];
	_ =	sdelay $0x4  }
0x165: {  	[tilespmem:v61+s11+$0x0] =	vst.idx.add.f32.msk $0xffff, v1  }
0x166: {  	v62 =	vor.u32 $0x280, v0;
	v1 =	vld [tilespmem:$0xA80];
	_ =	sdelay $0x4  }
0x167: {  	[tilespmem:v62+s11+$0x0] =	vst.idx.add.f32.msk $0xffff, v1  }
0x168: {  	v63 =	vor.u32 $0x300, v0;
	v1 =	vld [tilespmem:$0xB00];
	_ =	sdelay $0x4  }
0x169: {  	[tilespmem:v63+s11+$0x0] =	vst.idx.add.f32.msk $0xffff, v1  }
0x16a: {  	v0 =	vor.u32 $0x380, v0;
	v1 =	vld [tilespmem:$0xB80];
	_ =	sdelay $0x4  }
0x16b: {  	[tilespmem:v0+s11+$0x0] =	vst.idx.add.f32.msk $0xffff, v1  }
0x16c: {  	v0 =	vld [tilespmem:$0x1110];
	_ =	sdelay $0x4  }
0x16d: {  	v4 =	vshll.u32 v0, $0x3  }
0x16e: {  	v0 =	vand.u32 $0x7F, v0;
	v1 =	vand.u32 $0xFFFFFC00, v4  }
0x16f: {  	v2 =	vld [tilespmem:$0x810];
	v0 =	vor.u32 v0, v1;
	_ =	sdelay $0x4  }
0x170: {  	[tilespmem:v0+s11+$0x0] =	vst.idx.add.f32.msk $0xffff, v2  }
0x171: {  	v6 =	vor.u32 $0x80, v0;
	v5 =	vld [tilespmem:$0x890];
	_ =	sdelay $0x4  }
0x172: {  	[tilespmem:v6+s11+$0x0] =	vst.idx.add.f32.msk $0xffff, v5  }
0x173: {  	v7 =	vor.u32 $0x100, v0;
	v1 =	vld [tilespmem:$0x910];
	_ =	sdelay $0x4  }
0x174: {  	[tilespmem:v7+s11+$0x0] =	vst.idx.add.f32.msk $0xffff, v1  }
0x175: {  	v8 =	vor.u32 $0x180, v0;
	v1 =	vld [tilespmem:$0x990];
	_ =	sdelay $0x4  }
0x176: {  	[tilespmem:v8+s11+$0x0] =	vst.idx.add.f32.msk $0xffff, v1  }
0x177: {  	v9 =	vor.u32 $0x200, v0;
	v1 =	vld [tilespmem:$0xA10];
	_ =	sdelay $0x4  }
0x178: {  	[tilespmem:v9+s11+$0x0] =	vst.idx.add.f32.msk $0xffff, v1  }
0x179: {  	v10 =	vor.u32 $0x280, v0;
	v1 =	vld [tilespmem:$0xA90];
	_ =	sdelay $0x4  }
0x17a: {  	[tilespmem:v10+s11+$0x0] =	vst.idx.add.f32.msk $0xffff, v1  }
0x17b: {  	v11 =	vor.u32 $0x300, v0;
	v1 =	vld [tilespmem:$0xB10];
	_ =	sdelay $0x4  }
0x17c: {  	[tilespmem:v11+s11+$0x0] =	vst.idx.add.f32.msk $0xffff, v1  }
0x17d: {  	v0 =	vor.u32 $0x380, v0;
	v1 =	vld [tilespmem:$0xB90];
	_ =	sdelay $0x4  }
0x17e: {  	[tilespmem:v0+s11+$0x0] =	vst.idx.add.f32.msk $0xffff, v1  }
0x17f: {  	v0 =	vld [tilespmem:$0x1120];
	_ =	sdelay $0x4  }
0x180: {  	v12 =	vshll.u32 v0, $0x3  }
0x181: {  	v0 =	vand.u32 $0x7F, v0;
	v1 =	vand.u32 $0xFFFFFC00, v12  }
0x182: {  	v2 =	vld [tilespmem:$0x820];
	v0 =	vor.u32 v0, v1;
	_ =	sdelay $0x4  }
0x183: {  	[tilespmem:v0+s11+$0x0] =	vst.idx.add.f32.msk $0xffff, v2  }
0x184: {  	v14 =	vor.u32 $0x80, v0;
	v13 =	vld [tilespmem:$0x8A0];
	_ =	sdelay $0x4  }
0x185: {  	[tilespmem:v14+s11+$0x0] =	vst.idx.add.f32.msk $0xffff, v13  }
0x186: {  	v15 =	vor.u32 $0x100, v0;
	v1 =	vld [tilespmem:$0x920];
	_ =	sdelay $0x4  }
0x187: {  	[tilespmem:v15+s11+$0x0] =	vst.idx.add.f32.msk $0xffff, v1  }
0x188: {  	v16 =	vor.u32 $0x180, v0;
	v1 =	vld [tilespmem:$0x9A0];
	_ =	sdelay $0x4  }
0x189: {  	[tilespmem:v16+s11+$0x0] =	vst.idx.add.f32.msk $0xffff, v1  }
0x18a: {  	v17 =	vor.u32 $0x200, v0;
	v1 =	vld [tilespmem:$0xA20];
	_ =	sdelay $0x4  }
0x18b: {  	[tilespmem:v17+s11+$0x0] =	vst.idx.add.f32.msk $0xffff, v1  }
0x18c: {  	v18 =	vor.u32 $0x280, v0;
	v1 =	vld [tilespmem:$0xAA0];
	_ =	sdelay $0x4  }
0x18d: {  	[tilespmem:v18+s11+$0x0] =	vst.idx.add.f32.msk $0xffff, v1  }
0x18e: {  	v19 =	vor.u32 $0x300, v0;
	v1 =	vld [tilespmem:$0xB20];
	_ =	sdelay $0x4  }
0x18f: {  	[tilespmem:v19+s11+$0x0] =	vst.idx.add.f32.msk $0xffff, v1  }
0x190: {  	v0 =	vor.u32 $0x380, v0;
	v1 =	vld [tilespmem:$0xBA0];
	_ =	sdelay $0x4  }
0x191: {  	[tilespmem:v0+s11+$0x0] =	vst.idx.add.f32.msk $0xffff, v1  }
0x192: {  	v0 =	vld [tilespmem:$0x1130];
	_ =	sdelay $0x4  }
0x193: {  	v20 =	vshll.u32 v0, $0x3  }
0x194: {  	v0 =	vand.u32 $0x7F, v0;
	v1 =	vand.u32 $0xFFFFFC00, v20  }
0x195: {  	v2 =	vld [tilespmem:$0x830];
	v0 =	vor.u32 v0, v1;
	_ =	sdelay $0x4  }
0x196: {  	[tilespmem:v0+s11+$0x0] =	vst.idx.add.f32.msk $0xffff, v2  }
0x197: {  	v22 =	vor.u32 $0x80, v0;
	v21 =	vld [tilespmem:$0x8B0];
	_ =	sdelay $0x4  }
0x198: {  	[tilespmem:v22+s11+$0x0] =	vst.idx.add.f32.msk $0xffff, v21  }
0x199: {  	v23 =	vor.u32 $0x100, v0;
	v1 =	vld [tilespmem:$0x930];
	_ =	sdelay $0x4  }
0x19a: {  	[tilespmem:v23+s11+$0x0] =	vst.idx.add.f32.msk $0xffff, v1  }
0x19b: {  	v24 =	vor.u32 $0x180, v0;
	v1 =	vld [tilespmem:$0x9B0];
	_ =	sdelay $0x4  }
0x19c: {  	[tilespmem:v24+s11+$0x0] =	vst.idx.add.f32.msk $0xffff, v1  }
0x19d: {  	v25 =	vor.u32 $0x200, v0;
	v1 =	vld [tilespmem:$0xA30];
	_ =	sdelay $0x4  }
0x19e: {  	[tilespmem:v25+s11+$0x0] =	vst.idx.add.f32.msk $0xffff, v1  }
0x19f: {  	v26 =	vor.u32 $0x280, v0;
	v1 =	vld [tilespmem:$0xAB0];
	_ =	sdelay $0x4  }
0x1a0: {  	[tilespmem:v26+s11+$0x0] =	vst.idx.add.f32.msk $0xffff, v1  }
0x1a1: {  	v27 =	vor.u32 $0x300, v0;
	v1 =	vld [tilespmem:$0xB30];
	_ =	sdelay $0x4  }
0x1a2: {  	[tilespmem:v27+s11+$0x0] =	vst.idx.add.f32.msk $0xffff, v1  }
0x1a3: {  	v0 =	vor.u32 $0x380, v0;
	v1 =	vld [tilespmem:$0xBB0];
	_ =	sdelay $0x4  }
0x1a4: {  	[tilespmem:v0+s11+$0x0] =	vst.idx.add.f32.msk $0xffff, v1  }
0x1a5: {  	v0 =	vld [tilespmem:$0x1140];
	_ =	sdelay $0x4  }
0x1a6: {  	v28 =	vshll.u32 v0, $0x3  }
0x1a7: {  	v0 =	vand.u32 $0x7F, v0;
	v1 =	vand.u32 $0xFFFFFC00, v28  }
0x1a8: {  	v2 =	vld [tilespmem:$0x840];
	v0 =	vor.u32 v0, v1;
	_ =	sdelay $0x4  }
0x1a9: {  	[tilespmem:v0+s11+$0x0] =	vst.idx.add.f32.msk $0xffff, v2  }
0x1aa: {  	v30 =	vor.u32 $0x80, v0;
	v29 =	vld [tilespmem:$0x8C0];
	_ =	sdelay $0x4  }
0x1ab: {  	[tilespmem:v30+s11+$0x0] =	vst.idx.add.f32.msk $0xffff, v29  }
0x1ac: {  	v31 =	vor.u32 $0x100, v0;
	v1 =	vld [tilespmem:$0x940];
	_ =	sdelay $0x4  }
0x1ad: {  	[tilespmem:v31+s11+$0x0] =	vst.idx.add.f32.msk $0xffff, v1  }
0x1ae: {  	v32 =	vor.u32 $0x180, v0;
	v1 =	vld [tilespmem:$0x9C0];
	_ =	sdelay $0x4  }
0x1af: {  	[tilespmem:v32+s11+$0x0] =	vst.idx.add.f32.msk $0xffff, v1  }
0x1b0: {  	v33 =	vor.u32 $0x200, v0;
	v1 =	vld [tilespmem:$0xA40];
	_ =	sdelay $0x4  }
0x1b1: {  	[tilespmem:v33+s11+$0x0] =	vst.idx.add.f32.msk $0xffff, v1  }
0x1b2: {  	v34 =	vor.u32 $0x280, v0;
	v1 =	vld [tilespmem:$0xAC0];
	_ =	sdelay $0x4  }
0x1b3: {  	[tilespmem:v34+s11+$0x0] =	vst.idx.add.f32.msk $0xffff, v1  }
0x1b4: {  	v35 =	vor.u32 $0x300, v0;
	v1 =	vld [tilespmem:$0xB40];
	_ =	sdelay $0x4  }
0x1b5: {  	[tilespmem:v35+s11+$0x0] =	vst.idx.add.f32.msk $0xffff, v1  }
0x1b6: {  	v0 =	vor.u32 $0x380, v0;
	v1 =	vld [tilespmem:$0xBC0];
	_ =	sdelay $0x4  }
0x1b7: {  	[tilespmem:v0+s11+$0x0] =	vst.idx.add.f32.msk $0xffff, v1  }
0x1b8: {  	v0 =	vld [tilespmem:$0x1150];
	_ =	sdelay $0x4  }
0x1b9: {  	v36 =	vshll.u32 v0, $0x3  }
0x1ba: {  	v0 =	vand.u32 $0x7F, v0;
	v1 =	vand.u32 $0xFFFFFC00, v36  }
0x1bb: {  	v2 =	vld [tilespmem:$0x850];
	v0 =	vor.u32 v0, v1;
	_ =	sdelay $0x4  }
0x1bc: {  	[tilespmem:v0+s11+$0x0] =	vst.idx.add.f32.msk $0xffff, v2  }
0x1bd: {  	v38 =	vor.u32 $0x80, v0;
	v37 =	vld [tilespmem:$0x8D0];
	_ =	sdelay $0x4  }
0x1be: {  	[tilespmem:v38+s11+$0x0] =	vst.idx.add.f32.msk $0xffff, v37  }
0x1bf: {  	v39 =	vor.u32 $0x100, v0;
	v1 =	vld [tilespmem:$0x950];
	_ =	sdelay $0x4  }
0x1c0: {  	[tilespmem:v39+s11+$0x0] =	vst.idx.add.f32.msk $0xffff, v1  }
0x1c1: {  	v40 =	vor.u32 $0x180, v0;
	v1 =	vld [tilespmem:$0x9D0];
	_ =	sdelay $0x4  }
0x1c2: {  	[tilespmem:v40+s11+$0x0] =	vst.idx.add.f32.msk $0xffff, v1  }
0x1c3: {  	v41 =	vor.u32 $0x200, v0;
	v1 =	vld [tilespmem:$0xA50];
	_ =	sdelay $0x4  }
0x1c4: {  	[tilespmem:v41+s11+$0x0] =	vst.idx.add.f32.msk $0xffff, v1  }
0x1c5: {  	v42 =	vor.u32 $0x280, v0;
	v1 =	vld [tilespmem:$0xAD0];
	_ =	sdelay $0x4  }
0x1c6: {  	[tilespmem:v42+s11+$0x0] =	vst.idx.add.f32.msk $0xffff, v1  }
0x1c7: {  	v43 =	vor.u32 $0x300, v0;
	v1 =	vld [tilespmem:$0xB50];
	_ =	sdelay $0x4  }
0x1c8: {  	[tilespmem:v43+s11+$0x0] =	vst.idx.add.f32.msk $0xffff, v1  }
0x1c9: {  	v0 =	vor.u32 $0x380, v0;
	v1 =	vld [tilespmem:$0xBD0];
	_ =	sdelay $0x4  }
0x1ca: {  	[tilespmem:v0+s11+$0x0] =	vst.idx.add.f32.msk $0xffff, v1  }
0x1cb: {  	v0 =	vld [tilespmem:$0x1160];
	_ =	sdelay $0x4  }
0x1cc: {  	v44 =	vshll.u32 v0, $0x3  }
0x1cd: {  	v0 =	vand.u32 $0x7F, v0;
	v1 =	vand.u32 $0xFFFFFC00, v44  }
0x1ce: {  	v2 =	vld [tilespmem:$0x860];
	v0 =	vor.u32 v0, v1;
	_ =	sdelay $0x4  }
0x1cf: {  	[tilespmem:v0+s11+$0x0] =	vst.idx.add.f32.msk $0xffff, v2  }
0x1d0: {  	v46 =	vor.u32 $0x80, v0;
	v45 =	vld [tilespmem:$0x8E0];
	_ =	sdelay $0x4  }
0x1d1: {  	[tilespmem:v46+s11+$0x0] =	vst.idx.add.f32.msk $0xffff, v45  }
0x1d2: {  	v47 =	vor.u32 $0x100, v0;
	v1 =	vld [tilespmem:$0x960];
	_ =	sdelay $0x4  }
0x1d3: {  	[tilespmem:v47+s11+$0x0] =	vst.idx.add.f32.msk $0xffff, v1  }
0x1d4: {  	v48 =	vor.u32 $0x180, v0;
	v1 =	vld [tilespmem:$0x9E0];
	_ =	sdelay $0x4  }
0x1d5: {  	[tilespmem:v48+s11+$0x0] =	vst.idx.add.f32.msk $0xffff, v1  }
0x1d6: {  	v49 =	vor.u32 $0x200, v0;
	v1 =	vld [tilespmem:$0xA60];
	_ =	sdelay $0x4  }
0x1d7: {  	[tilespmem:v49+s11+$0x0] =	vst.idx.add.f32.msk $0xffff, v1  }
0x1d8: {  	v50 =	vor.u32 $0x280, v0;
	v1 =	vld [tilespmem:$0xAE0];
	_ =	sdelay $0x4  }
0x1d9: {  	[tilespmem:v50+s11+$0x0] =	vst.idx.add.f32.msk $0xffff, v1  }
0x1da: {  	v51 =	vor.u32 $0x300, v0;
	v1 =	vld [tilespmem:$0xB60];
	_ =	sdelay $0x4  }
0x1db: {  	[tilespmem:v51+s11+$0x0] =	vst.idx.add.f32.msk $0xffff, v1  }
0x1dc: {  	v0 =	vor.u32 $0x380, v0;
	v1 =	vld [tilespmem:$0xBE0];
	_ =	sdelay $0x4  }
0x1dd: {  	[tilespmem:v0+s11+$0x0] =	vst.idx.add.f32.msk $0xffff, v1  }
0x1de: {  	v0 =	vld [tilespmem:$0x1170];
	_ =	sdelay $0x4  }
0x1df: {  	v52 =	vshll.u32 v0, $0x3  }
0x1e0: {  	v0 =	vand.u32 $0x7F, v0;
	v1 =	vand.u32 $0xFFFFFC00, v52  }
0x1e1: {  	v2 =	vld [tilespmem:$0x870];
	v0 =	vor.u32 v0, v1;
	_ =	sdelay $0x4  }
0x1e2: {  	[tilespmem:v0+s11+$0x0] =	vst.idx.add.f32.msk $0xffff, v2  }
0x1e3: {  	v54 =	vor.u32 $0x80, v0;
	v53 =	vld [tilespmem:$0x8F0];
	_ =	sdelay $0x4  }
0x1e4: {  	[tilespmem:v54+s11+$0x0] =	vst.idx.add.f32.msk $0xffff, v53  }
0x1e5: {  	v55 =	vor.u32 $0x100, v0;
	v1 =	vld [tilespmem:$0x970];
	_ =	sdelay $0x4  }
0x1e6: {  	[tilespmem:v55+s11+$0x0] =	vst.idx.add.f32.msk $0xffff, v1  }
0x1e7: {  	v56 =	vor.u32 $0x180, v0;
	v1 =	vld [tilespmem:$0x9F0];
	_ =	sdelay $0x4  }
0x1e8: {  	[tilespmem:v56+s11+$0x0] =	vst.idx.add.f32.msk $0xffff, v1  }
0x1e9: {  	v57 =	vor.u32 $0x200, v0;
	v1 =	vld [tilespmem:$0xA70];
	_ =	sdelay $0x4  }
0x1ea: {  	[tilespmem:v57+s11+$0x0] =	vst.idx.add.f32.msk $0xffff, v1  }
0x1eb: {  	v58 =	vor.u32 $0x280, v0;
	v1 =	vld [tilespmem:$0xAF0];
	_ =	sdelay $0x4  }
0x1ec: {  	[tilespmem:v58+s11+$0x0] =	vst.idx.add.f32.msk $0xffff, v1  }
0x1ed: {  	v59 =	vor.u32 $0x300, v0;
	v1 =	vld [tilespmem:$0xB70];
	_ =	sdelay $0x4  }
0x1ee: {  	[tilespmem:v59+s11+$0x0] =	vst.idx.add.f32.msk $0xffff, v1  }
0x1ef: {  	v0 =	vor.u32 $0x380, v0;
	v1 =	vld [tilespmem:$0xBF0];
	_ =	sdelay $0x4  }
0x1f0: {  	[tilespmem:v0+s11+$0x0] =	vst.idx.add.f32.msk $0xffff, v1  }
0x1f1: {  	v0 =	vld [tilespmem:$0x1180];
	_ =	sdelay $0x4  }
0x1f2: {  	v60 =	vshll.u32 v0, $0x3  }
0x1f3: {  	v0 =	vand.u32 $0x7F, v0;
	v1 =	vand.u32 $0xFFFFFC00, v60  }
0x1f4: {  	v2 =	vld [tilespmem:$0xC00];
	v0 =	vor.u32 v0, v1;
	_ =	sdelay $0x4  }
0x1f5: {  	[tilespmem:v0+s11+$0x0] =	vst.idx.add.f32.msk $0xffff, v2  }
0x1f6: {  	v62 =	vor.u32 $0x80, v0;
	v61 =	vld [tilespmem:$0xC80];
	_ =	sdelay $0x4  }
0x1f7: {  	[tilespmem:v62+s11+$0x0] =	vst.idx.add.f32.msk $0xffff, v61  }
0x1f8: {  	v63 =	vor.u32 $0x100, v0;
	v1 =	vld [tilespmem:$0xD00];
	_ =	sdelay $0x4  }
0x1f9: {  	[tilespmem:v63+s11+$0x0] =	vst.idx.add.f32.msk $0xffff, v1  }
0x1fa: {  	v4 =	vor.u32 $0x180, v0;
	v1 =	vld [tilespmem:$0xD80];
	_ =	sdelay $0x4  }
0x1fb: {  	[tilespmem:v4+s11+$0x0] =	vst.idx.add.f32.msk $0xffff, v1  }
0x1fc: {  	v5 =	vor.u32 $0x200, v0;
	v1 =	vld [tilespmem:$0xE00];
	_ =	sdelay $0x4  }
0x1fd: {  	[tilespmem:v5+s11+$0x0] =	vst.idx.add.f32.msk $0xffff, v1  }
0x1fe: {  	v6 =	vor.u32 $0x280, v0;
	v1 =	vld [tilespmem:$0xE80];
	_ =	sdelay $0x4  }
0x1ff: {  	[tilespmem:v6+s11+$0x0] =	vst.idx.add.f32.msk $0xffff, v1  }
0x200: {  	v7 =	vor.u32 $0x300, v0;
	v1 =	vld [tilespmem:$0xF00];
	_ =	sdelay $0x4  }
0x201: {  	[tilespmem:v7+s11+$0x0] =	vst.idx.add.f32.msk $0xffff, v1  }
0x202: {  	v0 =	vor.u32 $0x380, v0;
	v1 =	vld [tilespmem:$0xF80];
	_ =	sdelay $0x4  }
0x203: {  	[tilespmem:v0+s11+$0x0] =	vst.idx.add.f32.msk $0xffff, v1  }
0x204: {  	v0 =	vld [tilespmem:$0x1190];
	_ =	sdelay $0x4  }
0x205: {  	v8 =	vshll.u32 v0, $0x3  }
0x206: {  	v0 =	vand.u32 $0x7F, v0;
	v1 =	vand.u32 $0xFFFFFC00, v8  }
0x207: {  	v2 =	vld [tilespmem:$0xC10];
	v0 =	vor.u32 v0, v1;
	_ =	sdelay $0x4  }
0x208: {  	[tilespmem:v0+s11+$0x0] =	vst.idx.add.f32.msk $0xffff, v2  }
0x209: {  	v10 =	vor.u32 $0x80, v0;
	v9 =	vld [tilespmem:$0xC90];
	_ =	sdelay $0x4  }
0x20a: {  	[tilespmem:v10+s11+$0x0] =	vst.idx.add.f32.msk $0xffff, v9  }
0x20b: {  	v11 =	vor.u32 $0x100, v0;
	v1 =	vld [tilespmem:$0xD10];
	_ =	sdelay $0x4  }
0x20c: {  	[tilespmem:v11+s11+$0x0] =	vst.idx.add.f32.msk $0xffff, v1  }
0x20d: {  	v12 =	vor.u32 $0x180, v0;
	v1 =	vld [tilespmem:$0xD90];
	_ =	sdelay $0x4  }
0x20e: {  	[tilespmem:v12+s11+$0x0] =	vst.idx.add.f32.msk $0xffff, v1  }
0x20f: {  	v13 =	vor.u32 $0x200, v0;
	v1 =	vld [tilespmem:$0xE10];
	_ =	sdelay $0x4  }
0x210: {  	[tilespmem:v13+s11+$0x0] =	vst.idx.add.f32.msk $0xffff, v1  }
0x211: {  	v14 =	vor.u32 $0x280, v0;
	v1 =	vld [tilespmem:$0xE90];
	_ =	sdelay $0x4  }
0x212: {  	[tilespmem:v14+s11+$0x0] =	vst.idx.add.f32.msk $0xffff, v1  }
0x213: {  	v15 =	vor.u32 $0x300, v0;
	v1 =	vld [tilespmem:$0xF10];
	_ =	sdelay $0x4  }
0x214: {  	[tilespmem:v15+s11+$0x0] =	vst.idx.add.f32.msk $0xffff, v1  }
0x215: {  	v0 =	vor.u32 $0x380, v0;
	v1 =	vld [tilespmem:$0xF90];
	_ =	sdelay $0x4  }
0x216: {  	[tilespmem:v0+s11+$0x0] =	vst.idx.add.f32.msk $0xffff, v1  }
0x217: {  	v0 =	vld [tilespmem:$0x11A0];
	_ =	sdelay $0x4  }
0x218: {  	v16 =	vshll.u32 v0, $0x3  }
0x219: {  	v0 =	vand.u32 $0x7F, v0;
	v1 =	vand.u32 $0xFFFFFC00, v16  }
0x21a: {  	v2 =	vld [tilespmem:$0xC20];
	v0 =	vor.u32 v0, v1;
	_ =	sdelay $0x4  }
0x21b: {  	[tilespmem:v0+s11+$0x0] =	vst.idx.add.f32.msk $0xffff, v2  }
0x21c: {  	v18 =	vor.u32 $0x80, v0;
	v17 =	vld [tilespmem:$0xCA0];
	_ =	sdelay $0x4  }
0x21d: {  	[tilespmem:v18+s11+$0x0] =	vst.idx.add.f32.msk $0xffff, v17  }
0x21e: {  	v19 =	vor.u32 $0x100, v0;
	v1 =	vld [tilespmem:$0xD20];
	_ =	sdelay $0x4  }
0x21f: {  	[tilespmem:v19+s11+$0x0] =	vst.idx.add.f32.msk $0xffff, v1  }
0x220: {  	v20 =	vor.u32 $0x180, v0;
	v1 =	vld [tilespmem:$0xDA0];
	_ =	sdelay $0x4  }
0x221: {  	[tilespmem:v20+s11+$0x0] =	vst.idx.add.f32.msk $0xffff, v1  }
0x222: {  	v21 =	vor.u32 $0x200, v0;
	v1 =	vld [tilespmem:$0xE20];
	_ =	sdelay $0x4  }
0x223: {  	[tilespmem:v21+s11+$0x0] =	vst.idx.add.f32.msk $0xffff, v1  }
0x224: {  	v22 =	vor.u32 $0x280, v0;
	v1 =	vld [tilespmem:$0xEA0];
	_ =	sdelay $0x4  }
0x225: {  	[tilespmem:v22+s11+$0x0] =	vst.idx.add.f32.msk $0xffff, v1  }
0x226: {  	v23 =	vor.u32 $0x300, v0;
	v1 =	vld [tilespmem:$0xF20];
	_ =	sdelay $0x4  }
0x227: {  	[tilespmem:v23+s11+$0x0] =	vst.idx.add.f32.msk $0xffff, v1  }
0x228: {  	v0 =	vor.u32 $0x380, v0;
	v1 =	vld [tilespmem:$0xFA0];
	_ =	sdelay $0x4  }
0x229: {  	[tilespmem:v0+s11+$0x0] =	vst.idx.add.f32.msk $0xffff, v1  }
0x22a: {  	v0 =	vld [tilespmem:$0x11B0];
	_ =	sdelay $0x4  }
0x22b: {  	v24 =	vshll.u32 v0, $0x3  }
0x22c: {  	v0 =	vand.u32 $0x7F, v0;
	v1 =	vand.u32 $0xFFFFFC00, v24  }
0x22d: {  	v2 =	vld [tilespmem:$0xC30];
	v0 =	vor.u32 v0, v1;
	_ =	sdelay $0x4  }
0x22e: {  	[tilespmem:v0+s11+$0x0] =	vst.idx.add.f32.msk $0xffff, v2  }
0x22f: {  	v26 =	vor.u32 $0x80, v0;
	v25 =	vld [tilespmem:$0xCB0];
	_ =	sdelay $0x4  }
0x230: {  	[tilespmem:v26+s11+$0x0] =	vst.idx.add.f32.msk $0xffff, v25  }
0x231: {  	v27 =	vor.u32 $0x100, v0;
	v1 =	vld [tilespmem:$0xD30];
	_ =	sdelay $0x4  }
0x232: {  	[tilespmem:v27+s11+$0x0] =	vst.idx.add.f32.msk $0xffff, v1  }
0x233: {  	v28 =	vor.u32 $0x180, v0;
	v1 =	vld [tilespmem:$0xDB0];
	_ =	sdelay $0x4  }
0x234: {  	[tilespmem:v28+s11+$0x0] =	vst.idx.add.f32.msk $0xffff, v1  }
0x235: {  	v29 =	vor.u32 $0x200, v0;
	v1 =	vld [tilespmem:$0xE30];
	_ =	sdelay $0x4  }
0x236: {  	[tilespmem:v29+s11+$0x0] =	vst.idx.add.f32.msk $0xffff, v1  }
0x237: {  	v30 =	vor.u32 $0x280, v0;
	v1 =	vld [tilespmem:$0xEB0];
	_ =	sdelay $0x4  }
0x238: {  	[tilespmem:v30+s11+$0x0] =	vst.idx.add.f32.msk $0xffff, v1  }
0x239: {  	v31 =	vor.u32 $0x300, v0;
	v1 =	vld [tilespmem:$0xF30];
	_ =	sdelay $0x4  }
0x23a: {  	[tilespmem:v31+s11+$0x0] =	vst.idx.add.f32.msk $0xffff, v1  }
0x23b: {  	v0 =	vor.u32 $0x380, v0;
	v1 =	vld [tilespmem:$0xFB0];
	_ =	sdelay $0x4  }
0x23c: {  	[tilespmem:v0+s11+$0x0] =	vst.idx.add.f32.msk $0xffff, v1  }
0x23d: {  	v0 =	vld [tilespmem:$0x11C0];
	_ =	sdelay $0x4  }
0x23e: {  	v32 =	vshll.u32 v0, $0x3  }
0x23f: {  	v0 =	vand.u32 $0x7F, v0;
	v1 =	vand.u32 $0xFFFFFC00, v32  }
0x240: {  	v2 =	vld [tilespmem:$0xC40];
	v0 =	vor.u32 v0, v1;
	_ =	sdelay $0x4  }
0x241: {  	[tilespmem:v0+s11+$0x0] =	vst.idx.add.f32.msk $0xffff, v2  }
0x242: {  	v34 =	vor.u32 $0x80, v0;
	v33 =	vld [tilespmem:$0xCC0];
	_ =	sdelay $0x4  }
0x243: {  	[tilespmem:v34+s11+$0x0] =	vst.idx.add.f32.msk $0xffff, v33  }
0x244: {  	v35 =	vor.u32 $0x100, v0;
	v1 =	vld [tilespmem:$0xD40];
	_ =	sdelay $0x4  }
0x245: {  	[tilespmem:v35+s11+$0x0] =	vst.idx.add.f32.msk $0xffff, v1  }
0x246: {  	v36 =	vor.u32 $0x180, v0;
	v1 =	vld [tilespmem:$0xDC0];
	_ =	sdelay $0x4  }
0x247: {  	[tilespmem:v36+s11+$0x0] =	vst.idx.add.f32.msk $0xffff, v1  }
0x248: {  	v37 =	vor.u32 $0x200, v0;
	v1 =	vld [tilespmem:$0xE40];
	_ =	sdelay $0x4  }
0x249: {  	[tilespmem:v37+s11+$0x0] =	vst.idx.add.f32.msk $0xffff, v1  }
0x24a: {  	v38 =	vor.u32 $0x280, v0;
	v1 =	vld [tilespmem:$0xEC0];
	_ =	sdelay $0x4  }
0x24b: {  	[tilespmem:v38+s11+$0x0] =	vst.idx.add.f32.msk $0xffff, v1  }
0x24c: {  	v39 =	vor.u32 $0x300, v0;
	v1 =	vld [tilespmem:$0xF40];
	_ =	sdelay $0x4  }
0x24d: {  	[tilespmem:v39+s11+$0x0] =	vst.idx.add.f32.msk $0xffff, v1  }
0x24e: {  	v0 =	vor.u32 $0x380, v0;
	v1 =	vld [tilespmem:$0xFC0];
	_ =	sdelay $0x4  }
0x24f: {  	[tilespmem:v0+s11+$0x0] =	vst.idx.add.f32.msk $0xffff, v1  }
0x250: {  	v0 =	vld [tilespmem:$0x11D0];
	_ =	sdelay $0x4  }
0x251: {  	v40 =	vshll.u32 v0, $0x3  }
0x252: {  	v0 =	vand.u32 $0x7F, v0;
	v1 =	vand.u32 $0xFFFFFC00, v40  }
0x253: {  	v2 =	vld [tilespmem:$0xC50];
	v0 =	vor.u32 v0, v1;
	_ =	sdelay $0x4  }
0x254: {  	[tilespmem:v0+s11+$0x0] =	vst.idx.add.f32.msk $0xffff, v2  }
0x255: {  	v42 =	vor.u32 $0x80, v0;
	v41 =	vld [tilespmem:$0xCD0];
	_ =	sdelay $0x4  }
0x256: {  	[tilespmem:v42+s11+$0x0] =	vst.idx.add.f32.msk $0xffff, v41  }
0x257: {  	v43 =	vor.u32 $0x100, v0;
	v1 =	vld [tilespmem:$0xD50];
	_ =	sdelay $0x4  }
0x258: {  	[tilespmem:v43+s11+$0x0] =	vst.idx.add.f32.msk $0xffff, v1  }
0x259: {  	v44 =	vor.u32 $0x180, v0;
	v1 =	vld [tilespmem:$0xDD0];
	_ =	sdelay $0x4  }
0x25a: {  	[tilespmem:v44+s11+$0x0] =	vst.idx.add.f32.msk $0xffff, v1  }
0x25b: {  	v45 =	vor.u32 $0x200, v0;
	v1 =	vld [tilespmem:$0xE50];
	_ =	sdelay $0x4  }
0x25c: {  	[tilespmem:v45+s11+$0x0] =	vst.idx.add.f32.msk $0xffff, v1  }
0x25d: {  	v46 =	vor.u32 $0x280, v0;
	v1 =	vld [tilespmem:$0xED0];
	_ =	sdelay $0x4  }
0x25e: {  	[tilespmem:v46+s11+$0x0] =	vst.idx.add.f32.msk $0xffff, v1  }
0x25f: {  	v47 =	vor.u32 $0x300, v0;
	v1 =	vld [tilespmem:$0xF50];
	_ =	sdelay $0x4  }
0x260: {  	[tilespmem:v47+s11+$0x0] =	vst.idx.add.f32.msk $0xffff, v1  }
0x261: {  	v0 =	vor.u32 $0x380, v0;
	v1 =	vld [tilespmem:$0xFD0];
	_ =	sdelay $0x4  }
0x262: {  	[tilespmem:v0+s11+$0x0] =	vst.idx.add.f32.msk $0xffff, v1  }
0x263: {  	v0 =	vld [tilespmem:$0x11E0];
	_ =	sdelay $0x4  }
0x264: {  	v48 =	vshll.u32 v0, $0x3  }
0x265: {  	v0 =	vand.u32 $0x7F, v0;
	v1 =	vand.u32 $0xFFFFFC00, v48  }
0x266: {  	v2 =	vld [tilespmem:$0xC60];
	v0 =	vor.u32 v0, v1;
	_ =	sdelay $0x4  }
0x267: {  	[tilespmem:v0+s11+$0x0] =	vst.idx.add.f32.msk $0xffff, v2  }
0x268: {  	v50 =	vor.u32 $0x80, v0;
	v49 =	vld [tilespmem:$0xCE0];
	_ =	sdelay $0x4  }
0x269: {  	[tilespmem:v50+s11+$0x0] =	vst.idx.add.f32.msk $0xffff, v49  }
0x26a: {  	v51 =	vor.u32 $0x100, v0;
	v1 =	vld [tilespmem:$0xD60];
	_ =	sdelay $0x4  }
0x26b: {  	[tilespmem:v51+s11+$0x0] =	vst.idx.add.f32.msk $0xffff, v1  }
0x26c: {  	v52 =	vor.u32 $0x180, v0;
	v1 =	vld [tilespmem:$0xDE0];
	_ =	sdelay $0x4  }
0x26d: {  	[tilespmem:v52+s11+$0x0] =	vst.idx.add.f32.msk $0xffff, v1  }
0x26e: {  	v53 =	vor.u32 $0x200, v0;
	v1 =	vld [tilespmem:$0xE60];
	_ =	sdelay $0x4  }
0x26f: {  	[tilespmem:v53+s11+$0x0] =	vst.idx.add.f32.msk $0xffff, v1  }
0x270: {  	v54 =	vor.u32 $0x280, v0;
	v1 =	vld [tilespmem:$0xEE0];
	_ =	sdelay $0x4  }
0x271: {  	[tilespmem:v54+s11+$0x0] =	vst.idx.add.f32.msk $0xffff, v1  }
0x272: {  	v55 =	vor.u32 $0x300, v0;
	v1 =	vld [tilespmem:$0xF60];
	_ =	sdelay $0x4  }
0x273: {  	[tilespmem:v55+s11+$0x0] =	vst.idx.add.f32.msk $0xffff, v1  }
0x274: {  	v0 =	vor.u32 $0x380, v0;
	v1 =	vld [tilespmem:$0xFE0];
	_ =	sdelay $0x4  }
0x275: {  	[tilespmem:v0+s11+$0x0] =	vst.idx.add.f32.msk $0xffff, v1  }
0x276: {  	v0 =	vld [tilespmem:$0x11F0];
	_ =	sdelay $0x4  }
0x277: {  	v56 =	vshll.u32 v0, $0x3  }
0x278: {  	v0 =	vand.u32 $0x7F, v0;
	v1 =	vand.u32 $0xFFFFFC00, v56  }
0x279: {  	v2 =	vld [tilespmem:$0xC70];
	v0 =	vor.u32 v0, v1;
	_ =	sdelay $0x4  }
0x27a: {  	[tilespmem:v0+s11+$0x0] =	vst.idx.add.f32.msk $0xffff, v2  }
0x27b: {  	v58 =	vor.u32 $0x80, v0;
	v57 =	vld [tilespmem:$0xCF0];
	_ =	sdelay $0x4  }
0x27c: {  	[tilespmem:v58+s11+$0x0] =	vst.idx.add.f32.msk $0xffff, v57  }
0x27d: {  	v59 =	vor.u32 $0x100, v0;
	v1 =	vld [tilespmem:$0xD70];
	_ =	sdelay $0x4  }
0x27e: {  	[tilespmem:v59+s11+$0x0] =	vst.idx.add.f32.msk $0xffff, v1  }
0x27f: {  	v60 =	vor.u32 $0x180, v0;
	v1 =	vld [tilespmem:$0xDF0];
	_ =	sdelay $0x4  }
0x280: {  	[tilespmem:v60+s11+$0x0] =	vst.idx.add.f32.msk $0xffff, v1  }
0x281: {  	v61 =	vor.u32 $0x200, v0;
	v1 =	vld [tilespmem:$0xE70];
	_ =	sdelay $0x4  }
0x282: {  	[tilespmem:v61+s11+$0x0] =	vst.idx.add.f32.msk $0xffff, v1  }
0x283: {  	v62 =	vor.u32 $0x280, v0;
	v1 =	vld [tilespmem:$0xEF0];
	_ =	sdelay $0x4  }
0x284: {  	[tilespmem:v62+s11+$0x0] =	vst.idx.add.f32.msk $0xffff, v1  }
0x285: {  	v63 =	vor.u32 $0x300, v0;
	v1 =	vld [tilespmem:$0xF70];
	_ =	sdelay $0x4  }
0x286: {  	[tilespmem:v63+s11+$0x0] =	vst.idx.add.f32.msk $0xffff, v1  }
0x287: {  	p0 =	sne.s32 s22, $0x26E00;
	v0 =	vor.u32 $0x380, v0;
	v1 =	vld [tilespmem:$0xFF0]  }
.Ltmp0:
0x288: {  	_ = 	snop;
	(pc) =	sbr.rel @p0 .LBB2_2-.Ltmp0, $2  }
0x289: {  	_ =	sdelay $0x2  }
0x28a: {  	s21 =	sadd.s32 $0x40, s21;
	s22 =	sadd.s32 $0x200, s22;
	[tilespmem:v0+s11+$0x0] =	vst.idx.add.f32.msk $0xffff, v1  }
0x28b: {  	_ =	swait.ge [sflag:s16], $0x100  }
0x28c: {  	[sflag:s16] =	ssyncset.done $0x0  }
0x28d: {  	[sflag:s16] =	ssyncadd.s32 $0xFFFFFF00  }
0x28e: {  	_ =	swait.ge [sflag:s17], $0x800  }
0x28f: {  	[sflag:s17] =	ssyncset.done $0x0  }
0x290: {  	[sflag:s17] =	ssyncadd.s32 $0xFFFFF800  }
0x291: {  	v0 =	vld [tilespmem:$0x1000];
	_ =	sdelay $0x4  }
0x292: {  	v1 =	vshll.u32 v0, $0x3  }
0x293: {  	v0 =	vand.u32 $0x7F, v0;
	v1 =	vand.u32 $0xFFFFFC00, v1  }
0x294: {  	v2 =	vld [tilespmem:$0x0];
	v0 =	vor.u32 v0, v1;
	_ =	sdelay $0x4  }
0x295: {  	[tilespmem:v0+s11+$0x0] =	vst.idx.add.f32.msk $0xffff, v2  }
0x296: {  	v58 =	vor.u32 $0x80, v0;
	v57 =	vld [tilespmem:$0x80];
	_ =	sdelay $0x4  }
0x297: {  	[tilespmem:v58+s11+$0x0] =	vst.idx.add.f32.msk $0xffff, v57  }
0x298: {  	v59 =	vor.u32 $0x100, v0;
	v1 =	vld [tilespmem:$0x100];
	_ =	sdelay $0x4  }
0x299: {  	[tilespmem:v59+s11+$0x0] =	vst.idx.add.f32.msk $0xffff, v1  }
0x29a: {  	v60 =	vor.u32 $0x180, v0;
	v1 =	vld [tilespmem:$0x180];
	_ =	sdelay $0x4  }
0x29b: {  	[tilespmem:v60+s11+$0x0] =	vst.idx.add.f32.msk $0xffff, v1  }
0x29c: {  	v61 =	vor.u32 $0x200, v0;
	v1 =	vld [tilespmem:$0x200];
	_ =	sdelay $0x4  }
0x29d: {  	[tilespmem:v61+s11+$0x0] =	vst.idx.add.f32.msk $0xffff, v1  }
0x29e: {  	v62 =	vor.u32 $0x280, v0;
	v1 =	vld [tilespmem:$0x280];
	_ =	sdelay $0x4  }
0x29f: {  	[tilespmem:v62+s11+$0x0] =	vst.idx.add.f32.msk $0xffff, v1  }
0x2a0: {  	v63 =	vor.u32 $0x300, v0;
	v1 =	vld [tilespmem:$0x300];
	_ =	sdelay $0x4  }
0x2a1: {  	[tilespmem:v63+s11+$0x0] =	vst.idx.add.f32.msk $0xffff, v1  }
0x2a2: {  	v0 =	vor.u32 $0x380, v0;
	v1 =	vld [tilespmem:$0x380];
	_ =	sdelay $0x4  }
0x2a3: {  	[tilespmem:v0+s11+$0x0] =	vst.idx.add.f32.msk $0xffff, v1  }
0x2a4: {  	v0 =	vld [tilespmem:$0x1010];
	_ =	sdelay $0x4  }
0x2a5: {  	v4 =	vshll.u32 v0, $0x3  }
0x2a6: {  	v0 =	vand.u32 $0x7F, v0;
	v1 =	vand.u32 $0xFFFFFC00, v4  }
0x2a7: {  	v2 =	vld [tilespmem:$0x10];
	v0 =	vor.u32 v0, v1;
	_ =	sdelay $0x4  }
0x2a8: {  	[tilespmem:v0+s11+$0x0] =	vst.idx.add.f32.msk $0xffff, v2  }
0x2a9: {  	v6 =	vor.u32 $0x80, v0;
	v5 =	vld [tilespmem:$0x90];
	_ =	sdelay $0x4  }
0x2aa: {  	[tilespmem:v6+s11+$0x0] =	vst.idx.add.f32.msk $0xffff, v5  }
0x2ab: {  	v7 =	vor.u32 $0x100, v0;
	v1 =	vld [tilespmem:$0x110];
	_ =	sdelay $0x4  }
0x2ac: {  	[tilespmem:v7+s11+$0x0] =	vst.idx.add.f32.msk $0xffff, v1  }
0x2ad: {  	v8 =	vor.u32 $0x180, v0;
	v1 =	vld [tilespmem:$0x190];
	_ =	sdelay $0x4  }
0x2ae: {  	[tilespmem:v8+s11+$0x0] =	vst.idx.add.f32.msk $0xffff, v1  }
0x2af: {  	v9 =	vor.u32 $0x200, v0;
	v1 =	vld [tilespmem:$0x210];
	_ =	sdelay $0x4  }
0x2b0: {  	[tilespmem:v9+s11+$0x0] =	vst.idx.add.f32.msk $0xffff, v1  }
0x2b1: {  	v10 =	vor.u32 $0x280, v0;
	v1 =	vld [tilespmem:$0x290];
	_ =	sdelay $0x4  }
0x2b2: {  	[tilespmem:v10+s11+$0x0] =	vst.idx.add.f32.msk $0xffff, v1  }
0x2b3: {  	v11 =	vor.u32 $0x300, v0;
	v1 =	vld [tilespmem:$0x310];
	_ =	sdelay $0x4  }
0x2b4: {  	[tilespmem:v11+s11+$0x0] =	vst.idx.add.f32.msk $0xffff, v1  }
0x2b5: {  	v0 =	vor.u32 $0x380, v0;
	v1 =	vld [tilespmem:$0x390];
	_ =	sdelay $0x4  }
0x2b6: {  	[tilespmem:v0+s11+$0x0] =	vst.idx.add.f32.msk $0xffff, v1  }
0x2b7: {  	v0 =	vld [tilespmem:$0x1020];
	_ =	sdelay $0x4  }
0x2b8: {  	v12 =	vshll.u32 v0, $0x3  }
0x2b9: {  	v0 =	vand.u32 $0x7F, v0;
	v1 =	vand.u32 $0xFFFFFC00, v12  }
0x2ba: {  	v2 =	vld [tilespmem:$0x20];
	v0 =	vor.u32 v0, v1;
	_ =	sdelay $0x4  }
0x2bb: {  	[tilespmem:v0+s11+$0x0] =	vst.idx.add.f32.msk $0xffff, v2  }
0x2bc: {  	v14 =	vor.u32 $0x80, v0;
	v13 =	vld [tilespmem:$0xA0];
	_ =	sdelay $0x4  }
0x2bd: {  	[tilespmem:v14+s11+$0x0] =	vst.idx.add.f32.msk $0xffff, v13  }
0x2be: {  	v15 =	vor.u32 $0x100, v0;
	v1 =	vld [tilespmem:$0x120];
	_ =	sdelay $0x4  }
0x2bf: {  	[tilespmem:v15+s11+$0x0] =	vst.idx.add.f32.msk $0xffff, v1  }
0x2c0: {  	v16 =	vor.u32 $0x180, v0;
	v1 =	vld [tilespmem:$0x1A0];
	_ =	sdelay $0x4  }
0x2c1: {  	[tilespmem:v16+s11+$0x0] =	vst.idx.add.f32.msk $0xffff, v1  }
0x2c2: {  	v17 =	vor.u32 $0x200, v0;
	v1 =	vld [tilespmem:$0x220];
	_ =	sdelay $0x4  }
0x2c3: {  	[tilespmem:v17+s11+$0x0] =	vst.idx.add.f32.msk $0xffff, v1  }
0x2c4: {  	v18 =	vor.u32 $0x280, v0;
	v1 =	vld [tilespmem:$0x2A0];
	_ =	sdelay $0x4  }
0x2c5: {  	[tilespmem:v18+s11+$0x0] =	vst.idx.add.f32.msk $0xffff, v1  }
0x2c6: {  	v19 =	vor.u32 $0x300, v0;
	v1 =	vld [tilespmem:$0x320];
	_ =	sdelay $0x4  }
0x2c7: {  	[tilespmem:v19+s11+$0x0] =	vst.idx.add.f32.msk $0xffff, v1  }
0x2c8: {  	v0 =	vor.u32 $0x380, v0;
	v1 =	vld [tilespmem:$0x3A0];
	_ =	sdelay $0x4  }
0x2c9: {  	[tilespmem:v0+s11+$0x0] =	vst.idx.add.f32.msk $0xffff, v1  }
0x2ca: {  	v0 =	vld [tilespmem:$0x1030];
	_ =	sdelay $0x4  }
0x2cb: {  	v20 =	vshll.u32 v0, $0x3  }
0x2cc: {  	v0 =	vand.u32 $0x7F, v0;
	v1 =	vand.u32 $0xFFFFFC00, v20  }
0x2cd: {  	v2 =	vld [tilespmem:$0x30];
	v0 =	vor.u32 v0, v1;
	_ =	sdelay $0x4  }
0x2ce: {  	[tilespmem:v0+s11+$0x0] =	vst.idx.add.f32.msk $0xffff, v2  }
0x2cf: {  	v22 =	vor.u32 $0x80, v0;
	v21 =	vld [tilespmem:$0xB0];
	_ =	sdelay $0x4  }
0x2d0: {  	[tilespmem:v22+s11+$0x0] =	vst.idx.add.f32.msk $0xffff, v21  }
0x2d1: {  	v23 =	vor.u32 $0x100, v0;
	v1 =	vld [tilespmem:$0x130];
	_ =	sdelay $0x4  }
0x2d2: {  	[tilespmem:v23+s11+$0x0] =	vst.idx.add.f32.msk $0xffff, v1  }
0x2d3: {  	v24 =	vor.u32 $0x180, v0;
	v1 =	vld [tilespmem:$0x1B0];
	_ =	sdelay $0x4  }
0x2d4: {  	[tilespmem:v24+s11+$0x0] =	vst.idx.add.f32.msk $0xffff, v1  }
0x2d5: {  	v25 =	vor.u32 $0x200, v0;
	v1 =	vld [tilespmem:$0x230];
	_ =	sdelay $0x4  }
0x2d6: {  	[tilespmem:v25+s11+$0x0] =	vst.idx.add.f32.msk $0xffff, v1  }
0x2d7: {  	v26 =	vor.u32 $0x280, v0;
	v1 =	vld [tilespmem:$0x2B0];
	_ =	sdelay $0x4  }
0x2d8: {  	[tilespmem:v26+s11+$0x0] =	vst.idx.add.f32.msk $0xffff, v1  }
0x2d9: {  	v27 =	vor.u32 $0x300, v0;
	v1 =	vld [tilespmem:$0x330];
	_ =	sdelay $0x4  }
0x2da: {  	[tilespmem:v27+s11+$0x0] =	vst.idx.add.f32.msk $0xffff, v1  }
0x2db: {  	v0 =	vor.u32 $0x380, v0;
	v1 =	vld [tilespmem:$0x3B0];
	_ =	sdelay $0x4  }
0x2dc: {  	[tilespmem:v0+s11+$0x0] =	vst.idx.add.f32.msk $0xffff, v1  }
0x2dd: {  	v0 =	vld [tilespmem:$0x1040];
	_ =	sdelay $0x4  }
0x2de: {  	v28 =	vshll.u32 v0, $0x3  }
0x2df: {  	v0 =	vand.u32 $0x7F, v0;
	v1 =	vand.u32 $0xFFFFFC00, v28  }
0x2e0: {  	v2 =	vld [tilespmem:$0x40];
	v0 =	vor.u32 v0, v1;
	_ =	sdelay $0x4  }
0x2e1: {  	[tilespmem:v0+s11+$0x0] =	vst.idx.add.f32.msk $0xffff, v2  }
0x2e2: {  	v30 =	vor.u32 $0x80, v0;
	v29 =	vld [tilespmem:$0xC0];
	_ =	sdelay $0x4  }
0x2e3: {  	[tilespmem:v30+s11+$0x0] =	vst.idx.add.f32.msk $0xffff, v29  }
0x2e4: {  	v31 =	vor.u32 $0x100, v0;
	v1 =	vld [tilespmem:$0x140];
	_ =	sdelay $0x4  }
0x2e5: {  	[tilespmem:v31+s11+$0x0] =	vst.idx.add.f32.msk $0xffff, v1  }
0x2e6: {  	v32 =	vor.u32 $0x180, v0;
	v1 =	vld [tilespmem:$0x1C0];
	_ =	sdelay $0x4  }
0x2e7: {  	[tilespmem:v32+s11+$0x0] =	vst.idx.add.f32.msk $0xffff, v1  }
0x2e8: {  	v33 =	vor.u32 $0x200, v0;
	v1 =	vld [tilespmem:$0x240];
	_ =	sdelay $0x4  }
0x2e9: {  	[tilespmem:v33+s11+$0x0] =	vst.idx.add.f32.msk $0xffff, v1  }
0x2ea: {  	v34 =	vor.u32 $0x280, v0;
	v1 =	vld [tilespmem:$0x2C0];
	_ =	sdelay $0x4  }
0x2eb: {  	[tilespmem:v34+s11+$0x0] =	vst.idx.add.f32.msk $0xffff, v1  }
0x2ec: {  	v35 =	vor.u32 $0x300, v0;
	v1 =	vld [tilespmem:$0x340];
	_ =	sdelay $0x4  }
0x2ed: {  	[tilespmem:v35+s11+$0x0] =	vst.idx.add.f32.msk $0xffff, v1  }
0x2ee: {  	v0 =	vor.u32 $0x380, v0;
	v1 =	vld [tilespmem:$0x3C0];
	_ =	sdelay $0x4  }
0x2ef: {  	[tilespmem:v0+s11+$0x0] =	vst.idx.add.f32.msk $0xffff, v1  }
0x2f0: {  	v0 =	vld [tilespmem:$0x1050];
	_ =	sdelay $0x4  }
0x2f1: {  	v36 =	vshll.u32 v0, $0x3  }
0x2f2: {  	v0 =	vand.u32 $0x7F, v0;
	v1 =	vand.u32 $0xFFFFFC00, v36  }
0x2f3: {  	v2 =	vld [tilespmem:$0x50];
	v0 =	vor.u32 v0, v1;
	_ =	sdelay $0x4  }
0x2f4: {  	[tilespmem:v0+s11+$0x0] =	vst.idx.add.f32.msk $0xffff, v2  }
0x2f5: {  	v38 =	vor.u32 $0x80, v0;
	v37 =	vld [tilespmem:$0xD0];
	_ =	sdelay $0x4  }
0x2f6: {  	[tilespmem:v38+s11+$0x0] =	vst.idx.add.f32.msk $0xffff, v37  }
0x2f7: {  	v39 =	vor.u32 $0x100, v0;
	v1 =	vld [tilespmem:$0x150];
	_ =	sdelay $0x4  }
0x2f8: {  	[tilespmem:v39+s11+$0x0] =	vst.idx.add.f32.msk $0xffff, v1  }
0x2f9: {  	v40 =	vor.u32 $0x180, v0;
	v1 =	vld [tilespmem:$0x1D0];
	_ =	sdelay $0x4  }
0x2fa: {  	[tilespmem:v40+s11+$0x0] =	vst.idx.add.f32.msk $0xffff, v1  }
0x2fb: {  	v41 =	vor.u32 $0x200, v0;
	v1 =	vld [tilespmem:$0x250];
	_ =	sdelay $0x4  }
0x2fc: {  	[tilespmem:v41+s11+$0x0] =	vst.idx.add.f32.msk $0xffff, v1  }
0x2fd: {  	v42 =	vor.u32 $0x280, v0;
	v1 =	vld [tilespmem:$0x2D0];
	_ =	sdelay $0x4  }
0x2fe: {  	[tilespmem:v42+s11+$0x0] =	vst.idx.add.f32.msk $0xffff, v1  }
0x2ff: {  	v43 =	vor.u32 $0x300, v0;
	v1 =	vld [tilespmem:$0x350];
	_ =	sdelay $0x4  }
0x300: {  	[tilespmem:v43+s11+$0x0] =	vst.idx.add.f32.msk $0xffff, v1  }
0x301: {  	v0 =	vor.u32 $0x380, v0;
	v1 =	vld [tilespmem:$0x3D0];
	_ =	sdelay $0x4  }
0x302: {  	[tilespmem:v0+s11+$0x0] =	vst.idx.add.f32.msk $0xffff, v1  }
0x303: {  	v0 =	vld [tilespmem:$0x1060];
	_ =	sdelay $0x4  }
0x304: {  	v44 =	vshll.u32 v0, $0x3  }
0x305: {  	v0 =	vand.u32 $0x7F, v0;
	v1 =	vand.u32 $0xFFFFFC00, v44  }
0x306: {  	v2 =	vld [tilespmem:$0x60];
	v0 =	vor.u32 v0, v1;
	_ =	sdelay $0x4  }
0x307: {  	[tilespmem:v0+s11+$0x0] =	vst.idx.add.f32.msk $0xffff, v2  }
0x308: {  	v46 =	vor.u32 $0x80, v0;
	v45 =	vld [tilespmem:$0xE0];
	_ =	sdelay $0x4  }
0x309: {  	[tilespmem:v46+s11+$0x0] =	vst.idx.add.f32.msk $0xffff, v45  }
0x30a: {  	v47 =	vor.u32 $0x100, v0;
	v1 =	vld [tilespmem:$0x160];
	_ =	sdelay $0x4  }
0x30b: {  	[tilespmem:v47+s11+$0x0] =	vst.idx.add.f32.msk $0xffff, v1  }
0x30c: {  	v48 =	vor.u32 $0x180, v0;
	v1 =	vld [tilespmem:$0x1E0];
	_ =	sdelay $0x4  }
0x30d: {  	[tilespmem:v48+s11+$0x0] =	vst.idx.add.f32.msk $0xffff, v1  }
0x30e: {  	v49 =	vor.u32 $0x200, v0;
	v1 =	vld [tilespmem:$0x260];
	_ =	sdelay $0x4  }
0x30f: {  	[tilespmem:v49+s11+$0x0] =	vst.idx.add.f32.msk $0xffff, v1  }
0x310: {  	v50 =	vor.u32 $0x280, v0;
	v1 =	vld [tilespmem:$0x2E0];
	_ =	sdelay $0x4  }
0x311: {  	[tilespmem:v50+s11+$0x0] =	vst.idx.add.f32.msk $0xffff, v1  }
0x312: {  	v51 =	vor.u32 $0x300, v0;
	v1 =	vld [tilespmem:$0x360];
	_ =	sdelay $0x4  }
0x313: {  	[tilespmem:v51+s11+$0x0] =	vst.idx.add.f32.msk $0xffff, v1  }
0x314: {  	v0 =	vor.u32 $0x380, v0;
	v1 =	vld [tilespmem:$0x3E0];
	_ =	sdelay $0x4  }
0x315: {  	[tilespmem:v0+s11+$0x0] =	vst.idx.add.f32.msk $0xffff, v1  }
0x316: {  	v0 =	vld [tilespmem:$0x1070];
	_ =	sdelay $0x4  }
0x317: {  	v52 =	vshll.u32 v0, $0x3  }
0x318: {  	v0 =	vand.u32 $0x7F, v0;
	v1 =	vand.u32 $0xFFFFFC00, v52  }
0x319: {  	v2 =	vld [tilespmem:$0x70];
	v0 =	vor.u32 v0, v1;
	_ =	sdelay $0x4  }
0x31a: {  	[tilespmem:v0+s11+$0x0] =	vst.idx.add.f32.msk $0xffff, v2  }
0x31b: {  	v54 =	vor.u32 $0x80, v0;
	v53 =	vld [tilespmem:$0xF0];
	_ =	sdelay $0x4  }
0x31c: {  	[tilespmem:v54+s11+$0x0] =	vst.idx.add.f32.msk $0xffff, v53  }
0x31d: {  	v55 =	vor.u32 $0x100, v0;
	v1 =	vld [tilespmem:$0x170];
	_ =	sdelay $0x4  }
0x31e: {  	[tilespmem:v55+s11+$0x0] =	vst.idx.add.f32.msk $0xffff, v1  }
0x31f: {  	v56 =	vor.u32 $0x180, v0;
	v1 =	vld [tilespmem:$0x1F0];
	_ =	sdelay $0x4  }
0x320: {  	[tilespmem:v56+s11+$0x0] =	vst.idx.add.f32.msk $0xffff, v1  }
0x321: {  	v57 =	vor.u32 $0x200, v0;
	v1 =	vld [tilespmem:$0x270];
	_ =	sdelay $0x4  }
0x322: {  	[tilespmem:v57+s11+$0x0] =	vst.idx.add.f32.msk $0xffff, v1  }
0x323: {  	v58 =	vor.u32 $0x280, v0;
	v1 =	vld [tilespmem:$0x2F0];
	_ =	sdelay $0x4  }
0x324: {  	[tilespmem:v58+s11+$0x0] =	vst.idx.add.f32.msk $0xffff, v1  }
0x325: {  	v59 =	vor.u32 $0x300, v0;
	v1 =	vld [tilespmem:$0x370];
	_ =	sdelay $0x4  }
0x326: {  	[tilespmem:v59+s11+$0x0] =	vst.idx.add.f32.msk $0xffff, v1  }
0x327: {  	v0 =	vor.u32 $0x380, v0;
	v1 =	vld [tilespmem:$0x3F0];
	_ =	sdelay $0x4  }
0x328: {  	[tilespmem:v0+s11+$0x0] =	vst.idx.add.f32.msk $0xffff, v1  }
0x329: {  	v0 =	vld [tilespmem:$0x1080];
	_ =	sdelay $0x4  }
0x32a: {  	v60 =	vshll.u32 v0, $0x3  }
0x32b: {  	v0 =	vand.u32 $0x7F, v0;
	v1 =	vand.u32 $0xFFFFFC00, v60  }
0x32c: {  	v2 =	vld [tilespmem:$0x400];
	v0 =	vor.u32 v0, v1;
	_ =	sdelay $0x4  }
0x32d: {  	[tilespmem:v0+s11+$0x0] =	vst.idx.add.f32.msk $0xffff, v2  }
0x32e: {  	v62 =	vor.u32 $0x80, v0;
	v61 =	vld [tilespmem:$0x480];
	_ =	sdelay $0x4  }
0x32f: {  	[tilespmem:v62+s11+$0x0] =	vst.idx.add.f32.msk $0xffff, v61  }
0x330: {  	v63 =	vor.u32 $0x100, v0;
	v1 =	vld [tilespmem:$0x500];
	_ =	sdelay $0x4  }
0x331: {  	[tilespmem:v63+s11+$0x0] =	vst.idx.add.f32.msk $0xffff, v1  }
0x332: {  	v4 =	vor.u32 $0x180, v0;
	v1 =	vld [tilespmem:$0x580];
	_ =	sdelay $0x4  }
0x333: {  	[tilespmem:v4+s11+$0x0] =	vst.idx.add.f32.msk $0xffff, v1  }
0x334: {  	v5 =	vor.u32 $0x200, v0;
	v1 =	vld [tilespmem:$0x600];
	_ =	sdelay $0x4  }
0x335: {  	[tilespmem:v5+s11+$0x0] =	vst.idx.add.f32.msk $0xffff, v1  }
0x336: {  	v6 =	vor.u32 $0x280, v0;
	v1 =	vld [tilespmem:$0x680];
	_ =	sdelay $0x4  }
0x337: {  	[tilespmem:v6+s11+$0x0] =	vst.idx.add.f32.msk $0xffff, v1  }
0x338: {  	v7 =	vor.u32 $0x300, v0;
	v1 =	vld [tilespmem:$0x700];
	_ =	sdelay $0x4  }
0x339: {  	[tilespmem:v7+s11+$0x0] =	vst.idx.add.f32.msk $0xffff, v1  }
0x33a: {  	v0 =	vor.u32 $0x380, v0;
	v1 =	vld [tilespmem:$0x780];
	_ =	sdelay $0x4  }
0x33b: {  	[tilespmem:v0+s11+$0x0] =	vst.idx.add.f32.msk $0xffff, v1  }
0x33c: {  	v0 =	vld [tilespmem:$0x1090];
	_ =	sdelay $0x4  }
0x33d: {  	v8 =	vshll.u32 v0, $0x3  }
0x33e: {  	v0 =	vand.u32 $0x7F, v0;
	v1 =	vand.u32 $0xFFFFFC00, v8  }
0x33f: {  	v2 =	vld [tilespmem:$0x410];
	v0 =	vor.u32 v0, v1;
	_ =	sdelay $0x4  }
0x340: {  	[tilespmem:v0+s11+$0x0] =	vst.idx.add.f32.msk $0xffff, v2  }
0x341: {  	v10 =	vor.u32 $0x80, v0;
	v9 =	vld [tilespmem:$0x490];
	_ =	sdelay $0x4  }
0x342: {  	[tilespmem:v10+s11+$0x0] =	vst.idx.add.f32.msk $0xffff, v9  }
0x343: {  	v11 =	vor.u32 $0x100, v0;
	v1 =	vld [tilespmem:$0x510];
	_ =	sdelay $0x4  }
0x344: {  	[tilespmem:v11+s11+$0x0] =	vst.idx.add.f32.msk $0xffff, v1  }
0x345: {  	v12 =	vor.u32 $0x180, v0;
	v1 =	vld [tilespmem:$0x590];
	_ =	sdelay $0x4  }
0x346: {  	[tilespmem:v12+s11+$0x0] =	vst.idx.add.f32.msk $0xffff, v1  }
0x347: {  	v13 =	vor.u32 $0x200, v0;
	v1 =	vld [tilespmem:$0x610];
	_ =	sdelay $0x4  }
0x348: {  	[tilespmem:v13+s11+$0x0] =	vst.idx.add.f32.msk $0xffff, v1  }
0x349: {  	v14 =	vor.u32 $0x280, v0;
	v1 =	vld [tilespmem:$0x690];
	_ =	sdelay $0x4  }
0x34a: {  	[tilespmem:v14+s11+$0x0] =	vst.idx.add.f32.msk $0xffff, v1  }
0x34b: {  	v15 =	vor.u32 $0x300, v0;
	v1 =	vld [tilespmem:$0x710];
	_ =	sdelay $0x4  }
0x34c: {  	[tilespmem:v15+s11+$0x0] =	vst.idx.add.f32.msk $0xffff, v1  }
0x34d: {  	v0 =	vor.u32 $0x380, v0;
	v1 =	vld [tilespmem:$0x790];
	_ =	sdelay $0x4  }
0x34e: {  	[tilespmem:v0+s11+$0x0] =	vst.idx.add.f32.msk $0xffff, v1  }
0x34f: {  	v0 =	vld [tilespmem:$0x10A0];
	_ =	sdelay $0x4  }
0x350: {  	v16 =	vshll.u32 v0, $0x3  }
0x351: {  	v0 =	vand.u32 $0x7F, v0;
	v1 =	vand.u32 $0xFFFFFC00, v16  }
0x352: {  	v2 =	vld [tilespmem:$0x420];
	v0 =	vor.u32 v0, v1;
	_ =	sdelay $0x4  }
0x353: {  	[tilespmem:v0+s11+$0x0] =	vst.idx.add.f32.msk $0xffff, v2  }
0x354: {  	v18 =	vor.u32 $0x80, v0;
	v17 =	vld [tilespmem:$0x4A0];
	_ =	sdelay $0x4  }
0x355: {  	[tilespmem:v18+s11+$0x0] =	vst.idx.add.f32.msk $0xffff, v17  }
0x356: {  	v19 =	vor.u32 $0x100, v0;
	v1 =	vld [tilespmem:$0x520];
	_ =	sdelay $0x4  }
0x357: {  	[tilespmem:v19+s11+$0x0] =	vst.idx.add.f32.msk $0xffff, v1  }
0x358: {  	v20 =	vor.u32 $0x180, v0;
	v1 =	vld [tilespmem:$0x5A0];
	_ =	sdelay $0x4  }
0x359: {  	[tilespmem:v20+s11+$0x0] =	vst.idx.add.f32.msk $0xffff, v1  }
0x35a: {  	v21 =	vor.u32 $0x200, v0;
	v1 =	vld [tilespmem:$0x620];
	_ =	sdelay $0x4  }
0x35b: {  	[tilespmem:v21+s11+$0x0] =	vst.idx.add.f32.msk $0xffff, v1  }
0x35c: {  	v22 =	vor.u32 $0x280, v0;
	v1 =	vld [tilespmem:$0x6A0];
	_ =	sdelay $0x4  }
0x35d: {  	[tilespmem:v22+s11+$0x0] =	vst.idx.add.f32.msk $0xffff, v1  }
0x35e: {  	v23 =	vor.u32 $0x300, v0;
	v1 =	vld [tilespmem:$0x720];
	_ =	sdelay $0x4  }
0x35f: {  	[tilespmem:v23+s11+$0x0] =	vst.idx.add.f32.msk $0xffff, v1  }
0x360: {  	v0 =	vor.u32 $0x380, v0;
	v1 =	vld [tilespmem:$0x7A0];
	_ =	sdelay $0x4  }
0x361: {  	[tilespmem:v0+s11+$0x0] =	vst.idx.add.f32.msk $0xffff, v1  }
0x362: {  	v0 =	vld [tilespmem:$0x10B0];
	_ =	sdelay $0x4  }
0x363: {  	v24 =	vshll.u32 v0, $0x3  }
0x364: {  	v0 =	vand.u32 $0x7F, v0;
	v1 =	vand.u32 $0xFFFFFC00, v24  }
0x365: {  	v2 =	vld [tilespmem:$0x430];
	v0 =	vor.u32 v0, v1;
	_ =	sdelay $0x4  }
0x366: {  	[tilespmem:v0+s11+$0x0] =	vst.idx.add.f32.msk $0xffff, v2  }
0x367: {  	v26 =	vor.u32 $0x80, v0;
	v25 =	vld [tilespmem:$0x4B0];
	_ =	sdelay $0x4  }
0x368: {  	[tilespmem:v26+s11+$0x0] =	vst.idx.add.f32.msk $0xffff, v25  }
0x369: {  	v27 =	vor.u32 $0x100, v0;
	v1 =	vld [tilespmem:$0x530];
	_ =	sdelay $0x4  }
0x36a: {  	[tilespmem:v27+s11+$0x0] =	vst.idx.add.f32.msk $0xffff, v1  }
0x36b: {  	v28 =	vor.u32 $0x180, v0;
	v1 =	vld [tilespmem:$0x5B0];
	_ =	sdelay $0x4  }
0x36c: {  	[tilespmem:v28+s11+$0x0] =	vst.idx.add.f32.msk $0xffff, v1  }
0x36d: {  	v29 =	vor.u32 $0x200, v0;
	v1 =	vld [tilespmem:$0x630];
	_ =	sdelay $0x4  }
0x36e: {  	[tilespmem:v29+s11+$0x0] =	vst.idx.add.f32.msk $0xffff, v1  }
0x36f: {  	v30 =	vor.u32 $0x280, v0;
	v1 =	vld [tilespmem:$0x6B0];
	_ =	sdelay $0x4  }
0x370: {  	[tilespmem:v30+s11+$0x0] =	vst.idx.add.f32.msk $0xffff, v1  }
0x371: {  	v31 =	vor.u32 $0x300, v0;
	v1 =	vld [tilespmem:$0x730];
	_ =	sdelay $0x4  }
0x372: {  	[tilespmem:v31+s11+$0x0] =	vst.idx.add.f32.msk $0xffff, v1  }
0x373: {  	v0 =	vor.u32 $0x380, v0;
	v1 =	vld [tilespmem:$0x7B0];
	_ =	sdelay $0x4  }
0x374: {  	[tilespmem:v0+s11+$0x0] =	vst.idx.add.f32.msk $0xffff, v1  }
0x375: {  	v0 =	vld [tilespmem:$0x10C0];
	_ =	sdelay $0x4  }
0x376: {  	v32 =	vshll.u32 v0, $0x3  }
0x377: {  	v0 =	vand.u32 $0x7F, v0;
	v1 =	vand.u32 $0xFFFFFC00, v32  }
0x378: {  	v2 =	vld [tilespmem:$0x440];
	v0 =	vor.u32 v0, v1;
	_ =	sdelay $0x4  }
0x379: {  	[tilespmem:v0+s11+$0x0] =	vst.idx.add.f32.msk $0xffff, v2  }
0x37a: {  	v34 =	vor.u32 $0x80, v0;
	v33 =	vld [tilespmem:$0x4C0];
	_ =	sdelay $0x4  }
0x37b: {  	[tilespmem:v34+s11+$0x0] =	vst.idx.add.f32.msk $0xffff, v33  }
0x37c: {  	v35 =	vor.u32 $0x100, v0;
	v1 =	vld [tilespmem:$0x540];
	_ =	sdelay $0x4  }
0x37d: {  	[tilespmem:v35+s11+$0x0] =	vst.idx.add.f32.msk $0xffff, v1  }
0x37e: {  	v36 =	vor.u32 $0x180, v0;
	v1 =	vld [tilespmem:$0x5C0];
	_ =	sdelay $0x4  }
0x37f: {  	[tilespmem:v36+s11+$0x0] =	vst.idx.add.f32.msk $0xffff, v1  }
0x380: {  	v37 =	vor.u32 $0x200, v0;
	v1 =	vld [tilespmem:$0x640];
	_ =	sdelay $0x4  }
0x381: {  	[tilespmem:v37+s11+$0x0] =	vst.idx.add.f32.msk $0xffff, v1  }
0x382: {  	v38 =	vor.u32 $0x280, v0;
	v1 =	vld [tilespmem:$0x6C0];
	_ =	sdelay $0x4  }
0x383: {  	[tilespmem:v38+s11+$0x0] =	vst.idx.add.f32.msk $0xffff, v1  }
0x384: {  	v39 =	vor.u32 $0x300, v0;
	v1 =	vld [tilespmem:$0x740];
	_ =	sdelay $0x4  }
0x385: {  	[tilespmem:v39+s11+$0x0] =	vst.idx.add.f32.msk $0xffff, v1  }
0x386: {  	v0 =	vor.u32 $0x380, v0;
	v1 =	vld [tilespmem:$0x7C0];
	_ =	sdelay $0x4  }
0x387: {  	[tilespmem:v0+s11+$0x0] =	vst.idx.add.f32.msk $0xffff, v1  }
0x388: {  	v0 =	vld [tilespmem:$0x10D0];
	_ =	sdelay $0x4  }
0x389: {  	v40 =	vshll.u32 v0, $0x3  }
0x38a: {  	v0 =	vand.u32 $0x7F, v0;
	v1 =	vand.u32 $0xFFFFFC00, v40  }
0x38b: {  	v2 =	vld [tilespmem:$0x450];
	v0 =	vor.u32 v0, v1;
	_ =	sdelay $0x4  }
0x38c: {  	[tilespmem:v0+s11+$0x0] =	vst.idx.add.f32.msk $0xffff, v2  }
0x38d: {  	v42 =	vor.u32 $0x80, v0;
	v41 =	vld [tilespmem:$0x4D0];
	_ =	sdelay $0x4  }
0x38e: {  	[tilespmem:v42+s11+$0x0] =	vst.idx.add.f32.msk $0xffff, v41  }
0x38f: {  	v43 =	vor.u32 $0x100, v0;
	v1 =	vld [tilespmem:$0x550];
	_ =	sdelay $0x4  }
0x390: {  	[tilespmem:v43+s11+$0x0] =	vst.idx.add.f32.msk $0xffff, v1  }
0x391: {  	v44 =	vor.u32 $0x180, v0;
	v1 =	vld [tilespmem:$0x5D0];
	_ =	sdelay $0x4  }
0x392: {  	[tilespmem:v44+s11+$0x0] =	vst.idx.add.f32.msk $0xffff, v1  }
0x393: {  	v45 =	vor.u32 $0x200, v0;
	v1 =	vld [tilespmem:$0x650];
	_ =	sdelay $0x4  }
0x394: {  	[tilespmem:v45+s11+$0x0] =	vst.idx.add.f32.msk $0xffff, v1  }
0x395: {  	v46 =	vor.u32 $0x280, v0;
	v1 =	vld [tilespmem:$0x6D0];
	_ =	sdelay $0x4  }
0x396: {  	[tilespmem:v46+s11+$0x0] =	vst.idx.add.f32.msk $0xffff, v1  }
0x397: {  	v47 =	vor.u32 $0x300, v0;
	v1 =	vld [tilespmem:$0x750];
	_ =	sdelay $0x4  }
0x398: {  	[tilespmem:v47+s11+$0x0] =	vst.idx.add.f32.msk $0xffff, v1  }
0x399: {  	v0 =	vor.u32 $0x380, v0;
	v1 =	vld [tilespmem:$0x7D0];
	_ =	sdelay $0x4  }
0x39a: {  	[tilespmem:v0+s11+$0x0] =	vst.idx.add.f32.msk $0xffff, v1  }
0x39b: {  	v0 =	vld [tilespmem:$0x10E0];
	_ =	sdelay $0x4  }
0x39c: {  	v48 =	vshll.u32 v0, $0x3  }
0x39d: {  	v0 =	vand.u32 $0x7F, v0;
	v1 =	vand.u32 $0xFFFFFC00, v48  }
0x39e: {  	v2 =	vld [tilespmem:$0x460];
	v0 =	vor.u32 v0, v1;
	_ =	sdelay $0x4  }
0x39f: {  	[tilespmem:v0+s11+$0x0] =	vst.idx.add.f32.msk $0xffff, v2  }
0x3a0: {  	v50 =	vor.u32 $0x80, v0;
	v49 =	vld [tilespmem:$0x4E0];
	_ =	sdelay $0x4  }
0x3a1: {  	[tilespmem:v50+s11+$0x0] =	vst.idx.add.f32.msk $0xffff, v49  }
0x3a2: {  	v51 =	vor.u32 $0x100, v0;
	v1 =	vld [tilespmem:$0x560];
	_ =	sdelay $0x4  }
0x3a3: {  	[tilespmem:v51+s11+$0x0] =	vst.idx.add.f32.msk $0xffff, v1  }
0x3a4: {  	v52 =	vor.u32 $0x180, v0;
	v1 =	vld [tilespmem:$0x5E0];
	_ =	sdelay $0x4  }
0x3a5: {  	[tilespmem:v52+s11+$0x0] =	vst.idx.add.f32.msk $0xffff, v1  }
0x3a6: {  	v53 =	vor.u32 $0x200, v0;
	v1 =	vld [tilespmem:$0x660];
	_ =	sdelay $0x4  }
0x3a7: {  	[tilespmem:v53+s11+$0x0] =	vst.idx.add.f32.msk $0xffff, v1  }
0x3a8: {  	v54 =	vor.u32 $0x280, v0;
	v1 =	vld [tilespmem:$0x6E0];
	_ =	sdelay $0x4  }
0x3a9: {  	[tilespmem:v54+s11+$0x0] =	vst.idx.add.f32.msk $0xffff, v1  }
0x3aa: {  	v55 =	vor.u32 $0x300, v0;
	v1 =	vld [tilespmem:$0x760];
	_ =	sdelay $0x4  }
0x3ab: {  	[tilespmem:v55+s11+$0x0] =	vst.idx.add.f32.msk $0xffff, v1  }
0x3ac: {  	v0 =	vor.u32 $0x380, v0;
	v1 =	vld [tilespmem:$0x7E0];
	_ =	sdelay $0x4  }
0x3ad: {  	[tilespmem:v0+s11+$0x0] =	vst.idx.add.f32.msk $0xffff, v1  }
0x3ae: {  	v0 =	vld [tilespmem:$0x10F0];
	_ =	sdelay $0x4  }
0x3af: {  	v56 =	vshll.u32 v0, $0x3  }
0x3b0: {  	v0 =	vand.u32 $0x7F, v0;
	v1 =	vand.u32 $0xFFFFFC00, v56  }
0x3b1: {  	v2 =	vld [tilespmem:$0x470];
	v0 =	vor.u32 v0, v1;
	_ =	sdelay $0x4  }
0x3b2: {  	[tilespmem:v0+s11+$0x0] =	vst.idx.add.f32.msk $0xffff, v2  }
0x3b3: {  	v58 =	vor.u32 $0x80, v0;
	v57 =	vld [tilespmem:$0x4F0];
	_ =	sdelay $0x4  }
0x3b4: {  	[tilespmem:v58+s11+$0x0] =	vst.idx.add.f32.msk $0xffff, v57  }
0x3b5: {  	v59 =	vor.u32 $0x100, v0;
	v1 =	vld [tilespmem:$0x570];
	_ =	sdelay $0x4  }
0x3b6: {  	[tilespmem:v59+s11+$0x0] =	vst.idx.add.f32.msk $0xffff, v1  }
0x3b7: {  	v60 =	vor.u32 $0x180, v0;
	v1 =	vld [tilespmem:$0x5F0];
	_ =	sdelay $0x4  }
0x3b8: {  	[tilespmem:v60+s11+$0x0] =	vst.idx.add.f32.msk $0xffff, v1  }
0x3b9: {  	v61 =	vor.u32 $0x200, v0;
	v1 =	vld [tilespmem:$0x670];
	_ =	sdelay $0x4  }
0x3ba: {  	[tilespmem:v61+s11+$0x0] =	vst.idx.add.f32.msk $0xffff, v1  }
0x3bb: {  	v62 =	vor.u32 $0x280, v0;
	v1 =	vld [tilespmem:$0x6F0];
	_ =	sdelay $0x4  }
0x3bc: {  	[tilespmem:v62+s11+$0x0] =	vst.idx.add.f32.msk $0xffff, v1  }
0x3bd: {  	v63 =	vor.u32 $0x300, v0;
	v1 =	vld [tilespmem:$0x770];
	_ =	sdelay $0x4  }
0x3be: {  	[tilespmem:v63+s11+$0x0] =	vst.idx.add.f32.msk $0xffff, v1  }
0x3bf: {  	v0 =	vor.u32 $0x380, v0;
	v1 =	vld [tilespmem:$0x7F0];
	_ =	sdelay $0x2  }
0x3c0: {  	s20 =	sadd.s32 $0x1, s20  }
0x3c1: {  	p0 =	sne.s32 s20, s7  }
.Ltmp1:
0x3c2: {  	[tilespmem:v0+s11+$0x0] =	vst.idx.add.f32.msk $0xffff, v1;
	(pc) =	sbr.rel @p0 .LBB2_1-.Ltmp1, $4  }
0x3c3: {  	[hbm4b:s6+s3] =	stream.linear.scatter [tilespmem:s11], [sflag:$0x5], $0x14000, $0x38;
	[tilespmem:$0x15200] =	vst v63  }
0x3c4: {  	_ =	swait.ge [sflag:s12], $0x14000  }
0x3c5: {  	[sflag:s12] =	ssyncset.done $0x0  }
0x3c6: {  	[sflag:s12] =	ssyncadd.s32 $0xFFFEC000  }
0x3c7: {  	_ =	sfence.sel $0x180000  }
0x3c8: {  	[bflag:$0x0] =	sbarrier.arrive $0xFFFF  }
0x3c9: {  	p0 =	sne.s32 s0, $0x0;
	_ =	strace $0x9000004A  }
0x3ca: {  	s0 =	sadd.s32 @!p0 $0x100000, s1;
	[bflag:$0x2] =	sbarrier.arrive $0xFFFF  }
0x3cb: {  	[sflag:s0] =	ssyncadd.tile.s32 @!p0 $0x1;
	_ =	shalt  }
.Lfunc_end2:
_tile_overlayer_lowered:
.L_overlay_start_2:
0x3cc: {  	(tag) =	ssettag $0x2  }
0x3cd: {  	s0 =	rddreg [dreg:$0x0];
	s2 =	stileid.u32  }
0x3ce: {  	s1 =	rddreg [dreg:$0x1];
	p0 =	sne.s32 s2, $0x0  }
0x3cf: {  	s3 =	rddreg [dreg:$0x2];
	[bflag:$0x3] =	sbarrier.arrive $0xFFFF;
	s2 =	simm.s32 @!p0 $0x1C05  }
0x3d0: {  	[timem:s3], [sflag:s2] =	dma.local @!p0 [hbm:s0], s1  }
0x3d1: {  	s0 =	simm.s32 @!p0 $0x5  }
0x3d2: {  	_ =	swait.ge @!p0 [sflag:s0], s1  }
0x3d3: {  	s1 =	ssub.s32 @!p0 $0x0, s1;
	[sflag:s0] =	ssyncset.done @!p0 $0x0  }
0x3d4: {  	[sflag:s0] =	ssyncadd.s32 @!p0 s1  }
0x3d5: {  	[bflag:$0x3] =	sbarrier.arrive $0xFFFF  }
0x3d6: {  	_ =	shalt  }

</sc_bundles>
